<compile_context>
chip_gen: v7x
topology: tpu7x:2x2x1
jax: 0.10.2.dev20260603
libtpu: 0.0.44.dev20260713+nightly
codegen_flags: <defaults>
</compile_context>

<pallas_src>
import functools

import jax
import jax.numpy as jnp
from jax import lax
from jax.experimental import pallas as pl
from jax.experimental.pallas import tpu as pltpu
from jax.experimental.pallas import tpu_sc as plsc

N = 10000
F = 128
NSUB = 16
K = 128
CH = 159
EPAD = NSUB * CH * K
NPAD = 10112
RPT = NPAD // NSUB
DUMMY = N
OFFS = (0, 128, 256, 384, 504)
NZC = len(OFFS)


def _mesh():
    return plsc.VectorSubcoreMesh(core_axis_name="c", subcore_axis_name="s")


def _sc_edge_pass(table2, sd_hh, fill_h, zeros_h, iota_h, with_gather):

    @functools.partial(
        pl.kernel,
        out_type=jax.ShapeDtypeStruct((2 * NPAD, F), jnp.float32),
        mesh=_mesh(),
        scratch_types=[
            pltpu.VMEM((2, 1, K), jnp.int32),
            pltpu.VMEM((2, 1, K), jnp.int32),
            pltpu.VMEM((2, 1, K), jnp.int32),
            pltpu.VMEM((K,), jnp.int32),
            pltpu.VMEM((K, F), jnp.float32),
            pltpu.VMEM((K, F), jnp.float32),
            pltpu.VMEM((K, F), jnp.float32),
            pltpu.VMEM_SHARED((NPAD, F), jnp.float32),
            pltpu.SemaphoreType.DMA,
            pltpu.SemaphoreType.DMA,
            pltpu.SemaphoreType.DMA,
            pltpu.SemaphoreType.DMA,
            pltpu.SemaphoreType.DMA,
            pltpu.SemaphoreType.DMA,
        ],
    )
    def k(tab, sd_h, fill, zeros, iota, o,
          sd0b, sd1b, sd2b, izbuf, r0, r1, r2, acc,
          g0s, g1s, g2s, s0s, s1s, s2s):
        c = lax.axis_index("c")
        s = lax.axis_index("s")
        base = s * RPT

        pltpu.sync_copy(zeros, r2)

        @pl.loop(0, NZC)
        def _(q):
            pltpu.sync_copy(iota.at[s * NZC + q], izbuf)
            pltpu.sync_copy(r2, acc.at[izbuf])

        plsc.subcore_barrier()

        SD = (sd0b, sd1b, sd2b)
        R = (r0, r1, r2)
        GS = (g0s, g1s, g2s)
        SS = (s0s, s1s, s2s)

        if not with_gather:
            pltpu.sync_copy(fill, r0)

        def do_graph():
            c0 = (c * NSUB + s) * CH

            def wait_scat(q):
                pltpu.make_async_copy(R[0] if not with_gather else R[q],
                                      acc.at[SD[q].at[1, 0]], SS[q]).wait()

            if not with_gather:
                def body(q, jrel, wait_prior):
                    if wait_prior:
                        wait_scat(q)
                    pltpu.sync_copy(sd_h.at[c0 + jrel], SD[q])
                    pltpu.async_copy(r0, acc.at[SD[q].at[1, 0]], SS[q], add=True)

                for q in range(3):
                    body(q, q, False)

                @pl.loop(0, (CH - 3) // 3)
                def _(t):
                    j0 = 3 + 3 * t
                    for q in range(3):
                        body(q, j0 + q, True)

                for q in range(3):
                    wait_scat(q)
                return

            def load_idx(jrel, q):
                pltpu.sync_copy(sd_h.at[c0 + jrel], SD[q])

            def start_gather(q):
                pltpu.async_copy(tab.at[SD[q].at[0, 0]], R[q], GS[q])

            def body(q, jrel, wait_prior, guard):
                q2 = (q + 2) % 3
                pltpu.make_async_copy(tab.at[SD[q].at[0, 0]], R[q], GS[q]).wait()
                pltpu.async_copy(R[q], acc.at[SD[q].at[1, 0]], SS[q], add=True)

                def prefetch():
                    if wait_prior:
                        wait_scat(q2)
                    load_idx(jrel + 2, q2)
                    start_gather(q2)

                if guard:
                    pl.when(jrel + 2 < CH)(prefetch)
                else:
                    prefetch()

            load_idx(0, 0)
            start_gather(0)
            load_idx(1, 1)
            start_gather(1)
            body(0, 0, False, False)
            body(1, 1, True, False)
            body(2, 2, True, False)

            @pl.loop(0, (CH - 3) // 3)
            def _(t):
                j0 = 3 + 3 * t
                for q in range(3):
                    body(q, j0 + q, True, True)

            for q in range(3):
                wait_scat(q)

        do_graph()

        plsc.subcore_barrier()

        for q, off in enumerate(OFFS):
            pltpu.sync_copy(iota.at[s * NZC + q], izbuf)
            pltpu.async_copy(acc.at[izbuf], r2, g0s).wait()
            pltpu.sync_copy(r2, o.at[pl.ds(c * NPAD + base + off, K)])

    return k(table2, sd_hh, fill_h, zeros_h, iota_h)


def _tc_scale_matmul(x, deg, W):

    def body(x_ref, d_ref, w_ref, y_ref):
        d = d_ref[:, 0:1]
        norm = lax.rsqrt(jnp.maximum(d, 1.0))
        y_ref[...] = jnp.dot(x_ref[...], w_ref[...],
                             preferred_element_type=jnp.float32) * norm

    return pl.pallas_call(
        body,
        grid=(2 * NPAD // 128,),
        in_specs=[
            pl.BlockSpec((128, F), lambda i: (i, 0)),
            pl.BlockSpec((128, F), lambda i: (i, 0)),
            pl.BlockSpec((F, F), lambda i: (0, 0)),
        ],
        out_specs=pl.BlockSpec((128, F), lambda i: (i, 0)),
        out_shape=jax.ShapeDtypeStruct((2 * NPAD, F), jnp.float32),
    )(x, deg, W)


def _tc_mid(agg, deg, b, W):

    def body(a_ref, d_ref, b_ref, w_ref, y_ref):
        i = pl.program_id(0)
        d = d_ref[:, 0:1]
        norm = lax.rsqrt(jnp.maximum(d, 1.0))
        h = jnp.maximum(a_ref[...] * norm + b_ref[...], 0.0)
        g = i // (NPAD // 128)
        row = lax.broadcasted_iota(jnp.int32, (128, 1), 0) + i * 128 - g * NPAD
        h = jnp.where(row < N, h, 0.0)
        y_ref[...] = jnp.dot(h, w_ref[...],
                             preferred_element_type=jnp.float32) * norm

    return pl.pallas_call(
        body,
        grid=(2 * NPAD // 128,),
        in_specs=[
            pl.BlockSpec((128, F), lambda i: (i, 0)),
            pl.BlockSpec((128, F), lambda i: (i, 0)),
            pl.BlockSpec((1, F), lambda i: (0, 0)),
            pl.BlockSpec((F, F), lambda i: (0, 0)),
        ],
        out_specs=pl.BlockSpec((128, F), lambda i: (i, 0)),
        out_shape=jax.ShapeDtypeStruct((2 * NPAD, F), jnp.float32),
    )(agg, deg, b, W)


def _tc_final(agg, deg, b):

    def body(a_ref, d_ref, b_ref, y_ref):
        d = d_ref[:, 0:1]
        norm = lax.rsqrt(jnp.maximum(d, 1.0))
        y_ref[...] = a_ref[...] * norm + b_ref[...]

    return pl.pallas_call(
        body,
        grid=(2 * NPAD // 128,),
        in_specs=[
            pl.BlockSpec((128, F), lambda i: (i, 0)),
            pl.BlockSpec((128, F), lambda i: (i, 0)),
            pl.BlockSpec((1, F), lambda i: (0, 0)),
        ],
        out_specs=pl.BlockSpec((128, F), lambda i: (i, 0)),
        out_shape=jax.ShapeDtypeStruct((2 * NPAD, F), jnp.float32),
    )(agg, deg, b)


def kernel(API_x, API_edge_index, skill_x, skill_edge_index, W1, b1, W2, b2):
    f32 = jnp.float32

    x2 = (
        jnp.zeros((2 * NPAD, F), f32)
        .at[:N].set(API_x.astype(f32))
        .at[NPAD:NPAD + N].set(skill_x.astype(f32))
    )

    def prep_edges(ei, row_off):
        e = ei.astype(jnp.int32)
        pad = jnp.full((EPAD - e.shape[1],), DUMMY, jnp.int32)
        src = (jnp.concatenate([e[0], pad]) + row_off).reshape(NSUB * CH, K)
        dst = jnp.concatenate([e[1], pad]).reshape(NSUB * CH, K)
        return src, dst

    s0, d0 = prep_edges(API_edge_index, 0)
    s1, d1 = prep_edges(skill_edge_index, NPAD)
    srcs = jnp.concatenate([s0, s1])
    dsts = jnp.concatenate([d0, d1])
    sd = jnp.stack([srcs, dsts], axis=1).reshape(-1, 2, 1, K)

    ones_kf = jnp.ones((K, F), f32)
    zeros_kf = jnp.zeros((K, F), f32)
    iota_h = (
        jnp.arange(NSUB, dtype=jnp.int32)[:, None, None] * RPT
        + jnp.asarray(OFFS, jnp.int32)[None, :, None]
        + jnp.arange(K, dtype=jnp.int32)[None, None, :]
    ).reshape(NSUB * NZC, K)
    b1r = b1.reshape(1, F).astype(f32)
    b2r = b2.reshape(1, F).astype(f32)

    deg = _sc_edge_pass(x2, sd, ones_kf, zeros_kf, iota_h,
                        with_gather=False)
    y = _tc_scale_matmul(x2, deg, W1)
    a = _sc_edge_pass(y, sd, zeros_kf, zeros_kf, iota_h,
                      with_gather=True)
    z = _tc_mid(a, deg, b1r, W2)
    g = _sc_edge_pass(z, sd, zeros_kf, zeros_kf, iota_h,
                      with_gather=True)
    out = _tc_final(g, deg, b2r)

    return (out[:N], out[NPAD:NPAD + N])

# --- scband reference (transcript-rebuilt; emitter-appended) ---
"""Pipeline reference for scband-alignment-model-14130442403925 (READ-ONLY COPY).

The authoritative reference and input builder live on the scoring server;
editing this copy changes nothing except your own understanding.
"""

import jax, jax.numpy as jnp
import numpy as np

N = 10000
E = 320000
IN_SIZE = 128
HID_SIZE = 128
OUT_SIZE = 128


def setup_inputs(seed: int = 0) -> dict:
    key = jax.random.key(seed)
    ks = jax.random.split(key, 8)
    API_x = jax.random.normal(ks[0], (N, IN_SIZE), dtype=jnp.float32)
    skill_x = jax.random.normal(ks[1], (N, IN_SIZE), dtype=jnp.float32)
    API_edge_index = jax.random.randint(ks[2], (2, E), 0, N).astype(jnp.int64)
    skill_edge_index = jax.random.randint(ks[3], (2, E), 0, N).astype(jnp.int64)
    # GCN encoder params (shared across both graphs, as in the torch module)
    W1 = jax.random.normal(ks[4], (IN_SIZE, HID_SIZE), dtype=jnp.float32) * (1.0 / np.sqrt(IN_SIZE))
    b1 = jnp.zeros((HID_SIZE,), dtype=jnp.float32)
    W2 = jax.random.normal(ks[5], (HID_SIZE, OUT_SIZE), dtype=jnp.float32) * (1.0 / np.sqrt(HID_SIZE))
    b2 = jnp.zeros((OUT_SIZE,), dtype=jnp.float32)
    return {"API_x": API_x, "API_edge_index": API_edge_index,
            "skill_x": skill_x, "skill_edge_index": skill_edge_index,
            "W1": W1, "b1": b1, "W2": W2, "b2": b2}


def _gcn_layer(x, src, dst, W, b):
    n = x.shape[0]
    deg = jnp.zeros((n,), dtype=x.dtype).at[dst].add(1.0)
    deg = jnp.maximum(deg, 1.0)
    norm = jax.lax.rsqrt(deg)
    xw = x @ W
    msg = xw[src] * norm[src][:, None]          # gather (SparseCore)
    agg = jnp.zeros_like(xw).at[dst].add(msg)   # scatter-add (SparseCore)
    return agg * norm[:, None] + b


def reference(API_x, API_edge_index, skill_x, skill_edge_index, W1, b1, W2, b2):
    def encoder(x, edge_index):
        src, dst = edge_index[0], edge_index[1]
        h = jax.nn.relu(_gcn_layer(x, src, dst, W1, b1))
        # dropout is identity at inference
        return _gcn_layer(h, src, dst, W2, b2)
    API_Emb = encoder(API_x, API_edge_index)
    skill_Emb = encoder(skill_x, skill_edge_index)
    return (API_Emb, skill_Emb)

if __name__ == "__main__":
    import jax
    _d = setup_inputs()
    print(jax.jit(kernel)(*tuple(_d.values())))

</pallas_src>

<mosaic_0001>
#map = affine_map<(d0, d1) -> (0, 0)>
#map1 = affine_map<(d0, d1) -> (0, 0, 0, 0)>
module attributes {stable_mosaic.version = 14 : i64} {
  func.func @k(%arg0: i32, %arg1: i32, %arg2: memref<20224x128xf32, #tpu.memory_space<hbm>>, %arg3: memref<5088x2x1x128xi32, #tpu.memory_space<hbm>>, %arg4: memref<128x128xf32, #tpu.memory_space<hbm>>, %arg5: memref<128x128xf32, #tpu.memory_space<hbm>>, %arg6: memref<80x128xi32, #tpu.memory_space<hbm>>, %arg7: memref<20224x128xf32, #tpu.memory_space<hbm>>, %arg8: memref<2x1x128xi32, #tpu.memory_space<vmem>>, %arg9: memref<2x1x128xi32, #tpu.memory_space<vmem>>, %arg10: memref<2x1x128xi32, #tpu.memory_space<vmem>>, %arg11: memref<128xi32, #tpu.memory_space<vmem>>, %arg12: memref<128x128xf32, #tpu.memory_space<vmem>>, %arg13: memref<128x128xf32, #tpu.memory_space<vmem>>, %arg14: memref<128x128xf32, #tpu.memory_space<vmem>>, %arg15: memref<10112x128xf32, #tpu.memory_space<vmem_shared>>, %arg16: memref<!tpu.dma_semaphore, #tpu.memory_space<semaphore_mem>>, %arg17: memref<!tpu.dma_semaphore, #tpu.memory_space<semaphore_mem>>, %arg18: memref<!tpu.dma_semaphore, #tpu.memory_space<semaphore_mem>>, %arg19: memref<!tpu.dma_semaphore, #tpu.memory_space<semaphore_mem>>, %arg20: memref<!tpu.dma_semaphore, #tpu.memory_space<semaphore_mem>>, %arg21: memref<!tpu.dma_semaphore, #tpu.memory_space<semaphore_mem>>) attributes {dimension_semantics = [#tpu.dimension_semantics<core_parallel>, #tpu.dimension_semantics<subcore_parallel>], iteration_bounds = array<i64: 2, 16>, scalar_prefetch = 0 : i64, scratch_operands = 14 : i64, tpu.core_type = #tpu.core_type<sc_vector_subcore>, window_params = [{transform_indices = #map}, {transform_indices = #map1}, {transform_indices = #map}, {transform_indices = #map}, {transform_indices = #map}, {transform_indices = #map}]} {
    %mul3A = arith.constant 632 : i32
    %mul3A_0 = arith.muli %arg1, %mul3A : i32
    "tpu.region"() ({
      %run_scoped3A = tpu.sem_alloc : memref<!tpu.dma_semaphore, #tpu.memory_space<semaphore_mem>>
      tpu.enqueue_dma source(%arg5 : memref<128x128xf32, #tpu.memory_space<hbm>>) target(%arg14 : memref<128x128xf32, #tpu.memory_space<vmem>>) target_semaphore(%run_scoped3A : memref<!tpu.dma_semaphore, #tpu.memory_space<semaphore_mem>>)
      tpu.wait_dma2 semaphore(%run_scoped3A : memref<!tpu.dma_semaphore, #tpu.memory_space<semaphore_mem>>) src(%arg5 : memref<128x128xf32, #tpu.memory_space<hbm>>) dst(%arg14 : memref<128x128xf32, #tpu.memory_space<vmem>>)
      tpu.yield
    }) : () -> ()
    %scan3A = arith.constant 0 : i32
    %scan3A_1 = arith.constant 5 : i32
    %scan3A_2 = arith.addi %scan3A, %scan3A_1 : i32
    %scan3A_3 = arith.constant 1 : i32
    scf.for %scan3A_142 = %scan3A to %scan3A_2 step %scan3A_3  : i32 {
      %mul3A_143 = arith.constant 1 : i32
      %mul3A_144 = arith.muli %scan3A_142, %mul3A_143 : i32
      %add3A_145 = arith.constant 0 : i32
      %add3A_146 = arith.addi %add3A_145, %mul3A_144 : i32
      %mul3A_147 = arith.constant 5 : i32
      %mul3A_148 = arith.muli %arg1, %mul3A_147 : i32
      %add3A_149 = arith.addi %mul3A_148, %add3A_146 : i32
      "tpu.region"() ({
        %run_scoped3A = tpu.sem_alloc : memref<!tpu.dma_semaphore, #tpu.memory_space<semaphore_mem>>
        %dma_start3A_150 = arith.constant 0 : i32
        %dma_start3A_151 = tpu.memref_slice %arg6[%add3A_149, %dma_start3A_150] : memref<80x128xi32, #tpu.memory_space<hbm>> -> memref<1x128xi32, #tpu.memory_space<hbm>>
        %dma_start3A_152 = tpu.memref_squeeze %dma_start3A_151 : memref<1x128xi32, #tpu.memory_space<hbm>> -> memref<128xi32, #tpu.memory_space<hbm>>
        %dma_start3A_153 = arith.constant 0 : i32
        %dma_start3A_154 = tpu.memref_slice %arg6[%add3A_149, %dma_start3A_153] : memref<80x128xi32, #tpu.memory_space<hbm>> -> memref<1x128xi32, #tpu.memory_space<hbm>>
        %dma_start3A_155 = tpu.memref_squeeze %dma_start3A_154 : memref<1x128xi32, #tpu.memory_space<hbm>> -> memref<128xi32, #tpu.memory_space<hbm>>
        tpu.enqueue_dma source(%dma_start3A_155 : memref<128xi32, #tpu.memory_space<hbm>>) target(%arg11 : memref<128xi32, #tpu.memory_space<vmem>>) target_semaphore(%run_scoped3A : memref<!tpu.dma_semaphore, #tpu.memory_space<semaphore_mem>>)
        %dma_wait3A_156 = arith.constant 0 : i32
        %dma_wait3A_157 = tpu.memref_slice %arg6[%add3A_149, %dma_wait3A_156] : memref<80x128xi32, #tpu.memory_space<hbm>> -> memref<1x128xi32, #tpu.memory_space<hbm>>
        %dma_wait3A_158 = tpu.memref_squeeze %dma_wait3A_157 : memref<1x128xi32, #tpu.memory_space<hbm>> -> memref<128xi32, #tpu.memory_space<hbm>>
        %dma_wait3A_159 = arith.constant 0 : i32
        %dma_wait3A_160 = tpu.memref_slice %arg6[%add3A_149, %dma_wait3A_159] : memref<80x128xi32, #tpu.memory_space<hbm>> -> memref<1x128xi32, #tpu.memory_space<hbm>>
        %dma_wait3A_161 = tpu.memref_squeeze %dma_wait3A_160 : memref<1x128xi32, #tpu.memory_space<hbm>> -> memref<128xi32, #tpu.memory_space<hbm>>
        tpu.wait_dma2 semaphore(%run_scoped3A : memref<!tpu.dma_semaphore, #tpu.memory_space<semaphore_mem>>) src(%dma_wait3A_161 : memref<128xi32, #tpu.memory_space<hbm>>) dst(%arg11 : memref<128xi32, #tpu.memory_space<vmem>>)
        tpu.yield
      }) : () -> ()
      "tpu.region"() ({
        %run_scoped3A = tpu.sem_alloc : memref<!tpu.dma_semaphore, #tpu.memory_space<semaphore_mem>>
        %dma_start3A_150 = arith.constant 0 : i32
        %dma_start3A_151 = arith.constant 0 : i32
        %dma_start3A_152 = tpu.memref_slice %arg15[%dma_start3A_150, %dma_start3A_151] : memref<10112x128xf32, #tpu.memory_space<vmem_shared>> -> memref<10112x128xf32, #tpu.memory_space<vmem_shared>>
        tpu.enqueue_indirect_dma source(%arg14 : memref<128x128xf32, #tpu.memory_space<vmem>>) target(%dma_start3A_152 : memref<10112x128xf32, #tpu.memory_space<vmem_shared>>) offsets(%arg11 : memref<128xi32, #tpu.memory_space<vmem>>) semaphore(%run_scoped3A : memref<!tpu.dma_semaphore, #tpu.memory_space<semaphore_mem>>)
        %dma_wait3A_153 = arith.constant 0 : i32
        %dma_wait3A_154 = arith.constant 0 : i32
        %dma_wait3A_155 = tpu.memref_slice %arg15[%dma_wait3A_153, %dma_wait3A_154] : memref<10112x128xf32, #tpu.memory_space<vmem_shared>> -> memref<10112x128xf32, #tpu.memory_space<vmem_shared>>
        tpu.wait_indirect_dma semaphore(%run_scoped3A : memref<!tpu.dma_semaphore, #tpu.memory_space<semaphore_mem>>) src(%arg14 : memref<128x128xf32, #tpu.memory_space<vmem>>) dst(%dma_wait3A_155 : memref<10112x128xf32, #tpu.memory_space<vmem_shared>>)
        tpu.yield
      }) : () -> ()
    }
    %scan3A_4 = arith.constant 5 : i32
    %barrier3A = arith.constant 0 : index
    tpu.barrier barrier_id(%barrier3A)
    "tpu.region"() ({
      %run_scoped3A = tpu.sem_alloc : memref<!tpu.dma_semaphore, #tpu.memory_space<semaphore_mem>>
      tpu.enqueue_dma source(%arg4 : memref<128x128xf32, #tpu.memory_space<hbm>>) target(%arg12 : memref<128x128xf32, #tpu.memory_space<vmem>>) target_semaphore(%run_scoped3A : memref<!tpu.dma_semaphore, #tpu.memory_space<semaphore_mem>>)
      tpu.wait_dma2 semaphore(%run_scoped3A : memref<!tpu.dma_semaphore, #tpu.memory_space<semaphore_mem>>) src(%arg4 : memref<128x128xf32, #tpu.memory_space<hbm>>) dst(%arg12 : memref<128x128xf32, #tpu.memory_space<vmem>>)
      tpu.yield
    }) : () -> ()
    %mul3A_5 = arith.constant 16 : i32
    %mul3A_6 = arith.muli %arg0, %mul3A_5 : i32
    %add3A = arith.addi %mul3A_6, %arg1 : i32
    %mul3A_7 = arith.constant 159 : i32
    %mul3A_8 = arith.muli %add3A, %mul3A_7 : i32
    %add3A_9 = arith.constant 0 : i32
    %add3A_10 = arith.addi %mul3A_8, %add3A_9 : i32
    "tpu.region"() ({
      %run_scoped3A = tpu.sem_alloc : memref<!tpu.dma_semaphore, #tpu.memory_space<semaphore_mem>>
      %dma_start3A_142 = arith.constant 0 : i32
      %dma_start3A_143 = arith.constant 0 : i32
      %dma_start3A_144 = arith.constant 0 : i32
      %dma_start3A_145 = tpu.memref_slice %arg3[%add3A_10, %dma_start3A_142, %dma_start3A_143, %dma_start3A_144] : memref<5088x2x1x128xi32, #tpu.memory_space<hbm>> -> memref<1x2x1x128xi32, #tpu.memory_space<hbm>>
      %dma_start3A_146 = tpu.memref_squeeze %dma_start3A_145 : memref<1x2x1x128xi32, #tpu.memory_space<hbm>> -> memref<2x1x128xi32, #tpu.memory_space<hbm>>
      %dma_start3A_147 = arith.constant 0 : i32
      %dma_start3A_148 = arith.constant 0 : i32
      %dma_start3A_149 = arith.constant 0 : i32
      %dma_start3A_150 = tpu.memref_slice %arg3[%add3A_10, %dma_start3A_147, %dma_start3A_148, %dma_start3A_149] : memref<5088x2x1x128xi32, #tpu.memory_space<hbm>> -> memref<1x2x1x128xi32, #tpu.memory_space<hbm>>
      %dma_start3A_151 = tpu.memref_squeeze %dma_start3A_150 : memref<1x2x1x128xi32, #tpu.memory_space<hbm>> -> memref<2x1x128xi32, #tpu.memory_space<hbm>>
      tpu.enqueue_dma source(%dma_start3A_151 : memref<2x1x128xi32, #tpu.memory_space<hbm>>) target(%arg8 : memref<2x1x128xi32, #tpu.memory_space<vmem>>) target_semaphore(%run_scoped3A : memref<!tpu.dma_semaphore, #tpu.memory_space<semaphore_mem>>)
      %dma_wait3A_152 = arith.constant 0 : i32
      %dma_wait3A_153 = arith.constant 0 : i32
      %dma_wait3A_154 = arith.constant 0 : i32
      %dma_wait3A_155 = tpu.memref_slice %arg3[%add3A_10, %dma_wait3A_152, %dma_wait3A_153, %dma_wait3A_154] : memref<5088x2x1x128xi32, #tpu.memory_space<hbm>> -> memref<1x2x1x128xi32, #tpu.memory_space<hbm>>
      %dma_wait3A_156 = tpu.memref_squeeze %dma_wait3A_155 : memref<1x2x1x128xi32, #tpu.memory_space<hbm>> -> memref<2x1x128xi32, #tpu.memory_space<hbm>>
      %dma_wait3A_157 = arith.constant 0 : i32
      %dma_wait3A_158 = arith.constant 0 : i32
      %dma_wait3A_159 = arith.constant 0 : i32
      %dma_wait3A_160 = tpu.memref_slice %arg3[%add3A_10, %dma_wait3A_157, %dma_wait3A_158, %dma_wait3A_159] : memref<5088x2x1x128xi32, #tpu.memory_space<hbm>> -> memref<1x2x1x128xi32, #tpu.memory_space<hbm>>
      %dma_wait3A_161 = tpu.memref_squeeze %dma_wait3A_160 : memref<1x2x1x128xi32, #tpu.memory_space<hbm>> -> memref<2x1x128xi32, #tpu.memory_space<hbm>>
      tpu.wait_dma2 semaphore(%run_scoped3A : memref<!tpu.dma_semaphore, #tpu.memory_space<semaphore_mem>>) src(%dma_wait3A_161 : memref<2x1x128xi32, #tpu.memory_space<hbm>>) dst(%arg8 : memref<2x1x128xi32, #tpu.memory_space<vmem>>)
      tpu.yield
    }) : () -> ()
    %dma_start3A = arith.constant 1 : i32
    %dma_start3A_11 = arith.constant 0 : i32
    %dma_start3A_12 = arith.constant 0 : i32
    %dma_start3A_13 = tpu.memref_slice %arg8[%dma_start3A, %dma_start3A_11, %dma_start3A_12] : memref<2x1x128xi32, #tpu.memory_space<vmem>> -> memref<1x1x128xi32, #tpu.memory_space<vmem>>
    %dma_start3A_14 = tpu.memref_squeeze %dma_start3A_13 : memref<1x1x128xi32, #tpu.memory_space<vmem>> -> memref<128xi32, #tpu.memory_space<vmem>>
    %dma_start3A_15 = arith.constant 0 : i32
    %dma_start3A_16 = arith.constant 0 : i32
    %dma_start3A_17 = tpu.memref_slice %arg15[%dma_start3A_15, %dma_start3A_16] : memref<10112x128xf32, #tpu.memory_space<vmem_shared>> -> memref<10112x128xf32, #tpu.memory_space<vmem_shared>>
    tpu.enqueue_indirect_dma source(%arg12 : memref<128x128xf32, #tpu.memory_space<vmem>>) target(%dma_start3A_17 : memref<10112x128xf32, #tpu.memory_space<vmem_shared>>) offsets(%dma_start3A_14 : memref<128xi32, #tpu.memory_space<vmem>>) semaphore(%arg19 : memref<!tpu.dma_semaphore, #tpu.memory_space<semaphore_mem>>) {add = true}
    %add3A_18 = arith.constant 1 : i32
    %add3A_19 = arith.addi %mul3A_8, %add3A_18 : i32
    "tpu.region"() ({
      %run_scoped3A = tpu.sem_alloc : memref<!tpu.dma_semaphore, #tpu.memory_space<semaphore_mem>>
      %dma_start3A_142 = arith.constant 0 : i32
      %dma_start3A_143 = arith.constant 0 : i32
      %dma_start3A_144 = arith.constant 0 : i32
      %dma_start3A_145 = tpu.memref_slice %arg3[%add3A_19, %dma_start3A_142, %dma_start3A_143, %dma_start3A_144] : memref<5088x2x1x128xi32, #tpu.memory_space<hbm>> -> memref<1x2x1x128xi32, #tpu.memory_space<hbm>>
      %dma_start3A_146 = tpu.memref_squeeze %dma_start3A_145 : memref<1x2x1x128xi32, #tpu.memory_space<hbm>> -> memref<2x1x128xi32, #tpu.memory_space<hbm>>
      %dma_start3A_147 = arith.constant 0 : i32
      %dma_start3A_148 = arith.constant 0 : i32
      %dma_start3A_149 = arith.constant 0 : i32
      %dma_start3A_150 = tpu.memref_slice %arg3[%add3A_19, %dma_start3A_147, %dma_start3A_148, %dma_start3A_149] : memref<5088x2x1x128xi32, #tpu.memory_space<hbm>> -> memref<1x2x1x128xi32, #tpu.memory_space<hbm>>
      %dma_start3A_151 = tpu.memref_squeeze %dma_start3A_150 : memref<1x2x1x128xi32, #tpu.memory_space<hbm>> -> memref<2x1x128xi32, #tpu.memory_space<hbm>>
      tpu.enqueue_dma source(%dma_start3A_151 : memref<2x1x128xi32, #tpu.memory_space<hbm>>) target(%arg9 : memref<2x1x128xi32, #tpu.memory_space<vmem>>) target_semaphore(%run_scoped3A : memref<!tpu.dma_semaphore, #tpu.memory_space<semaphore_mem>>)
      %dma_wait3A_152 = arith.constant 0 : i32
      %dma_wait3A_153 = arith.constant 0 : i32
      %dma_wait3A_154 = arith.constant 0 : i32
      %dma_wait3A_155 = tpu.memref_slice %arg3[%add3A_19, %dma_wait3A_152, %dma_wait3A_153, %dma_wait3A_154] : memref<5088x2x1x128xi32, #tpu.memory_space<hbm>> -> memref<1x2x1x128xi32, #tpu.memory_space<hbm>>
      %dma_wait3A_156 = tpu.memref_squeeze %dma_wait3A_155 : memref<1x2x1x128xi32, #tpu.memory_space<hbm>> -> memref<2x1x128xi32, #tpu.memory_space<hbm>>
      %dma_wait3A_157 = arith.constant 0 : i32
      %dma_wait3A_158 = arith.constant 0 : i32
      %dma_wait3A_159 = arith.constant 0 : i32
      %dma_wait3A_160 = tpu.memref_slice %arg3[%add3A_19, %dma_wait3A_157, %dma_wait3A_158, %dma_wait3A_159] : memref<5088x2x1x128xi32, #tpu.memory_space<hbm>> -> memref<1x2x1x128xi32, #tpu.memory_space<hbm>>
      %dma_wait3A_161 = tpu.memref_squeeze %dma_wait3A_160 : memref<1x2x1x128xi32, #tpu.memory_space<hbm>> -> memref<2x1x128xi32, #tpu.memory_space<hbm>>
      tpu.wait_dma2 semaphore(%run_scoped3A : memref<!tpu.dma_semaphore, #tpu.memory_space<semaphore_mem>>) src(%dma_wait3A_161 : memref<2x1x128xi32, #tpu.memory_space<hbm>>) dst(%arg9 : memref<2x1x128xi32, #tpu.memory_space<vmem>>)
      tpu.yield
    }) : () -> ()
    %dma_start3A_20 = arith.constant 1 : i32
    %dma_start3A_21 = arith.constant 0 : i32
    %dma_start3A_22 = arith.constant 0 : i32
    %dma_start3A_23 = tpu.memref_slice %arg9[%dma_start3A_20, %dma_start3A_21, %dma_start3A_22] : memref<2x1x128xi32, #tpu.memory_space<vmem>> -> memref<1x1x128xi32, #tpu.memory_space<vmem>>
    %dma_start3A_24 = tpu.memref_squeeze %dma_start3A_23 : memref<1x1x128xi32, #tpu.memory_space<vmem>> -> memref<128xi32, #tpu.memory_space<vmem>>
    %dma_start3A_25 = arith.constant 0 : i32
    %dma_start3A_26 = arith.constant 0 : i32
    %dma_start3A_27 = tpu.memref_slice %arg15[%dma_start3A_25, %dma_start3A_26] : memref<10112x128xf32, #tpu.memory_space<vmem_shared>> -> memref<10112x128xf32, #tpu.memory_space<vmem_shared>>
    tpu.enqueue_indirect_dma source(%arg12 : memref<128x128xf32, #tpu.memory_space<vmem>>) target(%dma_start3A_27 : memref<10112x128xf32, #tpu.memory_space<vmem_shared>>) offsets(%dma_start3A_24 : memref<128xi32, #tpu.memory_space<vmem>>) semaphore(%arg20 : memref<!tpu.dma_semaphore, #tpu.memory_space<semaphore_mem>>) {add = true}
    %add3A_28 = arith.constant 2 : i32
    %add3A_29 = arith.addi %mul3A_8, %add3A_28 : i32
    "tpu.region"() ({
      %run_scoped3A = tpu.sem_alloc : memref<!tpu.dma_semaphore, #tpu.memory_space<semaphore_mem>>
      %dma_start3A_142 = arith.constant 0 : i32
      %dma_start3A_143 = arith.constant 0 : i32
      %dma_start3A_144 = arith.constant 0 : i32
      %dma_start3A_145 = tpu.memref_slice %arg3[%add3A_29, %dma_start3A_142, %dma_start3A_143, %dma_start3A_144] : memref<5088x2x1x128xi32, #tpu.memory_space<hbm>> -> memref<1x2x1x128xi32, #tpu.memory_space<hbm>>
      %dma_start3A_146 = tpu.memref_squeeze %dma_start3A_145 : memref<1x2x1x128xi32, #tpu.memory_space<hbm>> -> memref<2x1x128xi32, #tpu.memory_space<hbm>>
      %dma_start3A_147 = arith.constant 0 : i32
      %dma_start3A_148 = arith.constant 0 : i32
      %dma_start3A_149 = arith.constant 0 : i32
      %dma_start3A_150 = tpu.memref_slice %arg3[%add3A_29, %dma_start3A_147, %dma_start3A_148, %dma_start3A_149] : memref<5088x2x1x128xi32, #tpu.memory_space<hbm>> -> memref<1x2x1x128xi32, #tpu.memory_space<hbm>>
      %dma_start3A_151 = tpu.memref_squeeze %dma_start3A_150 : memref<1x2x1x128xi32, #tpu.memory_space<hbm>> -> memref<2x1x128xi32, #tpu.memory_space<hbm>>
      tpu.enqueue_dma source(%dma_start3A_151 : memref<2x1x128xi32, #tpu.memory_space<hbm>>) target(%arg10 : memref<2x1x128xi32, #tpu.memory_space<vmem>>) target_semaphore(%run_scoped3A : memref<!tpu.dma_semaphore, #tpu.memory_space<semaphore_mem>>)
      %dma_wait3A_152 = arith.constant 0 : i32
      %dma_wait3A_153 = arith.constant 0 : i32
      %dma_wait3A_154 = arith.constant 0 : i32
      %dma_wait3A_155 = tpu.memref_slice %arg3[%add3A_29, %dma_wait3A_152, %dma_wait3A_153, %dma_wait3A_154] : memref<5088x2x1x128xi32, #tpu.memory_space<hbm>> -> memref<1x2x1x128xi32, #tpu.memory_space<hbm>>
      %dma_wait3A_156 = tpu.memref_squeeze %dma_wait3A_155 : memref<1x2x1x128xi32, #tpu.memory_space<hbm>> -> memref<2x1x128xi32, #tpu.memory_space<hbm>>
      %dma_wait3A_157 = arith.constant 0 : i32
      %dma_wait3A_158 = arith.constant 0 : i32
      %dma_wait3A_159 = arith.constant 0 : i32
      %dma_wait3A_160 = tpu.memref_slice %arg3[%add3A_29, %dma_wait3A_157, %dma_wait3A_158, %dma_wait3A_159] : memref<5088x2x1x128xi32, #tpu.memory_space<hbm>> -> memref<1x2x1x128xi32, #tpu.memory_space<hbm>>
      %dma_wait3A_161 = tpu.memref_squeeze %dma_wait3A_160 : memref<1x2x1x128xi32, #tpu.memory_space<hbm>> -> memref<2x1x128xi32, #tpu.memory_space<hbm>>
      tpu.wait_dma2 semaphore(%run_scoped3A : memref<!tpu.dma_semaphore, #tpu.memory_space<semaphore_mem>>) src(%dma_wait3A_161 : memref<2x1x128xi32, #tpu.memory_space<hbm>>) dst(%arg10 : memref<2x1x128xi32, #tpu.memory_space<vmem>>)
      tpu.yield
    }) : () -> ()
    %dma_start3A_30 = arith.constant 1 : i32
    %dma_start3A_31 = arith.constant 0 : i32
    %dma_start3A_32 = arith.constant 0 : i32
    %dma_start3A_33 = tpu.memref_slice %arg10[%dma_start3A_30, %dma_start3A_31, %dma_start3A_32] : memref<2x1x128xi32, #tpu.memory_space<vmem>> -> memref<1x1x128xi32, #tpu.memory_space<vmem>>
    %dma_start3A_34 = tpu.memref_squeeze %dma_start3A_33 : memref<1x1x128xi32, #tpu.memory_space<vmem>> -> memref<128xi32, #tpu.memory_space<vmem>>
    %dma_start3A_35 = arith.constant 0 : i32
    %dma_start3A_36 = arith.constant 0 : i32
    %dma_start3A_37 = tpu.memref_slice %arg15[%dma_start3A_35, %dma_start3A_36] : memref<10112x128xf32, #tpu.memory_space<vmem_shared>> -> memref<10112x128xf32, #tpu.memory_space<vmem_shared>>
    tpu.enqueue_indirect_dma source(%arg12 : memref<128x128xf32, #tpu.memory_space<vmem>>) target(%dma_start3A_37 : memref<10112x128xf32, #tpu.memory_space<vmem_shared>>) offsets(%dma_start3A_34 : memref<128xi32, #tpu.memory_space<vmem>>) semaphore(%arg21 : memref<!tpu.dma_semaphore, #tpu.memory_space<semaphore_mem>>) {add = true}
    %scan3A_38 = arith.constant 0 : i32
    %scan3A_39 = arith.constant 52 : i32
    %scan3A_40 = arith.addi %scan3A_38, %scan3A_39 : i32
    %scan3A_41 = arith.constant 1 : i32
    scf.for %scan3A_142 = %scan3A_38 to %scan3A_40 step %scan3A_41  : i32 {
      %mul3A_143 = arith.constant 1 : i32
      %mul3A_144 = arith.muli %scan3A_142, %mul3A_143 : i32
      %add3A_145 = arith.constant 0 : i32
      %add3A_146 = arith.addi %add3A_145, %mul3A_144 : i32
      %mul3A_147 = arith.constant 3 : i32
      %mul3A_148 = arith.muli %mul3A_147, %add3A_146 : i32
      %add3A_149 = arith.constant 3 : i32
      %add3A_150 = arith.addi %add3A_149, %mul3A_148 : i32
      %add3A_151 = arith.constant 0 : i32
      %add3A_152 = arith.addi %add3A_150, %add3A_151 : i32
      %dma_wait3A_153 = arith.constant 1 : i32
      %dma_wait3A_154 = arith.constant 0 : i32
      %dma_wait3A_155 = arith.constant 0 : i32
      %dma_wait3A_156 = tpu.memref_slice %arg8[%dma_wait3A_153, %dma_wait3A_154, %dma_wait3A_155] : memref<2x1x128xi32, #tpu.memory_space<vmem>> -> memref<1x1x128xi32, #tpu.memory_space<vmem>>
      %dma_wait3A_157 = tpu.memref_squeeze %dma_wait3A_156 : memref<1x1x128xi32, #tpu.memory_space<vmem>> -> memref<128xi32, #tpu.memory_space<vmem>>
      %dma_wait3A_158 = arith.constant 0 : i32
      %dma_wait3A_159 = arith.constant 0 : i32
      %dma_wait3A_160 = tpu.memref_slice %arg15[%dma_wait3A_158, %dma_wait3A_159] : memref<10112x128xf32, #tpu.memory_space<vmem_shared>> -> memref<10112x128xf32, #tpu.memory_space<vmem_shared>>
      tpu.wait_indirect_dma semaphore(%arg19 : memref<!tpu.dma_semaphore, #tpu.memory_space<semaphore_mem>>) src(%arg12 : memref<128x128xf32, #tpu.memory_space<vmem>>) dst(%dma_wait3A_160 : memref<10112x128xf32, #tpu.memory_space<vmem_shared>>)
      %add3A_161 = arith.addi %mul3A_8, %add3A_152 : i32
      "tpu.region"() ({
        %run_scoped3A = tpu.sem_alloc : memref<!tpu.dma_semaphore, #tpu.memory_space<semaphore_mem>>
        %dma_start3A_208 = arith.constant 0 : i32
        %dma_start3A_209 = arith.constant 0 : i32
        %dma_start3A_210 = arith.constant 0 : i32
        %dma_start3A_211 = tpu.memref_slice %arg3[%add3A_161, %dma_start3A_208, %dma_start3A_209, %dma_start3A_210] : memref<5088x2x1x128xi32, #tpu.memory_space<hbm>> -> memref<1x2x1x128xi32, #tpu.memory_space<hbm>>
        %dma_start3A_212 = tpu.memref_squeeze %dma_start3A_211 : memref<1x2x1x128xi32, #tpu.memory_space<hbm>> -> memref<2x1x128xi32, #tpu.memory_space<hbm>>
        %dma_start3A_213 = arith.constant 0 : i32
        %dma_start3A_214 = arith.constant 0 : i32
        %dma_start3A_215 = arith.constant 0 : i32
        %dma_start3A_216 = tpu.memref_slice %arg3[%add3A_161, %dma_start3A_213, %dma_start3A_214, %dma_start3A_215] : memref<5088x2x1x128xi32, #tpu.memory_space<hbm>> -> memref<1x2x1x128xi32, #tpu.memory_space<hbm>>
        %dma_start3A_217 = tpu.memref_squeeze %dma_start3A_216 : memref<1x2x1x128xi32, #tpu.memory_space<hbm>> -> memref<2x1x128xi32, #tpu.memory_space<hbm>>
        tpu.enqueue_dma source(%dma_start3A_217 : memref<2x1x128xi32, #tpu.memory_space<hbm>>) target(%arg8 : memref<2x1x128xi32, #tpu.memory_space<vmem>>) target_semaphore(%run_scoped3A : memref<!tpu.dma_semaphore, #tpu.memory_space<semaphore_mem>>)
        %dma_wait3A_218 = arith.constant 0 : i32
        %dma_wait3A_219 = arith.constant 0 : i32
        %dma_wait3A_220 = arith.constant 0 : i32
        %dma_wait3A_221 = tpu.memref_slice %arg3[%add3A_161, %dma_wait3A_218, %dma_wait3A_219, %dma_wait3A_220] : memref<5088x2x1x128xi32, #tpu.memory_space<hbm>> -> memref<1x2x1x128xi32, #tpu.memory_space<hbm>>
        %dma_wait3A_222 = tpu.memref_squeeze %dma_wait3A_221 : memref<1x2x1x128xi32, #tpu.memory_space<hbm>> -> memref<2x1x128xi32, #tpu.memory_space<hbm>>
        %dma_wait3A_223 = arith.constant 0 : i32
        %dma_wait3A_224 = arith.constant 0 : i32
        %dma_wait3A_225 = arith.constant 0 : i32
        %dma_wait3A_226 = tpu.memref_slice %arg3[%add3A_161, %dma_wait3A_223, %dma_wait3A_224, %dma_wait3A_225] : memref<5088x2x1x128xi32, #tpu.memory_space<hbm>> -> memref<1x2x1x128xi32, #tpu.memory_space<hbm>>
        %dma_wait3A_227 = tpu.memref_squeeze %dma_wait3A_226 : memref<1x2x1x128xi32, #tpu.memory_space<hbm>> -> memref<2x1x128xi32, #tpu.memory_space<hbm>>
        tpu.wait_dma2 semaphore(%run_scoped3A : memref<!tpu.dma_semaphore, #tpu.memory_space<semaphore_mem>>) src(%dma_wait3A_227 : memref<2x1x128xi32, #tpu.memory_space<hbm>>) dst(%arg8 : memref<2x1x128xi32, #tpu.memory_space<vmem>>)
        tpu.yield
      }) : () -> ()
      %dma_start3A_162 = arith.constant 1 : i32
      %dma_start3A_163 = arith.constant 0 : i32
      %dma_start3A_164 = arith.constant 0 : i32
      %dma_start3A_165 = tpu.memref_slice %arg8[%dma_start3A_162, %dma_start3A_163, %dma_start3A_164] : memref<2x1x128xi32, #tpu.memory_space<vmem>> -> memref<1x1x128xi32, #tpu.memory_space<vmem>>
      %dma_start3A_166 = tpu.memref_squeeze %dma_start3A_165 : memref<1x1x128xi32, #tpu.memory_space<vmem>> -> memref<128xi32, #tpu.memory_space<vmem>>
      %dma_start3A_167 = arith.constant 0 : i32
      %dma_start3A_168 = arith.constant 0 : i32
      %dma_start3A_169 = tpu.memref_slice %arg15[%dma_start3A_167, %dma_start3A_168] : memref<10112x128xf32, #tpu.memory_space<vmem_shared>> -> memref<10112x128xf32, #tpu.memory_space<vmem_shared>>
      tpu.enqueue_indirect_dma source(%arg12 : memref<128x128xf32, #tpu.memory_space<vmem>>) target(%dma_start3A_169 : memref<10112x128xf32, #tpu.memory_space<vmem_shared>>) offsets(%dma_start3A_166 : memref<128xi32, #tpu.memory_space<vmem>>) semaphore(%arg19 : memref<!tpu.dma_semaphore, #tpu.memory_space<semaphore_mem>>) {add = true}
      %add3A_170 = arith.constant 1 : i32
      %add3A_171 = arith.addi %add3A_150, %add3A_170 : i32
      %dma_wait3A_172 = arith.constant 1 : i32
      %dma_wait3A_173 = arith.constant 0 : i32
      %dma_wait3A_174 = arith.constant 0 : i32
      %dma_wait3A_175 = tpu.memref_slice %arg9[%dma_wait3A_172, %dma_wait3A_173, %dma_wait3A_174] : memref<2x1x128xi32, #tpu.memory_space<vmem>> -> memref<1x1x128xi32, #tpu.memory_space<vmem>>
      %dma_wait3A_176 = tpu.memref_squeeze %dma_wait3A_175 : memref<1x1x128xi32, #tpu.memory_space<vmem>> -> memref<128xi32, #tpu.memory_space<vmem>>
      %dma_wait3A_177 = arith.constant 0 : i32
      %dma_wait3A_178 = arith.constant 0 : i32
      %dma_wait3A_179 = tpu.memref_slice %arg15[%dma_wait3A_177, %dma_wait3A_178] : memref<10112x128xf32, #tpu.memory_space<vmem_shared>> -> memref<10112x128xf32, #tpu.memory_space<vmem_shared>>
      tpu.wait_indirect_dma semaphore(%arg20 : memref<!tpu.dma_semaphore, #tpu.memory_space<semaphore_mem>>) src(%arg12 : memref<128x128xf32, #tpu.memory_space<vmem>>) dst(%dma_wait3A_179 : memref<10112x128xf32, #tpu.memory_space<vmem_shared>>)
      %add3A_180 = arith.addi %mul3A_8, %add3A_171 : i32
      "tpu.region"() ({
        %run_scoped3A = tpu.sem_alloc : memref<!tpu.dma_semaphore, #tpu.memory_space<semaphore_mem>>
        %dma_start3A_208 = arith.constant 0 : i32
        %dma_start3A_209 = arith.constant 0 : i32
        %dma_start3A_210 = arith.constant 0 : i32
        %dma_start3A_211 = tpu.memref_slice %arg3[%add3A_180, %dma_start3A_208, %dma_start3A_209, %dma_start3A_210] : memref<5088x2x1x128xi32, #tpu.memory_space<hbm>> -> memref<1x2x1x128xi32, #tpu.memory_space<hbm>>
        %dma_start3A_212 = tpu.memref_squeeze %dma_start3A_211 : memref<1x2x1x128xi32, #tpu.memory_space<hbm>> -> memref<2x1x128xi32, #tpu.memory_space<hbm>>
        %dma_start3A_213 = arith.constant 0 : i32
        %dma_start3A_214 = arith.constant 0 : i32
        %dma_start3A_215 = arith.constant 0 : i32
        %dma_start3A_216 = tpu.memref_slice %arg3[%add3A_180, %dma_start3A_213, %dma_start3A_214, %dma_start3A_215] : memref<5088x2x1x128xi32, #tpu.memory_space<hbm>> -> memref<1x2x1x128xi32, #tpu.memory_space<hbm>>
        %dma_start3A_217 = tpu.memref_squeeze %dma_start3A_216 : memref<1x2x1x128xi32, #tpu.memory_space<hbm>> -> memref<2x1x128xi32, #tpu.memory_space<hbm>>
        tpu.enqueue_dma source(%dma_start3A_217 : memref<2x1x128xi32, #tpu.memory_space<hbm>>) target(%arg9 : memref<2x1x128xi32, #tpu.memory_space<vmem>>) target_semaphore(%run_scoped3A : memref<!tpu.dma_semaphore, #tpu.memory_space<semaphore_mem>>)
        %dma_wait3A_218 = arith.constant 0 : i32
        %dma_wait3A_219 = arith.constant 0 : i32
        %dma_wait3A_220 = arith.constant 0 : i32
        %dma_wait3A_221 = tpu.memref_slice %arg3[%add3A_180, %dma_wait3A_218, %dma_wait3A_219, %dma_wait3A_220] : memref<5088x2x1x128xi32, #tpu.memory_space<hbm>> -> memref<1x2x1x128xi32, #tpu.memory_space<hbm>>
        %dma_wait3A_222 = tpu.memref_squeeze %dma_wait3A_221 : memref<1x2x1x128xi32, #tpu.memory_space<hbm>> -> memref<2x1x128xi32, #tpu.memory_space<hbm>>
        %dma_wait3A_223 = arith.constant 0 : i32
        %dma_wait3A_224 = arith.constant 0 : i32
        %dma_wait3A_225 = arith.constant 0 : i32
        %dma_wait3A_226 = tpu.memref_slice %arg3[%add3A_180, %dma_wait3A_223, %dma_wait3A_224, %dma_wait3A_225] : memref<5088x2x1x128xi32, #tpu.memory_space<hbm>> -> memref<1x2x1x128xi32, #tpu.memory_space<hbm>>
        %dma_wait3A_227 = tpu.memref_squeeze %dma_wait3A_226 : memref<1x2x1x128xi32, #tpu.memory_space<hbm>> -> memref<2x1x128xi32, #tpu.memory_space<hbm>>
        tpu.wait_dma2 semaphore(%run_scoped3A : memref<!tpu.dma_semaphore, #tpu.memory_space<semaphore_mem>>) src(%dma_wait3A_227 : memref<2x1x128xi32, #tpu.memory_space<hbm>>) dst(%arg9 : memref<2x1x128xi32, #tpu.memory_space<vmem>>)
        tpu.yield
      }) : () -> ()
      %dma_start3A_181 = arith.constant 1 : i32
      %dma_start3A_182 = arith.constant 0 : i32
      %dma_start3A_183 = arith.constant 0 : i32
      %dma_start3A_184 = tpu.memref_slice %arg9[%dma_start3A_181, %dma_start3A_182, %dma_start3A_183] : memref<2x1x128xi32, #tpu.memory_space<vmem>> -> memref<1x1x128xi32, #tpu.memory_space<vmem>>
      %dma_start3A_185 = tpu.memref_squeeze %dma_start3A_184 : memref<1x1x128xi32, #tpu.memory_space<vmem>> -> memref<128xi32, #tpu.memory_space<vmem>>
      %dma_start3A_186 = arith.constant 0 : i32
      %dma_start3A_187 = arith.constant 0 : i32
      %dma_start3A_188 = tpu.memref_slice %arg15[%dma_start3A_186, %dma_start3A_187] : memref<10112x128xf32, #tpu.memory_space<vmem_shared>> -> memref<10112x128xf32, #tpu.memory_space<vmem_shared>>
      tpu.enqueue_indirect_dma source(%arg12 : memref<128x128xf32, #tpu.memory_space<vmem>>) target(%dma_start3A_188 : memref<10112x128xf32, #tpu.memory_space<vmem_shared>>) offsets(%dma_start3A_185 : memref<128xi32, #tpu.memory_space<vmem>>) semaphore(%arg20 : memref<!tpu.dma_semaphore, #tpu.memory_space<semaphore_mem>>) {add = true}
      %add3A_189 = arith.constant 2 : i32
      %add3A_190 = arith.addi %add3A_150, %add3A_189 : i32
      %dma_wait3A_191 = arith.constant 1 : i32
      %dma_wait3A_192 = arith.constant 0 : i32
      %dma_wait3A_193 = arith.constant 0 : i32
      %dma_wait3A_194 = tpu.memref_slice %arg10[%dma_wait3A_191, %dma_wait3A_192, %dma_wait3A_193] : memref<2x1x128xi32, #tpu.memory_space<vmem>> -> memref<1x1x128xi32, #tpu.memory_space<vmem>>
      %dma_wait3A_195 = tpu.memref_squeeze %dma_wait3A_194 : memref<1x1x128xi32, #tpu.memory_space<vmem>> -> memref<128xi32, #tpu.memory_space<vmem>>
      %dma_wait3A_196 = arith.constant 0 : i32
      %dma_wait3A_197 = arith.constant 0 : i32
      %dma_wait3A_198 = tpu.memref_slice %arg15[%dma_wait3A_196, %dma_wait3A_197] : memref<10112x128xf32, #tpu.memory_space<vmem_shared>> -> memref<10112x128xf32, #tpu.memory_space<vmem_shared>>
      tpu.wait_indirect_dma semaphore(%arg21 : memref<!tpu.dma_semaphore, #tpu.memory_space<semaphore_mem>>) src(%arg12 : memref<128x128xf32, #tpu.memory_space<vmem>>) dst(%dma_wait3A_198 : memref<10112x128xf32, #tpu.memory_space<vmem_shared>>)
      %add3A_199 = arith.addi %mul3A_8, %add3A_190 : i32
      "tpu.region"() ({
        %run_scoped3A = tpu.sem_alloc : memref<!tpu.dma_semaphore, #tpu.memory_space<semaphore_mem>>
        %dma_start3A_208 = arith.constant 0 : i32
        %dma_start3A_209 = arith.constant 0 : i32
        %dma_start3A_210 = arith.constant 0 : i32
        %dma_start3A_211 = tpu.memref_slice %arg3[%add3A_199, %dma_start3A_208, %dma_start3A_209, %dma_start3A_210] : memref<5088x2x1x128xi32, #tpu.memory_space<hbm>> -> memref<1x2x1x128xi32, #tpu.memory_space<hbm>>
        %dma_start3A_212 = tpu.memref_squeeze %dma_start3A_211 : memref<1x2x1x128xi32, #tpu.memory_space<hbm>> -> memref<2x1x128xi32, #tpu.memory_space<hbm>>
        %dma_start3A_213 = arith.constant 0 : i32
        %dma_start3A_214 = arith.constant 0 : i32
        %dma_start3A_215 = arith.constant 0 : i32
        %dma_start3A_216 = tpu.memref_slice %arg3[%add3A_199, %dma_start3A_213, %dma_start3A_214, %dma_start3A_215] : memref<5088x2x1x128xi32, #tpu.memory_space<hbm>> -> memref<1x2x1x128xi32, #tpu.memory_space<hbm>>
        %dma_start3A_217 = tpu.memref_squeeze %dma_start3A_216 : memref<1x2x1x128xi32, #tpu.memory_space<hbm>> -> memref<2x1x128xi32, #tpu.memory_space<hbm>>
        tpu.enqueue_dma source(%dma_start3A_217 : memref<2x1x128xi32, #tpu.memory_space<hbm>>) target(%arg10 : memref<2x1x128xi32, #tpu.memory_space<vmem>>) target_semaphore(%run_scoped3A : memref<!tpu.dma_semaphore, #tpu.memory_space<semaphore_mem>>)
        %dma_wait3A_218 = arith.constant 0 : i32
        %dma_wait3A_219 = arith.constant 0 : i32
        %dma_wait3A_220 = arith.constant 0 : i32
        %dma_wait3A_221 = tpu.memref_slice %arg3[%add3A_199, %dma_wait3A_218, %dma_wait3A_219, %dma_wait3A_220] : memref<5088x2x1x128xi32, #tpu.memory_space<hbm>> -> memref<1x2x1x128xi32, #tpu.memory_space<hbm>>
        %dma_wait3A_222 = tpu.memref_squeeze %dma_wait3A_221 : memref<1x2x1x128xi32, #tpu.memory_space<hbm>> -> memref<2x1x128xi32, #tpu.memory_space<hbm>>
        %dma_wait3A_223 = arith.constant 0 : i32
        %dma_wait3A_224 = arith.constant 0 : i32
        %dma_wait3A_225 = arith.constant 0 : i32
        %dma_wait3A_226 = tpu.memref_slice %arg3[%add3A_199, %dma_wait3A_223, %dma_wait3A_224, %dma_wait3A_225] : memref<5088x2x1x128xi32, #tpu.memory_space<hbm>> -> memref<1x2x1x128xi32, #tpu.memory_space<hbm>>
        %dma_wait3A_227 = tpu.memref_squeeze %dma_wait3A_226 : memref<1x2x1x128xi32, #tpu.memory_space<hbm>> -> memref<2x1x128xi32, #tpu.memory_space<hbm>>
        tpu.wait_dma2 semaphore(%run_scoped3A : memref<!tpu.dma_semaphore, #tpu.memory_space<semaphore_mem>>) src(%dma_wait3A_227 : memref<2x1x128xi32, #tpu.memory_space<hbm>>) dst(%arg10 : memref<2x1x128xi32, #tpu.memory_space<vmem>>)
        tpu.yield
      }) : () -> ()
      %dma_start3A_200 = arith.constant 1 : i32
      %dma_start3A_201 = arith.constant 0 : i32
      %dma_start3A_202 = arith.constant 0 : i32
      %dma_start3A_203 = tpu.memref_slice %arg10[%dma_start3A_200, %dma_start3A_201, %dma_start3A_202] : memref<2x1x128xi32, #tpu.memory_space<vmem>> -> memref<1x1x128xi32, #tpu.memory_space<vmem>>
      %dma_start3A_204 = tpu.memref_squeeze %dma_start3A_203 : memref<1x1x128xi32, #tpu.memory_space<vmem>> -> memref<128xi32, #tpu.memory_space<vmem>>
      %dma_start3A_205 = arith.constant 0 : i32
      %dma_start3A_206 = arith.constant 0 : i32
      %dma_start3A_207 = tpu.memref_slice %arg15[%dma_start3A_205, %dma_start3A_206] : memref<10112x128xf32, #tpu.memory_space<vmem_shared>> -> memref<10112x128xf32, #tpu.memory_space<vmem_shared>>
      tpu.enqueue_indirect_dma source(%arg12 : memref<128x128xf32, #tpu.memory_space<vmem>>) target(%dma_start3A_207 : memref<10112x128xf32, #tpu.memory_space<vmem_shared>>) offsets(%dma_start3A_204 : memref<128xi32, #tpu.memory_space<vmem>>) semaphore(%arg21 : memref<!tpu.dma_semaphore, #tpu.memory_space<semaphore_mem>>) {add = true}
    }
    %scan3A_42 = arith.constant 52 : i32
    %dma_wait3A = arith.constant 1 : i32
    %dma_wait3A_43 = arith.constant 0 : i32
    %dma_wait3A_44 = arith.constant 0 : i32
    %dma_wait3A_45 = tpu.memref_slice %arg8[%dma_wait3A, %dma_wait3A_43, %dma_wait3A_44] : memref<2x1x128xi32, #tpu.memory_space<vmem>> -> memref<1x1x128xi32, #tpu.memory_space<vmem>>
    %dma_wait3A_46 = tpu.memref_squeeze %dma_wait3A_45 : memref<1x1x128xi32, #tpu.memory_space<vmem>> -> memref<128xi32, #tpu.memory_space<vmem>>
    %dma_wait3A_47 = arith.constant 0 : i32
    %dma_wait3A_48 = arith.constant 0 : i32
    %dma_wait3A_49 = tpu.memref_slice %arg15[%dma_wait3A_47, %dma_wait3A_48] : memref<10112x128xf32, #tpu.memory_space<vmem_shared>> -> memref<10112x128xf32, #tpu.memory_space<vmem_shared>>
    tpu.wait_indirect_dma semaphore(%arg19 : memref<!tpu.dma_semaphore, #tpu.memory_space<semaphore_mem>>) src(%arg12 : memref<128x128xf32, #tpu.memory_space<vmem>>) dst(%dma_wait3A_49 : memref<10112x128xf32, #tpu.memory_space<vmem_shared>>)
    %dma_wait3A_50 = arith.constant 1 : i32
    %dma_wait3A_51 = arith.constant 0 : i32
    %dma_wait3A_52 = arith.constant 0 : i32
    %dma_wait3A_53 = tpu.memref_slice %arg9[%dma_wait3A_50, %dma_wait3A_51, %dma_wait3A_52] : memref<2x1x128xi32, #tpu.memory_space<vmem>> -> memref<1x1x128xi32, #tpu.memory_space<vmem>>
    %dma_wait3A_54 = tpu.memref_squeeze %dma_wait3A_53 : memref<1x1x128xi32, #tpu.memory_space<vmem>> -> memref<128xi32, #tpu.memory_space<vmem>>
    %dma_wait3A_55 = arith.constant 0 : i32
    %dma_wait3A_56 = arith.constant 0 : i32
    %dma_wait3A_57 = tpu.memref_slice %arg15[%dma_wait3A_55, %dma_wait3A_56] : memref<10112x128xf32, #tpu.memory_space<vmem_shared>> -> memref<10112x128xf32, #tpu.memory_space<vmem_shared>>
    tpu.wait_indirect_dma semaphore(%arg20 : memref<!tpu.dma_semaphore, #tpu.memory_space<semaphore_mem>>) src(%arg12 : memref<128x128xf32, #tpu.memory_space<vmem>>) dst(%dma_wait3A_57 : memref<10112x128xf32, #tpu.memory_space<vmem_shared>>)
    %dma_wait3A_58 = arith.constant 1 : i32
    %dma_wait3A_59 = arith.constant 0 : i32
    %dma_wait3A_60 = arith.constant 0 : i32
    %dma_wait3A_61 = tpu.memref_slice %arg10[%dma_wait3A_58, %dma_wait3A_59, %dma_wait3A_60] : memref<2x1x128xi32, #tpu.memory_space<vmem>> -> memref<1x1x128xi32, #tpu.memory_space<vmem>>
    %dma_wait3A_62 = tpu.memref_squeeze %dma_wait3A_61 : memref<1x1x128xi32, #tpu.memory_space<vmem>> -> memref<128xi32, #tpu.memory_space<vmem>>
    %dma_wait3A_63 = arith.constant 0 : i32
    %dma_wait3A_64 = arith.constant 0 : i32
    %dma_wait3A_65 = tpu.memref_slice %arg15[%dma_wait3A_63, %dma_wait3A_64] : memref<10112x128xf32, #tpu.memory_space<vmem_shared>> -> memref<10112x128xf32, #tpu.memory_space<vmem_shared>>
    tpu.wait_indirect_dma semaphore(%arg21 : memref<!tpu.dma_semaphore, #tpu.memory_space<semaphore_mem>>) src(%arg12 : memref<128x128xf32, #tpu.memory_space<vmem>>) dst(%dma_wait3A_65 : memref<10112x128xf32, #tpu.memory_space<vmem_shared>>)
    %barrier3A_66 = arith.constant 0 : index
    tpu.barrier barrier_id(%barrier3A_66)
    %mul3A_67 = arith.constant 5 : i32
    %mul3A_68 = arith.muli %arg1, %mul3A_67 : i32
    %add3A_69 = arith.constant 0 : i32
    %add3A_70 = arith.addi %mul3A_68, %add3A_69 : i32
    "tpu.region"() ({
      %run_scoped3A = tpu.sem_alloc : memref<!tpu.dma_semaphore, #tpu.memory_space<semaphore_mem>>
      %dma_start3A_142 = arith.constant 0 : i32
      %dma_start3A_143 = tpu.memref_slice %arg6[%add3A_70, %dma_start3A_142] : memref<80x128xi32, #tpu.memory_space<hbm>> -> memref<1x128xi32, #tpu.memory_space<hbm>>
      %dma_start3A_144 = tpu.memref_squeeze %dma_start3A_143 : memref<1x128xi32, #tpu.memory_space<hbm>> -> memref<128xi32, #tpu.memory_space<hbm>>
      %dma_start3A_145 = arith.constant 0 : i32
      %dma_start3A_146 = tpu.memref_slice %arg6[%add3A_70, %dma_start3A_145] : memref<80x128xi32, #tpu.memory_space<hbm>> -> memref<1x128xi32, #tpu.memory_space<hbm>>
      %dma_start3A_147 = tpu.memref_squeeze %dma_start3A_146 : memref<1x128xi32, #tpu.memory_space<hbm>> -> memref<128xi32, #tpu.memory_space<hbm>>
      tpu.enqueue_dma source(%dma_start3A_147 : memref<128xi32, #tpu.memory_space<hbm>>) target(%arg11 : memref<128xi32, #tpu.memory_space<vmem>>) target_semaphore(%run_scoped3A : memref<!tpu.dma_semaphore, #tpu.memory_space<semaphore_mem>>)
      %dma_wait3A_148 = arith.constant 0 : i32
      %dma_wait3A_149 = tpu.memref_slice %arg6[%add3A_70, %dma_wait3A_148] : memref<80x128xi32, #tpu.memory_space<hbm>> -> memref<1x128xi32, #tpu.memory_space<hbm>>
      %dma_wait3A_150 = tpu.memref_squeeze %dma_wait3A_149 : memref<1x128xi32, #tpu.memory_space<hbm>> -> memref<128xi32, #tpu.memory_space<hbm>>
      %dma_wait3A_151 = arith.constant 0 : i32
      %dma_wait3A_152 = tpu.memref_slice %arg6[%add3A_70, %dma_wait3A_151] : memref<80x128xi32, #tpu.memory_space<hbm>> -> memref<1x128xi32, #tpu.memory_space<hbm>>
      %dma_wait3A_153 = tpu.memref_squeeze %dma_wait3A_152 : memref<1x128xi32, #tpu.memory_space<hbm>> -> memref<128xi32, #tpu.memory_space<hbm>>
      tpu.wait_dma2 semaphore(%run_scoped3A : memref<!tpu.dma_semaphore, #tpu.memory_space<semaphore_mem>>) src(%dma_wait3A_153 : memref<128xi32, #tpu.memory_space<hbm>>) dst(%arg11 : memref<128xi32, #tpu.memory_space<vmem>>)
      tpu.yield
    }) : () -> ()
    %dma_start3A_71 = arith.constant 0 : i32
    %dma_start3A_72 = arith.constant 0 : i32
    %dma_start3A_73 = tpu.memref_slice %arg15[%dma_start3A_71, %dma_start3A_72] : memref<10112x128xf32, #tpu.memory_space<vmem_shared>> -> memref<10112x128xf32, #tpu.memory_space<vmem_shared>>
    tpu.enqueue_indirect_dma source(%dma_start3A_73 : memref<10112x128xf32, #tpu.memory_space<vmem_shared>>) target(%arg14 : memref<128x128xf32, #tpu.memory_space<vmem>>) offsets(%arg11 : memref<128xi32, #tpu.memory_space<vmem>>) semaphore(%arg16 : memref<!tpu.dma_semaphore, #tpu.memory_space<semaphore_mem>>)
    %dma_wait3A_74 = arith.constant 0 : i32
    %dma_wait3A_75 = arith.constant 0 : i32
    %dma_wait3A_76 = tpu.memref_slice %arg15[%dma_wait3A_74, %dma_wait3A_75] : memref<10112x128xf32, #tpu.memory_space<vmem_shared>> -> memref<10112x128xf32, #tpu.memory_space<vmem_shared>>
    tpu.wait_indirect_dma semaphore(%arg16 : memref<!tpu.dma_semaphore, #tpu.memory_space<semaphore_mem>>) src(%dma_wait3A_76 : memref<10112x128xf32, #tpu.memory_space<vmem_shared>>) dst(%arg14 : memref<128x128xf32, #tpu.memory_space<vmem>>)
    %mul3A_77 = arith.constant 10112 : i32
    %mul3A_78 = arith.muli %arg0, %mul3A_77 : i32
    %add3A_79 = arith.addi %mul3A_78, %mul3A_0 : i32
    %add3A_80 = arith.constant 0 : i32
    %add3A_81 = arith.addi %add3A_79, %add3A_80 : i32
    "tpu.region"() ({
      %run_scoped3A = tpu.sem_alloc : memref<!tpu.dma_semaphore, #tpu.memory_space<semaphore_mem>>
      %dma_start3A_142 = arith.constant 0 : i32
      %dma_start3A_143 = tpu.memref_slice %arg7[%add3A_81, %dma_start3A_142] : memref<20224x128xf32, #tpu.memory_space<hbm>> -> memref<128x128xf32, #tpu.memory_space<hbm>>
      %dma_start3A_144 = arith.constant 0 : i32
      %dma_start3A_145 = tpu.memref_slice %arg7[%add3A_81, %dma_start3A_144] : memref<20224x128xf32, #tpu.memory_space<hbm>> -> memref<128x128xf32, #tpu.memory_space<hbm>>
      tpu.enqueue_dma source(%arg14 : memref<128x128xf32, #tpu.memory_space<vmem>>) target(%dma_start3A_145 : memref<128x128xf32, #tpu.memory_space<hbm>>) target_semaphore(%run_scoped3A : memref<!tpu.dma_semaphore, #tpu.memory_space<semaphore_mem>>)
      %dma_wait3A_146 = arith.constant 0 : i32
      %dma_wait3A_147 = tpu.memref_slice %arg7[%add3A_81, %dma_wait3A_146] : memref<20224x128xf32, #tpu.memory_space<hbm>> -> memref<128x128xf32, #tpu.memory_space<hbm>>
      %dma_wait3A_148 = arith.constant 0 : i32
      %dma_wait3A_149 = tpu.memref_slice %arg7[%add3A_81, %dma_wait3A_148] : memref<20224x128xf32, #tpu.memory_space<hbm>> -> memref<128x128xf32, #tpu.memory_space<hbm>>
      tpu.wait_dma2 semaphore(%run_scoped3A : memref<!tpu.dma_semaphore, #tpu.memory_space<semaphore_mem>>) src(%arg14 : memref<128x128xf32, #tpu.memory_space<vmem>>) dst(%dma_wait3A_149 : memref<128x128xf32, #tpu.memory_space<hbm>>)
      tpu.yield
    }) : () -> ()
    %mul3A_82 = arith.constant 5 : i32
    %mul3A_83 = arith.muli %arg1, %mul3A_82 : i32
    %add3A_84 = arith.constant 1 : i32
    %add3A_85 = arith.addi %mul3A_83, %add3A_84 : i32
    "tpu.region"() ({
      %run_scoped3A = tpu.sem_alloc : memref<!tpu.dma_semaphore, #tpu.memory_space<semaphore_mem>>
      %dma_start3A_142 = arith.constant 0 : i32
      %dma_start3A_143 = tpu.memref_slice %arg6[%add3A_85, %dma_start3A_142] : memref<80x128xi32, #tpu.memory_space<hbm>> -> memref<1x128xi32, #tpu.memory_space<hbm>>
      %dma_start3A_144 = tpu.memref_squeeze %dma_start3A_143 : memref<1x128xi32, #tpu.memory_space<hbm>> -> memref<128xi32, #tpu.memory_space<hbm>>
      %dma_start3A_145 = arith.constant 0 : i32
      %dma_start3A_146 = tpu.memref_slice %arg6[%add3A_85, %dma_start3A_145] : memref<80x128xi32, #tpu.memory_space<hbm>> -> memref<1x128xi32, #tpu.memory_space<hbm>>
      %dma_start3A_147 = tpu.memref_squeeze %dma_start3A_146 : memref<1x128xi32, #tpu.memory_space<hbm>> -> memref<128xi32, #tpu.memory_space<hbm>>
      tpu.enqueue_dma source(%dma_start3A_147 : memref<128xi32, #tpu.memory_space<hbm>>) target(%arg11 : memref<128xi32, #tpu.memory_space<vmem>>) target_semaphore(%run_scoped3A : memref<!tpu.dma_semaphore, #tpu.memory_space<semaphore_mem>>)
      %dma_wait3A_148 = arith.constant 0 : i32
      %dma_wait3A_149 = tpu.memref_slice %arg6[%add3A_85, %dma_wait3A_148] : memref<80x128xi32, #tpu.memory_space<hbm>> -> memref<1x128xi32, #tpu.memory_space<hbm>>
      %dma_wait3A_150 = tpu.memref_squeeze %dma_wait3A_149 : memref<1x128xi32, #tpu.memory_space<hbm>> -> memref<128xi32, #tpu.memory_space<hbm>>
      %dma_wait3A_151 = arith.constant 0 : i32
      %dma_wait3A_152 = tpu.memref_slice %arg6[%add3A_85, %dma_wait3A_151] : memref<80x128xi32, #tpu.memory_space<hbm>> -> memref<1x128xi32, #tpu.memory_space<hbm>>
      %dma_wait3A_153 = tpu.memref_squeeze %dma_wait3A_152 : memref<1x128xi32, #tpu.memory_space<hbm>> -> memref<128xi32, #tpu.memory_space<hbm>>
      tpu.wait_dma2 semaphore(%run_scoped3A : memref<!tpu.dma_semaphore, #tpu.memory_space<semaphore_mem>>) src(%dma_wait3A_153 : memref<128xi32, #tpu.memory_space<hbm>>) dst(%arg11 : memref<128xi32, #tpu.memory_space<vmem>>)
      tpu.yield
    }) : () -> ()
    %dma_start3A_86 = arith.constant 0 : i32
    %dma_start3A_87 = arith.constant 0 : i32
    %dma_start3A_88 = tpu.memref_slice %arg15[%dma_start3A_86, %dma_start3A_87] : memref<10112x128xf32, #tpu.memory_space<vmem_shared>> -> memref<10112x128xf32, #tpu.memory_space<vmem_shared>>
    tpu.enqueue_indirect_dma source(%dma_start3A_88 : memref<10112x128xf32, #tpu.memory_space<vmem_shared>>) target(%arg14 : memref<128x128xf32, #tpu.memory_space<vmem>>) offsets(%arg11 : memref<128xi32, #tpu.memory_space<vmem>>) semaphore(%arg16 : memref<!tpu.dma_semaphore, #tpu.memory_space<semaphore_mem>>)
    %dma_wait3A_89 = arith.constant 0 : i32
    %dma_wait3A_90 = arith.constant 0 : i32
    %dma_wait3A_91 = tpu.memref_slice %arg15[%dma_wait3A_89, %dma_wait3A_90] : memref<10112x128xf32, #tpu.memory_space<vmem_shared>> -> memref<10112x128xf32, #tpu.memory_space<vmem_shared>>
    tpu.wait_indirect_dma semaphore(%arg16 : memref<!tpu.dma_semaphore, #tpu.memory_space<semaphore_mem>>) src(%dma_wait3A_91 : memref<10112x128xf32, #tpu.memory_space<vmem_shared>>) dst(%arg14 : memref<128x128xf32, #tpu.memory_space<vmem>>)
    %mul3A_92 = arith.constant 10112 : i32
    %mul3A_93 = arith.muli %arg0, %mul3A_92 : i32
    %add3A_94 = arith.addi %mul3A_93, %mul3A_0 : i32
    %add3A_95 = arith.constant 128 : i32
    %add3A_96 = arith.addi %add3A_94, %add3A_95 : i32
    "tpu.region"() ({
      %run_scoped3A = tpu.sem_alloc : memref<!tpu.dma_semaphore, #tpu.memory_space<semaphore_mem>>
      %dma_start3A_142 = arith.constant 0 : i32
      %dma_start3A_143 = tpu.memref_slice %arg7[%add3A_96, %dma_start3A_142] : memref<20224x128xf32, #tpu.memory_space<hbm>> -> memref<128x128xf32, #tpu.memory_space<hbm>>
      %dma_start3A_144 = arith.constant 0 : i32
      %dma_start3A_145 = tpu.memref_slice %arg7[%add3A_96, %dma_start3A_144] : memref<20224x128xf32, #tpu.memory_space<hbm>> -> memref<128x128xf32, #tpu.memory_space<hbm>>
      tpu.enqueue_dma source(%arg14 : memref<128x128xf32, #tpu.memory_space<vmem>>) target(%dma_start3A_145 : memref<128x128xf32, #tpu.memory_space<hbm>>) target_semaphore(%run_scoped3A : memref<!tpu.dma_semaphore, #tpu.memory_space<semaphore_mem>>)
      %dma_wait3A_146 = arith.constant 0 : i32
      %dma_wait3A_147 = tpu.memref_slice %arg7[%add3A_96, %dma_wait3A_146] : memref<20224x128xf32, #tpu.memory_space<hbm>> -> memref<128x128xf32, #tpu.memory_space<hbm>>
      %dma_wait3A_148 = arith.constant 0 : i32
      %dma_wait3A_149 = tpu.memref_slice %arg7[%add3A_96, %dma_wait3A_148] : memref<20224x128xf32, #tpu.memory_space<hbm>> -> memref<128x128xf32, #tpu.memory_space<hbm>>
      tpu.wait_dma2 semaphore(%run_scoped3A : memref<!tpu.dma_semaphore, #tpu.memory_space<semaphore_mem>>) src(%arg14 : memref<128x128xf32, #tpu.memory_space<vmem>>) dst(%dma_wait3A_149 : memref<128x128xf32, #tpu.memory_space<hbm>>)
      tpu.yield
    }) : () -> ()
    %mul3A_97 = arith.constant 5 : i32
    %mul3A_98 = arith.muli %arg1, %mul3A_97 : i32
    %add3A_99 = arith.constant 2 : i32
    %add3A_100 = arith.addi %mul3A_98, %add3A_99 : i32
    "tpu.region"() ({
      %run_scoped3A = tpu.sem_alloc : memref<!tpu.dma_semaphore, #tpu.memory_space<semaphore_mem>>
      %dma_start3A_142 = arith.constant 0 : i32
      %dma_start3A_143 = tpu.memref_slice %arg6[%add3A_100, %dma_start3A_142] : memref<80x128xi32, #tpu.memory_space<hbm>> -> memref<1x128xi32, #tpu.memory_space<hbm>>
      %dma_start3A_144 = tpu.memref_squeeze %dma_start3A_143 : memref<1x128xi32, #tpu.memory_space<hbm>> -> memref<128xi32, #tpu.memory_space<hbm>>
      %dma_start3A_145 = arith.constant 0 : i32
      %dma_start3A_146 = tpu.memref_slice %arg6[%add3A_100, %dma_start3A_145] : memref<80x128xi32, #tpu.memory_space<hbm>> -> memref<1x128xi32, #tpu.memory_space<hbm>>
      %dma_start3A_147 = tpu.memref_squeeze %dma_start3A_146 : memref<1x128xi32, #tpu.memory_space<hbm>> -> memref<128xi32, #tpu.memory_space<hbm>>
      tpu.enqueue_dma source(%dma_start3A_147 : memref<128xi32, #tpu.memory_space<hbm>>) target(%arg11 : memref<128xi32, #tpu.memory_space<vmem>>) target_semaphore(%run_scoped3A : memref<!tpu.dma_semaphore, #tpu.memory_space<semaphore_mem>>)
      %dma_wait3A_148 = arith.constant 0 : i32
      %dma_wait3A_149 = tpu.memref_slice %arg6[%add3A_100, %dma_wait3A_148] : memref<80x128xi32, #tpu.memory_space<hbm>> -> memref<1x128xi32, #tpu.memory_space<hbm>>
      %dma_wait3A_150 = tpu.memref_squeeze %dma_wait3A_149 : memref<1x128xi32, #tpu.memory_space<hbm>> -> memref<128xi32, #tpu.memory_space<hbm>>
      %dma_wait3A_151 = arith.constant 0 : i32
      %dma_wait3A_152 = tpu.memref_slice %arg6[%add3A_100, %dma_wait3A_151] : memref<80x128xi32, #tpu.memory_space<hbm>> -> memref<1x128xi32, #tpu.memory_space<hbm>>
      %dma_wait3A_153 = tpu.memref_squeeze %dma_wait3A_152 : memref<1x128xi32, #tpu.memory_space<hbm>> -> memref<128xi32, #tpu.memory_space<hbm>>
      tpu.wait_dma2 semaphore(%run_scoped3A : memref<!tpu.dma_semaphore, #tpu.memory_space<semaphore_mem>>) src(%dma_wait3A_153 : memref<128xi32, #tpu.memory_space<hbm>>) dst(%arg11 : memref<128xi32, #tpu.memory_space<vmem>>)
      tpu.yield
    }) : () -> ()
    %dma_start3A_101 = arith.constant 0 : i32
    %dma_start3A_102 = arith.constant 0 : i32
    %dma_start3A_103 = tpu.memref_slice %arg15[%dma_start3A_101, %dma_start3A_102] : memref<10112x128xf32, #tpu.memory_space<vmem_shared>> -> memref<10112x128xf32, #tpu.memory_space<vmem_shared>>
    tpu.enqueue_indirect_dma source(%dma_start3A_103 : memref<10112x128xf32, #tpu.memory_space<vmem_shared>>) target(%arg14 : memref<128x128xf32, #tpu.memory_space<vmem>>) offsets(%arg11 : memref<128xi32, #tpu.memory_space<vmem>>) semaphore(%arg16 : memref<!tpu.dma_semaphore, #tpu.memory_space<semaphore_mem>>)
    %dma_wait3A_104 = arith.constant 0 : i32
    %dma_wait3A_105 = arith.constant 0 : i32
    %dma_wait3A_106 = tpu.memref_slice %arg15[%dma_wait3A_104, %dma_wait3A_105] : memref<10112x128xf32, #tpu.memory_space<vmem_shared>> -> memref<10112x128xf32, #tpu.memory_space<vmem_shared>>
    tpu.wait_indirect_dma semaphore(%arg16 : memref<!tpu.dma_semaphore, #tpu.memory_space<semaphore_mem>>) src(%dma_wait3A_106 : memref<10112x128xf32, #tpu.memory_space<vmem_shared>>) dst(%arg14 : memref<128x128xf32, #tpu.memory_space<vmem>>)
    %mul3A_107 = arith.constant 10112 : i32
    %mul3A_108 = arith.muli %arg0, %mul3A_107 : i32
    %add3A_109 = arith.addi %mul3A_108, %mul3A_0 : i32
    %add3A_110 = arith.constant 256 : i32
    %add3A_111 = arith.addi %add3A_109, %add3A_110 : i32
    "tpu.region"() ({
      %run_scoped3A = tpu.sem_alloc : memref<!tpu.dma_semaphore, #tpu.memory_space<semaphore_mem>>
      %dma_start3A_142 = arith.constant 0 : i32
      %dma_start3A_143 = tpu.memref_slice %arg7[%add3A_111, %dma_start3A_142] : memref<20224x128xf32, #tpu.memory_space<hbm>> -> memref<128x128xf32, #tpu.memory_space<hbm>>
      %dma_start3A_144 = arith.constant 0 : i32
      %dma_start3A_145 = tpu.memref_slice %arg7[%add3A_111, %dma_start3A_144] : memref<20224x128xf32, #tpu.memory_space<hbm>> -> memref<128x128xf32, #tpu.memory_space<hbm>>
      tpu.enqueue_dma source(%arg14 : memref<128x128xf32, #tpu.memory_space<vmem>>) target(%dma_start3A_145 : memref<128x128xf32, #tpu.memory_space<hbm>>) target_semaphore(%run_scoped3A : memref<!tpu.dma_semaphore, #tpu.memory_space<semaphore_mem>>)
      %dma_wait3A_146 = arith.constant 0 : i32
      %dma_wait3A_147 = tpu.memref_slice %arg7[%add3A_111, %dma_wait3A_146] : memref<20224x128xf32, #tpu.memory_space<hbm>> -> memref<128x128xf32, #tpu.memory_space<hbm>>
      %dma_wait3A_148 = arith.constant 0 : i32
      %dma_wait3A_149 = tpu.memref_slice %arg7[%add3A_111, %dma_wait3A_148] : memref<20224x128xf32, #tpu.memory_space<hbm>> -> memref<128x128xf32, #tpu.memory_space<hbm>>
      tpu.wait_dma2 semaphore(%run_scoped3A : memref<!tpu.dma_semaphore, #tpu.memory_space<semaphore_mem>>) src(%arg14 : memref<128x128xf32, #tpu.memory_space<vmem>>) dst(%dma_wait3A_149 : memref<128x128xf32, #tpu.memory_space<hbm>>)
      tpu.yield
    }) : () -> ()
    %mul3A_112 = arith.constant 5 : i32
    %mul3A_113 = arith.muli %arg1, %mul3A_112 : i32
    %add3A_114 = arith.constant 3 : i32
    %add3A_115 = arith.addi %mul3A_113, %add3A_114 : i32
    "tpu.region"() ({
      %run_scoped3A = tpu.sem_alloc : memref<!tpu.dma_semaphore, #tpu.memory_space<semaphore_mem>>
      %dma_start3A_142 = arith.constant 0 : i32
      %dma_start3A_143 = tpu.memref_slice %arg6[%add3A_115, %dma_start3A_142] : memref<80x128xi32, #tpu.memory_space<hbm>> -> memref<1x128xi32, #tpu.memory_space<hbm>>
      %dma_start3A_144 = tpu.memref_squeeze %dma_start3A_143 : memref<1x128xi32, #tpu.memory_space<hbm>> -> memref<128xi32, #tpu.memory_space<hbm>>
      %dma_start3A_145 = arith.constant 0 : i32
      %dma_start3A_146 = tpu.memref_slice %arg6[%add3A_115, %dma_start3A_145] : memref<80x128xi32, #tpu.memory_space<hbm>> -> memref<1x128xi32, #tpu.memory_space<hbm>>
      %dma_start3A_147 = tpu.memref_squeeze %dma_start3A_146 : memref<1x128xi32, #tpu.memory_space<hbm>> -> memref<128xi32, #tpu.memory_space<hbm>>
      tpu.enqueue_dma source(%dma_start3A_147 : memref<128xi32, #tpu.memory_space<hbm>>) target(%arg11 : memref<128xi32, #tpu.memory_space<vmem>>) target_semaphore(%run_scoped3A : memref<!tpu.dma_semaphore, #tpu.memory_space<semaphore_mem>>)
      %dma_wait3A_148 = arith.constant 0 : i32
      %dma_wait3A_149 = tpu.memref_slice %arg6[%add3A_115, %dma_wait3A_148] : memref<80x128xi32, #tpu.memory_space<hbm>> -> memref<1x128xi32, #tpu.memory_space<hbm>>
      %dma_wait3A_150 = tpu.memref_squeeze %dma_wait3A_149 : memref<1x128xi32, #tpu.memory_space<hbm>> -> memref<128xi32, #tpu.memory_space<hbm>>
      %dma_wait3A_151 = arith.constant 0 : i32
      %dma_wait3A_152 = tpu.memref_slice %arg6[%add3A_115, %dma_wait3A_151] : memref<80x128xi32, #tpu.memory_space<hbm>> -> memref<1x128xi32, #tpu.memory_space<hbm>>
      %dma_wait3A_153 = tpu.memref_squeeze %dma_wait3A_152 : memref<1x128xi32, #tpu.memory_space<hbm>> -> memref<128xi32, #tpu.memory_space<hbm>>
      tpu.wait_dma2 semaphore(%run_scoped3A : memref<!tpu.dma_semaphore, #tpu.memory_space<semaphore_mem>>) src(%dma_wait3A_153 : memref<128xi32, #tpu.memory_space<hbm>>) dst(%arg11 : memref<128xi32, #tpu.memory_space<vmem>>)
      tpu.yield
    }) : () -> ()
    %dma_start3A_116 = arith.constant 0 : i32
    %dma_start3A_117 = arith.constant 0 : i32
    %dma_start3A_118 = tpu.memref_slice %arg15[%dma_start3A_116, %dma_start3A_117] : memref<10112x128xf32, #tpu.memory_space<vmem_shared>> -> memref<10112x128xf32, #tpu.memory_space<vmem_shared>>
    tpu.enqueue_indirect_dma source(%dma_start3A_118 : memref<10112x128xf32, #tpu.memory_space<vmem_shared>>) target(%arg14 : memref<128x128xf32, #tpu.memory_space<vmem>>) offsets(%arg11 : memref<128xi32, #tpu.memory_space<vmem>>) semaphore(%arg16 : memref<!tpu.dma_semaphore, #tpu.memory_space<semaphore_mem>>)
    %dma_wait3A_119 = arith.constant 0 : i32
    %dma_wait3A_120 = arith.constant 0 : i32
    %dma_wait3A_121 = tpu.memref_slice %arg15[%dma_wait3A_119, %dma_wait3A_120] : memref<10112x128xf32, #tpu.memory_space<vmem_shared>> -> memref<10112x128xf32, #tpu.memory_space<vmem_shared>>
    tpu.wait_indirect_dma semaphore(%arg16 : memref<!tpu.dma_semaphore, #tpu.memory_space<semaphore_mem>>) src(%dma_wait3A_121 : memref<10112x128xf32, #tpu.memory_space<vmem_shared>>) dst(%arg14 : memref<128x128xf32, #tpu.memory_space<vmem>>)
    %mul3A_122 = arith.constant 10112 : i32
    %mul3A_123 = arith.muli %arg0, %mul3A_122 : i32
    %add3A_124 = arith.addi %mul3A_123, %mul3A_0 : i32
    %add3A_125 = arith.constant 384 : i32
    %add3A_126 = arith.addi %add3A_124, %add3A_125 : i32
    "tpu.region"() ({
      %run_scoped3A = tpu.sem_alloc : memref<!tpu.dma_semaphore, #tpu.memory_space<semaphore_mem>>
      %dma_start3A_142 = arith.constant 0 : i32
      %dma_start3A_143 = tpu.memref_slice %arg7[%add3A_126, %dma_start3A_142] : memref<20224x128xf32, #tpu.memory_space<hbm>> -> memref<128x128xf32, #tpu.memory_space<hbm>>
      %dma_start3A_144 = arith.constant 0 : i32
      %dma_start3A_145 = tpu.memref_slice %arg7[%add3A_126, %dma_start3A_144] : memref<20224x128xf32, #tpu.memory_space<hbm>> -> memref<128x128xf32, #tpu.memory_space<hbm>>
      tpu.enqueue_dma source(%arg14 : memref<128x128xf32, #tpu.memory_space<vmem>>) target(%dma_start3A_145 : memref<128x128xf32, #tpu.memory_space<hbm>>) target_semaphore(%run_scoped3A : memref<!tpu.dma_semaphore, #tpu.memory_space<semaphore_mem>>)
      %dma_wait3A_146 = arith.constant 0 : i32
      %dma_wait3A_147 = tpu.memref_slice %arg7[%add3A_126, %dma_wait3A_146] : memref<20224x128xf32, #tpu.memory_space<hbm>> -> memref<128x128xf32, #tpu.memory_space<hbm>>
      %dma_wait3A_148 = arith.constant 0 : i32
      %dma_wait3A_149 = tpu.memref_slice %arg7[%add3A_126, %dma_wait3A_148] : memref<20224x128xf32, #tpu.memory_space<hbm>> -> memref<128x128xf32, #tpu.memory_space<hbm>>
      tpu.wait_dma2 semaphore(%run_scoped3A : memref<!tpu.dma_semaphore, #tpu.memory_space<semaphore_mem>>) src(%arg14 : memref<128x128xf32, #tpu.memory_space<vmem>>) dst(%dma_wait3A_149 : memref<128x128xf32, #tpu.memory_space<hbm>>)
      tpu.yield
    }) : () -> ()
    %mul3A_127 = arith.constant 5 : i32
    %mul3A_128 = arith.muli %arg1, %mul3A_127 : i32
    %add3A_129 = arith.constant 4 : i32
    %add3A_130 = arith.addi %mul3A_128, %add3A_129 : i32
    "tpu.region"() ({
      %run_scoped3A = tpu.sem_alloc : memref<!tpu.dma_semaphore, #tpu.memory_space<semaphore_mem>>
      %dma_start3A_142 = arith.constant 0 : i32
      %dma_start3A_143 = tpu.memref_slice %arg6[%add3A_130, %dma_start3A_142] : memref<80x128xi32, #tpu.memory_space<hbm>> -> memref<1x128xi32, #tpu.memory_space<hbm>>
      %dma_start3A_144 = tpu.memref_squeeze %dma_start3A_143 : memref<1x128xi32, #tpu.memory_space<hbm>> -> memref<128xi32, #tpu.memory_space<hbm>>
      %dma_start3A_145 = arith.constant 0 : i32
      %dma_start3A_146 = tpu.memref_slice %arg6[%add3A_130, %dma_start3A_145] : memref<80x128xi32, #tpu.memory_space<hbm>> -> memref<1x128xi32, #tpu.memory_space<hbm>>
      %dma_start3A_147 = tpu.memref_squeeze %dma_start3A_146 : memref<1x128xi32, #tpu.memory_space<hbm>> -> memref<128xi32, #tpu.memory_space<hbm>>
      tpu.enqueue_dma source(%dma_start3A_147 : memref<128xi32, #tpu.memory_space<hbm>>) target(%arg11 : memref<128xi32, #tpu.memory_space<vmem>>) target_semaphore(%run_scoped3A : memref<!tpu.dma_semaphore, #tpu.memory_space<semaphore_mem>>)
      %dma_wait3A_148 = arith.constant 0 : i32
      %dma_wait3A_149 = tpu.memref_slice %arg6[%add3A_130, %dma_wait3A_148] : memref<80x128xi32, #tpu.memory_space<hbm>> -> memref<1x128xi32, #tpu.memory_space<hbm>>
      %dma_wait3A_150 = tpu.memref_squeeze %dma_wait3A_149 : memref<1x128xi32, #tpu.memory_space<hbm>> -> memref<128xi32, #tpu.memory_space<hbm>>
      %dma_wait3A_151 = arith.constant 0 : i32
      %dma_wait3A_152 = tpu.memref_slice %arg6[%add3A_130, %dma_wait3A_151] : memref<80x128xi32, #tpu.memory_space<hbm>> -> memref<1x128xi32, #tpu.memory_space<hbm>>
      %dma_wait3A_153 = tpu.memref_squeeze %dma_wait3A_152 : memref<1x128xi32, #tpu.memory_space<hbm>> -> memref<128xi32, #tpu.memory_space<hbm>>
      tpu.wait_dma2 semaphore(%run_scoped3A : memref<!tpu.dma_semaphore, #tpu.memory_space<semaphore_mem>>) src(%dma_wait3A_153 : memref<128xi32, #tpu.memory_space<hbm>>) dst(%arg11 : memref<128xi32, #tpu.memory_space<vmem>>)
      tpu.yield
    }) : () -> ()
    %dma_start3A_131 = arith.constant 0 : i32
    %dma_start3A_132 = arith.constant 0 : i32
    %dma_start3A_133 = tpu.memref_slice %arg15[%dma_start3A_131, %dma_start3A_132] : memref<10112x128xf32, #tpu.memory_space<vmem_shared>> -> memref<10112x128xf32, #tpu.memory_space<vmem_shared>>
    tpu.enqueue_indirect_dma source(%dma_start3A_133 : memref<10112x128xf32, #tpu.memory_space<vmem_shared>>) target(%arg14 : memref<128x128xf32, #tpu.memory_space<vmem>>) offsets(%arg11 : memref<128xi32, #tpu.memory_space<vmem>>) semaphore(%arg16 : memref<!tpu.dma_semaphore, #tpu.memory_space<semaphore_mem>>)
    %dma_wait3A_134 = arith.constant 0 : i32
    %dma_wait3A_135 = arith.constant 0 : i32
    %dma_wait3A_136 = tpu.memref_slice %arg15[%dma_wait3A_134, %dma_wait3A_135] : memref<10112x128xf32, #tpu.memory_space<vmem_shared>> -> memref<10112x128xf32, #tpu.memory_space<vmem_shared>>
    tpu.wait_indirect_dma semaphore(%arg16 : memref<!tpu.dma_semaphore, #tpu.memory_space<semaphore_mem>>) src(%dma_wait3A_136 : memref<10112x128xf32, #tpu.memory_space<vmem_shared>>) dst(%arg14 : memref<128x128xf32, #tpu.memory_space<vmem>>)
    %mul3A_137 = arith.constant 10112 : i32
    %mul3A_138 = arith.muli %arg0, %mul3A_137 : i32
    %add3A_139 = arith.addi %mul3A_138, %mul3A_0 : i32
    %add3A_140 = arith.constant 504 : i32
    %add3A_141 = arith.addi %add3A_139, %add3A_140 : i32
    "tpu.region"() ({
      %run_scoped3A = tpu.sem_alloc : memref<!tpu.dma_semaphore, #tpu.memory_space<semaphore_mem>>
      %dma_start3A_142 = arith.constant 0 : i32
      %dma_start3A_143 = tpu.memref_slice %arg7[%add3A_141, %dma_start3A_142] : memref<20224x128xf32, #tpu.memory_space<hbm>> -> memref<128x128xf32, #tpu.memory_space<hbm>>
      %dma_start3A_144 = arith.constant 0 : i32
      %dma_start3A_145 = tpu.memref_slice %arg7[%add3A_141, %dma_start3A_144] : memref<20224x128xf32, #tpu.memory_space<hbm>> -> memref<128x128xf32, #tpu.memory_space<hbm>>
      tpu.enqueue_dma source(%arg14 : memref<128x128xf32, #tpu.memory_space<vmem>>) target(%dma_start3A_145 : memref<128x128xf32, #tpu.memory_space<hbm>>) target_semaphore(%run_scoped3A : memref<!tpu.dma_semaphore, #tpu.memory_space<semaphore_mem>>)
      %dma_wait3A_146 = arith.constant 0 : i32
      %dma_wait3A_147 = tpu.memref_slice %arg7[%add3A_141, %dma_wait3A_146] : memref<20224x128xf32, #tpu.memory_space<hbm>> -> memref<128x128xf32, #tpu.memory_space<hbm>>
      %dma_wait3A_148 = arith.constant 0 : i32
      %dma_wait3A_149 = tpu.memref_slice %arg7[%add3A_141, %dma_wait3A_148] : memref<20224x128xf32, #tpu.memory_space<hbm>> -> memref<128x128xf32, #tpu.memory_space<hbm>>
      tpu.wait_dma2 semaphore(%run_scoped3A : memref<!tpu.dma_semaphore, #tpu.memory_space<semaphore_mem>>) src(%arg14 : memref<128x128xf32, #tpu.memory_space<vmem>>) dst(%dma_wait3A_149 : memref<128x128xf32, #tpu.memory_space<hbm>>)
      tpu.yield
    }) : () -> ()
    return
  }
}

#map = affine_map<(d0, d1) -> (0, 0)>
#map1 = affine_map<(d0, d1) -> (0, 0, 0, 0)>
module attributes {stable_mosaic.version = 14 : i64} {
  func.func @k(%arg0: i32, %arg1: i32, %arg2: memref<20224x128xf32, #tpu.memory_space<hbm>>, %arg3: memref<5088x2x1x128xi32, #tpu.memory_space<hbm>>, %arg4: memref<128x128xf32, #tpu.memory_space<hbm>>, %arg5: memref<128x128xf32, #tpu.memory_space<hbm>>, %arg6: memref<80x128xi32, #tpu.memory_space<hbm>>, %arg7: memref<20224x128xf32, #tpu.memory_space<hbm>>, %arg8: memref<2x1x128xi32, #tpu.memory_space<vmem>>, %arg9: memref<2x1x128xi32, #tpu.memory_space<vmem>>, %arg10: memref<2x1x128xi32, #tpu.memory_space<vmem>>, %arg11: memref<128xi32, #tpu.memory_space<vmem>>, %arg12: memref<128x128xf32, #tpu.memory_space<vmem>>, %arg13: memref<128x128xf32, #tpu.memory_space<vmem>>, %arg14: memref<128x128xf32, #tpu.memory_space<vmem>>, %arg15: memref<10112x128xf32, #tpu.memory_space<vmem_shared>>, %arg16: memref<!tpu.dma_semaphore, #tpu.memory_space<semaphore_mem>>, %arg17: memref<!tpu.dma_semaphore, #tpu.memory_space<semaphore_mem>>, %arg18: memref<!tpu.dma_semaphore, #tpu.memory_space<semaphore_mem>>, %arg19: memref<!tpu.dma_semaphore, #tpu.memory_space<semaphore_mem>>, %arg20: memref<!tpu.dma_semaphore, #tpu.memory_space<semaphore_mem>>, %arg21: memref<!tpu.dma_semaphore, #tpu.memory_space<semaphore_mem>>) attributes {dimension_semantics = [#tpu.dimension_semantics<core_parallel>, #tpu.dimension_semantics<subcore_parallel>], iteration_bounds = array<i64: 2, 16>, scalar_prefetch = 0 : i64, scratch_operands = 14 : i64, tpu.core_type = #tpu.core_type<sc_vector_subcore>, window_params = [{transform_indices = #map}, {transform_indices = #map1}, {transform_indices = #map}, {transform_indices = #map}, {transform_indices = #map}, {transform_indices = #map}]} {
    %mul3A = arith.constant 632 : i32
    %mul3A_0 = arith.muli %arg1, %mul3A : i32
    "tpu.region"() ({
      %run_scoped3A = tpu.sem_alloc : memref<!tpu.dma_semaphore, #tpu.memory_space<semaphore_mem>>
      tpu.enqueue_dma source(%arg5 : memref<128x128xf32, #tpu.memory_space<hbm>>) target(%arg14 : memref<128x128xf32, #tpu.memory_space<vmem>>) target_semaphore(%run_scoped3A : memref<!tpu.dma_semaphore, #tpu.memory_space<semaphore_mem>>)
      tpu.wait_dma2 semaphore(%run_scoped3A : memref<!tpu.dma_semaphore, #tpu.memory_space<semaphore_mem>>) src(%arg5 : memref<128x128xf32, #tpu.memory_space<hbm>>) dst(%arg14 : memref<128x128xf32, #tpu.memory_space<vmem>>)
      tpu.yield
    }) : () -> ()
    %scan3A = arith.constant 0 : i32
    %scan3A_1 = arith.constant 5 : i32
    %scan3A_2 = arith.addi %scan3A, %scan3A_1 : i32
    %scan3A_3 = arith.constant 1 : i32
    scf.for %scan3A_226 = %scan3A to %scan3A_2 step %scan3A_3  : i32 {
      %mul3A_227 = arith.constant 1 : i32
      %mul3A_228 = arith.muli %scan3A_226, %mul3A_227 : i32
      %add3A_229 = arith.constant 0 : i32
      %add3A_230 = arith.addi %add3A_229, %mul3A_228 : i32
      %mul3A_231 = arith.constant 5 : i32
      %mul3A_232 = arith.muli %arg1, %mul3A_231 : i32
      %add3A_233 = arith.addi %mul3A_232, %add3A_230 : i32
      "tpu.region"() ({
        %run_scoped3A = tpu.sem_alloc : memref<!tpu.dma_semaphore, #tpu.memory_space<semaphore_mem>>
        %dma_start3A_234 = arith.constant 0 : i32
        %dma_start3A_235 = tpu.memref_slice %arg6[%add3A_233, %dma_start3A_234] : memref<80x128xi32, #tpu.memory_space<hbm>> -> memref<1x128xi32, #tpu.memory_space<hbm>>
        %dma_start3A_236 = tpu.memref_squeeze %dma_start3A_235 : memref<1x128xi32, #tpu.memory_space<hbm>> -> memref<128xi32, #tpu.memory_space<hbm>>
        %dma_start3A_237 = arith.constant 0 : i32
        %dma_start3A_238 = tpu.memref_slice %arg6[%add3A_233, %dma_start3A_237] : memref<80x128xi32, #tpu.memory_space<hbm>> -> memref<1x128xi32, #tpu.memory_space<hbm>>
        %dma_start3A_239 = tpu.memref_squeeze %dma_start3A_238 : memref<1x128xi32, #tpu.memory_space<hbm>> -> memref<128xi32, #tpu.memory_space<hbm>>
        tpu.enqueue_dma source(%dma_start3A_239 : memref<128xi32, #tpu.memory_space<hbm>>) target(%arg11 : memref<128xi32, #tpu.memory_space<vmem>>) target_semaphore(%run_scoped3A : memref<!tpu.dma_semaphore, #tpu.memory_space<semaphore_mem>>)
        %dma_wait3A_240 = arith.constant 0 : i32
        %dma_wait3A_241 = tpu.memref_slice %arg6[%add3A_233, %dma_wait3A_240] : memref<80x128xi32, #tpu.memory_space<hbm>> -> memref<1x128xi32, #tpu.memory_space<hbm>>
        %dma_wait3A_242 = tpu.memref_squeeze %dma_wait3A_241 : memref<1x128xi32, #tpu.memory_space<hbm>> -> memref<128xi32, #tpu.memory_space<hbm>>
        %dma_wait3A_243 = arith.constant 0 : i32
        %dma_wait3A_244 = tpu.memref_slice %arg6[%add3A_233, %dma_wait3A_243] : memref<80x128xi32, #tpu.memory_space<hbm>> -> memref<1x128xi32, #tpu.memory_space<hbm>>
        %dma_wait3A_245 = tpu.memref_squeeze %dma_wait3A_244 : memref<1x128xi32, #tpu.memory_space<hbm>> -> memref<128xi32, #tpu.memory_space<hbm>>
        tpu.wait_dma2 semaphore(%run_scoped3A : memref<!tpu.dma_semaphore, #tpu.memory_space<semaphore_mem>>) src(%dma_wait3A_245 : memref<128xi32, #tpu.memory_space<hbm>>) dst(%arg11 : memref<128xi32, #tpu.memory_space<vmem>>)
        tpu.yield
      }) : () -> ()
      "tpu.region"() ({
        %run_scoped3A = tpu.sem_alloc : memref<!tpu.dma_semaphore, #tpu.memory_space<semaphore_mem>>
        %dma_start3A_234 = arith.constant 0 : i32
        %dma_start3A_235 = arith.constant 0 : i32
        %dma_start3A_236 = tpu.memref_slice %arg15[%dma_start3A_234, %dma_start3A_235] : memref<10112x128xf32, #tpu.memory_space<vmem_shared>> -> memref<10112x128xf32, #tpu.memory_space<vmem_shared>>
        tpu.enqueue_indirect_dma source(%arg14 : memref<128x128xf32, #tpu.memory_space<vmem>>) target(%dma_start3A_236 : memref<10112x128xf32, #tpu.memory_space<vmem_shared>>) offsets(%arg11 : memref<128xi32, #tpu.memory_space<vmem>>) semaphore(%run_scoped3A : memref<!tpu.dma_semaphore, #tpu.memory_space<semaphore_mem>>)
        %dma_wait3A_237 = arith.constant 0 : i32
        %dma_wait3A_238 = arith.constant 0 : i32
        %dma_wait3A_239 = tpu.memref_slice %arg15[%dma_wait3A_237, %dma_wait3A_238] : memref<10112x128xf32, #tpu.memory_space<vmem_shared>> -> memref<10112x128xf32, #tpu.memory_space<vmem_shared>>
        tpu.wait_indirect_dma semaphore(%run_scoped3A : memref<!tpu.dma_semaphore, #tpu.memory_space<semaphore_mem>>) src(%arg14 : memref<128x128xf32, #tpu.memory_space<vmem>>) dst(%dma_wait3A_239 : memref<10112x128xf32, #tpu.memory_space<vmem_shared>>)
        tpu.yield
      }) : () -> ()
    }
    %scan3A_4 = arith.constant 5 : i32
    %barrier3A = arith.constant 0 : index
    tpu.barrier barrier_id(%barrier3A)
    %mul3A_5 = arith.constant 16 : i32
    %mul3A_6 = arith.muli %arg0, %mul3A_5 : i32
    %add3A = arith.addi %mul3A_6, %arg1 : i32
    %mul3A_7 = arith.constant 159 : i32
    %mul3A_8 = arith.muli %add3A, %mul3A_7 : i32
    %add3A_9 = arith.constant 0 : i32
    %add3A_10 = arith.addi %mul3A_8, %add3A_9 : i32
    "tpu.region"() ({
      %run_scoped3A = tpu.sem_alloc : memref<!tpu.dma_semaphore, #tpu.memory_space<semaphore_mem>>
      %dma_start3A_226 = arith.constant 0 : i32
      %dma_start3A_227 = arith.constant 0 : i32
      %dma_start3A_228 = arith.constant 0 : i32
      %dma_start3A_229 = tpu.memref_slice %arg3[%add3A_10, %dma_start3A_226, %dma_start3A_227, %dma_start3A_228] : memref<5088x2x1x128xi32, #tpu.memory_space<hbm>> -> memref<1x2x1x128xi32, #tpu.memory_space<hbm>>
      %dma_start3A_230 = tpu.memref_squeeze %dma_start3A_229 : memref<1x2x1x128xi32, #tpu.memory_space<hbm>> -> memref<2x1x128xi32, #tpu.memory_space<hbm>>
      %dma_start3A_231 = arith.constant 0 : i32
      %dma_start3A_232 = arith.constant 0 : i32
      %dma_start3A_233 = arith.constant 0 : i32
      %dma_start3A_234 = tpu.memref_slice %arg3[%add3A_10, %dma_start3A_231, %dma_start3A_232, %dma_start3A_233] : memref<5088x2x1x128xi32, #tpu.memory_space<hbm>> -> memref<1x2x1x128xi32, #tpu.memory_space<hbm>>
      %dma_start3A_235 = tpu.memref_squeeze %dma_start3A_234 : memref<1x2x1x128xi32, #tpu.memory_space<hbm>> -> memref<2x1x128xi32, #tpu.memory_space<hbm>>
      tpu.enqueue_dma source(%dma_start3A_235 : memref<2x1x128xi32, #tpu.memory_space<hbm>>) target(%arg8 : memref<2x1x128xi32, #tpu.memory_space<vmem>>) target_semaphore(%run_scoped3A : memref<!tpu.dma_semaphore, #tpu.memory_space<semaphore_mem>>)
      %dma_wait3A_236 = arith.constant 0 : i32
      %dma_wait3A_237 = arith.constant 0 : i32
      %dma_wait3A_238 = arith.constant 0 : i32
      %dma_wait3A_239 = tpu.memref_slice %arg3[%add3A_10, %dma_wait3A_236, %dma_wait3A_237, %dma_wait3A_238] : memref<5088x2x1x128xi32, #tpu.memory_space<hbm>> -> memref<1x2x1x128xi32, #tpu.memory_space<hbm>>
      %dma_wait3A_240 = tpu.memref_squeeze %dma_wait3A_239 : memref<1x2x1x128xi32, #tpu.memory_space<hbm>> -> memref<2x1x128xi32, #tpu.memory_space<hbm>>
      %dma_wait3A_241 = arith.constant 0 : i32
      %dma_wait3A_242 = arith.constant 0 : i32
      %dma_wait3A_243 = arith.constant 0 : i32
      %dma_wait3A_244 = tpu.memref_slice %arg3[%add3A_10, %dma_wait3A_241, %dma_wait3A_242, %dma_wait3A_243] : memref<5088x2x1x128xi32, #tpu.memory_space<hbm>> -> memref<1x2x1x128xi32, #tpu.memory_space<hbm>>
      %dma_wait3A_245 = tpu.memref_squeeze %dma_wait3A_244 : memref<1x2x1x128xi32, #tpu.memory_space<hbm>> -> memref<2x1x128xi32, #tpu.memory_space<hbm>>
      tpu.wait_dma2 semaphore(%run_scoped3A : memref<!tpu.dma_semaphore, #tpu.memory_space<semaphore_mem>>) src(%dma_wait3A_245 : memref<2x1x128xi32, #tpu.memory_space<hbm>>) dst(%arg8 : memref<2x1x128xi32, #tpu.memory_space<vmem>>)
      tpu.yield
    }) : () -> ()
    %dma_start3A = arith.constant 0 : i32
    %dma_start3A_11 = arith.constant 0 : i32
    %dma_start3A_12 = arith.constant 0 : i32
    %dma_start3A_13 = tpu.memref_slice %arg8[%dma_start3A, %dma_start3A_11, %dma_start3A_12] : memref<2x1x128xi32, #tpu.memory_space<vmem>> -> memref<1x1x128xi32, #tpu.memory_space<vmem>>
    %dma_start3A_14 = tpu.memref_squeeze %dma_start3A_13 : memref<1x1x128xi32, #tpu.memory_space<vmem>> -> memref<128xi32, #tpu.memory_space<vmem>>
    %dma_start3A_15 = arith.constant 0 : i32
    %dma_start3A_16 = arith.constant 0 : i32
    %dma_start3A_17 = tpu.memref_slice %arg2[%dma_start3A_15, %dma_start3A_16] : memref<20224x128xf32, #tpu.memory_space<hbm>> -> memref<20224x128xf32, #tpu.memory_space<hbm>>
    tpu.enqueue_indirect_dma source(%dma_start3A_17 : memref<20224x128xf32, #tpu.memory_space<hbm>>) target(%arg12 : memref<128x128xf32, #tpu.memory_space<vmem>>) offsets(%dma_start3A_14 : memref<128xi32, #tpu.memory_space<vmem>>) semaphore(%arg16 : memref<!tpu.dma_semaphore, #tpu.memory_space<semaphore_mem>>)
    %add3A_18 = arith.constant 1 : i32
    %add3A_19 = arith.addi %mul3A_8, %add3A_18 : i32
    "tpu.region"() ({
      %run_scoped3A = tpu.sem_alloc : memref<!tpu.dma_semaphore, #tpu.memory_space<semaphore_mem>>
      %dma_start3A_226 = arith.constant 0 : i32
      %dma_start3A_227 = arith.constant 0 : i32
      %dma_start3A_228 = arith.constant 0 : i32
      %dma_start3A_229 = tpu.memref_slice %arg3[%add3A_19, %dma_start3A_226, %dma_start3A_227, %dma_start3A_228] : memref<5088x2x1x128xi32, #tpu.memory_space<hbm>> -> memref<1x2x1x128xi32, #tpu.memory_space<hbm>>
      %dma_start3A_230 = tpu.memref_squeeze %dma_start3A_229 : memref<1x2x1x128xi32, #tpu.memory_space<hbm>> -> memref<2x1x128xi32, #tpu.memory_space<hbm>>
      %dma_start3A_231 = arith.constant 0 : i32
      %dma_start3A_232 = arith.constant 0 : i32
      %dma_start3A_233 = arith.constant 0 : i32
      %dma_start3A_234 = tpu.memref_slice %arg3[%add3A_19, %dma_start3A_231, %dma_start3A_232, %dma_start3A_233] : memref<5088x2x1x128xi32, #tpu.memory_space<hbm>> -> memref<1x2x1x128xi32, #tpu.memory_space<hbm>>
      %dma_start3A_235 = tpu.memref_squeeze %dma_start3A_234 : memref<1x2x1x128xi32, #tpu.memory_space<hbm>> -> memref<2x1x128xi32, #tpu.memory_space<hbm>>
      tpu.enqueue_dma source(%dma_start3A_235 : memref<2x1x128xi32, #tpu.memory_space<hbm>>) target(%arg9 : memref<2x1x128xi32, #tpu.memory_space<vmem>>) target_semaphore(%run_scoped3A : memref<!tpu.dma_semaphore, #tpu.memory_space<semaphore_mem>>)
      %dma_wait3A_236 = arith.constant 0 : i32
      %dma_wait3A_237 = arith.constant 0 : i32
      %dma_wait3A_238 = arith.constant 0 : i32
      %dma_wait3A_239 = tpu.memref_slice %arg3[%add3A_19, %dma_wait3A_236, %dma_wait3A_237, %dma_wait3A_238] : memref<5088x2x1x128xi32, #tpu.memory_space<hbm>> -> memref<1x2x1x128xi32, #tpu.memory_space<hbm>>
      %dma_wait3A_240 = tpu.memref_squeeze %dma_wait3A_239 : memref<1x2x1x128xi32, #tpu.memory_space<hbm>> -> memref<2x1x128xi32, #tpu.memory_space<hbm>>
      %dma_wait3A_241 = arith.constant 0 : i32
      %dma_wait3A_242 = arith.constant 0 : i32
      %dma_wait3A_243 = arith.constant 0 : i32
      %dma_wait3A_244 = tpu.memref_slice %arg3[%add3A_19, %dma_wait3A_241, %dma_wait3A_242, %dma_wait3A_243] : memref<5088x2x1x128xi32, #tpu.memory_space<hbm>> -> memref<1x2x1x128xi32, #tpu.memory_space<hbm>>
      %dma_wait3A_245 = tpu.memref_squeeze %dma_wait3A_244 : memref<1x2x1x128xi32, #tpu.memory_space<hbm>> -> memref<2x1x128xi32, #tpu.memory_space<hbm>>
      tpu.wait_dma2 semaphore(%run_scoped3A : memref<!tpu.dma_semaphore, #tpu.memory_space<semaphore_mem>>) src(%dma_wait3A_245 : memref<2x1x128xi32, #tpu.memory_space<hbm>>) dst(%arg9 : memref<2x1x128xi32, #tpu.memory_space<vmem>>)
      tpu.yield
    }) : () -> ()
    %dma_start3A_20 = arith.constant 0 : i32
    %dma_start3A_21 = arith.constant 0 : i32
    %dma_start3A_22 = arith.constant 0 : i32
    %dma_start3A_23 = tpu.memref_slice %arg9[%dma_start3A_20, %dma_start3A_21, %dma_start3A_22] : memref<2x1x128xi32, #tpu.memory_space<vmem>> -> memref<1x1x128xi32, #tpu.memory_space<vmem>>
    %dma_start3A_24 = tpu.memref_squeeze %dma_start3A_23 : memref<1x1x128xi32, #tpu.memory_space<vmem>> -> memref<128xi32, #tpu.memory_space<vmem>>
    %dma_start3A_25 = arith.constant 0 : i32
    %dma_start3A_26 = arith.constant 0 : i32
    %dma_start3A_27 = tpu.memref_slice %arg2[%dma_start3A_25, %dma_start3A_26] : memref<20224x128xf32, #tpu.memory_space<hbm>> -> memref<20224x128xf32, #tpu.memory_space<hbm>>
    tpu.enqueue_indirect_dma source(%dma_start3A_27 : memref<20224x128xf32, #tpu.memory_space<hbm>>) target(%arg13 : memref<128x128xf32, #tpu.memory_space<vmem>>) offsets(%dma_start3A_24 : memref<128xi32, #tpu.memory_space<vmem>>) semaphore(%arg17 : memref<!tpu.dma_semaphore, #tpu.memory_space<semaphore_mem>>)
    %dma_wait3A = arith.constant 0 : i32
    %dma_wait3A_28 = arith.constant 0 : i32
    %dma_wait3A_29 = arith.constant 0 : i32
    %dma_wait3A_30 = tpu.memref_slice %arg8[%dma_wait3A, %dma_wait3A_28, %dma_wait3A_29] : memref<2x1x128xi32, #tpu.memory_space<vmem>> -> memref<1x1x128xi32, #tpu.memory_space<vmem>>
    %dma_wait3A_31 = tpu.memref_squeeze %dma_wait3A_30 : memref<1x1x128xi32, #tpu.memory_space<vmem>> -> memref<128xi32, #tpu.memory_space<vmem>>
    %dma_wait3A_32 = arith.constant 0 : i32
    %dma_wait3A_33 = arith.constant 0 : i32
    %dma_wait3A_34 = tpu.memref_slice %arg2[%dma_wait3A_32, %dma_wait3A_33] : memref<20224x128xf32, #tpu.memory_space<hbm>> -> memref<20224x128xf32, #tpu.memory_space<hbm>>
    tpu.wait_indirect_dma semaphore(%arg16 : memref<!tpu.dma_semaphore, #tpu.memory_space<semaphore_mem>>) src(%dma_wait3A_34 : memref<20224x128xf32, #tpu.memory_space<hbm>>) dst(%arg12 : memref<128x128xf32, #tpu.memory_space<vmem>>)
    %dma_start3A_35 = arith.constant 1 : i32
    %dma_start3A_36 = arith.constant 0 : i32
    %dma_start3A_37 = arith.constant 0 : i32
    %dma_start3A_38 = tpu.memref_slice %arg8[%dma_start3A_35, %dma_start3A_36, %dma_start3A_37] : memref<2x1x128xi32, #tpu.memory_space<vmem>> -> memref<1x1x128xi32, #tpu.memory_space<vmem>>
    %dma_start3A_39 = tpu.memref_squeeze %dma_start3A_38 : memref<1x1x128xi32, #tpu.memory_space<vmem>> -> memref<128xi32, #tpu.memory_space<vmem>>
    %dma_start3A_40 = arith.constant 0 : i32
    %dma_start3A_41 = arith.constant 0 : i32
    %dma_start3A_42 = tpu.memref_slice %arg15[%dma_start3A_40, %dma_start3A_41] : memref<10112x128xf32, #tpu.memory_space<vmem_shared>> -> memref<10112x128xf32, #tpu.memory_space<vmem_shared>>
    tpu.enqueue_indirect_dma source(%arg12 : memref<128x128xf32, #tpu.memory_space<vmem>>) target(%dma_start3A_42 : memref<10112x128xf32, #tpu.memory_space<vmem_shared>>) offsets(%dma_start3A_39 : memref<128xi32, #tpu.memory_space<vmem>>) semaphore(%arg19 : memref<!tpu.dma_semaphore, #tpu.memory_space<semaphore_mem>>) {add = true}
    %add3A_43 = arith.constant 2 : i32
    %add3A_44 = arith.addi %mul3A_8, %add3A_43 : i32
    "tpu.region"() ({
      %run_scoped3A = tpu.sem_alloc : memref<!tpu.dma_semaphore, #tpu.memory_space<semaphore_mem>>
      %dma_start3A_226 = arith.constant 0 : i32
      %dma_start3A_227 = arith.constant 0 : i32
      %dma_start3A_228 = arith.constant 0 : i32
      %dma_start3A_229 = tpu.memref_slice %arg3[%add3A_44, %dma_start3A_226, %dma_start3A_227, %dma_start3A_228] : memref<5088x2x1x128xi32, #tpu.memory_space<hbm>> -> memref<1x2x1x128xi32, #tpu.memory_space<hbm>>
      %dma_start3A_230 = tpu.memref_squeeze %dma_start3A_229 : memref<1x2x1x128xi32, #tpu.memory_space<hbm>> -> memref<2x1x128xi32, #tpu.memory_space<hbm>>
      %dma_start3A_231 = arith.constant 0 : i32
      %dma_start3A_232 = arith.constant 0 : i32
      %dma_start3A_233 = arith.constant 0 : i32
      %dma_start3A_234 = tpu.memref_slice %arg3[%add3A_44, %dma_start3A_231, %dma_start3A_232, %dma_start3A_233] : memref<5088x2x1x128xi32, #tpu.memory_space<hbm>> -> memref<1x2x1x128xi32, #tpu.memory_space<hbm>>
      %dma_start3A_235 = tpu.memref_squeeze %dma_start3A_234 : memref<1x2x1x128xi32, #tpu.memory_space<hbm>> -> memref<2x1x128xi32, #tpu.memory_space<hbm>>
      tpu.enqueue_dma source(%dma_start3A_235 : memref<2x1x128xi32, #tpu.memory_space<hbm>>) target(%arg10 : memref<2x1x128xi32, #tpu.memory_space<vmem>>) target_semaphore(%run_scoped3A : memref<!tpu.dma_semaphore, #tpu.memory_space<semaphore_mem>>)
      %dma_wait3A_236 = arith.constant 0 : i32
      %dma_wait3A_237 = arith.constant 0 : i32
      %dma_wait3A_238 = arith.constant 0 : i32
      %dma_wait3A_239 = tpu.memref_slice %arg3[%add3A_44, %dma_wait3A_236, %dma_wait3A_237, %dma_wait3A_238] : memref<5088x2x1x128xi32, #tpu.memory_space<hbm>> -> memref<1x2x1x128xi32, #tpu.memory_space<hbm>>
      %dma_wait3A_240 = tpu.memref_squeeze %dma_wait3A_239 : memref<1x2x1x128xi32, #tpu.memory_space<hbm>> -> memref<2x1x128xi32, #tpu.memory_space<hbm>>
      %dma_wait3A_241 = arith.constant 0 : i32
      %dma_wait3A_242 = arith.constant 0 : i32
      %dma_wait3A_243 = arith.constant 0 : i32
      %dma_wait3A_244 = tpu.memref_slice %arg3[%add3A_44, %dma_wait3A_241, %dma_wait3A_242, %dma_wait3A_243] : memref<5088x2x1x128xi32, #tpu.memory_space<hbm>> -> memref<1x2x1x128xi32, #tpu.memory_space<hbm>>
      %dma_wait3A_245 = tpu.memref_squeeze %dma_wait3A_244 : memref<1x2x1x128xi32, #tpu.memory_space<hbm>> -> memref<2x1x128xi32, #tpu.memory_space<hbm>>
      tpu.wait_dma2 semaphore(%run_scoped3A : memref<!tpu.dma_semaphore, #tpu.memory_space<semaphore_mem>>) src(%dma_wait3A_245 : memref<2x1x128xi32, #tpu.memory_space<hbm>>) dst(%arg10 : memref<2x1x128xi32, #tpu.memory_space<vmem>>)
      tpu.yield
    }) : () -> ()
    %dma_start3A_45 = arith.constant 0 : i32
    %dma_start3A_46 = arith.constant 0 : i32
    %dma_start3A_47 = arith.constant 0 : i32
    %dma_start3A_48 = tpu.memref_slice %arg10[%dma_start3A_45, %dma_start3A_46, %dma_start3A_47] : memref<2x1x128xi32, #tpu.memory_space<vmem>> -> memref<1x1x128xi32, #tpu.memory_space<vmem>>
    %dma_start3A_49 = tpu.memref_squeeze %dma_start3A_48 : memref<1x1x128xi32, #tpu.memory_space<vmem>> -> memref<128xi32, #tpu.memory_space<vmem>>
    %dma_start3A_50 = arith.constant 0 : i32
    %dma_start3A_51 = arith.constant 0 : i32
    %dma_start3A_52 = tpu.memref_slice %arg2[%dma_start3A_50, %dma_start3A_51] : memref<20224x128xf32, #tpu.memory_space<hbm>> -> memref<20224x128xf32, #tpu.memory_space<hbm>>
    tpu.enqueue_indirect_dma source(%dma_start3A_52 : memref<20224x128xf32, #tpu.memory_space<hbm>>) target(%arg14 : memref<128x128xf32, #tpu.memory_space<vmem>>) offsets(%dma_start3A_49 : memref<128xi32, #tpu.memory_space<vmem>>) semaphore(%arg18 : memref<!tpu.dma_semaphore, #tpu.memory_space<semaphore_mem>>)
    %dma_wait3A_53 = arith.constant 0 : i32
    %dma_wait3A_54 = arith.constant 0 : i32
    %dma_wait3A_55 = arith.constant 0 : i32
    %dma_wait3A_56 = tpu.memref_slice %arg9[%dma_wait3A_53, %dma_wait3A_54, %dma_wait3A_55] : memref<2x1x128xi32, #tpu.memory_space<vmem>> -> memref<1x1x128xi32, #tpu.memory_space<vmem>>
    %dma_wait3A_57 = tpu.memref_squeeze %dma_wait3A_56 : memref<1x1x128xi32, #tpu.memory_space<vmem>> -> memref<128xi32, #tpu.memory_space<vmem>>
    %dma_wait3A_58 = arith.constant 0 : i32
    %dma_wait3A_59 = arith.constant 0 : i32
    %dma_wait3A_60 = tpu.memref_slice %arg2[%dma_wait3A_58, %dma_wait3A_59] : memref<20224x128xf32, #tpu.memory_space<hbm>> -> memref<20224x128xf32, #tpu.memory_space<hbm>>
    tpu.wait_indirect_dma semaphore(%arg17 : memref<!tpu.dma_semaphore, #tpu.memory_space<semaphore_mem>>) src(%dma_wait3A_60 : memref<20224x128xf32, #tpu.memory_space<hbm>>) dst(%arg13 : memref<128x128xf32, #tpu.memory_space<vmem>>)
    %dma_start3A_61 = arith.constant 1 : i32
    %dma_start3A_62 = arith.constant 0 : i32
    %dma_start3A_63 = arith.constant 0 : i32
    %dma_start3A_64 = tpu.memref_slice %arg9[%dma_start3A_61, %dma_start3A_62, %dma_start3A_63] : memref<2x1x128xi32, #tpu.memory_space<vmem>> -> memref<1x1x128xi32, #tpu.memory_space<vmem>>
    %dma_start3A_65 = tpu.memref_squeeze %dma_start3A_64 : memref<1x1x128xi32, #tpu.memory_space<vmem>> -> memref<128xi32, #tpu.memory_space<vmem>>
    %dma_start3A_66 = arith.constant 0 : i32
    %dma_start3A_67 = arith.constant 0 : i32
    %dma_start3A_68 = tpu.memref_slice %arg15[%dma_start3A_66, %dma_start3A_67] : memref<10112x128xf32, #tpu.memory_space<vmem_shared>> -> memref<10112x128xf32, #tpu.memory_space<vmem_shared>>
    tpu.enqueue_indirect_dma source(%arg13 : memref<128x128xf32, #tpu.memory_space<vmem>>) target(%dma_start3A_68 : memref<10112x128xf32, #tpu.memory_space<vmem_shared>>) offsets(%dma_start3A_65 : memref<128xi32, #tpu.memory_space<vmem>>) semaphore(%arg20 : memref<!tpu.dma_semaphore, #tpu.memory_space<semaphore_mem>>) {add = true}
    %dma_wait3A_69 = arith.constant 1 : i32
    %dma_wait3A_70 = arith.constant 0 : i32
    %dma_wait3A_71 = arith.constant 0 : i32
    %dma_wait3A_72 = tpu.memref_slice %arg8[%dma_wait3A_69, %dma_wait3A_70, %dma_wait3A_71] : memref<2x1x128xi32, #tpu.memory_space<vmem>> -> memref<1x1x128xi32, #tpu.memory_space<vmem>>
    %dma_wait3A_73 = tpu.memref_squeeze %dma_wait3A_72 : memref<1x1x128xi32, #tpu.memory_space<vmem>> -> memref<128xi32, #tpu.memory_space<vmem>>
    %dma_wait3A_74 = arith.constant 0 : i32
    %dma_wait3A_75 = arith.constant 0 : i32
    %dma_wait3A_76 = tpu.memref_slice %arg15[%dma_wait3A_74, %dma_wait3A_75] : memref<10112x128xf32, #tpu.memory_space<vmem_shared>> -> memref<10112x128xf32, #tpu.memory_space<vmem_shared>>
    tpu.wait_indirect_dma semaphore(%arg19 : memref<!tpu.dma_semaphore, #tpu.memory_space<semaphore_mem>>) src(%arg12 : memref<128x128xf32, #tpu.memory_space<vmem>>) dst(%dma_wait3A_76 : memref<10112x128xf32, #tpu.memory_space<vmem_shared>>)
    %add3A_77 = arith.constant 3 : i32
    %add3A_78 = arith.addi %mul3A_8, %add3A_77 : i32
    "tpu.region"() ({
      %run_scoped3A = tpu.sem_alloc : memref<!tpu.dma_semaphore, #tpu.memory_space<semaphore_mem>>
      %dma_start3A_226 = arith.constant 0 : i32
      %dma_start3A_227 = arith.constant 0 : i32
      %dma_start3A_228 = arith.constant 0 : i32
      %dma_start3A_229 = tpu.memref_slice %arg3[%add3A_78, %dma_start3A_226, %dma_start3A_227, %dma_start3A_228] : memref<5088x2x1x128xi32, #tpu.memory_space<hbm>> -> memref<1x2x1x128xi32, #tpu.memory_space<hbm>>
      %dma_start3A_230 = tpu.memref_squeeze %dma_start3A_229 : memref<1x2x1x128xi32, #tpu.memory_space<hbm>> -> memref<2x1x128xi32, #tpu.memory_space<hbm>>
      %dma_start3A_231 = arith.constant 0 : i32
      %dma_start3A_232 = arith.constant 0 : i32
      %dma_start3A_233 = arith.constant 0 : i32
      %dma_start3A_234 = tpu.memref_slice %arg3[%add3A_78, %dma_start3A_231, %dma_start3A_232, %dma_start3A_233] : memref<5088x2x1x128xi32, #tpu.memory_space<hbm>> -> memref<1x2x1x128xi32, #tpu.memory_space<hbm>>
      %dma_start3A_235 = tpu.memref_squeeze %dma_start3A_234 : memref<1x2x1x128xi32, #tpu.memory_space<hbm>> -> memref<2x1x128xi32, #tpu.memory_space<hbm>>
      tpu.enqueue_dma source(%dma_start3A_235 : memref<2x1x128xi32, #tpu.memory_space<hbm>>) target(%arg8 : memref<2x1x128xi32, #tpu.memory_space<vmem>>) target_semaphore(%run_scoped3A : memref<!tpu.dma_semaphore, #tpu.memory_space<semaphore_mem>>)
      %dma_wait3A_236 = arith.constant 0 : i32
      %dma_wait3A_237 = arith.constant 0 : i32
      %dma_wait3A_238 = arith.constant 0 : i32
      %dma_wait3A_239 = tpu.memref_slice %arg3[%add3A_78, %dma_wait3A_236, %dma_wait3A_237, %dma_wait3A_238] : memref<5088x2x1x128xi32, #tpu.memory_space<hbm>> -> memref<1x2x1x128xi32, #tpu.memory_space<hbm>>
      %dma_wait3A_240 = tpu.memref_squeeze %dma_wait3A_239 : memref<1x2x1x128xi32, #tpu.memory_space<hbm>> -> memref<2x1x128xi32, #tpu.memory_space<hbm>>
      %dma_wait3A_241 = arith.constant 0 : i32
      %dma_wait3A_242 = arith.constant 0 : i32
      %dma_wait3A_243 = arith.constant 0 : i32
      %dma_wait3A_244 = tpu.memref_slice %arg3[%add3A_78, %dma_wait3A_241, %dma_wait3A_242, %dma_wait3A_243] : memref<5088x2x1x128xi32, #tpu.memory_space<hbm>> -> memref<1x2x1x128xi32, #tpu.memory_space<hbm>>
      %dma_wait3A_245 = tpu.memref_squeeze %dma_wait3A_244 : memref<1x2x1x128xi32, #tpu.memory_space<hbm>> -> memref<2x1x128xi32, #tpu.memory_space<hbm>>
      tpu.wait_dma2 semaphore(%run_scoped3A : memref<!tpu.dma_semaphore, #tpu.memory_space<semaphore_mem>>) src(%dma_wait3A_245 : memref<2x1x128xi32, #tpu.memory_space<hbm>>) dst(%arg8 : memref<2x1x128xi32, #tpu.memory_space<vmem>>)
      tpu.yield
    }) : () -> ()
    %dma_start3A_79 = arith.constant 0 : i32
    %dma_start3A_80 = arith.constant 0 : i32
    %dma_start3A_81 = arith.constant 0 : i32
    %dma_start3A_82 = tpu.memref_slice %arg8[%dma_start3A_79, %dma_start3A_80, %dma_start3A_81] : memref<2x1x128xi32, #tpu.memory_space<vmem>> -> memref<1x1x128xi32, #tpu.memory_space<vmem>>
    %dma_start3A_83 = tpu.memref_squeeze %dma_start3A_82 : memref<1x1x128xi32, #tpu.memory_space<vmem>> -> memref<128xi32, #tpu.memory_space<vmem>>
    %dma_start3A_84 = arith.constant 0 : i32
    %dma_start3A_85 = arith.constant 0 : i32
    %dma_start3A_86 = tpu.memref_slice %arg2[%dma_start3A_84, %dma_start3A_85] : memref<20224x128xf32, #tpu.memory_space<hbm>> -> memref<20224x128xf32, #tpu.memory_space<hbm>>
    tpu.enqueue_indirect_dma source(%dma_start3A_86 : memref<20224x128xf32, #tpu.memory_space<hbm>>) target(%arg12 : memref<128x128xf32, #tpu.memory_space<vmem>>) offsets(%dma_start3A_83 : memref<128xi32, #tpu.memory_space<vmem>>) semaphore(%arg16 : memref<!tpu.dma_semaphore, #tpu.memory_space<semaphore_mem>>)
    %dma_wait3A_87 = arith.constant 0 : i32
    %dma_wait3A_88 = arith.constant 0 : i32
    %dma_wait3A_89 = arith.constant 0 : i32
    %dma_wait3A_90 = tpu.memref_slice %arg10[%dma_wait3A_87, %dma_wait3A_88, %dma_wait3A_89] : memref<2x1x128xi32, #tpu.memory_space<vmem>> -> memref<1x1x128xi32, #tpu.memory_space<vmem>>
    %dma_wait3A_91 = tpu.memref_squeeze %dma_wait3A_90 : memref<1x1x128xi32, #tpu.memory_space<vmem>> -> memref<128xi32, #tpu.memory_space<vmem>>
    %dma_wait3A_92 = arith.constant 0 : i32
    %dma_wait3A_93 = arith.constant 0 : i32
    %dma_wait3A_94 = tpu.memref_slice %arg2[%dma_wait3A_92, %dma_wait3A_93] : memref<20224x128xf32, #tpu.memory_space<hbm>> -> memref<20224x128xf32, #tpu.memory_space<hbm>>
    tpu.wait_indirect_dma semaphore(%arg18 : memref<!tpu.dma_semaphore, #tpu.memory_space<semaphore_mem>>) src(%dma_wait3A_94 : memref<20224x128xf32, #tpu.memory_space<hbm>>) dst(%arg14 : memref<128x128xf32, #tpu.memory_space<vmem>>)
    %dma_start3A_95 = arith.constant 1 : i32
    %dma_start3A_96 = arith.constant 0 : i32
    %dma_start3A_97 = arith.constant 0 : i32
    %dma_start3A_98 = tpu.memref_slice %arg10[%dma_start3A_95, %dma_start3A_96, %dma_start3A_97] : memref<2x1x128xi32, #tpu.memory_space<vmem>> -> memref<1x1x128xi32, #tpu.memory_space<vmem>>
    %dma_start3A_99 = tpu.memref_squeeze %dma_start3A_98 : memref<1x1x128xi32, #tpu.memory_space<vmem>> -> memref<128xi32, #tpu.memory_space<vmem>>
    %dma_start3A_100 = arith.constant 0 : i32
    %dma_start3A_101 = arith.constant 0 : i32
    %dma_start3A_102 = tpu.memref_slice %arg15[%dma_start3A_100, %dma_start3A_101] : memref<10112x128xf32, #tpu.memory_space<vmem_shared>> -> memref<10112x128xf32, #tpu.memory_space<vmem_shared>>
    tpu.enqueue_indirect_dma source(%arg14 : memref<128x128xf32, #tpu.memory_space<vmem>>) target(%dma_start3A_102 : memref<10112x128xf32, #tpu.memory_space<vmem_shared>>) offsets(%dma_start3A_99 : memref<128xi32, #tpu.memory_space<vmem>>) semaphore(%arg21 : memref<!tpu.dma_semaphore, #tpu.memory_space<semaphore_mem>>) {add = true}
    %dma_wait3A_103 = arith.constant 1 : i32
    %dma_wait3A_104 = arith.constant 0 : i32
    %dma_wait3A_105 = arith.constant 0 : i32
    %dma_wait3A_106 = tpu.memref_slice %arg9[%dma_wait3A_103, %dma_wait3A_104, %dma_wait3A_105] : memref<2x1x128xi32, #tpu.memory_space<vmem>> -> memref<1x1x128xi32, #tpu.memory_space<vmem>>
    %dma_wait3A_107 = tpu.memref_squeeze %dma_wait3A_106 : memref<1x1x128xi32, #tpu.memory_space<vmem>> -> memref<128xi32, #tpu.memory_space<vmem>>
    %dma_wait3A_108 = arith.constant 0 : i32
    %dma_wait3A_109 = arith.constant 0 : i32
    %dma_wait3A_110 = tpu.memref_slice %arg15[%dma_wait3A_108, %dma_wait3A_109] : memref<10112x128xf32, #tpu.memory_space<vmem_shared>> -> memref<10112x128xf32, #tpu.memory_space<vmem_shared>>
    tpu.wait_indirect_dma semaphore(%arg20 : memref<!tpu.dma_semaphore, #tpu.memory_space<semaphore_mem>>) src(%arg13 : memref<128x128xf32, #tpu.memory_space<vmem>>) dst(%dma_wait3A_110 : memref<10112x128xf32, #tpu.memory_space<vmem_shared>>)
    %add3A_111 = arith.constant 4 : i32
    %add3A_112 = arith.addi %mul3A_8, %add3A_111 : i32
    "tpu.region"() ({
      %run_scoped3A = tpu.sem_alloc : memref<!tpu.dma_semaphore, #tpu.memory_space<semaphore_mem>>
      %dma_start3A_226 = arith.constant 0 : i32
      %dma_start3A_227 = arith.constant 0 : i32
      %dma_start3A_228 = arith.constant 0 : i32
      %dma_start3A_229 = tpu.memref_slice %arg3[%add3A_112, %dma_start3A_226, %dma_start3A_227, %dma_start3A_228] : memref<5088x2x1x128xi32, #tpu.memory_space<hbm>> -> memref<1x2x1x128xi32, #tpu.memory_space<hbm>>
      %dma_start3A_230 = tpu.memref_squeeze %dma_start3A_229 : memref<1x2x1x128xi32, #tpu.memory_space<hbm>> -> memref<2x1x128xi32, #tpu.memory_space<hbm>>
      %dma_start3A_231 = arith.constant 0 : i32
      %dma_start3A_232 = arith.constant 0 : i32
      %dma_start3A_233 = arith.constant 0 : i32
      %dma_start3A_234 = tpu.memref_slice %arg3[%add3A_112, %dma_start3A_231, %dma_start3A_232, %dma_start3A_233] : memref<5088x2x1x128xi32, #tpu.memory_space<hbm>> -> memref<1x2x1x128xi32, #tpu.memory_space<hbm>>
      %dma_start3A_235 = tpu.memref_squeeze %dma_start3A_234 : memref<1x2x1x128xi32, #tpu.memory_space<hbm>> -> memref<2x1x128xi32, #tpu.memory_space<hbm>>
      tpu.enqueue_dma source(%dma_start3A_235 : memref<2x1x128xi32, #tpu.memory_space<hbm>>) target(%arg9 : memref<2x1x128xi32, #tpu.memory_space<vmem>>) target_semaphore(%run_scoped3A : memref<!tpu.dma_semaphore, #tpu.memory_space<semaphore_mem>>)
      %dma_wait3A_236 = arith.constant 0 : i32
      %dma_wait3A_237 = arith.constant 0 : i32
      %dma_wait3A_238 = arith.constant 0 : i32
      %dma_wait3A_239 = tpu.memref_slice %arg3[%add3A_112, %dma_wait3A_236, %dma_wait3A_237, %dma_wait3A_238] : memref<5088x2x1x128xi32, #tpu.memory_space<hbm>> -> memref<1x2x1x128xi32, #tpu.memory_space<hbm>>
      %dma_wait3A_240 = tpu.memref_squeeze %dma_wait3A_239 : memref<1x2x1x128xi32, #tpu.memory_space<hbm>> -> memref<2x1x128xi32, #tpu.memory_space<hbm>>
      %dma_wait3A_241 = arith.constant 0 : i32
      %dma_wait3A_242 = arith.constant 0 : i32
      %dma_wait3A_243 = arith.constant 0 : i32
      %dma_wait3A_244 = tpu.memref_slice %arg3[%add3A_112, %dma_wait3A_241, %dma_wait3A_242, %dma_wait3A_243] : memref<5088x2x1x128xi32, #tpu.memory_space<hbm>> -> memref<1x2x1x128xi32, #tpu.memory_space<hbm>>
      %dma_wait3A_245 = tpu.memref_squeeze %dma_wait3A_244 : memref<1x2x1x128xi32, #tpu.memory_space<hbm>> -> memref<2x1x128xi32, #tpu.memory_space<hbm>>
      tpu.wait_dma2 semaphore(%run_scoped3A : memref<!tpu.dma_semaphore, #tpu.memory_space<semaphore_mem>>) src(%dma_wait3A_245 : memref<2x1x128xi32, #tpu.memory_space<hbm>>) dst(%arg9 : memref<2x1x128xi32, #tpu.memory_space<vmem>>)
      tpu.yield
    }) : () -> ()
    %dma_start3A_113 = arith.constant 0 : i32
    %dma_start3A_114 = arith.constant 0 : i32
    %dma_start3A_115 = arith.constant 0 : i32
    %dma_start3A_116 = tpu.memref_slice %arg9[%dma_start3A_113, %dma_start3A_114, %dma_start3A_115] : memref<2x1x128xi32, #tpu.memory_space<vmem>> -> memref<1x1x128xi32, #tpu.memory_space<vmem>>
    %dma_start3A_117 = tpu.memref_squeeze %dma_start3A_116 : memref<1x1x128xi32, #tpu.memory_space<vmem>> -> memref<128xi32, #tpu.memory_space<vmem>>
    %dma_start3A_118 = arith.constant 0 : i32
    %dma_start3A_119 = arith.constant 0 : i32
    %dma_start3A_120 = tpu.memref_slice %arg2[%dma_start3A_118, %dma_start3A_119] : memref<20224x128xf32, #tpu.memory_space<hbm>> -> memref<20224x128xf32, #tpu.memory_space<hbm>>
    tpu.enqueue_indirect_dma source(%dma_start3A_120 : memref<20224x128xf32, #tpu.memory_space<hbm>>) target(%arg13 : memref<128x128xf32, #tpu.memory_space<vmem>>) offsets(%dma_start3A_117 : memref<128xi32, #tpu.memory_space<vmem>>) semaphore(%arg17 : memref<!tpu.dma_semaphore, #tpu.memory_space<semaphore_mem>>)
    %scan3A_121 = arith.constant 0 : i32
    %scan3A_122 = arith.constant 52 : i32
    %scan3A_123 = arith.addi %scan3A_121, %scan3A_122 : i32
    %scan3A_124 = arith.constant 1 : i32
    scf.for %scan3A_226 = %scan3A_121 to %scan3A_123 step %scan3A_124  : i32 {
      %mul3A_227 = arith.constant 1 : i32
      %mul3A_228 = arith.muli %scan3A_226, %mul3A_227 : i32
      %add3A_229 = arith.constant 0 : i32
      %add3A_230 = arith.addi %add3A_229, %mul3A_228 : i32
      %mul3A_231 = arith.constant 3 : i32
      %mul3A_232 = arith.muli %mul3A_231, %add3A_230 : i32
      %add3A_233 = arith.constant 3 : i32
      %add3A_234 = arith.addi %add3A_233, %mul3A_232 : i32
      %add3A_235 = arith.constant 0 : i32
      %add3A_236 = arith.addi %add3A_234, %add3A_235 : i32
      %dma_wait3A_237 = arith.constant 0 : i32
      %dma_wait3A_238 = arith.constant 0 : i32
      %dma_wait3A_239 = arith.constant 0 : i32
      %dma_wait3A_240 = tpu.memref_slice %arg8[%dma_wait3A_237, %dma_wait3A_238, %dma_wait3A_239] : memref<2x1x128xi32, #tpu.memory_space<vmem>> -> memref<1x1x128xi32, #tpu.memory_space<vmem>>
      %dma_wait3A_241 = tpu.memref_squeeze %dma_wait3A_240 : memref<1x1x128xi32, #tpu.memory_space<vmem>> -> memref<128xi32, #tpu.memory_space<vmem>>
      %dma_wait3A_242 = arith.constant 0 : i32
      %dma_wait3A_243 = arith.constant 0 : i32
      %dma_wait3A_244 = tpu.memref_slice %arg2[%dma_wait3A_242, %dma_wait3A_243] : memref<20224x128xf32, #tpu.memory_space<hbm>> -> memref<20224x128xf32, #tpu.memory_space<hbm>>
      tpu.wait_indirect_dma semaphore(%arg16 : memref<!tpu.dma_semaphore, #tpu.memory_space<semaphore_mem>>) src(%dma_wait3A_244 : memref<20224x128xf32, #tpu.memory_space<hbm>>) dst(%arg12 : memref<128x128xf32, #tpu.memory_space<vmem>>)
      %dma_start3A_245 = arith.constant 1 : i32
      %dma_start3A_246 = arith.constant 0 : i32
      %dma_start3A_247 = arith.constant 0 : i32
      %dma_start3A_248 = tpu.memref_slice %arg8[%dma_start3A_245, %dma_start3A_246, %dma_start3A_247] : memref<2x1x128xi32, #tpu.memory_space<vmem>> -> memref<1x1x128xi32, #tpu.memory_space<vmem>>
      %dma_start3A_249 = tpu.memref_squeeze %dma_start3A_248 : memref<1x1x128xi32, #tpu.memory_space<vmem>> -> memref<128xi32, #tpu.memory_space<vmem>>
      %dma_start3A_250 = arith.constant 0 : i32
      %dma_start3A_251 = arith.constant 0 : i32
      %dma_start3A_252 = tpu.memref_slice %arg15[%dma_start3A_250, %dma_start3A_251] : memref<10112x128xf32, #tpu.memory_space<vmem_shared>> -> memref<10112x128xf32, #tpu.memory_space<vmem_shared>>
      tpu.enqueue_indirect_dma source(%arg12 : memref<128x128xf32, #tpu.memory_space<vmem>>) target(%dma_start3A_252 : memref<10112x128xf32, #tpu.memory_space<vmem_shared>>) offsets(%dma_start3A_249 : memref<128xi32, #tpu.memory_space<vmem>>) semaphore(%arg19 : memref<!tpu.dma_semaphore, #tpu.memory_space<semaphore_mem>>) {add = true}
      %add3A_253 = arith.constant 2 : i32
      %add3A_254 = arith.addi %add3A_236, %add3A_253 : i32
      %lt3A = arith.constant 159 : i32
      %lt3A_255 = arith.cmpi slt, %add3A_254, %lt3A : i32
      %convert_element_type3A = arith.extui %lt3A_255 : i1 to i32
      %cond3A = arith.constant 0 : i32
      %cond3A_256 = arith.cmpi ne, %convert_element_type3A, %cond3A : i32
      scf.if %cond3A_256 {
        %dma_wait3A_307 = arith.constant 1 : i32
        %dma_wait3A_308 = arith.constant 0 : i32
        %dma_wait3A_309 = arith.constant 0 : i32
        %dma_wait3A_310 = tpu.memref_slice %arg10[%dma_wait3A_307, %dma_wait3A_308, %dma_wait3A_309] : memref<2x1x128xi32, #tpu.memory_space<vmem>> -> memref<1x1x128xi32, #tpu.memory_space<vmem>>
        %dma_wait3A_311 = tpu.memref_squeeze %dma_wait3A_310 : memref<1x1x128xi32, #tpu.memory_space<vmem>> -> memref<128xi32, #tpu.memory_space<vmem>>
        %dma_wait3A_312 = arith.constant 0 : i32
        %dma_wait3A_313 = arith.constant 0 : i32
        %dma_wait3A_314 = tpu.memref_slice %arg15[%dma_wait3A_312, %dma_wait3A_313] : memref<10112x128xf32, #tpu.memory_space<vmem_shared>> -> memref<10112x128xf32, #tpu.memory_space<vmem_shared>>
        tpu.wait_indirect_dma semaphore(%arg21 : memref<!tpu.dma_semaphore, #tpu.memory_space<semaphore_mem>>) src(%arg14 : memref<128x128xf32, #tpu.memory_space<vmem>>) dst(%dma_wait3A_314 : memref<10112x128xf32, #tpu.memory_space<vmem_shared>>)
        %add3A_315 = arith.constant 2 : i32
        %add3A_316 = arith.addi %add3A_236, %add3A_315 : i32
        %add3A_317 = arith.addi %mul3A_8, %add3A_316 : i32
        "tpu.region"() ({
          %run_scoped3A = tpu.sem_alloc : memref<!tpu.dma_semaphore, #tpu.memory_space<semaphore_mem>>
          %dma_start3A_326 = arith.constant 0 : i32
          %dma_start3A_327 = arith.constant 0 : i32
          %dma_start3A_328 = arith.constant 0 : i32
          %dma_start3A_329 = tpu.memref_slice %arg3[%add3A_317, %dma_start3A_326, %dma_start3A_327, %dma_start3A_328] : memref<5088x2x1x128xi32, #tpu.memory_space<hbm>> -> memref<1x2x1x128xi32, #tpu.memory_space<hbm>>
          %dma_start3A_330 = tpu.memref_squeeze %dma_start3A_329 : memref<1x2x1x128xi32, #tpu.memory_space<hbm>> -> memref<2x1x128xi32, #tpu.memory_space<hbm>>
          %dma_start3A_331 = arith.constant 0 : i32
          %dma_start3A_332 = arith.constant 0 : i32
          %dma_start3A_333 = arith.constant 0 : i32
          %dma_start3A_334 = tpu.memref_slice %arg3[%add3A_317, %dma_start3A_331, %dma_start3A_332, %dma_start3A_333] : memref<5088x2x1x128xi32, #tpu.memory_space<hbm>> -> memref<1x2x1x128xi32, #tpu.memory_space<hbm>>
          %dma_start3A_335 = tpu.memref_squeeze %dma_start3A_334 : memref<1x2x1x128xi32, #tpu.memory_space<hbm>> -> memref<2x1x128xi32, #tpu.memory_space<hbm>>
          tpu.enqueue_dma source(%dma_start3A_335 : memref<2x1x128xi32, #tpu.memory_space<hbm>>) target(%arg10 : memref<2x1x128xi32, #tpu.memory_space<vmem>>) target_semaphore(%run_scoped3A : memref<!tpu.dma_semaphore, #tpu.memory_space<semaphore_mem>>)
          %dma_wait3A_336 = arith.constant 0 : i32
          %dma_wait3A_337 = arith.constant 0 : i32
          %dma_wait3A_338 = arith.constant 0 : i32
          %dma_wait3A_339 = tpu.memref_slice %arg3[%add3A_317, %dma_wait3A_336, %dma_wait3A_337, %dma_wait3A_338] : memref<5088x2x1x128xi32, #tpu.memory_space<hbm>> -> memref<1x2x1x128xi32, #tpu.memory_space<hbm>>
          %dma_wait3A_340 = tpu.memref_squeeze %dma_wait3A_339 : memref<1x2x1x128xi32, #tpu.memory_space<hbm>> -> memref<2x1x128xi32, #tpu.memory_space<hbm>>
          %dma_wait3A_341 = arith.constant 0 : i32
          %dma_wait3A_342 = arith.constant 0 : i32
          %dma_wait3A_343 = arith.constant 0 : i32
          %dma_wait3A_344 = tpu.memref_slice %arg3[%add3A_317, %dma_wait3A_341, %dma_wait3A_342, %dma_wait3A_343] : memref<5088x2x1x128xi32, #tpu.memory_space<hbm>> -> memref<1x2x1x128xi32, #tpu.memory_space<hbm>>
          %dma_wait3A_345 = tpu.memref_squeeze %dma_wait3A_344 : memref<1x2x1x128xi32, #tpu.memory_space<hbm>> -> memref<2x1x128xi32, #tpu.memory_space<hbm>>
          tpu.wait_dma2 semaphore(%run_scoped3A : memref<!tpu.dma_semaphore, #tpu.memory_space<semaphore_mem>>) src(%dma_wait3A_345 : memref<2x1x128xi32, #tpu.memory_space<hbm>>) dst(%arg10 : memref<2x1x128xi32, #tpu.memory_space<vmem>>)
          tpu.yield
        }) : () -> ()
        %dma_start3A_318 = arith.constant 0 : i32
        %dma_start3A_319 = arith.constant 0 : i32
        %dma_start3A_320 = arith.constant 0 : i32
        %dma_start3A_321 = tpu.memref_slice %arg10[%dma_start3A_318, %dma_start3A_319, %dma_start3A_320] : memref<2x1x128xi32, #tpu.memory_space<vmem>> -> memref<1x1x128xi32, #tpu.memory_space<vmem>>
        %dma_start3A_322 = tpu.memref_squeeze %dma_start3A_321 : memref<1x1x128xi32, #tpu.memory_space<vmem>> -> memref<128xi32, #tpu.memory_space<vmem>>
        %dma_start3A_323 = arith.constant 0 : i32
        %dma_start3A_324 = arith.constant 0 : i32
        %dma_start3A_325 = tpu.memref_slice %arg2[%dma_start3A_323, %dma_start3A_324] : memref<20224x128xf32, #tpu.memory_space<hbm>> -> memref<20224x128xf32, #tpu.memory_space<hbm>>
        tpu.enqueue_indirect_dma source(%dma_start3A_325 : memref<20224x128xf32, #tpu.memory_space<hbm>>) target(%arg14 : memref<128x128xf32, #tpu.memory_space<vmem>>) offsets(%dma_start3A_322 : memref<128xi32, #tpu.memory_space<vmem>>) semaphore(%arg18 : memref<!tpu.dma_semaphore, #tpu.memory_space<semaphore_mem>>)
      } else {
      }
      %add3A_257 = arith.constant 1 : i32
      %add3A_258 = arith.addi %add3A_234, %add3A_257 : i32
      %dma_wait3A_259 = arith.constant 0 : i32
      %dma_wait3A_260 = arith.constant 0 : i32
      %dma_wait3A_261 = arith.constant 0 : i32
      %dma_wait3A_262 = tpu.memref_slice %arg9[%dma_wait3A_259, %dma_wait3A_260, %dma_wait3A_261] : memref<2x1x128xi32, #tpu.memory_space<vmem>> -> memref<1x1x128xi32, #tpu.memory_space<vmem>>
      %dma_wait3A_263 = tpu.memref_squeeze %dma_wait3A_262 : memref<1x1x128xi32, #tpu.memory_space<vmem>> -> memref<128xi32, #tpu.memory_space<vmem>>
      %dma_wait3A_264 = arith.constant 0 : i32
      %dma_wait3A_265 = arith.constant 0 : i32
      %dma_wait3A_266 = tpu.memref_slice %arg2[%dma_wait3A_264, %dma_wait3A_265] : memref<20224x128xf32, #tpu.memory_space<hbm>> -> memref<20224x128xf32, #tpu.memory_space<hbm>>
      tpu.wait_indirect_dma semaphore(%arg17 : memref<!tpu.dma_semaphore, #tpu.memory_space<semaphore_mem>>) src(%dma_wait3A_266 : memref<20224x128xf32, #tpu.memory_space<hbm>>) dst(%arg13 : memref<128x128xf32, #tpu.memory_space<vmem>>)
      %dma_start3A_267 = arith.constant 1 : i32
      %dma_start3A_268 = arith.constant 0 : i32
      %dma_start3A_269 = arith.constant 0 : i32
      %dma_start3A_270 = tpu.memref_slice %arg9[%dma_start3A_267, %dma_start3A_268, %dma_start3A_269] : memref<2x1x128xi32, #tpu.memory_space<vmem>> -> memref<1x1x128xi32, #tpu.memory_space<vmem>>
      %dma_start3A_271 = tpu.memref_squeeze %dma_start3A_270 : memref<1x1x128xi32, #tpu.memory_space<vmem>> -> memref<128xi32, #tpu.memory_space<vmem>>
      %dma_start3A_272 = arith.constant 0 : i32
      %dma_start3A_273 = arith.constant 0 : i32
      %dma_start3A_274 = tpu.memref_slice %arg15[%dma_start3A_272, %dma_start3A_273] : memref<10112x128xf32, #tpu.memory_space<vmem_shared>> -> memref<10112x128xf32, #tpu.memory_space<vmem_shared>>
      tpu.enqueue_indirect_dma source(%arg13 : memref<128x128xf32, #tpu.memory_space<vmem>>) target(%dma_start3A_274 : memref<10112x128xf32, #tpu.memory_space<vmem_shared>>) offsets(%dma_start3A_271 : memref<128xi32, #tpu.memory_space<vmem>>) semaphore(%arg20 : memref<!tpu.dma_semaphore, #tpu.memory_space<semaphore_mem>>) {add = true}
      %add3A_275 = arith.constant 2 : i32
      %add3A_276 = arith.addi %add3A_258, %add3A_275 : i32
      %lt3A_277 = arith.constant 159 : i32
      %lt3A_278 = arith.cmpi slt, %add3A_276, %lt3A_277 : i32
      %convert_element_type3A_279 = arith.extui %lt3A_278 : i1 to i32
      %cond3A_280 = arith.constant 0 : i32
      %cond3A_281 = arith.cmpi ne, %convert_element_type3A_279, %cond3A_280 : i32
      scf.if %cond3A_281 {
        %dma_wait3A_307 = arith.constant 1 : i32
        %dma_wait3A_308 = arith.constant 0 : i32
        %dma_wait3A_309 = arith.constant 0 : i32
        %dma_wait3A_310 = tpu.memref_slice %arg8[%dma_wait3A_307, %dma_wait3A_308, %dma_wait3A_309] : memref<2x1x128xi32, #tpu.memory_space<vmem>> -> memref<1x1x128xi32, #tpu.memory_space<vmem>>
        %dma_wait3A_311 = tpu.memref_squeeze %dma_wait3A_310 : memref<1x1x128xi32, #tpu.memory_space<vmem>> -> memref<128xi32, #tpu.memory_space<vmem>>
        %dma_wait3A_312 = arith.constant 0 : i32
        %dma_wait3A_313 = arith.constant 0 : i32
        %dma_wait3A_314 = tpu.memref_slice %arg15[%dma_wait3A_312, %dma_wait3A_313] : memref<10112x128xf32, #tpu.memory_space<vmem_shared>> -> memref<10112x128xf32, #tpu.memory_space<vmem_shared>>
        tpu.wait_indirect_dma semaphore(%arg19 : memref<!tpu.dma_semaphore, #tpu.memory_space<semaphore_mem>>) src(%arg12 : memref<128x128xf32, #tpu.memory_space<vmem>>) dst(%dma_wait3A_314 : memref<10112x128xf32, #tpu.memory_space<vmem_shared>>)
        %add3A_315 = arith.constant 2 : i32
        %add3A_316 = arith.addi %add3A_258, %add3A_315 : i32
        %add3A_317 = arith.addi %mul3A_8, %add3A_316 : i32
        "tpu.region"() ({
          %run_scoped3A = tpu.sem_alloc : memref<!tpu.dma_semaphore, #tpu.memory_space<semaphore_mem>>
          %dma_start3A_326 = arith.constant 0 : i32
          %dma_start3A_327 = arith.constant 0 : i32
          %dma_start3A_328 = arith.constant 0 : i32
          %dma_start3A_329 = tpu.memref_slice %arg3[%add3A_317, %dma_start3A_326, %dma_start3A_327, %dma_start3A_328] : memref<5088x2x1x128xi32, #tpu.memory_space<hbm>> -> memref<1x2x1x128xi32, #tpu.memory_space<hbm>>
          %dma_start3A_330 = tpu.memref_squeeze %dma_start3A_329 : memref<1x2x1x128xi32, #tpu.memory_space<hbm>> -> memref<2x1x128xi32, #tpu.memory_space<hbm>>
          %dma_start3A_331 = arith.constant 0 : i32
          %dma_start3A_332 = arith.constant 0 : i32
          %dma_start3A_333 = arith.constant 0 : i32
          %dma_start3A_334 = tpu.memref_slice %arg3[%add3A_317, %dma_start3A_331, %dma_start3A_332, %dma_start3A_333] : memref<5088x2x1x128xi32, #tpu.memory_space<hbm>> -> memref<1x2x1x128xi32, #tpu.memory_space<hbm>>
          %dma_start3A_335 = tpu.memref_squeeze %dma_start3A_334 : memref<1x2x1x128xi32, #tpu.memory_space<hbm>> -> memref<2x1x128xi32, #tpu.memory_space<hbm>>
          tpu.enqueue_dma source(%dma_start3A_335 : memref<2x1x128xi32, #tpu.memory_space<hbm>>) target(%arg8 : memref<2x1x128xi32, #tpu.memory_space<vmem>>) target_semaphore(%run_scoped3A : memref<!tpu.dma_semaphore, #tpu.memory_space<semaphore_mem>>)
          %dma_wait3A_336 = arith.constant 0 : i32
          %dma_wait3A_337 = arith.constant 0 : i32
          %dma_wait3A_338 = arith.constant 0 : i32
          %dma_wait3A_339 = tpu.memref_slice %arg3[%add3A_317, %dma_wait3A_336, %dma_wait3A_337, %dma_wait3A_338] : memref<5088x2x1x128xi32, #tpu.memory_space<hbm>> -> memref<1x2x1x128xi32, #tpu.memory_space<hbm>>
          %dma_wait3A_340 = tpu.memref_squeeze %dma_wait3A_339 : memref<1x2x1x128xi32, #tpu.memory_space<hbm>> -> memref<2x1x128xi32, #tpu.memory_space<hbm>>
          %dma_wait3A_341 = arith.constant 0 : i32
          %dma_wait3A_342 = arith.constant 0 : i32
          %dma_wait3A_343 = arith.constant 0 : i32
          %dma_wait3A_344 = tpu.memref_slice %arg3[%add3A_317, %dma_wait3A_341, %dma_wait3A_342, %dma_wait3A_343] : memref<5088x2x1x128xi32, #tpu.memory_space<hbm>> -> memref<1x2x1x128xi32, #tpu.memory_space<hbm>>
          %dma_wait3A_345 = tpu.memref_squeeze %dma_wait3A_344 : memref<1x2x1x128xi32, #tpu.memory_space<hbm>> -> memref<2x1x128xi32, #tpu.memory_space<hbm>>
          tpu.wait_dma2 semaphore(%run_scoped3A : memref<!tpu.dma_semaphore, #tpu.memory_space<semaphore_mem>>) src(%dma_wait3A_345 : memref<2x1x128xi32, #tpu.memory_space<hbm>>) dst(%arg8 : memref<2x1x128xi32, #tpu.memory_space<vmem>>)
          tpu.yield
        }) : () -> ()
        %dma_start3A_318 = arith.constant 0 : i32
        %dma_start3A_319 = arith.constant 0 : i32
        %dma_start3A_320 = arith.constant 0 : i32
        %dma_start3A_321 = tpu.memref_slice %arg8[%dma_start3A_318, %dma_start3A_319, %dma_start3A_320] : memref<2x1x128xi32, #tpu.memory_space<vmem>> -> memref<1x1x128xi32, #tpu.memory_space<vmem>>
        %dma_start3A_322 = tpu.memref_squeeze %dma_start3A_321 : memref<1x1x128xi32, #tpu.memory_space<vmem>> -> memref<128xi32, #tpu.memory_space<vmem>>
        %dma_start3A_323 = arith.constant 0 : i32
        %dma_start3A_324 = arith.constant 0 : i32
        %dma_start3A_325 = tpu.memref_slice %arg2[%dma_start3A_323, %dma_start3A_324] : memref<20224x128xf32, #tpu.memory_space<hbm>> -> memref<20224x128xf32, #tpu.memory_space<hbm>>
        tpu.enqueue_indirect_dma source(%dma_start3A_325 : memref<20224x128xf32, #tpu.memory_space<hbm>>) target(%arg12 : memref<128x128xf32, #tpu.memory_space<vmem>>) offsets(%dma_start3A_322 : memref<128xi32, #tpu.memory_space<vmem>>) semaphore(%arg16 : memref<!tpu.dma_semaphore, #tpu.memory_space<semaphore_mem>>)
      } else {
      }
      %add3A_282 = arith.constant 2 : i32
      %add3A_283 = arith.addi %add3A_234, %add3A_282 : i32
      %dma_wait3A_284 = arith.constant 0 : i32
      %dma_wait3A_285 = arith.constant 0 : i32
      %dma_wait3A_286 = arith.constant 0 : i32
      %dma_wait3A_287 = tpu.memref_slice %arg10[%dma_wait3A_284, %dma_wait3A_285, %dma_wait3A_286] : memref<2x1x128xi32, #tpu.memory_space<vmem>> -> memref<1x1x128xi32, #tpu.memory_space<vmem>>
      %dma_wait3A_288 = tpu.memref_squeeze %dma_wait3A_287 : memref<1x1x128xi32, #tpu.memory_space<vmem>> -> memref<128xi32, #tpu.memory_space<vmem>>
      %dma_wait3A_289 = arith.constant 0 : i32
      %dma_wait3A_290 = arith.constant 0 : i32
      %dma_wait3A_291 = tpu.memref_slice %arg2[%dma_wait3A_289, %dma_wait3A_290] : memref<20224x128xf32, #tpu.memory_space<hbm>> -> memref<20224x128xf32, #tpu.memory_space<hbm>>
      tpu.wait_indirect_dma semaphore(%arg18 : memref<!tpu.dma_semaphore, #tpu.memory_space<semaphore_mem>>) src(%dma_wait3A_291 : memref<20224x128xf32, #tpu.memory_space<hbm>>) dst(%arg14 : memref<128x128xf32, #tpu.memory_space<vmem>>)
      %dma_start3A_292 = arith.constant 1 : i32
      %dma_start3A_293 = arith.constant 0 : i32
      %dma_start3A_294 = arith.constant 0 : i32
      %dma_start3A_295 = tpu.memref_slice %arg10[%dma_start3A_292, %dma_start3A_293, %dma_start3A_294] : memref<2x1x128xi32, #tpu.memory_space<vmem>> -> memref<1x1x128xi32, #tpu.memory_space<vmem>>
      %dma_start3A_296 = tpu.memref_squeeze %dma_start3A_295 : memref<1x1x128xi32, #tpu.memory_space<vmem>> -> memref<128xi32, #tpu.memory_space<vmem>>
      %dma_start3A_297 = arith.constant 0 : i32
      %dma_start3A_298 = arith.constant 0 : i32
      %dma_start3A_299 = tpu.memref_slice %arg15[%dma_start3A_297, %dma_start3A_298] : memref<10112x128xf32, #tpu.memory_space<vmem_shared>> -> memref<10112x128xf32, #tpu.memory_space<vmem_shared>>
      tpu.enqueue_indirect_dma source(%arg14 : memref<128x128xf32, #tpu.memory_space<vmem>>) target(%dma_start3A_299 : memref<10112x128xf32, #tpu.memory_space<vmem_shared>>) offsets(%dma_start3A_296 : memref<128xi32, #tpu.memory_space<vmem>>) semaphore(%arg21 : memref<!tpu.dma_semaphore, #tpu.memory_space<semaphore_mem>>) {add = true}
      %add3A_300 = arith.constant 2 : i32
      %add3A_301 = arith.addi %add3A_283, %add3A_300 : i32
      %lt3A_302 = arith.constant 159 : i32
      %lt3A_303 = arith.cmpi slt, %add3A_301, %lt3A_302 : i32
      %convert_element_type3A_304 = arith.extui %lt3A_303 : i1 to i32
      %cond3A_305 = arith.constant 0 : i32
      %cond3A_306 = arith.cmpi ne, %convert_element_type3A_304, %cond3A_305 : i32
      scf.if %cond3A_306 {
        %dma_wait3A_307 = arith.constant 1 : i32
        %dma_wait3A_308 = arith.constant 0 : i32
        %dma_wait3A_309 = arith.constant 0 : i32
        %dma_wait3A_310 = tpu.memref_slice %arg9[%dma_wait3A_307, %dma_wait3A_308, %dma_wait3A_309] : memref<2x1x128xi32, #tpu.memory_space<vmem>> -> memref<1x1x128xi32, #tpu.memory_space<vmem>>
        %dma_wait3A_311 = tpu.memref_squeeze %dma_wait3A_310 : memref<1x1x128xi32, #tpu.memory_space<vmem>> -> memref<128xi32, #tpu.memory_space<vmem>>
        %dma_wait3A_312 = arith.constant 0 : i32
        %dma_wait3A_313 = arith.constant 0 : i32
        %dma_wait3A_314 = tpu.memref_slice %arg15[%dma_wait3A_312, %dma_wait3A_313] : memref<10112x128xf32, #tpu.memory_space<vmem_shared>> -> memref<10112x128xf32, #tpu.memory_space<vmem_shared>>
        tpu.wait_indirect_dma semaphore(%arg20 : memref<!tpu.dma_semaphore, #tpu.memory_space<semaphore_mem>>) src(%arg13 : memref<128x128xf32, #tpu.memory_space<vmem>>) dst(%dma_wait3A_314 : memref<10112x128xf32, #tpu.memory_space<vmem_shared>>)
        %add3A_315 = arith.constant 2 : i32
        %add3A_316 = arith.addi %add3A_283, %add3A_315 : i32
        %add3A_317 = arith.addi %mul3A_8, %add3A_316 : i32
        "tpu.region"() ({
          %run_scoped3A = tpu.sem_alloc : memref<!tpu.dma_semaphore, #tpu.memory_space<semaphore_mem>>
          %dma_start3A_326 = arith.constant 0 : i32
          %dma_start3A_327 = arith.constant 0 : i32
          %dma_start3A_328 = arith.constant 0 : i32
          %dma_start3A_329 = tpu.memref_slice %arg3[%add3A_317, %dma_start3A_326, %dma_start3A_327, %dma_start3A_328] : memref<5088x2x1x128xi32, #tpu.memory_space<hbm>> -> memref<1x2x1x128xi32, #tpu.memory_space<hbm>>
          %dma_start3A_330 = tpu.memref_squeeze %dma_start3A_329 : memref<1x2x1x128xi32, #tpu.memory_space<hbm>> -> memref<2x1x128xi32, #tpu.memory_space<hbm>>
          %dma_start3A_331 = arith.constant 0 : i32
          %dma_start3A_332 = arith.constant 0 : i32
          %dma_start3A_333 = arith.constant 0 : i32
          %dma_start3A_334 = tpu.memref_slice %arg3[%add3A_317, %dma_start3A_331, %dma_start3A_332, %dma_start3A_333] : memref<5088x2x1x128xi32, #tpu.memory_space<hbm>> -> memref<1x2x1x128xi32, #tpu.memory_space<hbm>>
          %dma_start3A_335 = tpu.memref_squeeze %dma_start3A_334 : memref<1x2x1x128xi32, #tpu.memory_space<hbm>> -> memref<2x1x128xi32, #tpu.memory_space<hbm>>
          tpu.enqueue_dma source(%dma_start3A_335 : memref<2x1x128xi32, #tpu.memory_space<hbm>>) target(%arg9 : memref<2x1x128xi32, #tpu.memory_space<vmem>>) target_semaphore(%run_scoped3A : memref<!tpu.dma_semaphore, #tpu.memory_space<semaphore_mem>>)
          %dma_wait3A_336 = arith.constant 0 : i32
          %dma_wait3A_337 = arith.constant 0 : i32
          %dma_wait3A_338 = arith.constant 0 : i32
          %dma_wait3A_339 = tpu.memref_slice %arg3[%add3A_317, %dma_wait3A_336, %dma_wait3A_337, %dma_wait3A_338] : memref<5088x2x1x128xi32, #tpu.memory_space<hbm>> -> memref<1x2x1x128xi32, #tpu.memory_space<hbm>>
          %dma_wait3A_340 = tpu.memref_squeeze %dma_wait3A_339 : memref<1x2x1x128xi32, #tpu.memory_space<hbm>> -> memref<2x1x128xi32, #tpu.memory_space<hbm>>
          %dma_wait3A_341 = arith.constant 0 : i32
          %dma_wait3A_342 = arith.constant 0 : i32
          %dma_wait3A_343 = arith.constant 0 : i32
          %dma_wait3A_344 = tpu.memref_slice %arg3[%add3A_317, %dma_wait3A_341, %dma_wait3A_342, %dma_wait3A_343] : memref<5088x2x1x128xi32, #tpu.memory_space<hbm>> -> memref<1x2x1x128xi32, #tpu.memory_space<hbm>>
          %dma_wait3A_345 = tpu.memref_squeeze %dma_wait3A_344 : memref<1x2x1x128xi32, #tpu.memory_space<hbm>> -> memref<2x1x128xi32, #tpu.memory_space<hbm>>
          tpu.wait_dma2 semaphore(%run_scoped3A : memref<!tpu.dma_semaphore, #tpu.memory_space<semaphore_mem>>) src(%dma_wait3A_345 : memref<2x1x128xi32, #tpu.memory_space<hbm>>) dst(%arg9 : memref<2x1x128xi32, #tpu.memory_space<vmem>>)
          tpu.yield
        }) : () -> ()
        %dma_start3A_318 = arith.constant 0 : i32
        %dma_start3A_319 = arith.constant 0 : i32
        %dma_start3A_320 = arith.constant 0 : i32
        %dma_start3A_321 = tpu.memref_slice %arg9[%dma_start3A_318, %dma_start3A_319, %dma_start3A_320] : memref<2x1x128xi32, #tpu.memory_space<vmem>> -> memref<1x1x128xi32, #tpu.memory_space<vmem>>
        %dma_start3A_322 = tpu.memref_squeeze %dma_start3A_321 : memref<1x1x128xi32, #tpu.memory_space<vmem>> -> memref<128xi32, #tpu.memory_space<vmem>>
        %dma_start3A_323 = arith.constant 0 : i32
        %dma_start3A_324 = arith.constant 0 : i32
        %dma_start3A_325 = tpu.memref_slice %arg2[%dma_start3A_323, %dma_start3A_324] : memref<20224x128xf32, #tpu.memory_space<hbm>> -> memref<20224x128xf32, #tpu.memory_space<hbm>>
        tpu.enqueue_indirect_dma source(%dma_start3A_325 : memref<20224x128xf32, #tpu.memory_space<hbm>>) target(%arg13 : memref<128x128xf32, #tpu.memory_space<vmem>>) offsets(%dma_start3A_322 : memref<128xi32, #tpu.memory_space<vmem>>) semaphore(%arg17 : memref<!tpu.dma_semaphore, #tpu.memory_space<semaphore_mem>>)
      } else {
      }
    }
    %scan3A_125 = arith.constant 52 : i32
    %dma_wait3A_126 = arith.constant 1 : i32
    %dma_wait3A_127 = arith.constant 0 : i32
    %dma_wait3A_128 = arith.constant 0 : i32
    %dma_wait3A_129 = tpu.memref_slice %arg8[%dma_wait3A_126, %dma_wait3A_127, %dma_wait3A_128] : memref<2x1x128xi32, #tpu.memory_space<vmem>> -> memref<1x1x128xi32, #tpu.memory_space<vmem>>
    %dma_wait3A_130 = tpu.memref_squeeze %dma_wait3A_129 : memref<1x1x128xi32, #tpu.memory_space<vmem>> -> memref<128xi32, #tpu.memory_space<vmem>>
    %dma_wait3A_131 = arith.constant 0 : i32
    %dma_wait3A_132 = arith.constant 0 : i32
    %dma_wait3A_133 = tpu.memref_slice %arg15[%dma_wait3A_131, %dma_wait3A_132] : memref<10112x128xf32, #tpu.memory_space<vmem_shared>> -> memref<10112x128xf32, #tpu.memory_space<vmem_shared>>
    tpu.wait_indirect_dma semaphore(%arg19 : memref<!tpu.dma_semaphore, #tpu.memory_space<semaphore_mem>>) src(%arg12 : memref<128x128xf32, #tpu.memory_space<vmem>>) dst(%dma_wait3A_133 : memref<10112x128xf32, #tpu.memory_space<vmem_shared>>)
    %dma_wait3A_134 = arith.constant 1 : i32
    %dma_wait3A_135 = arith.constant 0 : i32
    %dma_wait3A_136 = arith.constant 0 : i32
    %dma_wait3A_137 = tpu.memref_slice %arg9[%dma_wait3A_134, %dma_wait3A_135, %dma_wait3A_136] : memref<2x1x128xi32, #tpu.memory_space<vmem>> -> memref<1x1x128xi32, #tpu.memory_space<vmem>>
    %dma_wait3A_138 = tpu.memref_squeeze %dma_wait3A_137 : memref<1x1x128xi32, #tpu.memory_space<vmem>> -> memref<128xi32, #tpu.memory_space<vmem>>
    %dma_wait3A_139 = arith.constant 0 : i32
    %dma_wait3A_140 = arith.constant 0 : i32
    %dma_wait3A_141 = tpu.memref_slice %arg15[%dma_wait3A_139, %dma_wait3A_140] : memref<10112x128xf32, #tpu.memory_space<vmem_shared>> -> memref<10112x128xf32, #tpu.memory_space<vmem_shared>>
    tpu.wait_indirect_dma semaphore(%arg20 : memref<!tpu.dma_semaphore, #tpu.memory_space<semaphore_mem>>) src(%arg13 : memref<128x128xf32, #tpu.memory_space<vmem>>) dst(%dma_wait3A_141 : memref<10112x128xf32, #tpu.memory_space<vmem_shared>>)
    %dma_wait3A_142 = arith.constant 1 : i32
    %dma_wait3A_143 = arith.constant 0 : i32
    %dma_wait3A_144 = arith.constant 0 : i32
    %dma_wait3A_145 = tpu.memref_slice %arg10[%dma_wait3A_142, %dma_wait3A_143, %dma_wait3A_144] : memref<2x1x128xi32, #tpu.memory_space<vmem>> -> memref<1x1x128xi32, #tpu.memory_space<vmem>>
    %dma_wait3A_146 = tpu.memref_squeeze %dma_wait3A_145 : memref<1x1x128xi32, #tpu.memory_space<vmem>> -> memref<128xi32, #tpu.memory_space<vmem>>
    %dma_wait3A_147 = arith.constant 0 : i32
    %dma_wait3A_148 = arith.constant 0 : i32
    %dma_wait3A_149 = tpu.memref_slice %arg15[%dma_wait3A_147, %dma_wait3A_148] : memref<10112x128xf32, #tpu.memory_space<vmem_shared>> -> memref<10112x128xf32, #tpu.memory_space<vmem_shared>>
    tpu.wait_indirect_dma semaphore(%arg21 : memref<!tpu.dma_semaphore, #tpu.memory_space<semaphore_mem>>) src(%arg14 : memref<128x128xf32, #tpu.memory_space<vmem>>) dst(%dma_wait3A_149 : memref<10112x128xf32, #tpu.memory_space<vmem_shared>>)
    %barrier3A_150 = arith.constant 0 : index
    tpu.barrier barrier_id(%barrier3A_150)
    %mul3A_151 = arith.constant 5 : i32
    %mul3A_152 = arith.muli %arg1, %mul3A_151 : i32
    %add3A_153 = arith.constant 0 : i32
    %add3A_154 = arith.addi %mul3A_152, %add3A_153 : i32
    "tpu.region"() ({
      %run_scoped3A = tpu.sem_alloc : memref<!tpu.dma_semaphore, #tpu.memory_space<semaphore_mem>>
      %dma_start3A_226 = arith.constant 0 : i32
      %dma_start3A_227 = tpu.memref_slice %arg6[%add3A_154, %dma_start3A_226] : memref<80x128xi32, #tpu.memory_space<hbm>> -> memref<1x128xi32, #tpu.memory_space<hbm>>
      %dma_start3A_228 = tpu.memref_squeeze %dma_start3A_227 : memref<1x128xi32, #tpu.memory_space<hbm>> -> memref<128xi32, #tpu.memory_space<hbm>>
      %dma_start3A_229 = arith.constant 0 : i32
      %dma_start3A_230 = tpu.memref_slice %arg6[%add3A_154, %dma_start3A_229] : memref<80x128xi32, #tpu.memory_space<hbm>> -> memref<1x128xi32, #tpu.memory_space<hbm>>
      %dma_start3A_231 = tpu.memref_squeeze %dma_start3A_230 : memref<1x128xi32, #tpu.memory_space<hbm>> -> memref<128xi32, #tpu.memory_space<hbm>>
      tpu.enqueue_dma source(%dma_start3A_231 : memref<128xi32, #tpu.memory_space<hbm>>) target(%arg11 : memref<128xi32, #tpu.memory_space<vmem>>) target_semaphore(%run_scoped3A : memref<!tpu.dma_semaphore, #tpu.memory_space<semaphore_mem>>)
      %dma_wait3A_232 = arith.constant 0 : i32
      %dma_wait3A_233 = tpu.memref_slice %arg6[%add3A_154, %dma_wait3A_232] : memref<80x128xi32, #tpu.memory_space<hbm>> -> memref<1x128xi32, #tpu.memory_space<hbm>>
      %dma_wait3A_234 = tpu.memref_squeeze %dma_wait3A_233 : memref<1x128xi32, #tpu.memory_space<hbm>> -> memref<128xi32, #tpu.memory_space<hbm>>
      %dma_wait3A_235 = arith.constant 0 : i32
      %dma_wait3A_236 = tpu.memref_slice %arg6[%add3A_154, %dma_wait3A_235] : memref<80x128xi32, #tpu.memory_space<hbm>> -> memref<1x128xi32, #tpu.memory_space<hbm>>
      %dma_wait3A_237 = tpu.memref_squeeze %dma_wait3A_236 : memref<1x128xi32, #tpu.memory_space<hbm>> -> memref<128xi32, #tpu.memory_space<hbm>>
      tpu.wait_dma2 semaphore(%run_scoped3A : memref<!tpu.dma_semaphore, #tpu.memory_space<semaphore_mem>>) src(%dma_wait3A_237 : memref<128xi32, #tpu.memory_space<hbm>>) dst(%arg11 : memref<128xi32, #tpu.memory_space<vmem>>)
      tpu.yield
    }) : () -> ()
    %dma_start3A_155 = arith.constant 0 : i32
    %dma_start3A_156 = arith.constant 0 : i32
    %dma_start3A_157 = tpu.memref_slice %arg15[%dma_start3A_155, %dma_start3A_156] : memref<10112x128xf32, #tpu.memory_space<vmem_shared>> -> memref<10112x128xf32, #tpu.memory_space<vmem_shared>>
    tpu.enqueue_indirect_dma source(%dma_start3A_157 : memref<10112x128xf32, #tpu.memory_space<vmem_shared>>) target(%arg14 : memref<128x128xf32, #tpu.memory_space<vmem>>) offsets(%arg11 : memref<128xi32, #tpu.memory_space<vmem>>) semaphore(%arg16 : memref<!tpu.dma_semaphore, #tpu.memory_space<semaphore_mem>>)
    %dma_wait3A_158 = arith.constant 0 : i32
    %dma_wait3A_159 = arith.constant 0 : i32
    %dma_wait3A_160 = tpu.memref_slice %arg15[%dma_wait3A_158, %dma_wait3A_159] : memref<10112x128xf32, #tpu.memory_space<vmem_shared>> -> memref<10112x128xf32, #tpu.memory_space<vmem_shared>>
    tpu.wait_indirect_dma semaphore(%arg16 : memref<!tpu.dma_semaphore, #tpu.memory_space<semaphore_mem>>) src(%dma_wait3A_160 : memref<10112x128xf32, #tpu.memory_space<vmem_shared>>) dst(%arg14 : memref<128x128xf32, #tpu.memory_space<vmem>>)
    %mul3A_161 = arith.constant 10112 : i32
    %mul3A_162 = arith.muli %arg0, %mul3A_161 : i32
    %add3A_163 = arith.addi %mul3A_162, %mul3A_0 : i32
    %add3A_164 = arith.constant 0 : i32
    %add3A_165 = arith.addi %add3A_163, %add3A_164 : i32
    "tpu.region"() ({
      %run_scoped3A = tpu.sem_alloc : memref<!tpu.dma_semaphore, #tpu.memory_space<semaphore_mem>>
      %dma_start3A_226 = arith.constant 0 : i32
      %dma_start3A_227 = tpu.memref_slice %arg7[%add3A_165, %dma_start3A_226] : memref<20224x128xf32, #tpu.memory_space<hbm>> -> memref<128x128xf32, #tpu.memory_space<hbm>>
      %dma_start3A_228 = arith.constant 0 : i32
      %dma_start3A_229 = tpu.memref_slice %arg7[%add3A_165, %dma_start3A_228] : memref<20224x128xf32, #tpu.memory_space<hbm>> -> memref<128x128xf32, #tpu.memory_space<hbm>>
      tpu.enqueue_dma source(%arg14 : memref<128x128xf32, #tpu.memory_space<vmem>>) target(%dma_start3A_229 : memref<128x128xf32, #tpu.memory_space<hbm>>) target_semaphore(%run_scoped3A : memref<!tpu.dma_semaphore, #tpu.memory_space<semaphore_mem>>)
      %dma_wait3A_230 = arith.constant 0 : i32
      %dma_wait3A_231 = tpu.memref_slice %arg7[%add3A_165, %dma_wait3A_230] : memref<20224x128xf32, #tpu.memory_space<hbm>> -> memref<128x128xf32, #tpu.memory_space<hbm>>
      %dma_wait3A_232 = arith.constant 0 : i32
      %dma_wait3A_233 = tpu.memref_slice %arg7[%add3A_165, %dma_wait3A_232] : memref<20224x128xf32, #tpu.memory_space<hbm>> -> memref<128x128xf32, #tpu.memory_space<hbm>>
      tpu.wait_dma2 semaphore(%run_scoped3A : memref<!tpu.dma_semaphore, #tpu.memory_space<semaphore_mem>>) src(%arg14 : memref<128x128xf32, #tpu.memory_space<vmem>>) dst(%dma_wait3A_233 : memref<128x128xf32, #tpu.memory_space<hbm>>)
      tpu.yield
    }) : () -> ()
    %mul3A_166 = arith.constant 5 : i32
    %mul3A_167 = arith.muli %arg1, %mul3A_166 : i32
    %add3A_168 = arith.constant 1 : i32
    %add3A_169 = arith.addi %mul3A_167, %add3A_168 : i32
    "tpu.region"() ({
      %run_scoped3A = tpu.sem_alloc : memref<!tpu.dma_semaphore, #tpu.memory_space<semaphore_mem>>
      %dma_start3A_226 = arith.constant 0 : i32
      %dma_start3A_227 = tpu.memref_slice %arg6[%add3A_169, %dma_start3A_226] : memref<80x128xi32, #tpu.memory_space<hbm>> -> memref<1x128xi32, #tpu.memory_space<hbm>>
      %dma_start3A_228 = tpu.memref_squeeze %dma_start3A_227 : memref<1x128xi32, #tpu.memory_space<hbm>> -> memref<128xi32, #tpu.memory_space<hbm>>
      %dma_start3A_229 = arith.constant 0 : i32
      %dma_start3A_230 = tpu.memref_slice %arg6[%add3A_169, %dma_start3A_229] : memref<80x128xi32, #tpu.memory_space<hbm>> -> memref<1x128xi32, #tpu.memory_space<hbm>>
      %dma_start3A_231 = tpu.memref_squeeze %dma_start3A_230 : memref<1x128xi32, #tpu.memory_space<hbm>> -> memref<128xi32, #tpu.memory_space<hbm>>
      tpu.enqueue_dma source(%dma_start3A_231 : memref<128xi32, #tpu.memory_space<hbm>>) target(%arg11 : memref<128xi32, #tpu.memory_space<vmem>>) target_semaphore(%run_scoped3A : memref<!tpu.dma_semaphore, #tpu.memory_space<semaphore_mem>>)
      %dma_wait3A_232 = arith.constant 0 : i32
      %dma_wait3A_233 = tpu.memref_slice %arg6[%add3A_169, %dma_wait3A_232] : memref<80x128xi32, #tpu.memory_space<hbm>> -> memref<1x128xi32, #tpu.memory_space<hbm>>
      %dma_wait3A_234 = tpu.memref_squeeze %dma_wait3A_233 : memref<1x128xi32, #tpu.memory_space<hbm>> -> memref<128xi32, #tpu.memory_space<hbm>>
      %dma_wait3A_235 = arith.constant 0 : i32
      %dma_wait3A_236 = tpu.memref_slice %arg6[%add3A_169, %dma_wait3A_235] : memref<80x128xi32, #tpu.memory_space<hbm>> -> memref<1x128xi32, #tpu.memory_space<hbm>>
      %dma_wait3A_237 = tpu.memref_squeeze %dma_wait3A_236 : memref<1x128xi32, #tpu.memory_space<hbm>> -> memref<128xi32, #tpu.memory_space<hbm>>
      tpu.wait_dma2 semaphore(%run_scoped3A : memref<!tpu.dma_semaphore, #tpu.memory_space<semaphore_mem>>) src(%dma_wait3A_237 : memref<128xi32, #tpu.memory_space<hbm>>) dst(%arg11 : memref<128xi32, #tpu.memory_space<vmem>>)
      tpu.yield
    }) : () -> ()
    %dma_start3A_170 = arith.constant 0 : i32
    %dma_start3A_171 = arith.constant 0 : i32
    %dma_start3A_172 = tpu.memref_slice %arg15[%dma_start3A_170, %dma_start3A_171] : memref<10112x128xf32, #tpu.memory_space<vmem_shared>> -> memref<10112x128xf32, #tpu.memory_space<vmem_shared>>
    tpu.enqueue_indirect_dma source(%dma_start3A_172 : memref<10112x128xf32, #tpu.memory_space<vmem_shared>>) target(%arg14 : memref<128x128xf32, #tpu.memory_space<vmem>>) offsets(%arg11 : memref<128xi32, #tpu.memory_space<vmem>>) semaphore(%arg16 : memref<!tpu.dma_semaphore, #tpu.memory_space<semaphore_mem>>)
    %dma_wait3A_173 = arith.constant 0 : i32
    %dma_wait3A_174 = arith.constant 0 : i32
    %dma_wait3A_175 = tpu.memref_slice %arg15[%dma_wait3A_173, %dma_wait3A_174] : memref<10112x128xf32, #tpu.memory_space<vmem_shared>> -> memref<10112x128xf32, #tpu.memory_space<vmem_shared>>
    tpu.wait_indirect_dma semaphore(%arg16 : memref<!tpu.dma_semaphore, #tpu.memory_space<semaphore_mem>>) src(%dma_wait3A_175 : memref<10112x128xf32, #tpu.memory_space<vmem_shared>>) dst(%arg14 : memref<128x128xf32, #tpu.memory_space<vmem>>)
    %mul3A_176 = arith.constant 10112 : i32
    %mul3A_177 = arith.muli %arg0, %mul3A_176 : i32
    %add3A_178 = arith.addi %mul3A_177, %mul3A_0 : i32
    %add3A_179 = arith.constant 128 : i32
    %add3A_180 = arith.addi %add3A_178, %add3A_179 : i32
    "tpu.region"() ({
      %run_scoped3A = tpu.sem_alloc : memref<!tpu.dma_semaphore, #tpu.memory_space<semaphore_mem>>
      %dma_start3A_226 = arith.constant 0 : i32
      %dma_start3A_227 = tpu.memref_slice %arg7[%add3A_180, %dma_start3A_226] : memref<20224x128xf32, #tpu.memory_space<hbm>> -> memref<128x128xf32, #tpu.memory_space<hbm>>
      %dma_start3A_228 = arith.constant 0 : i32
      %dma_start3A_229 = tpu.memref_slice %arg7[%add3A_180, %dma_start3A_228] : memref<20224x128xf32, #tpu.memory_space<hbm>> -> memref<128x128xf32, #tpu.memory_space<hbm>>
      tpu.enqueue_dma source(%arg14 : memref<128x128xf32, #tpu.memory_space<vmem>>) target(%dma_start3A_229 : memref<128x128xf32, #tpu.memory_space<hbm>>) target_semaphore(%run_scoped3A : memref<!tpu.dma_semaphore, #tpu.memory_space<semaphore_mem>>)
      %dma_wait3A_230 = arith.constant 0 : i32
      %dma_wait3A_231 = tpu.memref_slice %arg7[%add3A_180, %dma_wait3A_230] : memref<20224x128xf32, #tpu.memory_space<hbm>> -> memref<128x128xf32, #tpu.memory_space<hbm>>
      %dma_wait3A_232 = arith.constant 0 : i32
      %dma_wait3A_233 = tpu.memref_slice %arg7[%add3A_180, %dma_wait3A_232] : memref<20224x128xf32, #tpu.memory_space<hbm>> -> memref<128x128xf32, #tpu.memory_space<hbm>>
      tpu.wait_dma2 semaphore(%run_scoped3A : memref<!tpu.dma_semaphore, #tpu.memory_space<semaphore_mem>>) src(%arg14 : memref<128x128xf32, #tpu.memory_space<vmem>>) dst(%dma_wait3A_233 : memref<128x128xf32, #tpu.memory_space<hbm>>)
      tpu.yield
    }) : () -> ()
    %mul3A_181 = arith.constant 5 : i32
    %mul3A_182 = arith.muli %arg1, %mul3A_181 : i32
    %add3A_183 = arith.constant 2 : i32
    %add3A_184 = arith.addi %mul3A_182, %add3A_183 : i32
    "tpu.region"() ({
      %run_scoped3A = tpu.sem_alloc : memref<!tpu.dma_semaphore, #tpu.memory_space<semaphore_mem>>
      %dma_start3A_226 = arith.constant 0 : i32
      %dma_start3A_227 = tpu.memref_slice %arg6[%add3A_184, %dma_start3A_226] : memref<80x128xi32, #tpu.memory_space<hbm>> -> memref<1x128xi32, #tpu.memory_space<hbm>>
      %dma_start3A_228 = tpu.memref_squeeze %dma_start3A_227 : memref<1x128xi32, #tpu.memory_space<hbm>> -> memref<128xi32, #tpu.memory_space<hbm>>
      %dma_start3A_229 = arith.constant 0 : i32
      %dma_start3A_230 = tpu.memref_slice %arg6[%add3A_184, %dma_start3A_229] : memref<80x128xi32, #tpu.memory_space<hbm>> -> memref<1x128xi32, #tpu.memory_space<hbm>>
      %dma_start3A_231 = tpu.memref_squeeze %dma_start3A_230 : memref<1x128xi32, #tpu.memory_space<hbm>> -> memref<128xi32, #tpu.memory_space<hbm>>
      tpu.enqueue_dma source(%dma_start3A_231 : memref<128xi32, #tpu.memory_space<hbm>>) target(%arg11 : memref<128xi32, #tpu.memory_space<vmem>>) target_semaphore(%run_scoped3A : memref<!tpu.dma_semaphore, #tpu.memory_space<semaphore_mem>>)
      %dma_wait3A_232 = arith.constant 0 : i32
      %dma_wait3A_233 = tpu.memref_slice %arg6[%add3A_184, %dma_wait3A_232] : memref<80x128xi32, #tpu.memory_space<hbm>> -> memref<1x128xi32, #tpu.memory_space<hbm>>
      %dma_wait3A_234 = tpu.memref_squeeze %dma_wait3A_233 : memref<1x128xi32, #tpu.memory_space<hbm>> -> memref<128xi32, #tpu.memory_space<hbm>>
      %dma_wait3A_235 = arith.constant 0 : i32
      %dma_wait3A_236 = tpu.memref_slice %arg6[%add3A_184, %dma_wait3A_235] : memref<80x128xi32, #tpu.memory_space<hbm>> -> memref<1x128xi32, #tpu.memory_space<hbm>>
      %dma_wait3A_237 = tpu.memref_squeeze %dma_wait3A_236 : memref<1x128xi32, #tpu.memory_space<hbm>> -> memref<128xi32, #tpu.memory_space<hbm>>
      tpu.wait_dma2 semaphore(%run_scoped3A : memref<!tpu.dma_semaphore, #tpu.memory_space<semaphore_mem>>) src(%dma_wait3A_237 : memref<128xi32, #tpu.memory_space<hbm>>) dst(%arg11 : memref<128xi32, #tpu.memory_space<vmem>>)
      tpu.yield
    }) : () -> ()
    %dma_start3A_185 = arith.constant 0 : i32
    %dma_start3A_186 = arith.constant 0 : i32
    %dma_start3A_187 = tpu.memref_slice %arg15[%dma_start3A_185, %dma_start3A_186] : memref<10112x128xf32, #tpu.memory_space<vmem_shared>> -> memref<10112x128xf32, #tpu.memory_space<vmem_shared>>
    tpu.enqueue_indirect_dma source(%dma_start3A_187 : memref<10112x128xf32, #tpu.memory_space<vmem_shared>>) target(%arg14 : memref<128x128xf32, #tpu.memory_space<vmem>>) offsets(%arg11 : memref<128xi32, #tpu.memory_space<vmem>>) semaphore(%arg16 : memref<!tpu.dma_semaphore, #tpu.memory_space<semaphore_mem>>)
    %dma_wait3A_188 = arith.constant 0 : i32
    %dma_wait3A_189 = arith.constant 0 : i32
    %dma_wait3A_190 = tpu.memref_slice %arg15[%dma_wait3A_188, %dma_wait3A_189] : memref<10112x128xf32, #tpu.memory_space<vmem_shared>> -> memref<10112x128xf32, #tpu.memory_space<vmem_shared>>
    tpu.wait_indirect_dma semaphore(%arg16 : memref<!tpu.dma_semaphore, #tpu.memory_space<semaphore_mem>>) src(%dma_wait3A_190 : memref<10112x128xf32, #tpu.memory_space<vmem_shared>>) dst(%arg14 : memref<128x128xf32, #tpu.memory_space<vmem>>)
    %mul3A_191 = arith.constant 10112 : i32
    %mul3A_192 = arith.muli %arg0, %mul3A_191 : i32
    %add3A_193 = arith.addi %mul3A_192, %mul3A_0 : i32
    %add3A_194 = arith.constant 256 : i32
    %add3A_195 = arith.addi %add3A_193, %add3A_194 : i32
    "tpu.region"() ({
      %run_scoped3A = tpu.sem_alloc : memref<!tpu.dma_semaphore, #tpu.memory_space<semaphore_mem>>
      %dma_start3A_226 = arith.constant 0 : i32
      %dma_start3A_227 = tpu.memref_slice %arg7[%add3A_195, %dma_start3A_226] : memref<20224x128xf32, #tpu.memory_space<hbm>> -> memref<128x128xf32, #tpu.memory_space<hbm>>
      %dma_start3A_228 = arith.constant 0 : i32
      %dma_start3A_229 = tpu.memref_slice %arg7[%add3A_195, %dma_start3A_228] : memref<20224x128xf32, #tpu.memory_space<hbm>> -> memref<128x128xf32, #tpu.memory_space<hbm>>
      tpu.enqueue_dma source(%arg14 : memref<128x128xf32, #tpu.memory_space<vmem>>) target(%dma_start3A_229 : memref<128x128xf32, #tpu.memory_space<hbm>>) target_semaphore(%run_scoped3A : memref<!tpu.dma_semaphore, #tpu.memory_space<semaphore_mem>>)
      %dma_wait3A_230 = arith.constant 0 : i32
      %dma_wait3A_231 = tpu.memref_slice %arg7[%add3A_195, %dma_wait3A_230] : memref<20224x128xf32, #tpu.memory_space<hbm>> -> memref<128x128xf32, #tpu.memory_space<hbm>>
      %dma_wait3A_232 = arith.constant 0 : i32
      %dma_wait3A_233 = tpu.memref_slice %arg7[%add3A_195, %dma_wait3A_232] : memref<20224x128xf32, #tpu.memory_space<hbm>> -> memref<128x128xf32, #tpu.memory_space<hbm>>
      tpu.wait_dma2 semaphore(%run_scoped3A : memref<!tpu.dma_semaphore, #tpu.memory_space<semaphore_mem>>) src(%arg14 : memref<128x128xf32, #tpu.memory_space<vmem>>) dst(%dma_wait3A_233 : memref<128x128xf32, #tpu.memory_space<hbm>>)
      tpu.yield
    }) : () -> ()
    %mul3A_196 = arith.constant 5 : i32
    %mul3A_197 = arith.muli %arg1, %mul3A_196 : i32
    %add3A_198 = arith.constant 3 : i32
    %add3A_199 = arith.addi %mul3A_197, %add3A_198 : i32
    "tpu.region"() ({
      %run_scoped3A = tpu.sem_alloc : memref<!tpu.dma_semaphore, #tpu.memory_space<semaphore_mem>>
      %dma_start3A_226 = arith.constant 0 : i32
      %dma_start3A_227 = tpu.memref_slice %arg6[%add3A_199, %dma_start3A_226] : memref<80x128xi32, #tpu.memory_space<hbm>> -> memref<1x128xi32, #tpu.memory_space<hbm>>
      %dma_start3A_228 = tpu.memref_squeeze %dma_start3A_227 : memref<1x128xi32, #tpu.memory_space<hbm>> -> memref<128xi32, #tpu.memory_space<hbm>>
      %dma_start3A_229 = arith.constant 0 : i32
      %dma_start3A_230 = tpu.memref_slice %arg6[%add3A_199, %dma_start3A_229] : memref<80x128xi32, #tpu.memory_space<hbm>> -> memref<1x128xi32, #tpu.memory_space<hbm>>
      %dma_start3A_231 = tpu.memref_squeeze %dma_start3A_230 : memref<1x128xi32, #tpu.memory_space<hbm>> -> memref<128xi32, #tpu.memory_space<hbm>>
      tpu.enqueue_dma source(%dma_start3A_231 : memref<128xi32, #tpu.memory_space<hbm>>) target(%arg11 : memref<128xi32, #tpu.memory_space<vmem>>) target_semaphore(%run_scoped3A : memref<!tpu.dma_semaphore, #tpu.memory_space<semaphore_mem>>)
      %dma_wait3A_232 = arith.constant 0 : i32
      %dma_wait3A_233 = tpu.memref_slice %arg6[%add3A_199, %dma_wait3A_232] : memref<80x128xi32, #tpu.memory_space<hbm>> -> memref<1x128xi32, #tpu.memory_space<hbm>>
      %dma_wait3A_234 = tpu.memref_squeeze %dma_wait3A_233 : memref<1x128xi32, #tpu.memory_space<hbm>> -> memref<128xi32, #tpu.memory_space<hbm>>
      %dma_wait3A_235 = arith.constant 0 : i32
      %dma_wait3A_236 = tpu.memref_slice %arg6[%add3A_199, %dma_wait3A_235] : memref<80x128xi32, #tpu.memory_space<hbm>> -> memref<1x128xi32, #tpu.memory_space<hbm>>
      %dma_wait3A_237 = tpu.memref_squeeze %dma_wait3A_236 : memref<1x128xi32, #tpu.memory_space<hbm>> -> memref<128xi32, #tpu.memory_space<hbm>>
      tpu.wait_dma2 semaphore(%run_scoped3A : memref<!tpu.dma_semaphore, #tpu.memory_space<semaphore_mem>>) src(%dma_wait3A_237 : memref<128xi32, #tpu.memory_space<hbm>>) dst(%arg11 : memref<128xi32, #tpu.memory_space<vmem>>)
      tpu.yield
    }) : () -> ()
    %dma_start3A_200 = arith.constant 0 : i32
    %dma_start3A_201 = arith.constant 0 : i32
    %dma_start3A_202 = tpu.memref_slice %arg15[%dma_start3A_200, %dma_start3A_201] : memref<10112x128xf32, #tpu.memory_space<vmem_shared>> -> memref<10112x128xf32, #tpu.memory_space<vmem_shared>>
    tpu.enqueue_indirect_dma source(%dma_start3A_202 : memref<10112x128xf32, #tpu.memory_space<vmem_shared>>) target(%arg14 : memref<128x128xf32, #tpu.memory_space<vmem>>) offsets(%arg11 : memref<128xi32, #tpu.memory_space<vmem>>) semaphore(%arg16 : memref<!tpu.dma_semaphore, #tpu.memory_space<semaphore_mem>>)
    %dma_wait3A_203 = arith.constant 0 : i32
    %dma_wait3A_204 = arith.constant 0 : i32
    %dma_wait3A_205 = tpu.memref_slice %arg15[%dma_wait3A_203, %dma_wait3A_204] : memref<10112x128xf32, #tpu.memory_space<vmem_shared>> -> memref<10112x128xf32, #tpu.memory_space<vmem_shared>>
    tpu.wait_indirect_dma semaphore(%arg16 : memref<!tpu.dma_semaphore, #tpu.memory_space<semaphore_mem>>) src(%dma_wait3A_205 : memref<10112x128xf32, #tpu.memory_space<vmem_shared>>) dst(%arg14 : memref<128x128xf32, #tpu.memory_space<vmem>>)
    %mul3A_206 = arith.constant 10112 : i32
    %mul3A_207 = arith.muli %arg0, %mul3A_206 : i32
    %add3A_208 = arith.addi %mul3A_207, %mul3A_0 : i32
    %add3A_209 = arith.constant 384 : i32
    %add3A_210 = arith.addi %add3A_208, %add3A_209 : i32
    "tpu.region"() ({
      %run_scoped3A = tpu.sem_alloc : memref<!tpu.dma_semaphore, #tpu.memory_space<semaphore_mem>>
      %dma_start3A_226 = arith.constant 0 : i32
      %dma_start3A_227 = tpu.memref_slice %arg7[%add3A_210, %dma_start3A_226] : memref<20224x128xf32, #tpu.memory_space<hbm>> -> memref<128x128xf32, #tpu.memory_space<hbm>>
      %dma_start3A_228 = arith.constant 0 : i32
      %dma_start3A_229 = tpu.memref_slice %arg7[%add3A_210, %dma_start3A_228] : memref<20224x128xf32, #tpu.memory_space<hbm>> -> memref<128x128xf32, #tpu.memory_space<hbm>>
      tpu.enqueue_dma source(%arg14 : memref<128x128xf32, #tpu.memory_space<vmem>>) target(%dma_start3A_229 : memref<128x128xf32, #tpu.memory_space<hbm>>) target_semaphore(%run_scoped3A : memref<!tpu.dma_semaphore, #tpu.memory_space<semaphore_mem>>)
      %dma_wait3A_230 = arith.constant 0 : i32
      %dma_wait3A_231 = tpu.memref_slice %arg7[%add3A_210, %dma_wait3A_230] : memref<20224x128xf32, #tpu.memory_space<hbm>> -> memref<128x128xf32, #tpu.memory_space<hbm>>
      %dma_wait3A_232 = arith.constant 0 : i32
      %dma_wait3A_233 = tpu.memref_slice %arg7[%add3A_210, %dma_wait3A_232] : memref<20224x128xf32, #tpu.memory_space<hbm>> -> memref<128x128xf32, #tpu.memory_space<hbm>>
      tpu.wait_dma2 semaphore(%run_scoped3A : memref<!tpu.dma_semaphore, #tpu.memory_space<semaphore_mem>>) src(%arg14 : memref<128x128xf32, #tpu.memory_space<vmem>>) dst(%dma_wait3A_233 : memref<128x128xf32, #tpu.memory_space<hbm>>)
      tpu.yield
    }) : () -> ()
    %mul3A_211 = arith.constant 5 : i32
    %mul3A_212 = arith.muli %arg1, %mul3A_211 : i32
    %add3A_213 = arith.constant 4 : i32
    %add3A_214 = arith.addi %mul3A_212, %add3A_213 : i32
    "tpu.region"() ({
      %run_scoped3A = tpu.sem_alloc : memref<!tpu.dma_semaphore, #tpu.memory_space<semaphore_mem>>
      %dma_start3A_226 = arith.constant 0 : i32
      %dma_start3A_227 = tpu.memref_slice %arg6[%add3A_214, %dma_start3A_226] : memref<80x128xi32, #tpu.memory_space<hbm>> -> memref<1x128xi32, #tpu.memory_space<hbm>>
      %dma_start3A_228 = tpu.memref_squeeze %dma_start3A_227 : memref<1x128xi32, #tpu.memory_space<hbm>> -> memref<128xi32, #tpu.memory_space<hbm>>
      %dma_start3A_229 = arith.constant 0 : i32
      %dma_start3A_230 = tpu.memref_slice %arg6[%add3A_214, %dma_start3A_229] : memref<80x128xi32, #tpu.memory_space<hbm>> -> memref<1x128xi32, #tpu.memory_space<hbm>>
      %dma_start3A_231 = tpu.memref_squeeze %dma_start3A_230 : memref<1x128xi32, #tpu.memory_space<hbm>> -> memref<128xi32, #tpu.memory_space<hbm>>
      tpu.enqueue_dma source(%dma_start3A_231 : memref<128xi32, #tpu.memory_space<hbm>>) target(%arg11 : memref<128xi32, #tpu.memory_space<vmem>>) target_semaphore(%run_scoped3A : memref<!tpu.dma_semaphore, #tpu.memory_space<semaphore_mem>>)
      %dma_wait3A_232 = arith.constant 0 : i32
      %dma_wait3A_233 = tpu.memref_slice %arg6[%add3A_214, %dma_wait3A_232] : memref<80x128xi32, #tpu.memory_space<hbm>> -> memref<1x128xi32, #tpu.memory_space<hbm>>
      %dma_wait3A_234 = tpu.memref_squeeze %dma_wait3A_233 : memref<1x128xi32, #tpu.memory_space<hbm>> -> memref<128xi32, #tpu.memory_space<hbm>>
      %dma_wait3A_235 = arith.constant 0 : i32
      %dma_wait3A_236 = tpu.memref_slice %arg6[%add3A_214, %dma_wait3A_235] : memref<80x128xi32, #tpu.memory_space<hbm>> -> memref<1x128xi32, #tpu.memory_space<hbm>>
      %dma_wait3A_237 = tpu.memref_squeeze %dma_wait3A_236 : memref<1x128xi32, #tpu.memory_space<hbm>> -> memref<128xi32, #tpu.memory_space<hbm>>
      tpu.wait_dma2 semaphore(%run_scoped3A : memref<!tpu.dma_semaphore, #tpu.memory_space<semaphore_mem>>) src(%dma_wait3A_237 : memref<128xi32, #tpu.memory_space<hbm>>) dst(%arg11 : memref<128xi32, #tpu.memory_space<vmem>>)
      tpu.yield
    }) : () -> ()
    %dma_start3A_215 = arith.constant 0 : i32
    %dma_start3A_216 = arith.constant 0 : i32
    %dma_start3A_217 = tpu.memref_slice %arg15[%dma_start3A_215, %dma_start3A_216] : memref<10112x128xf32, #tpu.memory_space<vmem_shared>> -> memref<10112x128xf32, #tpu.memory_space<vmem_shared>>
    tpu.enqueue_indirect_dma source(%dma_start3A_217 : memref<10112x128xf32, #tpu.memory_space<vmem_shared>>) target(%arg14 : memref<128x128xf32, #tpu.memory_space<vmem>>) offsets(%arg11 : memref<128xi32, #tpu.memory_space<vmem>>) semaphore(%arg16 : memref<!tpu.dma_semaphore, #tpu.memory_space<semaphore_mem>>)
    %dma_wait3A_218 = arith.constant 0 : i32
    %dma_wait3A_219 = arith.constant 0 : i32
    %dma_wait3A_220 = tpu.memref_slice %arg15[%dma_wait3A_218, %dma_wait3A_219] : memref<10112x128xf32, #tpu.memory_space<vmem_shared>> -> memref<10112x128xf32, #tpu.memory_space<vmem_shared>>
    tpu.wait_indirect_dma semaphore(%arg16 : memref<!tpu.dma_semaphore, #tpu.memory_space<semaphore_mem>>) src(%dma_wait3A_220 : memref<10112x128xf32, #tpu.memory_space<vmem_shared>>) dst(%arg14 : memref<128x128xf32, #tpu.memory_space<vmem>>)
    %mul3A_221 = arith.constant 10112 : i32
    %mul3A_222 = arith.muli %arg0, %mul3A_221 : i32
    %add3A_223 = arith.addi %mul3A_222, %mul3A_0 : i32
    %add3A_224 = arith.constant 504 : i32
    %add3A_225 = arith.addi %add3A_223, %add3A_224 : i32
    "tpu.region"() ({
      %run_scoped3A = tpu.sem_alloc : memref<!tpu.dma_semaphore, #tpu.memory_space<semaphore_mem>>
      %dma_start3A_226 = arith.constant 0 : i32
      %dma_start3A_227 = tpu.memref_slice %arg7[%add3A_225, %dma_start3A_226] : memref<20224x128xf32, #tpu.memory_space<hbm>> -> memref<128x128xf32, #tpu.memory_space<hbm>>
      %dma_start3A_228 = arith.constant 0 : i32
      %dma_start3A_229 = tpu.memref_slice %arg7[%add3A_225, %dma_start3A_228] : memref<20224x128xf32, #tpu.memory_space<hbm>> -> memref<128x128xf32, #tpu.memory_space<hbm>>
      tpu.enqueue_dma source(%arg14 : memref<128x128xf32, #tpu.memory_space<vmem>>) target(%dma_start3A_229 : memref<128x128xf32, #tpu.memory_space<hbm>>) target_semaphore(%run_scoped3A : memref<!tpu.dma_semaphore, #tpu.memory_space<semaphore_mem>>)
      %dma_wait3A_230 = arith.constant 0 : i32
      %dma_wait3A_231 = tpu.memref_slice %arg7[%add3A_225, %dma_wait3A_230] : memref<20224x128xf32, #tpu.memory_space<hbm>> -> memref<128x128xf32, #tpu.memory_space<hbm>>
      %dma_wait3A_232 = arith.constant 0 : i32
      %dma_wait3A_233 = tpu.memref_slice %arg7[%add3A_225, %dma_wait3A_232] : memref<20224x128xf32, #tpu.memory_space<hbm>> -> memref<128x128xf32, #tpu.memory_space<hbm>>
      tpu.wait_dma2 semaphore(%run_scoped3A : memref<!tpu.dma_semaphore, #tpu.memory_space<semaphore_mem>>) src(%arg14 : memref<128x128xf32, #tpu.memory_space<vmem>>) dst(%dma_wait3A_233 : memref<128x128xf32, #tpu.memory_space<hbm>>)
      tpu.yield
    }) : () -> ()
    return
  }
}

#map = affine_map<(d0, d1) -> (0, 0)>
#map1 = affine_map<(d0, d1) -> (0, 0, 0, 0)>
module attributes {stable_mosaic.version = 14 : i64} {
  func.func @k(%arg0: i32, %arg1: i32, %arg2: memref<20224x128xf32, #tpu.memory_space<hbm>>, %arg3: memref<5088x2x1x128xi32, #tpu.memory_space<hbm>>, %arg4: memref<128x128xf32, #tpu.memory_space<hbm>>, %arg5: memref<128x128xf32, #tpu.memory_space<hbm>>, %arg6: memref<80x128xi32, #tpu.memory_space<hbm>>, %arg7: memref<20224x128xf32, #tpu.memory_space<hbm>>, %arg8: memref<2x1x128xi32, #tpu.memory_space<vmem>>, %arg9: memref<2x1x128xi32, #tpu.memory_space<vmem>>, %arg10: memref<2x1x128xi32, #tpu.memory_space<vmem>>, %arg11: memref<128xi32, #tpu.memory_space<vmem>>, %arg12: memref<128x128xf32, #tpu.memory_space<vmem>>, %arg13: memref<128x128xf32, #tpu.memory_space<vmem>>, %arg14: memref<128x128xf32, #tpu.memory_space<vmem>>, %arg15: memref<10112x128xf32, #tpu.memory_space<vmem_shared>>, %arg16: memref<!tpu.dma_semaphore, #tpu.memory_space<semaphore_mem>>, %arg17: memref<!tpu.dma_semaphore, #tpu.memory_space<semaphore_mem>>, %arg18: memref<!tpu.dma_semaphore, #tpu.memory_space<semaphore_mem>>, %arg19: memref<!tpu.dma_semaphore, #tpu.memory_space<semaphore_mem>>, %arg20: memref<!tpu.dma_semaphore, #tpu.memory_space<semaphore_mem>>, %arg21: memref<!tpu.dma_semaphore, #tpu.memory_space<semaphore_mem>>) attributes {dimension_semantics = [#tpu.dimension_semantics<core_parallel>, #tpu.dimension_semantics<subcore_parallel>], iteration_bounds = array<i64: 2, 16>, scalar_prefetch = 0 : i64, scratch_operands = 14 : i64, tpu.core_type = #tpu.core_type<sc_vector_subcore>, window_params = [{transform_indices = #map}, {transform_indices = #map1}, {transform_indices = #map}, {transform_indices = #map}, {transform_indices = #map}, {transform_indices = #map}]} {
    %mul3A = arith.constant 632 : i32
    %mul3A_0 = arith.muli %arg1, %mul3A : i32
    "tpu.region"() ({
      %run_scoped3A = tpu.sem_alloc : memref<!tpu.dma_semaphore, #tpu.memory_space<semaphore_mem>>
      tpu.enqueue_dma source(%arg5 : memref<128x128xf32, #tpu.memory_space<hbm>>) target(%arg14 : memref<128x128xf32, #tpu.memory_space<vmem>>) target_semaphore(%run_scoped3A : memref<!tpu.dma_semaphore, #tpu.memory_space<semaphore_mem>>)
      tpu.wait_dma2 semaphore(%run_scoped3A : memref<!tpu.dma_semaphore, #tpu.memory_space<semaphore_mem>>) src(%arg5 : memref<128x128xf32, #tpu.memory_space<hbm>>) dst(%arg14 : memref<128x128xf32, #tpu.memory_space<vmem>>)
      tpu.yield
    }) : () -> ()
    %scan3A = arith.constant 0 : i32
    %scan3A_1 = arith.constant 5 : i32
    %scan3A_2 = arith.addi %scan3A, %scan3A_1 : i32
    %scan3A_3 = arith.constant 1 : i32
    scf.for %scan3A_226 = %scan3A to %scan3A_2 step %scan3A_3  : i32 {
      %mul3A_227 = arith.constant 1 : i32
      %mul3A_228 = arith.muli %scan3A_226, %mul3A_227 : i32
      %add3A_229 = arith.constant 0 : i32
      %add3A_230 = arith.addi %add3A_229, %mul3A_228 : i32
      %mul3A_231 = arith.constant 5 : i32
      %mul3A_232 = arith.muli %arg1, %mul3A_231 : i32
      %add3A_233 = arith.addi %mul3A_232, %add3A_230 : i32
      "tpu.region"() ({
        %run_scoped3A = tpu.sem_alloc : memref<!tpu.dma_semaphore, #tpu.memory_space<semaphore_mem>>
        %dma_start3A_234 = arith.constant 0 : i32
        %dma_start3A_235 = tpu.memref_slice %arg6[%add3A_233, %dma_start3A_234] : memref<80x128xi32, #tpu.memory_space<hbm>> -> memref<1x128xi32, #tpu.memory_space<hbm>>
        %dma_start3A_236 = tpu.memref_squeeze %dma_start3A_235 : memref<1x128xi32, #tpu.memory_space<hbm>> -> memref<128xi32, #tpu.memory_space<hbm>>
        %dma_start3A_237 = arith.constant 0 : i32
        %dma_start3A_238 = tpu.memref_slice %arg6[%add3A_233, %dma_start3A_237] : memref<80x128xi32, #tpu.memory_space<hbm>> -> memref<1x128xi32, #tpu.memory_space<hbm>>
        %dma_start3A_239 = tpu.memref_squeeze %dma_start3A_238 : memref<1x128xi32, #tpu.memory_space<hbm>> -> memref<128xi32, #tpu.memory_space<hbm>>
        tpu.enqueue_dma source(%dma_start3A_239 : memref<128xi32, #tpu.memory_space<hbm>>) target(%arg11 : memref<128xi32, #tpu.memory_space<vmem>>) target_semaphore(%run_scoped3A : memref<!tpu.dma_semaphore, #tpu.memory_space<semaphore_mem>>)
        %dma_wait3A_240 = arith.constant 0 : i32
        %dma_wait3A_241 = tpu.memref_slice %arg6[%add3A_233, %dma_wait3A_240] : memref<80x128xi32, #tpu.memory_space<hbm>> -> memref<1x128xi32, #tpu.memory_space<hbm>>
        %dma_wait3A_242 = tpu.memref_squeeze %dma_wait3A_241 : memref<1x128xi32, #tpu.memory_space<hbm>> -> memref<128xi32, #tpu.memory_space<hbm>>
        %dma_wait3A_243 = arith.constant 0 : i32
        %dma_wait3A_244 = tpu.memref_slice %arg6[%add3A_233, %dma_wait3A_243] : memref<80x128xi32, #tpu.memory_space<hbm>> -> memref<1x128xi32, #tpu.memory_space<hbm>>
        %dma_wait3A_245 = tpu.memref_squeeze %dma_wait3A_244 : memref<1x128xi32, #tpu.memory_space<hbm>> -> memref<128xi32, #tpu.memory_space<hbm>>
        tpu.wait_dma2 semaphore(%run_scoped3A : memref<!tpu.dma_semaphore, #tpu.memory_space<semaphore_mem>>) src(%dma_wait3A_245 : memref<128xi32, #tpu.memory_space<hbm>>) dst(%arg11 : memref<128xi32, #tpu.memory_space<vmem>>)
        tpu.yield
      }) : () -> ()
      "tpu.region"() ({
        %run_scoped3A = tpu.sem_alloc : memref<!tpu.dma_semaphore, #tpu.memory_space<semaphore_mem>>
        %dma_start3A_234 = arith.constant 0 : i32
        %dma_start3A_235 = arith.constant 0 : i32
        %dma_start3A_236 = tpu.memref_slice %arg15[%dma_start3A_234, %dma_start3A_235] : memref<10112x128xf32, #tpu.memory_space<vmem_shared>> -> memref<10112x128xf32, #tpu.memory_space<vmem_shared>>
        tpu.enqueue_indirect_dma source(%arg14 : memref<128x128xf32, #tpu.memory_space<vmem>>) target(%dma_start3A_236 : memref<10112x128xf32, #tpu.memory_space<vmem_shared>>) offsets(%arg11 : memref<128xi32, #tpu.memory_space<vmem>>) semaphore(%run_scoped3A : memref<!tpu.dma_semaphore, #tpu.memory_space<semaphore_mem>>)
        %dma_wait3A_237 = arith.constant 0 : i32
        %dma_wait3A_238 = arith.constant 0 : i32
        %dma_wait3A_239 = tpu.memref_slice %arg15[%dma_wait3A_237, %dma_wait3A_238] : memref<10112x128xf32, #tpu.memory_space<vmem_shared>> -> memref<10112x128xf32, #tpu.memory_space<vmem_shared>>
        tpu.wait_indirect_dma semaphore(%run_scoped3A : memref<!tpu.dma_semaphore, #tpu.memory_space<semaphore_mem>>) src(%arg14 : memref<128x128xf32, #tpu.memory_space<vmem>>) dst(%dma_wait3A_239 : memref<10112x128xf32, #tpu.memory_space<vmem_shared>>)
        tpu.yield
      }) : () -> ()
    }
    %scan3A_4 = arith.constant 5 : i32
    %barrier3A = arith.constant 0 : index
    tpu.barrier barrier_id(%barrier3A)
    %mul3A_5 = arith.constant 16 : i32
    %mul3A_6 = arith.muli %arg0, %mul3A_5 : i32
    %add3A = arith.addi %mul3A_6, %arg1 : i32
    %mul3A_7 = arith.constant 159 : i32
    %mul3A_8 = arith.muli %add3A, %mul3A_7 : i32
    %add3A_9 = arith.constant 0 : i32
    %add3A_10 = arith.addi %mul3A_8, %add3A_9 : i32
    "tpu.region"() ({
      %run_scoped3A = tpu.sem_alloc : memref<!tpu.dma_semaphore, #tpu.memory_space<semaphore_mem>>
      %dma_start3A_226 = arith.constant 0 : i32
      %dma_start3A_227 = arith.constant 0 : i32
      %dma_start3A_228 = arith.constant 0 : i32
      %dma_start3A_229 = tpu.memref_slice %arg3[%add3A_10, %dma_start3A_226, %dma_start3A_227, %dma_start3A_228] : memref<5088x2x1x128xi32, #tpu.memory_space<hbm>> -> memref<1x2x1x128xi32, #tpu.memory_space<hbm>>
      %dma_start3A_230 = tpu.memref_squeeze %dma_start3A_229 : memref<1x2x1x128xi32, #tpu.memory_space<hbm>> -> memref<2x1x128xi32, #tpu.memory_space<hbm>>
      %dma_start3A_231 = arith.constant 0 : i32
      %dma_start3A_232 = arith.constant 0 : i32
      %dma_start3A_233 = arith.constant 0 : i32
      %dma_start3A_234 = tpu.memref_slice %arg3[%add3A_10, %dma_start3A_231, %dma_start3A_232, %dma_start3A_233] : memref<5088x2x1x128xi32, #tpu.memory_space<hbm>> -> memref<1x2x1x128xi32, #tpu.memory_space<hbm>>
      %dma_start3A_235 = tpu.memref_squeeze %dma_start3A_234 : memref<1x2x1x128xi32, #tpu.memory_space<hbm>> -> memref<2x1x128xi32, #tpu.memory_space<hbm>>
      tpu.enqueue_dma source(%dma_start3A_235 : memref<2x1x128xi32, #tpu.memory_space<hbm>>) target(%arg8 : memref<2x1x128xi32, #tpu.memory_space<vmem>>) target_semaphore(%run_scoped3A : memref<!tpu.dma_semaphore, #tpu.memory_space<semaphore_mem>>)
      %dma_wait3A_236 = arith.constant 0 : i32
      %dma_wait3A_237 = arith.constant 0 : i32
      %dma_wait3A_238 = arith.constant 0 : i32
      %dma_wait3A_239 = tpu.memref_slice %arg3[%add3A_10, %dma_wait3A_236, %dma_wait3A_237, %dma_wait3A_238] : memref<5088x2x1x128xi32, #tpu.memory_space<hbm>> -> memref<1x2x1x128xi32, #tpu.memory_space<hbm>>
      %dma_wait3A_240 = tpu.memref_squeeze %dma_wait3A_239 : memref<1x2x1x128xi32, #tpu.memory_space<hbm>> -> memref<2x1x128xi32, #tpu.memory_space<hbm>>
      %dma_wait3A_241 = arith.constant 0 : i32
      %dma_wait3A_242 = arith.constant 0 : i32
      %dma_wait3A_243 = arith.constant 0 : i32
      %dma_wait3A_244 = tpu.memref_slice %arg3[%add3A_10, %dma_wait3A_241, %dma_wait3A_242, %dma_wait3A_243] : memref<5088x2x1x128xi32, #tpu.memory_space<hbm>> -> memref<1x2x1x128xi32, #tpu.memory_space<hbm>>
      %dma_wait3A_245 = tpu.memref_squeeze %dma_wait3A_244 : memref<1x2x1x128xi32, #tpu.memory_space<hbm>> -> memref<2x1x128xi32, #tpu.memory_space<hbm>>
      tpu.wait_dma2 semaphore(%run_scoped3A : memref<!tpu.dma_semaphore, #tpu.memory_space<semaphore_mem>>) src(%dma_wait3A_245 : memref<2x1x128xi32, #tpu.memory_space<hbm>>) dst(%arg8 : memref<2x1x128xi32, #tpu.memory_space<vmem>>)
      tpu.yield
    }) : () -> ()
    %dma_start3A = arith.constant 0 : i32
    %dma_start3A_11 = arith.constant 0 : i32
    %dma_start3A_12 = arith.constant 0 : i32
    %dma_start3A_13 = tpu.memref_slice %arg8[%dma_start3A, %dma_start3A_11, %dma_start3A_12] : memref<2x1x128xi32, #tpu.memory_space<vmem>> -> memref<1x1x128xi32, #tpu.memory_space<vmem>>
    %dma_start3A_14 = tpu.memref_squeeze %dma_start3A_13 : memref<1x1x128xi32, #tpu.memory_space<vmem>> -> memref<128xi32, #tpu.memory_space<vmem>>
    %dma_start3A_15 = arith.constant 0 : i32
    %dma_start3A_16 = arith.constant 0 : i32
    %dma_start3A_17 = tpu.memref_slice %arg2[%dma_start3A_15, %dma_start3A_16] : memref<20224x128xf32, #tpu.memory_space<hbm>> -> memref<20224x128xf32, #tpu.memory_space<hbm>>
    tpu.enqueue_indirect_dma source(%dma_start3A_17 : memref<20224x128xf32, #tpu.memory_space<hbm>>) target(%arg12 : memref<128x128xf32, #tpu.memory_space<vmem>>) offsets(%dma_start3A_14 : memref<128xi32, #tpu.memory_space<vmem>>) semaphore(%arg16 : memref<!tpu.dma_semaphore, #tpu.memory_space<semaphore_mem>>)
    %add3A_18 = arith.constant 1 : i32
    %add3A_19 = arith.addi %mul3A_8, %add3A_18 : i32
    "tpu.region"() ({
      %run_scoped3A = tpu.sem_alloc : memref<!tpu.dma_semaphore, #tpu.memory_space<semaphore_mem>>
      %dma_start3A_226 = arith.constant 0 : i32
      %dma_start3A_227 = arith.constant 0 : i32
      %dma_start3A_228 = arith.constant 0 : i32
      %dma_start3A_229 = tpu.memref_slice %arg3[%add3A_19, %dma_start3A_226, %dma_start3A_227, %dma_start3A_228] : memref<5088x2x1x128xi32, #tpu.memory_space<hbm>> -> memref<1x2x1x128xi32, #tpu.memory_space<hbm>>
      %dma_start3A_230 = tpu.memref_squeeze %dma_start3A_229 : memref<1x2x1x128xi32, #tpu.memory_space<hbm>> -> memref<2x1x128xi32, #tpu.memory_space<hbm>>
      %dma_start3A_231 = arith.constant 0 : i32
      %dma_start3A_232 = arith.constant 0 : i32
      %dma_start3A_233 = arith.constant 0 : i32
      %dma_start3A_234 = tpu.memref_slice %arg3[%add3A_19, %dma_start3A_231, %dma_start3A_232, %dma_start3A_233] : memref<5088x2x1x128xi32, #tpu.memory_space<hbm>> -> memref<1x2x1x128xi32, #tpu.memory_space<hbm>>
      %dma_start3A_235 = tpu.memref_squeeze %dma_start3A_234 : memref<1x2x1x128xi32, #tpu.memory_space<hbm>> -> memref<2x1x128xi32, #tpu.memory_space<hbm>>
      tpu.enqueue_dma source(%dma_start3A_235 : memref<2x1x128xi32, #tpu.memory_space<hbm>>) target(%arg9 : memref<2x1x128xi32, #tpu.memory_space<vmem>>) target_semaphore(%run_scoped3A : memref<!tpu.dma_semaphore, #tpu.memory_space<semaphore_mem>>)
      %dma_wait3A_236 = arith.constant 0 : i32
      %dma_wait3A_237 = arith.constant 0 : i32
      %dma_wait3A_238 = arith.constant 0 : i32
      %dma_wait3A_239 = tpu.memref_slice %arg3[%add3A_19, %dma_wait3A_236, %dma_wait3A_237, %dma_wait3A_238] : memref<5088x2x1x128xi32, #tpu.memory_space<hbm>> -> memref<1x2x1x128xi32, #tpu.memory_space<hbm>>
      %dma_wait3A_240 = tpu.memref_squeeze %dma_wait3A_239 : memref<1x2x1x128xi32, #tpu.memory_space<hbm>> -> memref<2x1x128xi32, #tpu.memory_space<hbm>>
      %dma_wait3A_241 = arith.constant 0 : i32
      %dma_wait3A_242 = arith.constant 0 : i32
      %dma_wait3A_243 = arith.constant 0 : i32
      %dma_wait3A_244 = tpu.memref_slice %arg3[%add3A_19, %dma_wait3A_241, %dma_wait3A_242, %dma_wait3A_243] : memref<5088x2x1x128xi32, #tpu.memory_space<hbm>> -> memref<1x2x1x128xi32, #tpu.memory_space<hbm>>
      %dma_wait3A_245 = tpu.memref_squeeze %dma_wait3A_244 : memref<1x2x1x128xi32, #tpu.memory_space<hbm>> -> memref<2x1x128xi32, #tpu.memory_space<hbm>>
      tpu.wait_dma2 semaphore(%run_scoped3A : memref<!tpu.dma_semaphore, #tpu.memory_space<semaphore_mem>>) src(%dma_wait3A_245 : memref<2x1x128xi32, #tpu.memory_space<hbm>>) dst(%arg9 : memref<2x1x128xi32, #tpu.memory_space<vmem>>)
      tpu.yield
    }) : () -> ()
    %dma_start3A_20 = arith.constant 0 : i32
    %dma_start3A_21 = arith.constant 0 : i32
    %dma_start3A_22 = arith.constant 0 : i32
    %dma_start3A_23 = tpu.memref_slice %arg9[%dma_start3A_20, %dma_start3A_21, %dma_start3A_22] : memref<2x1x128xi32, #tpu.memory_space<vmem>> -> memref<1x1x128xi32, #tpu.memory_space<vmem>>
    %dma_start3A_24 = tpu.memref_squeeze %dma_start3A_23 : memref<1x1x128xi32, #tpu.memory_space<vmem>> -> memref<128xi32, #tpu.memory_space<vmem>>
    %dma_start3A_25 = arith.constant 0 : i32
    %dma_start3A_26 = arith.constant 0 : i32
    %dma_start3A_27 = tpu.memref_slice %arg2[%dma_start3A_25, %dma_start3A_26] : memref<20224x128xf32, #tpu.memory_space<hbm>> -> memref<20224x128xf32, #tpu.memory_space<hbm>>
    tpu.enqueue_indirect_dma source(%dma_start3A_27 : memref<20224x128xf32, #tpu.memory_space<hbm>>) target(%arg13 : memref<128x128xf32, #tpu.memory_space<vmem>>) offsets(%dma_start3A_24 : memref<128xi32, #tpu.memory_space<vmem>>) semaphore(%arg17 : memref<!tpu.dma_semaphore, #tpu.memory_space<semaphore_mem>>)
    %dma_wait3A = arith.constant 0 : i32
    %dma_wait3A_28 = arith.constant 0 : i32
    %dma_wait3A_29 = arith.constant 0 : i32
    %dma_wait3A_30 = tpu.memref_slice %arg8[%dma_wait3A, %dma_wait3A_28, %dma_wait3A_29] : memref<2x1x128xi32, #tpu.memory_space<vmem>> -> memref<1x1x128xi32, #tpu.memory_space<vmem>>
    %dma_wait3A_31 = tpu.memref_squeeze %dma_wait3A_30 : memref<1x1x128xi32, #tpu.memory_space<vmem>> -> memref<128xi32, #tpu.memory_space<vmem>>
    %dma_wait3A_32 = arith.constant 0 : i32
    %dma_wait3A_33 = arith.constant 0 : i32
    %dma_wait3A_34 = tpu.memref_slice %arg2[%dma_wait3A_32, %dma_wait3A_33] : memref<20224x128xf32, #tpu.memory_space<hbm>> -> memref<20224x128xf32, #tpu.memory_space<hbm>>
    tpu.wait_indirect_dma semaphore(%arg16 : memref<!tpu.dma_semaphore, #tpu.memory_space<semaphore_mem>>) src(%dma_wait3A_34 : memref<20224x128xf32, #tpu.memory_space<hbm>>) dst(%arg12 : memref<128x128xf32, #tpu.memory_space<vmem>>)
    %dma_start3A_35 = arith.constant 1 : i32
    %dma_start3A_36 = arith.constant 0 : i32
    %dma_start3A_37 = arith.constant 0 : i32
    %dma_start3A_38 = tpu.memref_slice %arg8[%dma_start3A_35, %dma_start3A_36, %dma_start3A_37] : memref<2x1x128xi32, #tpu.memory_space<vmem>> -> memref<1x1x128xi32, #tpu.memory_space<vmem>>
    %dma_start3A_39 = tpu.memref_squeeze %dma_start3A_38 : memref<1x1x128xi32, #tpu.memory_space<vmem>> -> memref<128xi32, #tpu.memory_space<vmem>>
    %dma_start3A_40 = arith.constant 0 : i32
    %dma_start3A_41 = arith.constant 0 : i32
    %dma_start3A_42 = tpu.memref_slice %arg15[%dma_start3A_40, %dma_start3A_41] : memref<10112x128xf32, #tpu.memory_space<vmem_shared>> -> memref<10112x128xf32, #tpu.memory_space<vmem_shared>>
    tpu.enqueue_indirect_dma source(%arg12 : memref<128x128xf32, #tpu.memory_space<vmem>>) target(%dma_start3A_42 : memref<10112x128xf32, #tpu.memory_space<vmem_shared>>) offsets(%dma_start3A_39 : memref<128xi32, #tpu.memory_space<vmem>>) semaphore(%arg19 : memref<!tpu.dma_semaphore, #tpu.memory_space<semaphore_mem>>) {add = true}
    %add3A_43 = arith.constant 2 : i32
    %add3A_44 = arith.addi %mul3A_8, %add3A_43 : i32
    "tpu.region"() ({
      %run_scoped3A = tpu.sem_alloc : memref<!tpu.dma_semaphore, #tpu.memory_space<semaphore_mem>>
      %dma_start3A_226 = arith.constant 0 : i32
      %dma_start3A_227 = arith.constant 0 : i32
      %dma_start3A_228 = arith.constant 0 : i32
      %dma_start3A_229 = tpu.memref_slice %arg3[%add3A_44, %dma_start3A_226, %dma_start3A_227, %dma_start3A_228] : memref<5088x2x1x128xi32, #tpu.memory_space<hbm>> -> memref<1x2x1x128xi32, #tpu.memory_space<hbm>>
      %dma_start3A_230 = tpu.memref_squeeze %dma_start3A_229 : memref<1x2x1x128xi32, #tpu.memory_space<hbm>> -> memref<2x1x128xi32, #tpu.memory_space<hbm>>
      %dma_start3A_231 = arith.constant 0 : i32
      %dma_start3A_232 = arith.constant 0 : i32
      %dma_start3A_233 = arith.constant 0 : i32
      %dma_start3A_234 = tpu.memref_slice %arg3[%add3A_44, %dma_start3A_231, %dma_start3A_232, %dma_start3A_233] : memref<5088x2x1x128xi32, #tpu.memory_space<hbm>> -> memref<1x2x1x128xi32, #tpu.memory_space<hbm>>
      %dma_start3A_235 = tpu.memref_squeeze %dma_start3A_234 : memref<1x2x1x128xi32, #tpu.memory_space<hbm>> -> memref<2x1x128xi32, #tpu.memory_space<hbm>>
      tpu.enqueue_dma source(%dma_start3A_235 : memref<2x1x128xi32, #tpu.memory_space<hbm>>) target(%arg10 : memref<2x1x128xi32, #tpu.memory_space<vmem>>) target_semaphore(%run_scoped3A : memref<!tpu.dma_semaphore, #tpu.memory_space<semaphore_mem>>)
      %dma_wait3A_236 = arith.constant 0 : i32
      %dma_wait3A_237 = arith.constant 0 : i32
      %dma_wait3A_238 = arith.constant 0 : i32
      %dma_wait3A_239 = tpu.memref_slice %arg3[%add3A_44, %dma_wait3A_236, %dma_wait3A_237, %dma_wait3A_238] : memref<5088x2x1x128xi32, #tpu.memory_space<hbm>> -> memref<1x2x1x128xi32, #tpu.memory_space<hbm>>
      %dma_wait3A_240 = tpu.memref_squeeze %dma_wait3A_239 : memref<1x2x1x128xi32, #tpu.memory_space<hbm>> -> memref<2x1x128xi32, #tpu.memory_space<hbm>>
      %dma_wait3A_241 = arith.constant 0 : i32
      %dma_wait3A_242 = arith.constant 0 : i32
      %dma_wait3A_243 = arith.constant 0 : i32
      %dma_wait3A_244 = tpu.memref_slice %arg3[%add3A_44, %dma_wait3A_241, %dma_wait3A_242, %dma_wait3A_243] : memref<5088x2x1x128xi32, #tpu.memory_space<hbm>> -> memref<1x2x1x128xi32, #tpu.memory_space<hbm>>
      %dma_wait3A_245 = tpu.memref_squeeze %dma_wait3A_244 : memref<1x2x1x128xi32, #tpu.memory_space<hbm>> -> memref<2x1x128xi32, #tpu.memory_space<hbm>>
      tpu.wait_dma2 semaphore(%run_scoped3A : memref<!tpu.dma_semaphore, #tpu.memory_space<semaphore_mem>>) src(%dma_wait3A_245 : memref<2x1x128xi32, #tpu.memory_space<hbm>>) dst(%arg10 : memref<2x1x128xi32, #tpu.memory_space<vmem>>)
      tpu.yield
    }) : () -> ()
    %dma_start3A_45 = arith.constant 0 : i32
    %dma_start3A_46 = arith.constant 0 : i32
    %dma_start3A_47 = arith.constant 0 : i32
    %dma_start3A_48 = tpu.memref_slice %arg10[%dma_start3A_45, %dma_start3A_46, %dma_start3A_47] : memref<2x1x128xi32, #tpu.memory_space<vmem>> -> memref<1x1x128xi32, #tpu.memory_space<vmem>>
    %dma_start3A_49 = tpu.memref_squeeze %dma_start3A_48 : memref<1x1x128xi32, #tpu.memory_space<vmem>> -> memref<128xi32, #tpu.memory_space<vmem>>
    %dma_start3A_50 = arith.constant 0 : i32
    %dma_start3A_51 = arith.constant 0 : i32
    %dma_start3A_52 = tpu.memref_slice %arg2[%dma_start3A_50, %dma_start3A_51] : memref<20224x128xf32, #tpu.memory_space<hbm>> -> memref<20224x128xf32, #tpu.memory_space<hbm>>
    tpu.enqueue_indirect_dma source(%dma_start3A_52 : memref<20224x128xf32, #tpu.memory_space<hbm>>) target(%arg14 : memref<128x128xf32, #tpu.memory_space<vmem>>) offsets(%dma_start3A_49 : memref<128xi32, #tpu.memory_space<vmem>>) semaphore(%arg18 : memref<!tpu.dma_semaphore, #tpu.memory_space<semaphore_mem>>)
    %dma_wait3A_53 = arith.constant 0 : i32
    %dma_wait3A_54 = arith.constant 0 : i32
    %dma_wait3A_55 = arith.constant 0 : i32
    %dma_wait3A_56 = tpu.memref_slice %arg9[%dma_wait3A_53, %dma_wait3A_54, %dma_wait3A_55] : memref<2x1x128xi32, #tpu.memory_space<vmem>> -> memref<1x1x128xi32, #tpu.memory_space<vmem>>
    %dma_wait3A_57 = tpu.memref_squeeze %dma_wait3A_56 : memref<1x1x128xi32, #tpu.memory_space<vmem>> -> memref<128xi32, #tpu.memory_space<vmem>>
    %dma_wait3A_58 = arith.constant 0 : i32
    %dma_wait3A_59 = arith.constant 0 : i32
    %dma_wait3A_60 = tpu.memref_slice %arg2[%dma_wait3A_58, %dma_wait3A_59] : memref<20224x128xf32, #tpu.memory_space<hbm>> -> memref<20224x128xf32, #tpu.memory_space<hbm>>
    tpu.wait_indirect_dma semaphore(%arg17 : memref<!tpu.dma_semaphore, #tpu.memory_space<semaphore_mem>>) src(%dma_wait3A_60 : memref<20224x128xf32, #tpu.memory_space<hbm>>) dst(%arg13 : memref<128x128xf32, #tpu.memory_space<vmem>>)
    %dma_start3A_61 = arith.constant 1 : i32
    %dma_start3A_62 = arith.constant 0 : i32
    %dma_start3A_63 = arith.constant 0 : i32
    %dma_start3A_64 = tpu.memref_slice %arg9[%dma_start3A_61, %dma_start3A_62, %dma_start3A_63] : memref<2x1x128xi32, #tpu.memory_space<vmem>> -> memref<1x1x128xi32, #tpu.memory_space<vmem>>
    %dma_start3A_65 = tpu.memref_squeeze %dma_start3A_64 : memref<1x1x128xi32, #tpu.memory_space<vmem>> -> memref<128xi32, #tpu.memory_space<vmem>>
    %dma_start3A_66 = arith.constant 0 : i32
    %dma_start3A_67 = arith.constant 0 : i32
    %dma_start3A_68 = tpu.memref_slice %arg15[%dma_start3A_66, %dma_start3A_67] : memref<10112x128xf32, #tpu.memory_space<vmem_shared>> -> memref<10112x128xf32, #tpu.memory_space<vmem_shared>>
    tpu.enqueue_indirect_dma source(%arg13 : memref<128x128xf32, #tpu.memory_space<vmem>>) target(%dma_start3A_68 : memref<10112x128xf32, #tpu.memory_space<vmem_shared>>) offsets(%dma_start3A_65 : memref<128xi32, #tpu.memory_space<vmem>>) semaphore(%arg20 : memref<!tpu.dma_semaphore, #tpu.memory_space<semaphore_mem>>) {add = true}
    %dma_wait3A_69 = arith.constant 1 : i32
    %dma_wait3A_70 = arith.constant 0 : i32
    %dma_wait3A_71 = arith.constant 0 : i32
    %dma_wait3A_72 = tpu.memref_slice %arg8[%dma_wait3A_69, %dma_wait3A_70, %dma_wait3A_71] : memref<2x1x128xi32, #tpu.memory_space<vmem>> -> memref<1x1x128xi32, #tpu.memory_space<vmem>>
    %dma_wait3A_73 = tpu.memref_squeeze %dma_wait3A_72 : memref<1x1x128xi32, #tpu.memory_space<vmem>> -> memref<128xi32, #tpu.memory_space<vmem>>
    %dma_wait3A_74 = arith.constant 0 : i32
    %dma_wait3A_75 = arith.constant 0 : i32
    %dma_wait3A_76 = tpu.memref_slice %arg15[%dma_wait3A_74, %dma_wait3A_75] : memref<10112x128xf32, #tpu.memory_space<vmem_shared>> -> memref<10112x128xf32, #tpu.memory_space<vmem_shared>>
    tpu.wait_indirect_dma semaphore(%arg19 : memref<!tpu.dma_semaphore, #tpu.memory_space<semaphore_mem>>) src(%arg12 : memref<128x128xf32, #tpu.memory_space<vmem>>) dst(%dma_wait3A_76 : memref<10112x128xf32, #tpu.memory_space<vmem_shared>>)
    %add3A_77 = arith.constant 3 : i32
    %add3A_78 = arith.addi %mul3A_8, %add3A_77 : i32
    "tpu.region"() ({
      %run_scoped3A = tpu.sem_alloc : memref<!tpu.dma_semaphore, #tpu.memory_space<semaphore_mem>>
      %dma_start3A_226 = arith.constant 0 : i32
      %dma_start3A_227 = arith.constant 0 : i32
      %dma_start3A_228 = arith.constant 0 : i32
      %dma_start3A_229 = tpu.memref_slice %arg3[%add3A_78, %dma_start3A_226, %dma_start3A_227, %dma_start3A_228] : memref<5088x2x1x128xi32, #tpu.memory_space<hbm>> -> memref<1x2x1x128xi32, #tpu.memory_space<hbm>>
      %dma_start3A_230 = tpu.memref_squeeze %dma_start3A_229 : memref<1x2x1x128xi32, #tpu.memory_space<hbm>> -> memref<2x1x128xi32, #tpu.memory_space<hbm>>
      %dma_start3A_231 = arith.constant 0 : i32
      %dma_start3A_232 = arith.constant 0 : i32
      %dma_start3A_233 = arith.constant 0 : i32
      %dma_start3A_234 = tpu.memref_slice %arg3[%add3A_78, %dma_start3A_231, %dma_start3A_232, %dma_start3A_233] : memref<5088x2x1x128xi32, #tpu.memory_space<hbm>> -> memref<1x2x1x128xi32, #tpu.memory_space<hbm>>
      %dma_start3A_235 = tpu.memref_squeeze %dma_start3A_234 : memref<1x2x1x128xi32, #tpu.memory_space<hbm>> -> memref<2x1x128xi32, #tpu.memory_space<hbm>>
      tpu.enqueue_dma source(%dma_start3A_235 : memref<2x1x128xi32, #tpu.memory_space<hbm>>) target(%arg8 : memref<2x1x128xi32, #tpu.memory_space<vmem>>) target_semaphore(%run_scoped3A : memref<!tpu.dma_semaphore, #tpu.memory_space<semaphore_mem>>)
      %dma_wait3A_236 = arith.constant 0 : i32
      %dma_wait3A_237 = arith.constant 0 : i32
      %dma_wait3A_238 = arith.constant 0 : i32
      %dma_wait3A_239 = tpu.memref_slice %arg3[%add3A_78, %dma_wait3A_236, %dma_wait3A_237, %dma_wait3A_238] : memref<5088x2x1x128xi32, #tpu.memory_space<hbm>> -> memref<1x2x1x128xi32, #tpu.memory_space<hbm>>
      %dma_wait3A_240 = tpu.memref_squeeze %dma_wait3A_239 : memref<1x2x1x128xi32, #tpu.memory_space<hbm>> -> memref<2x1x128xi32, #tpu.memory_space<hbm>>
      %dma_wait3A_241 = arith.constant 0 : i32
      %dma_wait3A_242 = arith.constant 0 : i32
      %dma_wait3A_243 = arith.constant 0 : i32
      %dma_wait3A_244 = tpu.memref_slice %arg3[%add3A_78, %dma_wait3A_241, %dma_wait3A_242, %dma_wait3A_243] : memref<5088x2x1x128xi32, #tpu.memory_space<hbm>> -> memref<1x2x1x128xi32, #tpu.memory_space<hbm>>
      %dma_wait3A_245 = tpu.memref_squeeze %dma_wait3A_244 : memref<1x2x1x128xi32, #tpu.memory_space<hbm>> -> memref<2x1x128xi32, #tpu.memory_space<hbm>>
      tpu.wait_dma2 semaphore(%run_scoped3A : memref<!tpu.dma_semaphore, #tpu.memory_space<semaphore_mem>>) src(%dma_wait3A_245 : memref<2x1x128xi32, #tpu.memory_space<hbm>>) dst(%arg8 : memref<2x1x128xi32, #tpu.memory_space<vmem>>)
      tpu.yield
    }) : () -> ()
    %dma_start3A_79 = arith.constant 0 : i32
    %dma_start3A_80 = arith.constant 0 : i32
    %dma_start3A_81 = arith.constant 0 : i32
    %dma_start3A_82 = tpu.memref_slice %arg8[%dma_start3A_79, %dma_start3A_80, %dma_start3A_81] : memref<2x1x128xi32, #tpu.memory_space<vmem>> -> memref<1x1x128xi32, #tpu.memory_space<vmem>>
    %dma_start3A_83 = tpu.memref_squeeze %dma_start3A_82 : memref<1x1x128xi32, #tpu.memory_space<vmem>> -> memref<128xi32, #tpu.memory_space<vmem>>
    %dma_start3A_84 = arith.constant 0 : i32
    %dma_start3A_85 = arith.constant 0 : i32
    %dma_start3A_86 = tpu.memref_slice %arg2[%dma_start3A_84, %dma_start3A_85] : memref<20224x128xf32, #tpu.memory_space<hbm>> -> memref<20224x128xf32, #tpu.memory_space<hbm>>
    tpu.enqueue_indirect_dma source(%dma_start3A_86 : memref<20224x128xf32, #tpu.memory_space<hbm>>) target(%arg12 : memref<128x128xf32, #tpu.memory_space<vmem>>) offsets(%dma_start3A_83 : memref<128xi32, #tpu.memory_space<vmem>>) semaphore(%arg16 : memref<!tpu.dma_semaphore, #tpu.memory_space<semaphore_mem>>)
    %dma_wait3A_87 = arith.constant 0 : i32
    %dma_wait3A_88 = arith.constant 0 : i32
    %dma_wait3A_89 = arith.constant 0 : i32
    %dma_wait3A_90 = tpu.memref_slice %arg10[%dma_wait3A_87, %dma_wait3A_88, %dma_wait3A_89] : memref<2x1x128xi32, #tpu.memory_space<vmem>> -> memref<1x1x128xi32, #tpu.memory_space<vmem>>
    %dma_wait3A_91 = tpu.memref_squeeze %dma_wait3A_90 : memref<1x1x128xi32, #tpu.memory_space<vmem>> -> memref<128xi32, #tpu.memory_space<vmem>>
    %dma_wait3A_92 = arith.constant 0 : i32
    %dma_wait3A_93 = arith.constant 0 : i32
    %dma_wait3A_94 = tpu.memref_slice %arg2[%dma_wait3A_92, %dma_wait3A_93] : memref<20224x128xf32, #tpu.memory_space<hbm>> -> memref<20224x128xf32, #tpu.memory_space<hbm>>
    tpu.wait_indirect_dma semaphore(%arg18 : memref<!tpu.dma_semaphore, #tpu.memory_space<semaphore_mem>>) src(%dma_wait3A_94 : memref<20224x128xf32, #tpu.memory_space<hbm>>) dst(%arg14 : memref<128x128xf32, #tpu.memory_space<vmem>>)
    %dma_start3A_95 = arith.constant 1 : i32
    %dma_start3A_96 = arith.constant 0 : i32
    %dma_start3A_97 = arith.constant 0 : i32
    %dma_start3A_98 = tpu.memref_slice %arg10[%dma_start3A_95, %dma_start3A_96, %dma_start3A_97] : memref<2x1x128xi32, #tpu.memory_space<vmem>> -> memref<1x1x128xi32, #tpu.memory_space<vmem>>
    %dma_start3A_99 = tpu.memref_squeeze %dma_start3A_98 : memref<1x1x128xi32, #tpu.memory_space<vmem>> -> memref<128xi32, #tpu.memory_space<vmem>>
    %dma_start3A_100 = arith.constant 0 : i32
    %dma_start3A_101 = arith.constant 0 : i32
    %dma_start3A_102 = tpu.memref_slice %arg15[%dma_start3A_100, %dma_start3A_101] : memref<10112x128xf32, #tpu.memory_space<vmem_shared>> -> memref<10112x128xf32, #tpu.memory_space<vmem_shared>>
    tpu.enqueue_indirect_dma source(%arg14 : memref<128x128xf32, #tpu.memory_space<vmem>>) target(%dma_start3A_102 : memref<10112x128xf32, #tpu.memory_space<vmem_shared>>) offsets(%dma_start3A_99 : memref<128xi32, #tpu.memory_space<vmem>>) semaphore(%arg21 : memref<!tpu.dma_semaphore, #tpu.memory_space<semaphore_mem>>) {add = true}
    %dma_wait3A_103 = arith.constant 1 : i32
    %dma_wait3A_104 = arith.constant 0 : i32
    %dma_wait3A_105 = arith.constant 0 : i32
    %dma_wait3A_106 = tpu.memref_slice %arg9[%dma_wait3A_103, %dma_wait3A_104, %dma_wait3A_105] : memref<2x1x128xi32, #tpu.memory_space<vmem>> -> memref<1x1x128xi32, #tpu.memory_space<vmem>>
    %dma_wait3A_107 = tpu.memref_squeeze %dma_wait3A_106 : memref<1x1x128xi32, #tpu.memory_space<vmem>> -> memref<128xi32, #tpu.memory_space<vmem>>
    %dma_wait3A_108 = arith.constant 0 : i32
    %dma_wait3A_109 = arith.constant 0 : i32
    %dma_wait3A_110 = tpu.memref_slice %arg15[%dma_wait3A_108, %dma_wait3A_109] : memref<10112x128xf32, #tpu.memory_space<vmem_shared>> -> memref<10112x128xf32, #tpu.memory_space<vmem_shared>>
    tpu.wait_indirect_dma semaphore(%arg20 : memref<!tpu.dma_semaphore, #tpu.memory_space<semaphore_mem>>) src(%arg13 : memref<128x128xf32, #tpu.memory_space<vmem>>) dst(%dma_wait3A_110 : memref<10112x128xf32, #tpu.memory_space<vmem_shared>>)
    %add3A_111 = arith.constant 4 : i32
    %add3A_112 = arith.addi %mul3A_8, %add3A_111 : i32
    "tpu.region"() ({
      %run_scoped3A = tpu.sem_alloc : memref<!tpu.dma_semaphore, #tpu.memory_space<semaphore_mem>>
      %dma_start3A_226 = arith.constant 0 : i32
      %dma_start3A_227 = arith.constant 0 : i32
      %dma_start3A_228 = arith.constant 0 : i32
      %dma_start3A_229 = tpu.memref_slice %arg3[%add3A_112, %dma_start3A_226, %dma_start3A_227, %dma_start3A_228] : memref<5088x2x1x128xi32, #tpu.memory_space<hbm>> -> memref<1x2x1x128xi32, #tpu.memory_space<hbm>>
      %dma_start3A_230 = tpu.memref_squeeze %dma_start3A_229 : memref<1x2x1x128xi32, #tpu.memory_space<hbm>> -> memref<2x1x128xi32, #tpu.memory_space<hbm>>
      %dma_start3A_231 = arith.constant 0 : i32
      %dma_start3A_232 = arith.constant 0 : i32
      %dma_start3A_233 = arith.constant 0 : i32
      %dma_start3A_234 = tpu.memref_slice %arg3[%add3A_112, %dma_start3A_231, %dma_start3A_232, %dma_start3A_233] : memref<5088x2x1x128xi32, #tpu.memory_space<hbm>> -> memref<1x2x1x128xi32, #tpu.memory_space<hbm>>
      %dma_start3A_235 = tpu.memref_squeeze %dma_start3A_234 : memref<1x2x1x128xi32, #tpu.memory_space<hbm>> -> memref<2x1x128xi32, #tpu.memory_space<hbm>>
      tpu.enqueue_dma source(%dma_start3A_235 : memref<2x1x128xi32, #tpu.memory_space<hbm>>) target(%arg9 : memref<2x1x128xi32, #tpu.memory_space<vmem>>) target_semaphore(%run_scoped3A : memref<!tpu.dma_semaphore, #tpu.memory_space<semaphore_mem>>)
      %dma_wait3A_236 = arith.constant 0 : i32
      %dma_wait3A_237 = arith.constant 0 : i32
      %dma_wait3A_238 = arith.constant 0 : i32
      %dma_wait3A_239 = tpu.memref_slice %arg3[%add3A_112, %dma_wait3A_236, %dma_wait3A_237, %dma_wait3A_238] : memref<5088x2x1x128xi32, #tpu.memory_space<hbm>> -> memref<1x2x1x128xi32, #tpu.memory_space<hbm>>
      %dma_wait3A_240 = tpu.memref_squeeze %dma_wait3A_239 : memref<1x2x1x128xi32, #tpu.memory_space<hbm>> -> memref<2x1x128xi32, #tpu.memory_space<hbm>>
      %dma_wait3A_241 = arith.constant 0 : i32
      %dma_wait3A_242 = arith.constant 0 : i32
      %dma_wait3A_243 = arith.constant 0 : i32
      %dma_wait3A_244 = tpu.memref_slice %arg3[%add3A_112, %dma_wait3A_241, %dma_wait3A_242, %dma_wait3A_243] : memref<5088x2x1x128xi32, #tpu.memory_space<hbm>> -> memref<1x2x1x128xi32, #tpu.memory_space<hbm>>
      %dma_wait3A_245 = tpu.memref_squeeze %dma_wait3A_244 : memref<1x2x1x128xi32, #tpu.memory_space<hbm>> -> memref<2x1x128xi32, #tpu.memory_space<hbm>>
      tpu.wait_dma2 semaphore(%run_scoped3A : memref<!tpu.dma_semaphore, #tpu.memory_space<semaphore_mem>>) src(%dma_wait3A_245 : memref<2x1x128xi32, #tpu.memory_space<hbm>>) dst(%arg9 : memref<2x1x128xi32, #tpu.memory_space<vmem>>)
      tpu.yield
    }) : () -> ()
    %dma_start3A_113 = arith.constant 0 : i32
    %dma_start3A_114 = arith.constant 0 : i32
    %dma_start3A_115 = arith.constant 0 : i32
    %dma_start3A_116 = tpu.memref_slice %arg9[%dma_start3A_113, %dma_start3A_114, %dma_start3A_115] : memref<2x1x128xi32, #tpu.memory_space<vmem>> -> memref<1x1x128xi32, #tpu.memory_space<vmem>>
    %dma_start3A_117 = tpu.memref_squeeze %dma_start3A_116 : memref<1x1x128xi32, #tpu.memory_space<vmem>> -> memref<128xi32, #tpu.memory_space<vmem>>
    %dma_start3A_118 = arith.constant 0 : i32
    %dma_start3A_119 = arith.constant 0 : i32
    %dma_start3A_120 = tpu.memref_slice %arg2[%dma_start3A_118, %dma_start3A_119] : memref<20224x128xf32, #tpu.memory_space<hbm>> -> memref<20224x128xf32, #tpu.memory_space<hbm>>
    tpu.enqueue_indirect_dma source(%dma_start3A_120 : memref<20224x128xf32, #tpu.memory_space<hbm>>) target(%arg13 : memref<128x128xf32, #tpu.memory_space<vmem>>) offsets(%dma_start3A_117 : memref<128xi32, #tpu.memory_space<vmem>>) semaphore(%arg17 : memref<!tpu.dma_semaphore, #tpu.memory_space<semaphore_mem>>)
    %scan3A_121 = arith.constant 0 : i32
    %scan3A_122 = arith.constant 52 : i32
    %scan3A_123 = arith.addi %scan3A_121, %scan3A_122 : i32
    %scan3A_124 = arith.constant 1 : i32
    scf.for %scan3A_226 = %scan3A_121 to %scan3A_123 step %scan3A_124  : i32 {
      %mul3A_227 = arith.constant 1 : i32
      %mul3A_228 = arith.muli %scan3A_226, %mul3A_227 : i32
      %add3A_229 = arith.constant 0 : i32
      %add3A_230 = arith.addi %add3A_229, %mul3A_228 : i32
      %mul3A_231 = arith.constant 3 : i32
      %mul3A_232 = arith.muli %mul3A_231, %add3A_230 : i32
      %add3A_233 = arith.constant 3 : i32
      %add3A_234 = arith.addi %add3A_233, %mul3A_232 : i32
      %add3A_235 = arith.constant 0 : i32
      %add3A_236 = arith.addi %add3A_234, %add3A_235 : i32
      %dma_wait3A_237 = arith.constant 0 : i32
      %dma_wait3A_238 = arith.constant 0 : i32
      %dma_wait3A_239 = arith.constant 0 : i32
      %dma_wait3A_240 = tpu.memref_slice %arg8[%dma_wait3A_237, %dma_wait3A_238, %dma_wait3A_239] : memref<2x1x128xi32, #tpu.memory_space<vmem>> -> memref<1x1x128xi32, #tpu.memory_space<vmem>>
      %dma_wait3A_241 = tpu.memref_squeeze %dma_wait3A_240 : memref<1x1x128xi32, #tpu.memory_space<vmem>> -> memref<128xi32, #tpu.memory_space<vmem>>
      %dma_wait3A_242 = arith.constant 0 : i32
      %dma_wait3A_243 = arith.constant 0 : i32
      %dma_wait3A_244 = tpu.memref_slice %arg2[%dma_wait3A_242, %dma_wait3A_243] : memref<20224x128xf32, #tpu.memory_space<hbm>> -> memref<20224x128xf32, #tpu.memory_space<hbm>>
      tpu.wait_indirect_dma semaphore(%arg16 : memref<!tpu.dma_semaphore, #tpu.memory_space<semaphore_mem>>) src(%dma_wait3A_244 : memref<20224x128xf32, #tpu.memory_space<hbm>>) dst(%arg12 : memref<128x128xf32, #tpu.memory_space<vmem>>)
      %dma_start3A_245 = arith.constant 1 : i32
      %dma_start3A_246 = arith.constant 0 : i32
      %dma_start3A_247 = arith.constant 0 : i32
      %dma_start3A_248 = tpu.memref_slice %arg8[%dma_start3A_245, %dma_start3A_246, %dma_start3A_247] : memref<2x1x128xi32, #tpu.memory_space<vmem>> -> memref<1x1x128xi32, #tpu.memory_space<vmem>>
      %dma_start3A_249 = tpu.memref_squeeze %dma_start3A_248 : memref<1x1x128xi32, #tpu.memory_space<vmem>> -> memref<128xi32, #tpu.memory_space<vmem>>
      %dma_start3A_250 = arith.constant 0 : i32
      %dma_start3A_251 = arith.constant 0 : i32
      %dma_start3A_252 = tpu.memref_slice %arg15[%dma_start3A_250, %dma_start3A_251] : memref<10112x128xf32, #tpu.memory_space<vmem_shared>> -> memref<10112x128xf32, #tpu.memory_space<vmem_shared>>
      tpu.enqueue_indirect_dma source(%arg12 : memref<128x128xf32, #tpu.memory_space<vmem>>) target(%dma_start3A_252 : memref<10112x128xf32, #tpu.memory_space<vmem_shared>>) offsets(%dma_start3A_249 : memref<128xi32, #tpu.memory_space<vmem>>) semaphore(%arg19 : memref<!tpu.dma_semaphore, #tpu.memory_space<semaphore_mem>>) {add = true}
      %add3A_253 = arith.constant 2 : i32
      %add3A_254 = arith.addi %add3A_236, %add3A_253 : i32
      %lt3A = arith.constant 159 : i32
      %lt3A_255 = arith.cmpi slt, %add3A_254, %lt3A : i32
      %convert_element_type3A = arith.extui %lt3A_255 : i1 to i32
      %cond3A = arith.constant 0 : i32
      %cond3A_256 = arith.cmpi ne, %convert_element_type3A, %cond3A : i32
      scf.if %cond3A_256 {
        %dma_wait3A_307 = arith.constant 1 : i32
        %dma_wait3A_308 = arith.constant 0 : i32
        %dma_wait3A_309 = arith.constant 0 : i32
        %dma_wait3A_310 = tpu.memref_slice %arg10[%dma_wait3A_307, %dma_wait3A_308, %dma_wait3A_309] : memref<2x1x128xi32, #tpu.memory_space<vmem>> -> memref<1x1x128xi32, #tpu.memory_space<vmem>>
        %dma_wait3A_311 = tpu.memref_squeeze %dma_wait3A_310 : memref<1x1x128xi32, #tpu.memory_space<vmem>> -> memref<128xi32, #tpu.memory_space<vmem>>
        %dma_wait3A_312 = arith.constant 0 : i32
        %dma_wait3A_313 = arith.constant 0 : i32
        %dma_wait3A_314 = tpu.memref_slice %arg15[%dma_wait3A_312, %dma_wait3A_313] : memref<10112x128xf32, #tpu.memory_space<vmem_shared>> -> memref<10112x128xf32, #tpu.memory_space<vmem_shared>>
        tpu.wait_indirect_dma semaphore(%arg21 : memref<!tpu.dma_semaphore, #tpu.memory_space<semaphore_mem>>) src(%arg14 : memref<128x128xf32, #tpu.memory_space<vmem>>) dst(%dma_wait3A_314 : memref<10112x128xf32, #tpu.memory_space<vmem_shared>>)
        %add3A_315 = arith.constant 2 : i32
        %add3A_316 = arith.addi %add3A_236, %add3A_315 : i32
        %add3A_317 = arith.addi %mul3A_8, %add3A_316 : i32
        "tpu.region"() ({
          %run_scoped3A = tpu.sem_alloc : memref<!tpu.dma_semaphore, #tpu.memory_space<semaphore_mem>>
          %dma_start3A_326 = arith.constant 0 : i32
          %dma_start3A_327 = arith.constant 0 : i32
          %dma_start3A_328 = arith.constant 0 : i32
          %dma_start3A_329 = tpu.memref_slice %arg3[%add3A_317, %dma_start3A_326, %dma_start3A_327, %dma_start3A_328] : memref<5088x2x1x128xi32, #tpu.memory_space<hbm>> -> memref<1x2x1x128xi32, #tpu.memory_space<hbm>>
          %dma_start3A_330 = tpu.memref_squeeze %dma_start3A_329 : memref<1x2x1x128xi32, #tpu.memory_space<hbm>> -> memref<2x1x128xi32, #tpu.memory_space<hbm>>
          %dma_start3A_331 = arith.constant 0 : i32
          %dma_start3A_332 = arith.constant 0 : i32
          %dma_start3A_333 = arith.constant 0 : i32
          %dma_start3A_334 = tpu.memref_slice %arg3[%add3A_317, %dma_start3A_331, %dma_start3A_332, %dma_start3A_333] : memref<5088x2x1x128xi32, #tpu.memory_space<hbm>> -> memref<1x2x1x128xi32, #tpu.memory_space<hbm>>
          %dma_start3A_335 = tpu.memref_squeeze %dma_start3A_334 : memref<1x2x1x128xi32, #tpu.memory_space<hbm>> -> memref<2x1x128xi32, #tpu.memory_space<hbm>>
          tpu.enqueue_dma source(%dma_start3A_335 : memref<2x1x128xi32, #tpu.memory_space<hbm>>) target(%arg10 : memref<2x1x128xi32, #tpu.memory_space<vmem>>) target_semaphore(%run_scoped3A : memref<!tpu.dma_semaphore, #tpu.memory_space<semaphore_mem>>)
          %dma_wait3A_336 = arith.constant 0 : i32
          %dma_wait3A_337 = arith.constant 0 : i32
          %dma_wait3A_338 = arith.constant 0 : i32
          %dma_wait3A_339 = tpu.memref_slice %arg3[%add3A_317, %dma_wait3A_336, %dma_wait3A_337, %dma_wait3A_338] : memref<5088x2x1x128xi32, #tpu.memory_space<hbm>> -> memref<1x2x1x128xi32, #tpu.memory_space<hbm>>
          %dma_wait3A_340 = tpu.memref_squeeze %dma_wait3A_339 : memref<1x2x1x128xi32, #tpu.memory_space<hbm>> -> memref<2x1x128xi32, #tpu.memory_space<hbm>>
          %dma_wait3A_341 = arith.constant 0 : i32
          %dma_wait3A_342 = arith.constant 0 : i32
          %dma_wait3A_343 = arith.constant 0 : i32
          %dma_wait3A_344 = tpu.memref_slice %arg3[%add3A_317, %dma_wait3A_341, %dma_wait3A_342, %dma_wait3A_343] : memref<5088x2x1x128xi32, #tpu.memory_space<hbm>> -> memref<1x2x1x128xi32, #tpu.memory_space<hbm>>
          %dma_wait3A_345 = tpu.memref_squeeze %dma_wait3A_344 : memref<1x2x1x128xi32, #tpu.memory_space<hbm>> -> memref<2x1x128xi32, #tpu.memory_space<hbm>>
          tpu.wait_dma2 semaphore(%run_scoped3A : memref<!tpu.dma_semaphore, #tpu.memory_space<semaphore_mem>>) src(%dma_wait3A_345 : memref<2x1x128xi32, #tpu.memory_space<hbm>>) dst(%arg10 : memref<2x1x128xi32, #tpu.memory_space<vmem>>)
          tpu.yield
        }) : () -> ()
        %dma_start3A_318 = arith.constant 0 : i32
        %dma_start3A_319 = arith.constant 0 : i32
        %dma_start3A_320 = arith.constant 0 : i32
        %dma_start3A_321 = tpu.memref_slice %arg10[%dma_start3A_318, %dma_start3A_319, %dma_start3A_320] : memref<2x1x128xi32, #tpu.memory_space<vmem>> -> memref<1x1x128xi32, #tpu.memory_space<vmem>>
        %dma_start3A_322 = tpu.memref_squeeze %dma_start3A_321 : memref<1x1x128xi32, #tpu.memory_space<vmem>> -> memref<128xi32, #tpu.memory_space<vmem>>
        %dma_start3A_323 = arith.constant 0 : i32
        %dma_start3A_324 = arith.constant 0 : i32
        %dma_start3A_325 = tpu.memref_slice %arg2[%dma_start3A_323, %dma_start3A_324] : memref<20224x128xf32, #tpu.memory_space<hbm>> -> memref<20224x128xf32, #tpu.memory_space<hbm>>
        tpu.enqueue_indirect_dma source(%dma_start3A_325 : memref<20224x128xf32, #tpu.memory_space<hbm>>) target(%arg14 : memref<128x128xf32, #tpu.memory_space<vmem>>) offsets(%dma_start3A_322 : memref<128xi32, #tpu.memory_space<vmem>>) semaphore(%arg18 : memref<!tpu.dma_semaphore, #tpu.memory_space<semaphore_mem>>)
      } else {
      }
      %add3A_257 = arith.constant 1 : i32
      %add3A_258 = arith.addi %add3A_234, %add3A_257 : i32
      %dma_wait3A_259 = arith.constant 0 : i32
      %dma_wait3A_260 = arith.constant 0 : i32
      %dma_wait3A_261 = arith.constant 0 : i32
      %dma_wait3A_262 = tpu.memref_slice %arg9[%dma_wait3A_259, %dma_wait3A_260, %dma_wait3A_261] : memref<2x1x128xi32, #tpu.memory_space<vmem>> -> memref<1x1x128xi32, #tpu.memory_space<vmem>>
      %dma_wait3A_263 = tpu.memref_squeeze %dma_wait3A_262 : memref<1x1x128xi32, #tpu.memory_space<vmem>> -> memref<128xi32, #tpu.memory_space<vmem>>
      %dma_wait3A_264 = arith.constant 0 : i32
      %dma_wait3A_265 = arith.constant 0 : i32
      %dma_wait3A_266 = tpu.memref_slice %arg2[%dma_wait3A_264, %dma_wait3A_265] : memref<20224x128xf32, #tpu.memory_space<hbm>> -> memref<20224x128xf32, #tpu.memory_space<hbm>>
      tpu.wait_indirect_dma semaphore(%arg17 : memref<!tpu.dma_semaphore, #tpu.memory_space<semaphore_mem>>) src(%dma_wait3A_266 : memref<20224x128xf32, #tpu.memory_space<hbm>>) dst(%arg13 : memref<128x128xf32, #tpu.memory_space<vmem>>)
      %dma_start3A_267 = arith.constant 1 : i32
      %dma_start3A_268 = arith.constant 0 : i32
      %dma_start3A_269 = arith.constant 0 : i32
      %dma_start3A_270 = tpu.memref_slice %arg9[%dma_start3A_267, %dma_start3A_268, %dma_start3A_269] : memref<2x1x128xi32, #tpu.memory_space<vmem>> -> memref<1x1x128xi32, #tpu.memory_space<vmem>>
      %dma_start3A_271 = tpu.memref_squeeze %dma_start3A_270 : memref<1x1x128xi32, #tpu.memory_space<vmem>> -> memref<128xi32, #tpu.memory_space<vmem>>
      %dma_start3A_272 = arith.constant 0 : i32
      %dma_start3A_273 = arith.constant 0 : i32
      %dma_start3A_274 = tpu.memref_slice %arg15[%dma_start3A_272, %dma_start3A_273] : memref<10112x128xf32, #tpu.memory_space<vmem_shared>> -> memref<10112x128xf32, #tpu.memory_space<vmem_shared>>
      tpu.enqueue_indirect_dma source(%arg13 : memref<128x128xf32, #tpu.memory_space<vmem>>) target(%dma_start3A_274 : memref<10112x128xf32, #tpu.memory_space<vmem_shared>>) offsets(%dma_start3A_271 : memref<128xi32, #tpu.memory_space<vmem>>) semaphore(%arg20 : memref<!tpu.dma_semaphore, #tpu.memory_space<semaphore_mem>>) {add = true}
      %add3A_275 = arith.constant 2 : i32
      %add3A_276 = arith.addi %add3A_258, %add3A_275 : i32
      %lt3A_277 = arith.constant 159 : i32
      %lt3A_278 = arith.cmpi slt, %add3A_276, %lt3A_277 : i32
      %convert_element_type3A_279 = arith.extui %lt3A_278 : i1 to i32
      %cond3A_280 = arith.constant 0 : i32
      %cond3A_281 = arith.cmpi ne, %convert_element_type3A_279, %cond3A_280 : i32
      scf.if %cond3A_281 {
        %dma_wait3A_307 = arith.constant 1 : i32
        %dma_wait3A_308 = arith.constant 0 : i32
        %dma_wait3A_309 = arith.constant 0 : i32
        %dma_wait3A_310 = tpu.memref_slice %arg8[%dma_wait3A_307, %dma_wait3A_308, %dma_wait3A_309] : memref<2x1x128xi32, #tpu.memory_space<vmem>> -> memref<1x1x128xi32, #tpu.memory_space<vmem>>
        %dma_wait3A_311 = tpu.memref_squeeze %dma_wait3A_310 : memref<1x1x128xi32, #tpu.memory_space<vmem>> -> memref<128xi32, #tpu.memory_space<vmem>>
        %dma_wait3A_312 = arith.constant 0 : i32
        %dma_wait3A_313 = arith.constant 0 : i32
        %dma_wait3A_314 = tpu.memref_slice %arg15[%dma_wait3A_312, %dma_wait3A_313] : memref<10112x128xf32, #tpu.memory_space<vmem_shared>> -> memref<10112x128xf32, #tpu.memory_space<vmem_shared>>
        tpu.wait_indirect_dma semaphore(%arg19 : memref<!tpu.dma_semaphore, #tpu.memory_space<semaphore_mem>>) src(%arg12 : memref<128x128xf32, #tpu.memory_space<vmem>>) dst(%dma_wait3A_314 : memref<10112x128xf32, #tpu.memory_space<vmem_shared>>)
        %add3A_315 = arith.constant 2 : i32
        %add3A_316 = arith.addi %add3A_258, %add3A_315 : i32
        %add3A_317 = arith.addi %mul3A_8, %add3A_316 : i32
        "tpu.region"() ({
          %run_scoped3A = tpu.sem_alloc : memref<!tpu.dma_semaphore, #tpu.memory_space<semaphore_mem>>
          %dma_start3A_326 = arith.constant 0 : i32
          %dma_start3A_327 = arith.constant 0 : i32
          %dma_start3A_328 = arith.constant 0 : i32
          %dma_start3A_329 = tpu.memref_slice %arg3[%add3A_317, %dma_start3A_326, %dma_start3A_327, %dma_start3A_328] : memref<5088x2x1x128xi32, #tpu.memory_space<hbm>> -> memref<1x2x1x128xi32, #tpu.memory_space<hbm>>
          %dma_start3A_330 = tpu.memref_squeeze %dma_start3A_329 : memref<1x2x1x128xi32, #tpu.memory_space<hbm>> -> memref<2x1x128xi32, #tpu.memory_space<hbm>>
          %dma_start3A_331 = arith.constant 0 : i32
          %dma_start3A_332 = arith.constant 0 : i32
          %dma_start3A_333 = arith.constant 0 : i32
          %dma_start3A_334 = tpu.memref_slice %arg3[%add3A_317, %dma_start3A_331, %dma_start3A_332, %dma_start3A_333] : memref<5088x2x1x128xi32, #tpu.memory_space<hbm>> -> memref<1x2x1x128xi32, #tpu.memory_space<hbm>>
          %dma_start3A_335 = tpu.memref_squeeze %dma_start3A_334 : memref<1x2x1x128xi32, #tpu.memory_space<hbm>> -> memref<2x1x128xi32, #tpu.memory_space<hbm>>
          tpu.enqueue_dma source(%dma_start3A_335 : memref<2x1x128xi32, #tpu.memory_space<hbm>>) target(%arg8 : memref<2x1x128xi32, #tpu.memory_space<vmem>>) target_semaphore(%run_scoped3A : memref<!tpu.dma_semaphore, #tpu.memory_space<semaphore_mem>>)
          %dma_wait3A_336 = arith.constant 0 : i32
          %dma_wait3A_337 = arith.constant 0 : i32
          %dma_wait3A_338 = arith.constant 0 : i32
          %dma_wait3A_339 = tpu.memref_slice %arg3[%add3A_317, %dma_wait3A_336, %dma_wait3A_337, %dma_wait3A_338] : memref<5088x2x1x128xi32, #tpu.memory_space<hbm>> -> memref<1x2x1x128xi32, #tpu.memory_space<hbm>>
          %dma_wait3A_340 = tpu.memref_squeeze %dma_wait3A_339 : memref<1x2x1x128xi32, #tpu.memory_space<hbm>> -> memref<2x1x128xi32, #tpu.memory_space<hbm>>
          %dma_wait3A_341 = arith.constant 0 : i32
          %dma_wait3A_342 = arith.constant 0 : i32
          %dma_wait3A_343 = arith.constant 0 : i32
          %dma_wait3A_344 = tpu.memref_slice %arg3[%add3A_317, %dma_wait3A_341, %dma_wait3A_342, %dma_wait3A_343] : memref<5088x2x1x128xi32, #tpu.memory_space<hbm>> -> memref<1x2x1x128xi32, #tpu.memory_space<hbm>>
          %dma_wait3A_345 = tpu.memref_squeeze %dma_wait3A_344 : memref<1x2x1x128xi32, #tpu.memory_space<hbm>> -> memref<2x1x128xi32, #tpu.memory_space<hbm>>
          tpu.wait_dma2 semaphore(%run_scoped3A : memref<!tpu.dma_semaphore, #tpu.memory_space<semaphore_mem>>) src(%dma_wait3A_345 : memref<2x1x128xi32, #tpu.memory_space<hbm>>) dst(%arg8 : memref<2x1x128xi32, #tpu.memory_space<vmem>>)
          tpu.yield
        }) : () -> ()
        %dma_start3A_318 = arith.constant 0 : i32
        %dma_start3A_319 = arith.constant 0 : i32
        %dma_start3A_320 = arith.constant 0 : i32
        %dma_start3A_321 = tpu.memref_slice %arg8[%dma_start3A_318, %dma_start3A_319, %dma_start3A_320] : memref<2x1x128xi32, #tpu.memory_space<vmem>> -> memref<1x1x128xi32, #tpu.memory_space<vmem>>
        %dma_start3A_322 = tpu.memref_squeeze %dma_start3A_321 : memref<1x1x128xi32, #tpu.memory_space<vmem>> -> memref<128xi32, #tpu.memory_space<vmem>>
        %dma_start3A_323 = arith.constant 0 : i32
        %dma_start3A_324 = arith.constant 0 : i32
        %dma_start3A_325 = tpu.memref_slice %arg2[%dma_start3A_323, %dma_start3A_324] : memref<20224x128xf32, #tpu.memory_space<hbm>> -> memref<20224x128xf32, #tpu.memory_space<hbm>>
        tpu.enqueue_indirect_dma source(%dma_start3A_325 : memref<20224x128xf32, #tpu.memory_space<hbm>>) target(%arg12 : memref<128x128xf32, #tpu.memory_space<vmem>>) offsets(%dma_start3A_322 : memref<128xi32, #tpu.memory_space<vmem>>) semaphore(%arg16 : memref<!tpu.dma_semaphore, #tpu.memory_space<semaphore_mem>>)
      } else {
      }
      %add3A_282 = arith.constant 2 : i32
      %add3A_283 = arith.addi %add3A_234, %add3A_282 : i32
      %dma_wait3A_284 = arith.constant 0 : i32
      %dma_wait3A_285 = arith.constant 0 : i32
      %dma_wait3A_286 = arith.constant 0 : i32
      %dma_wait3A_287 = tpu.memref_slice %arg10[%dma_wait3A_284, %dma_wait3A_285, %dma_wait3A_286] : memref<2x1x128xi32, #tpu.memory_space<vmem>> -> memref<1x1x128xi32, #tpu.memory_space<vmem>>
      %dma_wait3A_288 = tpu.memref_squeeze %dma_wait3A_287 : memref<1x1x128xi32, #tpu.memory_space<vmem>> -> memref<128xi32, #tpu.memory_space<vmem>>
      %dma_wait3A_289 = arith.constant 0 : i32
      %dma_wait3A_290 = arith.constant 0 : i32
      %dma_wait3A_291 = tpu.memref_slice %arg2[%dma_wait3A_289, %dma_wait3A_290] : memref<20224x128xf32, #tpu.memory_space<hbm>> -> memref<20224x128xf32, #tpu.memory_space<hbm>>
      tpu.wait_indirect_dma semaphore(%arg18 : memref<!tpu.dma_semaphore, #tpu.memory_space<semaphore_mem>>) src(%dma_wait3A_291 : memref<20224x128xf32, #tpu.memory_space<hbm>>) dst(%arg14 : memref<128x128xf32, #tpu.memory_space<vmem>>)
      %dma_start3A_292 = arith.constant 1 : i32
      %dma_start3A_293 = arith.constant 0 : i32
      %dma_start3A_294 = arith.constant 0 : i32
      %dma_start3A_295 = tpu.memref_slice %arg10[%dma_start3A_292, %dma_start3A_293, %dma_start3A_294] : memref<2x1x128xi32, #tpu.memory_space<vmem>> -> memref<1x1x128xi32, #tpu.memory_space<vmem>>
      %dma_start3A_296 = tpu.memref_squeeze %dma_start3A_295 : memref<1x1x128xi32, #tpu.memory_space<vmem>> -> memref<128xi32, #tpu.memory_space<vmem>>
      %dma_start3A_297 = arith.constant 0 : i32
      %dma_start3A_298 = arith.constant 0 : i32
      %dma_start3A_299 = tpu.memref_slice %arg15[%dma_start3A_297, %dma_start3A_298] : memref<10112x128xf32, #tpu.memory_space<vmem_shared>> -> memref<10112x128xf32, #tpu.memory_space<vmem_shared>>
      tpu.enqueue_indirect_dma source(%arg14 : memref<128x128xf32, #tpu.memory_space<vmem>>) target(%dma_start3A_299 : memref<10112x128xf32, #tpu.memory_space<vmem_shared>>) offsets(%dma_start3A_296 : memref<128xi32, #tpu.memory_space<vmem>>) semaphore(%arg21 : memref<!tpu.dma_semaphore, #tpu.memory_space<semaphore_mem>>) {add = true}
      %add3A_300 = arith.constant 2 : i32
      %add3A_301 = arith.addi %add3A_283, %add3A_300 : i32
      %lt3A_302 = arith.constant 159 : i32
      %lt3A_303 = arith.cmpi slt, %add3A_301, %lt3A_302 : i32
      %convert_element_type3A_304 = arith.extui %lt3A_303 : i1 to i32
      %cond3A_305 = arith.constant 0 : i32
      %cond3A_306 = arith.cmpi ne, %convert_element_type3A_304, %cond3A_305 : i32
      scf.if %cond3A_306 {
        %dma_wait3A_307 = arith.constant 1 : i32
        %dma_wait3A_308 = arith.constant 0 : i32
        %dma_wait3A_309 = arith.constant 0 : i32
        %dma_wait3A_310 = tpu.memref_slice %arg9[%dma_wait3A_307, %dma_wait3A_308, %dma_wait3A_309] : memref<2x1x128xi32, #tpu.memory_space<vmem>> -> memref<1x1x128xi32, #tpu.memory_space<vmem>>
        %dma_wait3A_311 = tpu.memref_squeeze %dma_wait3A_310 : memref<1x1x128xi32, #tpu.memory_space<vmem>> -> memref<128xi32, #tpu.memory_space<vmem>>
        %dma_wait3A_312 = arith.constant 0 : i32
        %dma_wait3A_313 = arith.constant 0 : i32
        %dma_wait3A_314 = tpu.memref_slice %arg15[%dma_wait3A_312, %dma_wait3A_313] : memref<10112x128xf32, #tpu.memory_space<vmem_shared>> -> memref<10112x128xf32, #tpu.memory_space<vmem_shared>>
        tpu.wait_indirect_dma semaphore(%arg20 : memref<!tpu.dma_semaphore, #tpu.memory_space<semaphore_mem>>) src(%arg13 : memref<128x128xf32, #tpu.memory_space<vmem>>) dst(%dma_wait3A_314 : memref<10112x128xf32, #tpu.memory_space<vmem_shared>>)
        %add3A_315 = arith.constant 2 : i32
        %add3A_316 = arith.addi %add3A_283, %add3A_315 : i32
        %add3A_317 = arith.addi %mul3A_8, %add3A_316 : i32
        "tpu.region"() ({
          %run_scoped3A = tpu.sem_alloc : memref<!tpu.dma_semaphore, #tpu.memory_space<semaphore_mem>>
          %dma_start3A_326 = arith.constant 0 : i32
          %dma_start3A_327 = arith.constant 0 : i32
          %dma_start3A_328 = arith.constant 0 : i32
          %dma_start3A_329 = tpu.memref_slice %arg3[%add3A_317, %dma_start3A_326, %dma_start3A_327, %dma_start3A_328] : memref<5088x2x1x128xi32, #tpu.memory_space<hbm>> -> memref<1x2x1x128xi32, #tpu.memory_space<hbm>>
          %dma_start3A_330 = tpu.memref_squeeze %dma_start3A_329 : memref<1x2x1x128xi32, #tpu.memory_space<hbm>> -> memref<2x1x128xi32, #tpu.memory_space<hbm>>
          %dma_start3A_331 = arith.constant 0 : i32
          %dma_start3A_332 = arith.constant 0 : i32
          %dma_start3A_333 = arith.constant 0 : i32
          %dma_start3A_334 = tpu.memref_slice %arg3[%add3A_317, %dma_start3A_331, %dma_start3A_332, %dma_start3A_333] : memref<5088x2x1x128xi32, #tpu.memory_space<hbm>> -> memref<1x2x1x128xi32, #tpu.memory_space<hbm>>
          %dma_start3A_335 = tpu.memref_squeeze %dma_start3A_334 : memref<1x2x1x128xi32, #tpu.memory_space<hbm>> -> memref<2x1x128xi32, #tpu.memory_space<hbm>>
          tpu.enqueue_dma source(%dma_start3A_335 : memref<2x1x128xi32, #tpu.memory_space<hbm>>) target(%arg9 : memref<2x1x128xi32, #tpu.memory_space<vmem>>) target_semaphore(%run_scoped3A : memref<!tpu.dma_semaphore, #tpu.memory_space<semaphore_mem>>)
          %dma_wait3A_336 = arith.constant 0 : i32
          %dma_wait3A_337 = arith.constant 0 : i32
          %dma_wait3A_338 = arith.constant 0 : i32
          %dma_wait3A_339 = tpu.memref_slice %arg3[%add3A_317, %dma_wait3A_336, %dma_wait3A_337, %dma_wait3A_338] : memref<5088x2x1x128xi32, #tpu.memory_space<hbm>> -> memref<1x2x1x128xi32, #tpu.memory_space<hbm>>
          %dma_wait3A_340 = tpu.memref_squeeze %dma_wait3A_339 : memref<1x2x1x128xi32, #tpu.memory_space<hbm>> -> memref<2x1x128xi32, #tpu.memory_space<hbm>>
          %dma_wait3A_341 = arith.constant 0 : i32
          %dma_wait3A_342 = arith.constant 0 : i32
          %dma_wait3A_343 = arith.constant 0 : i32
          %dma_wait3A_344 = tpu.memref_slice %arg3[%add3A_317, %dma_wait3A_341, %dma_wait3A_342, %dma_wait3A_343] : memref<5088x2x1x128xi32, #tpu.memory_space<hbm>> -> memref<1x2x1x128xi32, #tpu.memory_space<hbm>>
          %dma_wait3A_345 = tpu.memref_squeeze %dma_wait3A_344 : memref<1x2x1x128xi32, #tpu.memory_space<hbm>> -> memref<2x1x128xi32, #tpu.memory_space<hbm>>
          tpu.wait_dma2 semaphore(%run_scoped3A : memref<!tpu.dma_semaphore, #tpu.memory_space<semaphore_mem>>) src(%dma_wait3A_345 : memref<2x1x128xi32, #tpu.memory_space<hbm>>) dst(%arg9 : memref<2x1x128xi32, #tpu.memory_space<vmem>>)
          tpu.yield
        }) : () -> ()
        %dma_start3A_318 = arith.constant 0 : i32
        %dma_start3A_319 = arith.constant 0 : i32
        %dma_start3A_320 = arith.constant 0 : i32
        %dma_start3A_321 = tpu.memref_slice %arg9[%dma_start3A_318, %dma_start3A_319, %dma_start3A_320] : memref<2x1x128xi32, #tpu.memory_space<vmem>> -> memref<1x1x128xi32, #tpu.memory_space<vmem>>
        %dma_start3A_322 = tpu.memref_squeeze %dma_start3A_321 : memref<1x1x128xi32, #tpu.memory_space<vmem>> -> memref<128xi32, #tpu.memory_space<vmem>>
        %dma_start3A_323 = arith.constant 0 : i32
        %dma_start3A_324 = arith.constant 0 : i32
        %dma_start3A_325 = tpu.memref_slice %arg2[%dma_start3A_323, %dma_start3A_324] : memref<20224x128xf32, #tpu.memory_space<hbm>> -> memref<20224x128xf32, #tpu.memory_space<hbm>>
        tpu.enqueue_indirect_dma source(%dma_start3A_325 : memref<20224x128xf32, #tpu.memory_space<hbm>>) target(%arg13 : memref<128x128xf32, #tpu.memory_space<vmem>>) offsets(%dma_start3A_322 : memref<128xi32, #tpu.memory_space<vmem>>) semaphore(%arg17 : memref<!tpu.dma_semaphore, #tpu.memory_space<semaphore_mem>>)
      } else {
      }
    }
    %scan3A_125 = arith.constant 52 : i32
    %dma_wait3A_126 = arith.constant 1 : i32
    %dma_wait3A_127 = arith.constant 0 : i32
    %dma_wait3A_128 = arith.constant 0 : i32
    %dma_wait3A_129 = tpu.memref_slice %arg8[%dma_wait3A_126, %dma_wait3A_127, %dma_wait3A_128] : memref<2x1x128xi32, #tpu.memory_space<vmem>> -> memref<1x1x128xi32, #tpu.memory_space<vmem>>
    %dma_wait3A_130 = tpu.memref_squeeze %dma_wait3A_129 : memref<1x1x128xi32, #tpu.memory_space<vmem>> -> memref<128xi32, #tpu.memory_space<vmem>>
    %dma_wait3A_131 = arith.constant 0 : i32
    %dma_wait3A_132 = arith.constant 0 : i32
    %dma_wait3A_133 = tpu.memref_slice %arg15[%dma_wait3A_131, %dma_wait3A_132] : memref<10112x128xf32, #tpu.memory_space<vmem_shared>> -> memref<10112x128xf32, #tpu.memory_space<vmem_shared>>
    tpu.wait_indirect_dma semaphore(%arg19 : memref<!tpu.dma_semaphore, #tpu.memory_space<semaphore_mem>>) src(%arg12 : memref<128x128xf32, #tpu.memory_space<vmem>>) dst(%dma_wait3A_133 : memref<10112x128xf32, #tpu.memory_space<vmem_shared>>)
    %dma_wait3A_134 = arith.constant 1 : i32
    %dma_wait3A_135 = arith.constant 0 : i32
    %dma_wait3A_136 = arith.constant 0 : i32
    %dma_wait3A_137 = tpu.memref_slice %arg9[%dma_wait3A_134, %dma_wait3A_135, %dma_wait3A_136] : memref<2x1x128xi32, #tpu.memory_space<vmem>> -> memref<1x1x128xi32, #tpu.memory_space<vmem>>
    %dma_wait3A_138 = tpu.memref_squeeze %dma_wait3A_137 : memref<1x1x128xi32, #tpu.memory_space<vmem>> -> memref<128xi32, #tpu.memory_space<vmem>>
    %dma_wait3A_139 = arith.constant 0 : i32
    %dma_wait3A_140 = arith.constant 0 : i32
    %dma_wait3A_141 = tpu.memref_slice %arg15[%dma_wait3A_139, %dma_wait3A_140] : memref<10112x128xf32, #tpu.memory_space<vmem_shared>> -> memref<10112x128xf32, #tpu.memory_space<vmem_shared>>
    tpu.wait_indirect_dma semaphore(%arg20 : memref<!tpu.dma_semaphore, #tpu.memory_space<semaphore_mem>>) src(%arg13 : memref<128x128xf32, #tpu.memory_space<vmem>>) dst(%dma_wait3A_141 : memref<10112x128xf32, #tpu.memory_space<vmem_shared>>)
    %dma_wait3A_142 = arith.constant 1 : i32
    %dma_wait3A_143 = arith.constant 0 : i32
    %dma_wait3A_144 = arith.constant 0 : i32
    %dma_wait3A_145 = tpu.memref_slice %arg10[%dma_wait3A_142, %dma_wait3A_143, %dma_wait3A_144] : memref<2x1x128xi32, #tpu.memory_space<vmem>> -> memref<1x1x128xi32, #tpu.memory_space<vmem>>
    %dma_wait3A_146 = tpu.memref_squeeze %dma_wait3A_145 : memref<1x1x128xi32, #tpu.memory_space<vmem>> -> memref<128xi32, #tpu.memory_space<vmem>>
    %dma_wait3A_147 = arith.constant 0 : i32
    %dma_wait3A_148 = arith.constant 0 : i32
    %dma_wait3A_149 = tpu.memref_slice %arg15[%dma_wait3A_147, %dma_wait3A_148] : memref<10112x128xf32, #tpu.memory_space<vmem_shared>> -> memref<10112x128xf32, #tpu.memory_space<vmem_shared>>
    tpu.wait_indirect_dma semaphore(%arg21 : memref<!tpu.dma_semaphore, #tpu.memory_space<semaphore_mem>>) src(%arg14 : memref<128x128xf32, #tpu.memory_space<vmem>>) dst(%dma_wait3A_149 : memref<10112x128xf32, #tpu.memory_space<vmem_shared>>)
    %barrier3A_150 = arith.constant 0 : index
    tpu.barrier barrier_id(%barrier3A_150)
    %mul3A_151 = arith.constant 5 : i32
    %mul3A_152 = arith.muli %arg1, %mul3A_151 : i32
    %add3A_153 = arith.constant 0 : i32
    %add3A_154 = arith.addi %mul3A_152, %add3A_153 : i32
    "tpu.region"() ({
      %run_scoped3A = tpu.sem_alloc : memref<!tpu.dma_semaphore, #tpu.memory_space<semaphore_mem>>
      %dma_start3A_226 = arith.constant 0 : i32
      %dma_start3A_227 = tpu.memref_slice %arg6[%add3A_154, %dma_start3A_226] : memref<80x128xi32, #tpu.memory_space<hbm>> -> memref<1x128xi32, #tpu.memory_space<hbm>>
      %dma_start3A_228 = tpu.memref_squeeze %dma_start3A_227 : memref<1x128xi32, #tpu.memory_space<hbm>> -> memref<128xi32, #tpu.memory_space<hbm>>
      %dma_start3A_229 = arith.constant 0 : i32
      %dma_start3A_230 = tpu.memref_slice %arg6[%add3A_154, %dma_start3A_229] : memref<80x128xi32, #tpu.memory_space<hbm>> -> memref<1x128xi32, #tpu.memory_space<hbm>>
      %dma_start3A_231 = tpu.memref_squeeze %dma_start3A_230 : memref<1x128xi32, #tpu.memory_space<hbm>> -> memref<128xi32, #tpu.memory_space<hbm>>
      tpu.enqueue_dma source(%dma_start3A_231 : memref<128xi32, #tpu.memory_space<hbm>>) target(%arg11 : memref<128xi32, #tpu.memory_space<vmem>>) target_semaphore(%run_scoped3A : memref<!tpu.dma_semaphore, #tpu.memory_space<semaphore_mem>>)
      %dma_wait3A_232 = arith.constant 0 : i32
      %dma_wait3A_233 = tpu.memref_slice %arg6[%add3A_154, %dma_wait3A_232] : memref<80x128xi32, #tpu.memory_space<hbm>> -> memref<1x128xi32, #tpu.memory_space<hbm>>
      %dma_wait3A_234 = tpu.memref_squeeze %dma_wait3A_233 : memref<1x128xi32, #tpu.memory_space<hbm>> -> memref<128xi32, #tpu.memory_space<hbm>>
      %dma_wait3A_235 = arith.constant 0 : i32
      %dma_wait3A_236 = tpu.memref_slice %arg6[%add3A_154, %dma_wait3A_235] : memref<80x128xi32, #tpu.memory_space<hbm>> -> memref<1x128xi32, #tpu.memory_space<hbm>>
      %dma_wait3A_237 = tpu.memref_squeeze %dma_wait3A_236 : memref<1x128xi32, #tpu.memory_space<hbm>> -> memref<128xi32, #tpu.memory_space<hbm>>
      tpu.wait_dma2 semaphore(%run_scoped3A : memref<!tpu.dma_semaphore, #tpu.memory_space<semaphore_mem>>) src(%dma_wait3A_237 : memref<128xi32, #tpu.memory_space<hbm>>) dst(%arg11 : memref<128xi32, #tpu.memory_space<vmem>>)
      tpu.yield
    }) : () -> ()
    %dma_start3A_155 = arith.constant 0 : i32
    %dma_start3A_156 = arith.constant 0 : i32
    %dma_start3A_157 = tpu.memref_slice %arg15[%dma_start3A_155, %dma_start3A_156] : memref<10112x128xf32, #tpu.memory_space<vmem_shared>> -> memref<10112x128xf32, #tpu.memory_space<vmem_shared>>
    tpu.enqueue_indirect_dma source(%dma_start3A_157 : memref<10112x128xf32, #tpu.memory_space<vmem_shared>>) target(%arg14 : memref<128x128xf32, #tpu.memory_space<vmem>>) offsets(%arg11 : memref<128xi32, #tpu.memory_space<vmem>>) semaphore(%arg16 : memref<!tpu.dma_semaphore, #tpu.memory_space<semaphore_mem>>)
    %dma_wait3A_158 = arith.constant 0 : i32
    %dma_wait3A_159 = arith.constant 0 : i32
    %dma_wait3A_160 = tpu.memref_slice %arg15[%dma_wait3A_158, %dma_wait3A_159] : memref<10112x128xf32, #tpu.memory_space<vmem_shared>> -> memref<10112x128xf32, #tpu.memory_space<vmem_shared>>
    tpu.wait_indirect_dma semaphore(%arg16 : memref<!tpu.dma_semaphore, #tpu.memory_space<semaphore_mem>>) src(%dma_wait3A_160 : memref<10112x128xf32, #tpu.memory_space<vmem_shared>>) dst(%arg14 : memref<128x128xf32, #tpu.memory_space<vmem>>)
    %mul3A_161 = arith.constant 10112 : i32
    %mul3A_162 = arith.muli %arg0, %mul3A_161 : i32
    %add3A_163 = arith.addi %mul3A_162, %mul3A_0 : i32
    %add3A_164 = arith.constant 0 : i32
    %add3A_165 = arith.addi %add3A_163, %add3A_164 : i32
    "tpu.region"() ({
      %run_scoped3A = tpu.sem_alloc : memref<!tpu.dma_semaphore, #tpu.memory_space<semaphore_mem>>
      %dma_start3A_226 = arith.constant 0 : i32
      %dma_start3A_227 = tpu.memref_slice %arg7[%add3A_165, %dma_start3A_226] : memref<20224x128xf32, #tpu.memory_space<hbm>> -> memref<128x128xf32, #tpu.memory_space<hbm>>
      %dma_start3A_228 = arith.constant 0 : i32
      %dma_start3A_229 = tpu.memref_slice %arg7[%add3A_165, %dma_start3A_228] : memref<20224x128xf32, #tpu.memory_space<hbm>> -> memref<128x128xf32, #tpu.memory_space<hbm>>
      tpu.enqueue_dma source(%arg14 : memref<128x128xf32, #tpu.memory_space<vmem>>) target(%dma_start3A_229 : memref<128x128xf32, #tpu.memory_space<hbm>>) target_semaphore(%run_scoped3A : memref<!tpu.dma_semaphore, #tpu.memory_space<semaphore_mem>>)
      %dma_wait3A_230 = arith.constant 0 : i32
      %dma_wait3A_231 = tpu.memref_slice %arg7[%add3A_165, %dma_wait3A_230] : memref<20224x128xf32, #tpu.memory_space<hbm>> -> memref<128x128xf32, #tpu.memory_space<hbm>>
      %dma_wait3A_232 = arith.constant 0 : i32
      %dma_wait3A_233 = tpu.memref_slice %arg7[%add3A_165, %dma_wait3A_232] : memref<20224x128xf32, #tpu.memory_space<hbm>> -> memref<128x128xf32, #tpu.memory_space<hbm>>
      tpu.wait_dma2 semaphore(%run_scoped3A : memref<!tpu.dma_semaphore, #tpu.memory_space<semaphore_mem>>) src(%arg14 : memref<128x128xf32, #tpu.memory_space<vmem>>) dst(%dma_wait3A_233 : memref<128x128xf32, #tpu.memory_space<hbm>>)
      tpu.yield
    }) : () -> ()
    %mul3A_166 = arith.constant 5 : i32
    %mul3A_167 = arith.muli %arg1, %mul3A_166 : i32
    %add3A_168 = arith.constant 1 : i32
    %add3A_169 = arith.addi %mul3A_167, %add3A_168 : i32
    "tpu.region"() ({
      %run_scoped3A = tpu.sem_alloc : memref<!tpu.dma_semaphore, #tpu.memory_space<semaphore_mem>>
      %dma_start3A_226 = arith.constant 0 : i32
      %dma_start3A_227 = tpu.memref_slice %arg6[%add3A_169, %dma_start3A_226] : memref<80x128xi32, #tpu.memory_space<hbm>> -> memref<1x128xi32, #tpu.memory_space<hbm>>
      %dma_start3A_228 = tpu.memref_squeeze %dma_start3A_227 : memref<1x128xi32, #tpu.memory_space<hbm>> -> memref<128xi32, #tpu.memory_space<hbm>>
      %dma_start3A_229 = arith.constant 0 : i32
      %dma_start3A_230 = tpu.memref_slice %arg6[%add3A_169, %dma_start3A_229] : memref<80x128xi32, #tpu.memory_space<hbm>> -> memref<1x128xi32, #tpu.memory_space<hbm>>
      %dma_start3A_231 = tpu.memref_squeeze %dma_start3A_230 : memref<1x128xi32, #tpu.memory_space<hbm>> -> memref<128xi32, #tpu.memory_space<hbm>>
      tpu.enqueue_dma source(%dma_start3A_231 : memref<128xi32, #tpu.memory_space<hbm>>) target(%arg11 : memref<128xi32, #tpu.memory_space<vmem>>) target_semaphore(%run_scoped3A : memref<!tpu.dma_semaphore, #tpu.memory_space<semaphore_mem>>)
      %dma_wait3A_232 = arith.constant 0 : i32
      %dma_wait3A_233 = tpu.memref_slice %arg6[%add3A_169, %dma_wait3A_232] : memref<80x128xi32, #tpu.memory_space<hbm>> -> memref<1x128xi32, #tpu.memory_space<hbm>>
      %dma_wait3A_234 = tpu.memref_squeeze %dma_wait3A_233 : memref<1x128xi32, #tpu.memory_space<hbm>> -> memref<128xi32, #tpu.memory_space<hbm>>
      %dma_wait3A_235 = arith.constant 0 : i32
      %dma_wait3A_236 = tpu.memref_slice %arg6[%add3A_169, %dma_wait3A_235] : memref<80x128xi32, #tpu.memory_space<hbm>> -> memref<1x128xi32, #tpu.memory_space<hbm>>
      %dma_wait3A_237 = tpu.memref_squeeze %dma_wait3A_236 : memref<1x128xi32, #tpu.memory_space<hbm>> -> memref<128xi32, #tpu.memory_space<hbm>>
      tpu.wait_dma2 semaphore(%run_scoped3A : memref<!tpu.dma_semaphore, #tpu.memory_space<semaphore_mem>>) src(%dma_wait3A_237 : memref<128xi32, #tpu.memory_space<hbm>>) dst(%arg11 : memref<128xi32, #tpu.memory_space<vmem>>)
      tpu.yield
    }) : () -> ()
    %dma_start3A_170 = arith.constant 0 : i32
    %dma_start3A_171 = arith.constant 0 : i32
    %dma_start3A_172 = tpu.memref_slice %arg15[%dma_start3A_170, %dma_start3A_171] : memref<10112x128xf32, #tpu.memory_space<vmem_shared>> -> memref<10112x128xf32, #tpu.memory_space<vmem_shared>>
    tpu.enqueue_indirect_dma source(%dma_start3A_172 : memref<10112x128xf32, #tpu.memory_space<vmem_shared>>) target(%arg14 : memref<128x128xf32, #tpu.memory_space<vmem>>) offsets(%arg11 : memref<128xi32, #tpu.memory_space<vmem>>) semaphore(%arg16 : memref<!tpu.dma_semaphore, #tpu.memory_space<semaphore_mem>>)
    %dma_wait3A_173 = arith.constant 0 : i32
    %dma_wait3A_174 = arith.constant 0 : i32
    %dma_wait3A_175 = tpu.memref_slice %arg15[%dma_wait3A_173, %dma_wait3A_174] : memref<10112x128xf32, #tpu.memory_space<vmem_shared>> -> memref<10112x128xf32, #tpu.memory_space<vmem_shared>>
    tpu.wait_indirect_dma semaphore(%arg16 : memref<!tpu.dma_semaphore, #tpu.memory_space<semaphore_mem>>) src(%dma_wait3A_175 : memref<10112x128xf32, #tpu.memory_space<vmem_shared>>) dst(%arg14 : memref<128x128xf32, #tpu.memory_space<vmem>>)
    %mul3A_176 = arith.constant 10112 : i32
    %mul3A_177 = arith.muli %arg0, %mul3A_176 : i32
    %add3A_178 = arith.addi %mul3A_177, %mul3A_0 : i32
    %add3A_179 = arith.constant 128 : i32
    %add3A_180 = arith.addi %add3A_178, %add3A_179 : i32
    "tpu.region"() ({
      %run_scoped3A = tpu.sem_alloc : memref<!tpu.dma_semaphore, #tpu.memory_space<semaphore_mem>>
      %dma_start3A_226 = arith.constant 0 : i32
      %dma_start3A_227 = tpu.memref_slice %arg7[%add3A_180, %dma_start3A_226] : memref<20224x128xf32, #tpu.memory_space<hbm>> -> memref<128x128xf32, #tpu.memory_space<hbm>>
      %dma_start3A_228 = arith.constant 0 : i32
      %dma_start3A_229 = tpu.memref_slice %arg7[%add3A_180, %dma_start3A_228] : memref<20224x128xf32, #tpu.memory_space<hbm>> -> memref<128x128xf32, #tpu.memory_space<hbm>>
      tpu.enqueue_dma source(%arg14 : memref<128x128xf32, #tpu.memory_space<vmem>>) target(%dma_start3A_229 : memref<128x128xf32, #tpu.memory_space<hbm>>) target_semaphore(%run_scoped3A : memref<!tpu.dma_semaphore, #tpu.memory_space<semaphore_mem>>)
      %dma_wait3A_230 = arith.constant 0 : i32
      %dma_wait3A_231 = tpu.memref_slice %arg7[%add3A_180, %dma_wait3A_230] : memref<20224x128xf32, #tpu.memory_space<hbm>> -> memref<128x128xf32, #tpu.memory_space<hbm>>
      %dma_wait3A_232 = arith.constant 0 : i32
      %dma_wait3A_233 = tpu.memref_slice %arg7[%add3A_180, %dma_wait3A_232] : memref<20224x128xf32, #tpu.memory_space<hbm>> -> memref<128x128xf32, #tpu.memory_space<hbm>>
      tpu.wait_dma2 semaphore(%run_scoped3A : memref<!tpu.dma_semaphore, #tpu.memory_space<semaphore_mem>>) src(%arg14 : memref<128x128xf32, #tpu.memory_space<vmem>>) dst(%dma_wait3A_233 : memref<128x128xf32, #tpu.memory_space<hbm>>)
      tpu.yield
    }) : () -> ()
    %mul3A_181 = arith.constant 5 : i32
    %mul3A_182 = arith.muli %arg1, %mul3A_181 : i32
    %add3A_183 = arith.constant 2 : i32
    %add3A_184 = arith.addi %mul3A_182, %add3A_183 : i32
    "tpu.region"() ({
      %run_scoped3A = tpu.sem_alloc : memref<!tpu.dma_semaphore, #tpu.memory_space<semaphore_mem>>
      %dma_start3A_226 = arith.constant 0 : i32
      %dma_start3A_227 = tpu.memref_slice %arg6[%add3A_184, %dma_start3A_226] : memref<80x128xi32, #tpu.memory_space<hbm>> -> memref<1x128xi32, #tpu.memory_space<hbm>>
      %dma_start3A_228 = tpu.memref_squeeze %dma_start3A_227 : memref<1x128xi32, #tpu.memory_space<hbm>> -> memref<128xi32, #tpu.memory_space<hbm>>
      %dma_start3A_229 = arith.constant 0 : i32
      %dma_start3A_230 = tpu.memref_slice %arg6[%add3A_184, %dma_start3A_229] : memref<80x128xi32, #tpu.memory_space<hbm>> -> memref<1x128xi32, #tpu.memory_space<hbm>>
      %dma_start3A_231 = tpu.memref_squeeze %dma_start3A_230 : memref<1x128xi32, #tpu.memory_space<hbm>> -> memref<128xi32, #tpu.memory_space<hbm>>
      tpu.enqueue_dma source(%dma_start3A_231 : memref<128xi32, #tpu.memory_space<hbm>>) target(%arg11 : memref<128xi32, #tpu.memory_space<vmem>>) target_semaphore(%run_scoped3A : memref<!tpu.dma_semaphore, #tpu.memory_space<semaphore_mem>>)
      %dma_wait3A_232 = arith.constant 0 : i32
      %dma_wait3A_233 = tpu.memref_slice %arg6[%add3A_184, %dma_wait3A_232] : memref<80x128xi32, #tpu.memory_space<hbm>> -> memref<1x128xi32, #tpu.memory_space<hbm>>
      %dma_wait3A_234 = tpu.memref_squeeze %dma_wait3A_233 : memref<1x128xi32, #tpu.memory_space<hbm>> -> memref<128xi32, #tpu.memory_space<hbm>>
      %dma_wait3A_235 = arith.constant 0 : i32
      %dma_wait3A_236 = tpu.memref_slice %arg6[%add3A_184, %dma_wait3A_235] : memref<80x128xi32, #tpu.memory_space<hbm>> -> memref<1x128xi32, #tpu.memory_space<hbm>>
      %dma_wait3A_237 = tpu.memref_squeeze %dma_wait3A_236 : memref<1x128xi32, #tpu.memory_space<hbm>> -> memref<128xi32, #tpu.memory_space<hbm>>
      tpu.wait_dma2 semaphore(%run_scoped3A : memref<!tpu.dma_semaphore, #tpu.memory_space<semaphore_mem>>) src(%dma_wait3A_237 : memref<128xi32, #tpu.memory_space<hbm>>) dst(%arg11 : memref<128xi32, #tpu.memory_space<vmem>>)
      tpu.yield
    }) : () -> ()
    %dma_start3A_185 = arith.constant 0 : i32
    %dma_start3A_186 = arith.constant 0 : i32
    %dma_start3A_187 = tpu.memref_slice %arg15[%dma_start3A_185, %dma_start3A_186] : memref<10112x128xf32, #tpu.memory_space<vmem_shared>> -> memref<10112x128xf32, #tpu.memory_space<vmem_shared>>
    tpu.enqueue_indirect_dma source(%dma_start3A_187 : memref<10112x128xf32, #tpu.memory_space<vmem_shared>>) target(%arg14 : memref<128x128xf32, #tpu.memory_space<vmem>>) offsets(%arg11 : memref<128xi32, #tpu.memory_space<vmem>>) semaphore(%arg16 : memref<!tpu.dma_semaphore, #tpu.memory_space<semaphore_mem>>)
    %dma_wait3A_188 = arith.constant 0 : i32
    %dma_wait3A_189 = arith.constant 0 : i32
    %dma_wait3A_190 = tpu.memref_slice %arg15[%dma_wait3A_188, %dma_wait3A_189] : memref<10112x128xf32, #tpu.memory_space<vmem_shared>> -> memref<10112x128xf32, #tpu.memory_space<vmem_shared>>
    tpu.wait_indirect_dma semaphore(%arg16 : memref<!tpu.dma_semaphore, #tpu.memory_space<semaphore_mem>>) src(%dma_wait3A_190 : memref<10112x128xf32, #tpu.memory_space<vmem_shared>>) dst(%arg14 : memref<128x128xf32, #tpu.memory_space<vmem>>)
    %mul3A_191 = arith.constant 10112 : i32
    %mul3A_192 = arith.muli %arg0, %mul3A_191 : i32
    %add3A_193 = arith.addi %mul3A_192, %mul3A_0 : i32
    %add3A_194 = arith.constant 256 : i32
    %add3A_195 = arith.addi %add3A_193, %add3A_194 : i32
    "tpu.region"() ({
      %run_scoped3A = tpu.sem_alloc : memref<!tpu.dma_semaphore, #tpu.memory_space<semaphore_mem>>
      %dma_start3A_226 = arith.constant 0 : i32
      %dma_start3A_227 = tpu.memref_slice %arg7[%add3A_195, %dma_start3A_226] : memref<20224x128xf32, #tpu.memory_space<hbm>> -> memref<128x128xf32, #tpu.memory_space<hbm>>
      %dma_start3A_228 = arith.constant 0 : i32
      %dma_start3A_229 = tpu.memref_slice %arg7[%add3A_195, %dma_start3A_228] : memref<20224x128xf32, #tpu.memory_space<hbm>> -> memref<128x128xf32, #tpu.memory_space<hbm>>
      tpu.enqueue_dma source(%arg14 : memref<128x128xf32, #tpu.memory_space<vmem>>) target(%dma_start3A_229 : memref<128x128xf32, #tpu.memory_space<hbm>>) target_semaphore(%run_scoped3A : memref<!tpu.dma_semaphore, #tpu.memory_space<semaphore_mem>>)
      %dma_wait3A_230 = arith.constant 0 : i32
      %dma_wait3A_231 = tpu.memref_slice %arg7[%add3A_195, %dma_wait3A_230] : memref<20224x128xf32, #tpu.memory_space<hbm>> -> memref<128x128xf32, #tpu.memory_space<hbm>>
      %dma_wait3A_232 = arith.constant 0 : i32
      %dma_wait3A_233 = tpu.memref_slice %arg7[%add3A_195, %dma_wait3A_232] : memref<20224x128xf32, #tpu.memory_space<hbm>> -> memref<128x128xf32, #tpu.memory_space<hbm>>
      tpu.wait_dma2 semaphore(%run_scoped3A : memref<!tpu.dma_semaphore, #tpu.memory_space<semaphore_mem>>) src(%arg14 : memref<128x128xf32, #tpu.memory_space<vmem>>) dst(%dma_wait3A_233 : memref<128x128xf32, #tpu.memory_space<hbm>>)
      tpu.yield
    }) : () -> ()
    %mul3A_196 = arith.constant 5 : i32
    %mul3A_197 = arith.muli %arg1, %mul3A_196 : i32
    %add3A_198 = arith.constant 3 : i32
    %add3A_199 = arith.addi %mul3A_197, %add3A_198 : i32
    "tpu.region"() ({
      %run_scoped3A = tpu.sem_alloc : memref<!tpu.dma_semaphore, #tpu.memory_space<semaphore_mem>>
      %dma_start3A_226 = arith.constant 0 : i32
      %dma_start3A_227 = tpu.memref_slice %arg6[%add3A_199, %dma_start3A_226] : memref<80x128xi32, #tpu.memory_space<hbm>> -> memref<1x128xi32, #tpu.memory_space<hbm>>
      %dma_start3A_228 = tpu.memref_squeeze %dma_start3A_227 : memref<1x128xi32, #tpu.memory_space<hbm>> -> memref<128xi32, #tpu.memory_space<hbm>>
      %dma_start3A_229 = arith.constant 0 : i32
      %dma_start3A_230 = tpu.memref_slice %arg6[%add3A_199, %dma_start3A_229] : memref<80x128xi32, #tpu.memory_space<hbm>> -> memref<1x128xi32, #tpu.memory_space<hbm>>
      %dma_start3A_231 = tpu.memref_squeeze %dma_start3A_230 : memref<1x128xi32, #tpu.memory_space<hbm>> -> memref<128xi32, #tpu.memory_space<hbm>>
      tpu.enqueue_dma source(%dma_start3A_231 : memref<128xi32, #tpu.memory_space<hbm>>) target(%arg11 : memref<128xi32, #tpu.memory_space<vmem>>) target_semaphore(%run_scoped3A : memref<!tpu.dma_semaphore, #tpu.memory_space<semaphore_mem>>)
      %dma_wait3A_232 = arith.constant 0 : i32
      %dma_wait3A_233 = tpu.memref_slice %arg6[%add3A_199, %dma_wait3A_232] : memref<80x128xi32, #tpu.memory_space<hbm>> -> memref<1x128xi32, #tpu.memory_space<hbm>>
      %dma_wait3A_234 = tpu.memref_squeeze %dma_wait3A_233 : memref<1x128xi32, #tpu.memory_space<hbm>> -> memref<128xi32, #tpu.memory_space<hbm>>
      %dma_wait3A_235 = arith.constant 0 : i32
      %dma_wait3A_236 = tpu.memref_slice %arg6[%add3A_199, %dma_wait3A_235] : memref<80x128xi32, #tpu.memory_space<hbm>> -> memref<1x128xi32, #tpu.memory_space<hbm>>
      %dma_wait3A_237 = tpu.memref_squeeze %dma_wait3A_236 : memref<1x128xi32, #tpu.memory_space<hbm>> -> memref<128xi32, #tpu.memory_space<hbm>>
      tpu.wait_dma2 semaphore(%run_scoped3A : memref<!tpu.dma_semaphore, #tpu.memory_space<semaphore_mem>>) src(%dma_wait3A_237 : memref<128xi32, #tpu.memory_space<hbm>>) dst(%arg11 : memref<128xi32, #tpu.memory_space<vmem>>)
      tpu.yield
    }) : () -> ()
    %dma_start3A_200 = arith.constant 0 : i32
    %dma_start3A_201 = arith.constant 0 : i32
    %dma_start3A_202 = tpu.memref_slice %arg15[%dma_start3A_200, %dma_start3A_201] : memref<10112x128xf32, #tpu.memory_space<vmem_shared>> -> memref<10112x128xf32, #tpu.memory_space<vmem_shared>>
    tpu.enqueue_indirect_dma source(%dma_start3A_202 : memref<10112x128xf32, #tpu.memory_space<vmem_shared>>) target(%arg14 : memref<128x128xf32, #tpu.memory_space<vmem>>) offsets(%arg11 : memref<128xi32, #tpu.memory_space<vmem>>) semaphore(%arg16 : memref<!tpu.dma_semaphore, #tpu.memory_space<semaphore_mem>>)
    %dma_wait3A_203 = arith.constant 0 : i32
    %dma_wait3A_204 = arith.constant 0 : i32
    %dma_wait3A_205 = tpu.memref_slice %arg15[%dma_wait3A_203, %dma_wait3A_204] : memref<10112x128xf32, #tpu.memory_space<vmem_shared>> -> memref<10112x128xf32, #tpu.memory_space<vmem_shared>>
    tpu.wait_indirect_dma semaphore(%arg16 : memref<!tpu.dma_semaphore, #tpu.memory_space<semaphore_mem>>) src(%dma_wait3A_205 : memref<10112x128xf32, #tpu.memory_space<vmem_shared>>) dst(%arg14 : memref<128x128xf32, #tpu.memory_space<vmem>>)
    %mul3A_206 = arith.constant 10112 : i32
    %mul3A_207 = arith.muli %arg0, %mul3A_206 : i32
    %add3A_208 = arith.addi %mul3A_207, %mul3A_0 : i32
    %add3A_209 = arith.constant 384 : i32
    %add3A_210 = arith.addi %add3A_208, %add3A_209 : i32
    "tpu.region"() ({
      %run_scoped3A = tpu.sem_alloc : memref<!tpu.dma_semaphore, #tpu.memory_space<semaphore_mem>>
      %dma_start3A_226 = arith.constant 0 : i32
      %dma_start3A_227 = tpu.memref_slice %arg7[%add3A_210, %dma_start3A_226] : memref<20224x128xf32, #tpu.memory_space<hbm>> -> memref<128x128xf32, #tpu.memory_space<hbm>>
      %dma_start3A_228 = arith.constant 0 : i32
      %dma_start3A_229 = tpu.memref_slice %arg7[%add3A_210, %dma_start3A_228] : memref<20224x128xf32, #tpu.memory_space<hbm>> -> memref<128x128xf32, #tpu.memory_space<hbm>>
      tpu.enqueue_dma source(%arg14 : memref<128x128xf32, #tpu.memory_space<vmem>>) target(%dma_start3A_229 : memref<128x128xf32, #tpu.memory_space<hbm>>) target_semaphore(%run_scoped3A : memref<!tpu.dma_semaphore, #tpu.memory_space<semaphore_mem>>)
      %dma_wait3A_230 = arith.constant 0 : i32
      %dma_wait3A_231 = tpu.memref_slice %arg7[%add3A_210, %dma_wait3A_230] : memref<20224x128xf32, #tpu.memory_space<hbm>> -> memref<128x128xf32, #tpu.memory_space<hbm>>
      %dma_wait3A_232 = arith.constant 0 : i32
      %dma_wait3A_233 = tpu.memref_slice %arg7[%add3A_210, %dma_wait3A_232] : memref<20224x128xf32, #tpu.memory_space<hbm>> -> memref<128x128xf32, #tpu.memory_space<hbm>>
      tpu.wait_dma2 semaphore(%run_scoped3A : memref<!tpu.dma_semaphore, #tpu.memory_space<semaphore_mem>>) src(%arg14 : memref<128x128xf32, #tpu.memory_space<vmem>>) dst(%dma_wait3A_233 : memref<128x128xf32, #tpu.memory_space<hbm>>)
      tpu.yield
    }) : () -> ()
    %mul3A_211 = arith.constant 5 : i32
    %mul3A_212 = arith.muli %arg1, %mul3A_211 : i32
    %add3A_213 = arith.constant 4 : i32
    %add3A_214 = arith.addi %mul3A_212, %add3A_213 : i32
    "tpu.region"() ({
      %run_scoped3A = tpu.sem_alloc : memref<!tpu.dma_semaphore, #tpu.memory_space<semaphore_mem>>
      %dma_start3A_226 = arith.constant 0 : i32
      %dma_start3A_227 = tpu.memref_slice %arg6[%add3A_214, %dma_start3A_226] : memref<80x128xi32, #tpu.memory_space<hbm>> -> memref<1x128xi32, #tpu.memory_space<hbm>>
      %dma_start3A_228 = tpu.memref_squeeze %dma_start3A_227 : memref<1x128xi32, #tpu.memory_space<hbm>> -> memref<128xi32, #tpu.memory_space<hbm>>
      %dma_start3A_229 = arith.constant 0 : i32
      %dma_start3A_230 = tpu.memref_slice %arg6[%add3A_214, %dma_start3A_229] : memref<80x128xi32, #tpu.memory_space<hbm>> -> memref<1x128xi32, #tpu.memory_space<hbm>>
      %dma_start3A_231 = tpu.memref_squeeze %dma_start3A_230 : memref<1x128xi32, #tpu.memory_space<hbm>> -> memref<128xi32, #tpu.memory_space<hbm>>
      tpu.enqueue_dma source(%dma_start3A_231 : memref<128xi32, #tpu.memory_space<hbm>>) target(%arg11 : memref<128xi32, #tpu.memory_space<vmem>>) target_semaphore(%run_scoped3A : memref<!tpu.dma_semaphore, #tpu.memory_space<semaphore_mem>>)
      %dma_wait3A_232 = arith.constant 0 : i32
      %dma_wait3A_233 = tpu.memref_slice %arg6[%add3A_214, %dma_wait3A_232] : memref<80x128xi32, #tpu.memory_space<hbm>> -> memref<1x128xi32, #tpu.memory_space<hbm>>
      %dma_wait3A_234 = tpu.memref_squeeze %dma_wait3A_233 : memref<1x128xi32, #tpu.memory_space<hbm>> -> memref<128xi32, #tpu.memory_space<hbm>>
      %dma_wait3A_235 = arith.constant 0 : i32
      %dma_wait3A_236 = tpu.memref_slice %arg6[%add3A_214, %dma_wait3A_235] : memref<80x128xi32, #tpu.memory_space<hbm>> -> memref<1x128xi32, #tpu.memory_space<hbm>>
      %dma_wait3A_237 = tpu.memref_squeeze %dma_wait3A_236 : memref<1x128xi32, #tpu.memory_space<hbm>> -> memref<128xi32, #tpu.memory_space<hbm>>
      tpu.wait_dma2 semaphore(%run_scoped3A : memref<!tpu.dma_semaphore, #tpu.memory_space<semaphore_mem>>) src(%dma_wait3A_237 : memref<128xi32, #tpu.memory_space<hbm>>) dst(%arg11 : memref<128xi32, #tpu.memory_space<vmem>>)
      tpu.yield
    }) : () -> ()
    %dma_start3A_215 = arith.constant 0 : i32
    %dma_start3A_216 = arith.constant 0 : i32
    %dma_start3A_217 = tpu.memref_slice %arg15[%dma_start3A_215, %dma_start3A_216] : memref<10112x128xf32, #tpu.memory_space<vmem_shared>> -> memref<10112x128xf32, #tpu.memory_space<vmem_shared>>
    tpu.enqueue_indirect_dma source(%dma_start3A_217 : memref<10112x128xf32, #tpu.memory_space<vmem_shared>>) target(%arg14 : memref<128x128xf32, #tpu.memory_space<vmem>>) offsets(%arg11 : memref<128xi32, #tpu.memory_space<vmem>>) semaphore(%arg16 : memref<!tpu.dma_semaphore, #tpu.memory_space<semaphore_mem>>)
    %dma_wait3A_218 = arith.constant 0 : i32
    %dma_wait3A_219 = arith.constant 0 : i32
    %dma_wait3A_220 = tpu.memref_slice %arg15[%dma_wait3A_218, %dma_wait3A_219] : memref<10112x128xf32, #tpu.memory_space<vmem_shared>> -> memref<10112x128xf32, #tpu.memory_space<vmem_shared>>
    tpu.wait_indirect_dma semaphore(%arg16 : memref<!tpu.dma_semaphore, #tpu.memory_space<semaphore_mem>>) src(%dma_wait3A_220 : memref<10112x128xf32, #tpu.memory_space<vmem_shared>>) dst(%arg14 : memref<128x128xf32, #tpu.memory_space<vmem>>)
    %mul3A_221 = arith.constant 10112 : i32
    %mul3A_222 = arith.muli %arg0, %mul3A_221 : i32
    %add3A_223 = arith.addi %mul3A_222, %mul3A_0 : i32
    %add3A_224 = arith.constant 504 : i32
    %add3A_225 = arith.addi %add3A_223, %add3A_224 : i32
    "tpu.region"() ({
      %run_scoped3A = tpu.sem_alloc : memref<!tpu.dma_semaphore, #tpu.memory_space<semaphore_mem>>
      %dma_start3A_226 = arith.constant 0 : i32
      %dma_start3A_227 = tpu.memref_slice %arg7[%add3A_225, %dma_start3A_226] : memref<20224x128xf32, #tpu.memory_space<hbm>> -> memref<128x128xf32, #tpu.memory_space<hbm>>
      %dma_start3A_228 = arith.constant 0 : i32
      %dma_start3A_229 = tpu.memref_slice %arg7[%add3A_225, %dma_start3A_228] : memref<20224x128xf32, #tpu.memory_space<hbm>> -> memref<128x128xf32, #tpu.memory_space<hbm>>
      tpu.enqueue_dma source(%arg14 : memref<128x128xf32, #tpu.memory_space<vmem>>) target(%dma_start3A_229 : memref<128x128xf32, #tpu.memory_space<hbm>>) target_semaphore(%run_scoped3A : memref<!tpu.dma_semaphore, #tpu.memory_space<semaphore_mem>>)
      %dma_wait3A_230 = arith.constant 0 : i32
      %dma_wait3A_231 = tpu.memref_slice %arg7[%add3A_225, %dma_wait3A_230] : memref<20224x128xf32, #tpu.memory_space<hbm>> -> memref<128x128xf32, #tpu.memory_space<hbm>>
      %dma_wait3A_232 = arith.constant 0 : i32
      %dma_wait3A_233 = tpu.memref_slice %arg7[%add3A_225, %dma_wait3A_232] : memref<20224x128xf32, #tpu.memory_space<hbm>> -> memref<128x128xf32, #tpu.memory_space<hbm>>
      tpu.wait_dma2 semaphore(%run_scoped3A : memref<!tpu.dma_semaphore, #tpu.memory_space<semaphore_mem>>) src(%arg14 : memref<128x128xf32, #tpu.memory_space<vmem>>) dst(%dma_wait3A_233 : memref<128x128xf32, #tpu.memory_space<hbm>>)
      tpu.yield
    }) : () -> ()
    return
  }
}

module attributes {stable_mosaic.version = 14 : i64} {
  func.func @body(%arg0: i32, %arg1: memref<128x128xf32, #tpu.memory_space<vmem>>, %arg2: memref<128x128xf32, #tpu.memory_space<vmem>>, %arg3: memref<128x128xf32, #tpu.memory_space<vmem>>, %arg4: memref<128x128xf32, #tpu.memory_space<vmem>>) attributes {dimension_semantics = [#tpu.dimension_semantics<arbitrary>], iteration_bounds = array<i64: 158>, scalar_prefetch = 0 : i64, scratch_operands = 0 : i64, tpu.core_type = #tpu.core_type<tc>, window_params = [{transform_indices = @transform_0, window_bounds = array<i64: 128, 128>}, {transform_indices = @transform_1, window_bounds = array<i64: 128, 128>}, {pipeline_mode = #tpu.pipeline_mode<synchronous>, transform_indices = @transform_2, window_bounds = array<i64: 128, 128>}, {transform_indices = @transform_3, window_bounds = array<i64: 128, 128>}]} {
    %get3A = arith.constant 0 : index
    %get3A_0 = arith.constant 0 : index
    %get3A_1 = vector.load %arg2[%get3A, %get3A_0] : memref<128x128xf32, #tpu.memory_space<vmem>>, vector<128x1xf32>
    %max3A = arith.constant 1.000000e+00 : f32
    %max3A_2 = vector.broadcast %max3A : f32 to vector<128x1xf32>
    %max3A_3 = arith.maximumf %get3A_1, %max3A_2 : vector<128x1xf32>
    %rsqrt3A = math.rsqrt %max3A_3 : vector<128x1xf32>
    %get3A_4 = arith.constant 0 : index
    %get3A_5 = arith.constant 0 : index
    %get3A_6 = vector.load %arg1[%get3A_4, %get3A_5] : memref<128x128xf32, #tpu.memory_space<vmem>>, vector<128x128xf32>
    %get3A_7 = arith.constant 0 : index
    %get3A_8 = arith.constant 0 : index
    %get3A_9 = vector.load %arg3[%get3A_7, %get3A_8] : memref<128x128xf32, #tpu.memory_space<vmem>>, vector<128x128xf32>
    %dot_general3A = arith.constant dense<0.000000e+00> : vector<128x128xf32>
    %dot_general3A_10 = tpu.matmul %get3A_6, %get3A_9, %dot_general3A {dimension_numbers = #tpu.dot_dimension_numbers<[1], [0], [0], [1], [0, 0, 1, 1], [], []>, transpose_lhs_hint = false} : vector<128x128xf32>, vector<128x128xf32>, vector<128x128xf32> -> vector<128x128xf32>
    %mul3A = vector.broadcast %rsqrt3A : vector<128x1xf32> to vector<128x128xf32>
    %mul3A_11 = arith.mulf %dot_general3A_10, %mul3A : vector<128x128xf32>
    %swap3A = arith.constant 0 : index
    %swap3A_12 = arith.constant 0 : index
    %swap3A_13 = vector.load %arg4[%swap3A, %swap3A_12] : memref<128x128xf32, #tpu.memory_space<vmem>>, vector<128x128xf32>
    tpu.vector_store %arg4[%swap3A, %swap3A_12], %mul3A_11 {strides = array<i32>} : memref<128x128xf32, #tpu.memory_space<vmem>>, vector<128x128xf32>,
    return
  }
  func.func @transform_0(%arg0: i32) -> (i32, i32) {
    %c0_i32 = arith.constant 0 : i32
    %c0_i32_0 = arith.constant 0 : i32
    return %arg0, %c0_i32 : i32, i32
  }
  func.func @transform_1(%arg0: i32) -> (i32, i32) {
    %c0_i32 = arith.constant 0 : i32
    %c0_i32_0 = arith.constant 0 : i32
    return %arg0, %c0_i32 : i32, i32
  }
  func.func @transform_2(%arg0: i32) -> (i32, i32) {
    %c0_i32 = arith.constant 0 : i32
    %c0_i32_0 = arith.constant 0 : i32
    %c0_i32_1 = arith.constant 0 : i32
    return %c0_i32, %c0_i32_0 : i32, i32
  }
  func.func @transform_3(%arg0: i32) -> (i32, i32) {
    %c0_i32 = arith.constant 0 : i32
    %c0_i32_0 = arith.constant 0 : i32
    return %arg0, %c0_i32 : i32, i32
  }
}

module attributes {stable_mosaic.version = 14 : i64} {
  func.func @body(%arg0: i32, %arg1: memref<128x128xf32, #tpu.memory_space<vmem>>, %arg2: memref<128x128xf32, #tpu.memory_space<vmem>>, %arg3: memref<1x128xf32, #tpu.memory_space<vmem>>, %arg4: memref<128x128xf32, #tpu.memory_space<vmem>>, %arg5: memref<128x128xf32, #tpu.memory_space<vmem>>) attributes {dimension_semantics = [#tpu.dimension_semantics<arbitrary>], iteration_bounds = array<i64: 158>, scalar_prefetch = 0 : i64, scratch_operands = 0 : i64, tpu.core_type = #tpu.core_type<tc>, window_params = [{transform_indices = @transform_0, window_bounds = array<i64: 128, 128>}, {transform_indices = @transform_1, window_bounds = array<i64: 128, 128>}, {pipeline_mode = #tpu.pipeline_mode<synchronous>, transform_indices = @transform_2, window_bounds = array<i64: 1, 128>}, {pipeline_mode = #tpu.pipeline_mode<synchronous>, transform_indices = @transform_3, window_bounds = array<i64: 128, 128>}, {transform_indices = @transform_4, window_bounds = array<i64: 128, 128>}]} {
    %get3A = arith.constant 0 : index
    %get3A_0 = arith.constant 0 : index
    %get3A_1 = vector.load %arg2[%get3A, %get3A_0] : memref<128x128xf32, #tpu.memory_space<vmem>>, vector<128x1xf32>
    %max3A = arith.constant 1.000000e+00 : f32
    %max3A_2 = vector.broadcast %max3A : f32 to vector<128x1xf32>
    %max3A_3 = arith.maximumf %get3A_1, %max3A_2 : vector<128x1xf32>
    %rsqrt3A = math.rsqrt %max3A_3 : vector<128x1xf32>
    %get3A_4 = arith.constant 0 : index
    %get3A_5 = arith.constant 0 : index
    %get3A_6 = vector.load %arg1[%get3A_4, %get3A_5] : memref<128x128xf32, #tpu.memory_space<vmem>>, vector<128x128xf32>
    %mul3A = vector.broadcast %rsqrt3A : vector<128x1xf32> to vector<128x128xf32>
    %mul3A_7 = arith.mulf %get3A_6, %mul3A : vector<128x128xf32>
    %get3A_8 = arith.constant 0 : index
    %get3A_9 = arith.constant 0 : index
    %get3A_10 = vector.load %arg3[%get3A_8, %get3A_9] : memref<1x128xf32, #tpu.memory_space<vmem>>, vector<1x128xf32>
    %add3A = vector.broadcast %get3A_10 : vector<1x128xf32> to vector<128x128xf32>
    %add3A_11 = arith.addf %mul3A_7, %add3A : vector<128x128xf32>
    %max3A_12 = arith.constant 0.000000e+00 : f32
    %max3A_13 = vector.broadcast %max3A_12 : f32 to vector<128x128xf32>
    %max3A_14 = arith.maximumf %add3A_11, %max3A_13 : vector<128x128xf32>
    %jit3A = arith.constant 79 : i32
    %div3A = arith.divsi %arg0, %jit3A : i32
    %sign3A = arith.constant 0 : i32
    %sign3A_15 = arith.cmpi sgt, %arg0, %sign3A : i32
    %sign3A_16 = arith.extui %sign3A_15 : i1 to i32
    %sign3A_17 = arith.constant 0 : i32
    %sign3A_18 = arith.cmpi slt, %arg0, %sign3A_17 : i32
    %sign3A_19 = arith.extui %sign3A_18 : i1 to i32
    %sign3A_20 = arith.subi %sign3A_16, %sign3A_19 : i32
    %sign3A_21 = arith.constant 0 : i32
    %sign3A_22 = arith.cmpi sgt, %jit3A, %sign3A_21 : i32
    %sign3A_23 = arith.extui %sign3A_22 : i1 to i32
    %sign3A_24 = arith.constant 0 : i32
    %sign3A_25 = arith.cmpi slt, %jit3A, %sign3A_24 : i32
    %sign3A_26 = arith.extui %sign3A_25 : i1 to i32
    %sign3A_27 = arith.subi %sign3A_23, %sign3A_26 : i32
    %ne3A = arith.cmpi ne, %sign3A_20, %sign3A_27 : i32
    %rem3A = arith.remsi %arg0, %jit3A : i32
    %ne3A_28 = arith.constant 0 : i32
    %ne3A_29 = arith.cmpi ne, %rem3A, %ne3A_28 : i32
    %and3A = arith.andi %ne3A, %ne3A_29 : i1
    %sub3A = arith.constant 1 : i32
    %sub3A_30 = arith.subi %div3A, %sub3A : i32
    %select_n3A = arith.select %and3A, %sub3A_30, %div3A : i32
    %iota3A = tpu.iota {dimensions = array<i32: 0>} : vector<128x1xi32>
    %mul3A_31 = arith.constant 128 : i32
    %mul3A_32 = arith.muli %arg0, %mul3A_31 : i32
    %add3A_33 = vector.broadcast %mul3A_32 : i32 to vector<128x1xi32>
    %add3A_34 = arith.addi %iota3A, %add3A_33 : vector<128x1xi32>
    %mul3A_35 = arith.constant 10112 : i32
    %mul3A_36 = arith.muli %select_n3A, %mul3A_35 : i32
    %sub3A_37 = vector.broadcast %mul3A_36 : i32 to vector<128x1xi32>
    %sub3A_38 = arith.subi %add3A_34, %sub3A_37 : vector<128x1xi32>
    %lt3A = arith.constant 10000 : i32
    %lt3A_39 = vector.broadcast %lt3A : i32 to vector<128x1xi32>
    %lt3A_40 = arith.cmpi slt, %sub3A_38, %lt3A_39 : vector<128x1xi32>
    %jit3A_41 = arith.constant 0.000000e+00 : f32
    %broadcast_in_dim3A = vector.shape_cast %lt3A_40 : vector<128x1xi1> to vector<128x1xi1>
    %broadcast_in_dim3A_42 = vector.broadcast %broadcast_in_dim3A : vector<128x1xi1> to vector<128x128xi1>
    %broadcast_in_dim3A_43 = vector.broadcast %jit3A_41 : f32 to vector<128x128xf32>
    %select_n3A_44 = arith.select %broadcast_in_dim3A_42, %max3A_14, %broadcast_in_dim3A_43 : vector<128x128xi1>, vector<128x128xf32>
    %get3A_45 = arith.constant 0 : index
    %get3A_46 = arith.constant 0 : index
    %get3A_47 = vector.load %arg4[%get3A_45, %get3A_46] : memref<128x128xf32, #tpu.memory_space<vmem>>, vector<128x128xf32>
    %dot_general3A = arith.constant dense<0.000000e+00> : vector<128x128xf32>
    %dot_general3A_48 = tpu.matmul %select_n3A_44, %get3A_47, %dot_general3A {dimension_numbers = #tpu.dot_dimension_numbers<[1], [0], [0], [1], [0, 0, 1, 1], [], []>, transpose_lhs_hint = false} : vector<128x128xf32>, vector<128x128xf32>, vector<128x128xf32> -> vector<128x128xf32>
    %mul3A_49 = vector.broadcast %rsqrt3A : vector<128x1xf32> to vector<128x128xf32>
    %mul3A_50 = arith.mulf %dot_general3A_48, %mul3A_49 : vector<128x128xf32>
    %swap3A = arith.constant 0 : index
    %swap3A_51 = arith.constant 0 : index
    %swap3A_52 = vector.load %arg5[%swap3A, %swap3A_51] : memref<128x128xf32, #tpu.memory_space<vmem>>, vector<128x128xf32>
    tpu.vector_store %arg5[%swap3A, %swap3A_51], %mul3A_50 {strides = array<i32>} : memref<128x128xf32, #tpu.memory_space<vmem>>, vector<128x128xf32>,
    return
  }
  func.func @transform_0(%arg0: i32) -> (i32, i32) {
    %c0_i32 = arith.constant 0 : i32
    %c0_i32_0 = arith.constant 0 : i32
    return %arg0, %c0_i32 : i32, i32
  }
  func.func @transform_1(%arg0: i32) -> (i32, i32) {
    %c0_i32 = arith.constant 0 : i32
    %c0_i32_0 = arith.constant 0 : i32
    return %arg0, %c0_i32 : i32, i32
  }
  func.func @transform_2(%arg0: i32) -> (i32, i32) {
    %c0_i32 = arith.constant 0 : i32
    %c0_i32_0 = arith.constant 0 : i32
    %c0_i32_1 = arith.constant 0 : i32
    return %c0_i32, %c0_i32_0 : i32, i32
  }
  func.func @transform_3(%arg0: i32) -> (i32, i32) {
    %c0_i32 = arith.constant 0 : i32
    %c0_i32_0 = arith.constant 0 : i32
    %c0_i32_1 = arith.constant 0 : i32
    return %c0_i32, %c0_i32_0 : i32, i32
  }
  func.func @transform_4(%arg0: i32) -> (i32, i32) {
    %c0_i32 = arith.constant 0 : i32
    %c0_i32_0 = arith.constant 0 : i32
    return %arg0, %c0_i32 : i32, i32
  }
}

module attributes {stable_mosaic.version = 14 : i64} {
  func.func @body(%arg0: i32, %arg1: memref<128x128xf32, #tpu.memory_space<vmem>>, %arg2: memref<128x128xf32, #tpu.memory_space<vmem>>, %arg3: memref<1x128xf32, #tpu.memory_space<vmem>>, %arg4: memref<128x128xf32, #tpu.memory_space<vmem>>) attributes {dimension_semantics = [#tpu.dimension_semantics<arbitrary>], iteration_bounds = array<i64: 158>, scalar_prefetch = 0 : i64, scratch_operands = 0 : i64, tpu.core_type = #tpu.core_type<tc>, window_params = [{transform_indices = @transform_0, window_bounds = array<i64: 128, 128>}, {transform_indices = @transform_1, window_bounds = array<i64: 128, 128>}, {pipeline_mode = #tpu.pipeline_mode<synchronous>, transform_indices = @transform_2, window_bounds = array<i64: 1, 128>}, {transform_indices = @transform_3, window_bounds = array<i64: 128, 128>}]} {
    %get3A = arith.constant 0 : index
    %get3A_0 = arith.constant 0 : index
    %get3A_1 = vector.load %arg2[%get3A, %get3A_0] : memref<128x128xf32, #tpu.memory_space<vmem>>, vector<128x1xf32>
    %max3A = arith.constant 1.000000e+00 : f32
    %max3A_2 = vector.broadcast %max3A : f32 to vector<128x1xf32>
    %max3A_3 = arith.maximumf %get3A_1, %max3A_2 : vector<128x1xf32>
    %rsqrt3A = math.rsqrt %max3A_3 : vector<128x1xf32>
    %get3A_4 = arith.constant 0 : index
    %get3A_5 = arith.constant 0 : index
    %get3A_6 = vector.load %arg1[%get3A_4, %get3A_5] : memref<128x128xf32, #tpu.memory_space<vmem>>, vector<128x128xf32>
    %mul3A = vector.broadcast %rsqrt3A : vector<128x1xf32> to vector<128x128xf32>
    %mul3A_7 = arith.mulf %get3A_6, %mul3A : vector<128x128xf32>
    %get3A_8 = arith.constant 0 : index
    %get3A_9 = arith.constant 0 : index
    %get3A_10 = vector.load %arg3[%get3A_8, %get3A_9] : memref<1x128xf32, #tpu.memory_space<vmem>>, vector<1x128xf32>
    %add3A = vector.broadcast %get3A_10 : vector<1x128xf32> to vector<128x128xf32>
    %add3A_11 = arith.addf %mul3A_7, %add3A : vector<128x128xf32>
    %swap3A = arith.constant 0 : index
    %swap3A_12 = arith.constant 0 : index
    %swap3A_13 = vector.load %arg4[%swap3A, %swap3A_12] : memref<128x128xf32, #tpu.memory_space<vmem>>, vector<128x128xf32>
    tpu.vector_store %arg4[%swap3A, %swap3A_12], %add3A_11 {strides = array<i32>} : memref<128x128xf32, #tpu.memory_space<vmem>>, vector<128x128xf32>,
    return
  }
  func.func @transform_0(%arg0: i32) -> (i32, i32) {
    %c0_i32 = arith.constant 0 : i32
    %c0_i32_0 = arith.constant 0 : i32
    return %arg0, %c0_i32 : i32, i32
  }
  func.func @transform_1(%arg0: i32) -> (i32, i32) {
    %c0_i32 = arith.constant 0 : i32
    %c0_i32_0 = arith.constant 0 : i32
    return %arg0, %c0_i32 : i32, i32
  }
  func.func @transform_2(%arg0: i32) -> (i32, i32) {
    %c0_i32 = arith.constant 0 : i32
    %c0_i32_0 = arith.constant 0 : i32
    %c0_i32_1 = arith.constant 0 : i32
    return %c0_i32, %c0_i32_0 : i32, i32
  }
  func.func @transform_3(%arg0: i32) -> (i32, i32) {
    %c0_i32 = arith.constant 0 : i32
    %c0_i32_0 = arith.constant 0 : i32
    return %arg0, %c0_i32 : i32, i32
  }
}

</mosaic_0001>

<sc_bundles>
// kernel: kernel.11.cloned.1.call-start
scs
__scs_entry_jumppad:
0x0: {  	(pc) =	sbr.rel $0x88, $3  }
0x1: {  	(tag) =	ssettag $0x0;
	lr =	simm.s32 $0x1  }
0x2: {  	[smem:$0x3F99] =	sst lr;
	_ =	strace $0xD0000000  }
0x3: {  	_ = 	snop  }
0x4: {  	_ = 	snop  }
0x5: {  	_ = 	snop  }
0x6: {  	_ = 	snop  }
0x7: {  	_ = 	snop  }
__scs_overlays_trampoline_lowered:
0x8: {  	[smem:$0x3FA8] =	sst s0  }
0x9: {  	[smem:$0x3FA9] =	sst s1  }
0xa: {  	[smem:$0x3FAA] =	sst s2  }
0xb: {  	[smem:$0x3FAB] =	sst s3  }
0xc: {  	[smem:$0x3FAC] =	sst s4  }
0xd: {  	[smem:$0x3FAD] =	sst s5  }
0xe: {  	[smem:$0x3FAE] =	sst s6  }
0xf: {  	[smem:$0x3FAF] =	sst s7  }
0x10: {  	[smem:$0x3FB0] =	sst s8  }
0x11: {  	[smem:$0x3FB1] =	sst s9;
	s0 =	simm.s32 @!p0 $0x0  }
0x12: {  	s1 =	sld [smem:$0x3F97];
	s0 =	simm.s32 @p0 $0x1  }
0x13: {  	[smem:$0x3FB2] =	sst s0;
	s0 =	simm.s32 @!p1 $0x0  }
0x14: {  	s2 =	sld [smem:$0x3F96];
	s0 =	simm.s32 @p1 $0x1  }
0x15: {  	[smem:$0x3FB3] =	sst s0;
	s0 =	simm.s32 @!p2 $0x0  }
0x16: {  	s3 =	sld [smem:$0x3FDB];
	s0 =	simm.s32 @p2 $0x1  }
0x17: {  	s4 =	simm.s32 $0x1BF5;
	[smem:$0x3FB5] =	sst s0  }
0x18: {  	s0 =	sld [smem:$0x3F98];
	_ =	swait.ge [sflag:s4], $0x0  }
0x19: {  	s7 =	sld [smem:$0x3F99]  }
0x1a: {  	s8 =	sadd.s32 $0xFFFFE003, lr  }
0x1b: {  	s9 =	sadd.s32 $0xFFFFFEF7, lr;
	s5 =	simm.s32 $0xFFFFFFFF;
	p2 =	slt.u32 s8, $0xFFFFF086  }
0x1c: {  	p1 =	slt.u32 s9, $0xF7A;
	s5 =	simm.s32 @!p2 $0x0  }
0x1d: {  	s5 =	simm.s32 @p1 $0x1;
	p0 =	seq.s32 s7, s2  }
0x1e: {  	s7 =	smul.u32 @!p0 $0xF7A, s2;
	p2 =	seq.s32 @!p0 s5, $0x0  }
0x1f: {  	s9 =	smul.u32 $0xF7A, s1;
	s8 =	simm.s32 @!p0 $0x1BF5;
	p2 =	por !p2, p0  }
0x20: {  	[sflag:s8] =	ssyncset.s32 @!p0 $0xFFFFF086;
	s6 =	sadd.s32 @!p0 s3, s7;
	s7 =	simm.s32 @!p0 $0x108  }
0x21: {  	s3 =	sadd.s32 s3, s9;
	s6 =	sadd.s32 @!p0 $0x88, s6;
	s7 =	simm.s32 @p2 $0x1082  }
0x22: {  	[simem:s7], [sflag:s8] =	dma.local @!p0 [hbm:s6], $0xF7A  }
0x23: {  	s9 =	sor.u32 $0xD0000000, s2;
	s6 =	simm.s32 $0x108;
	_ =	swait.ge @!p0 [sflag:s8], $0x0  }
0x24: {  	s3 =	sadd.s32 $0x88, s3;
	s6 =	simm.s32 @!p1 $0x1082;
	[sflag:s4] =	ssyncset.s32 $0xFFFFF086  }
0x25: {  	[simem:s6], [sflag:s4] =	dma.local [hbm:s3], $0xF7A  }
0x26: {  	[smem:$0x3F99] =	sst s1;
	(tag) =	ssettag s2;
	_ =	strace s9  }
0x27: {  	s1 =	sld [smem:$0x3FA9]  }
0x28: {  	s2 =	sld [smem:$0x3FAA]  }
0x29: {  	s4 =	sld [smem:$0x3FAC]  }
0x2a: {  	p0 =	seq.s32 s5, $0x0;
	s5 =	sld [smem:$0x3FAD]  }
0x2b: {  	s6 =	sld [smem:$0x3FAE]  }
0x2c: {  	s7 =	sld [smem:$0x3FAF]  }
0x2d: {  	s3 =	simm.s32 $0x108;
	s8 =	sld [smem:$0x3FB0]  }
0x2e: {  	s3 =	simm.s32 @!p0 $0x1082;
	s9 =	sld [smem:$0x3FB1]  }
0x2f: {  	lr =	sadd.s32 s0, s3;
	s0 =	sld [smem:$0x3FA8]  }
0x30: {  	s3 =	sld [smem:$0x3FAB]  }
0x31: {  	[smem:$0x3FB4] =	sst s10  }
0x32: {  	s10 =	sld [smem:$0x3FB2];
	_ =	sdelay $0x3  }
0x33: {  	p0 =	seq.s32 s10, $0x1;
	s10 =	sld [smem:$0x3FB4];
	_ =	sdelay $0x3  }
0x34: {  	[smem:$0x3FB4] =	sst s10  }
0x35: {  	s10 =	sld [smem:$0x3FB3];
	_ =	sdelay $0x3  }
0x36: {  	p1 =	seq.s32 s10, $0x1;
	s10 =	sld [smem:$0x3FB4];
	_ =	sdelay $0x3  }
0x37: {  	[smem:$0x3FB4] =	sst s10  }
0x38: {  	s10 =	sld [smem:$0x3FB5]  }
0x39: {  	_ = 	snop;
	(pc) =	sbr.ind lr, $3  }
0x3a: {  	_ = 	snop  }
0x3b: {  	_ = 	snop  }
0x3c: {  	p2 =	seq.s32 s10, $0x1;
	s10 =	sld [smem:$0x3FB4]  }
0x3d: {  	_ =	shalt  }
0x3e: {  	_ =	shalt  }
0x3f: {  	_ =	shalt  }
0x40: {  	_ =	shalt  }
0x41: {  	_ =	shalt  }
0x42: {  	_ =	shalt  }
0x43: {  	_ =	shalt  }
0x44: {  	_ =	shalt  }
0x45: {  	_ =	shalt  }
0x46: {  	_ =	shalt  }
0x47: {  	_ =	shalt  }
0x48: {  	_ =	shalt  }
0x49: {  	_ =	shalt  }
0x4a: {  	_ =	shalt  }
0x4b: {  	_ =	shalt  }
0x4c: {  	_ =	shalt  }
0x4d: {  	_ =	shalt  }
0x4e: {  	_ =	shalt  }
0x4f: {  	_ =	shalt  }
0x50: {  	_ =	shalt  }
0x51: {  	_ =	shalt  }
0x52: {  	_ =	shalt  }
0x53: {  	_ =	shalt  }
0x54: {  	_ =	shalt  }
0x55: {  	_ =	shalt  }
0x56: {  	_ =	shalt  }
0x57: {  	_ =	shalt  }
0x58: {  	_ =	shalt  }
0x59: {  	_ =	shalt  }
0x5a: {  	_ =	shalt  }
0x5b: {  	_ =	shalt  }
0x5c: {  	_ =	shalt  }
0x5d: {  	_ =	shalt  }
0x5e: {  	_ =	shalt  }
0x5f: {  	_ =	shalt  }
0x60: {  	_ =	shalt  }
0x61: {  	_ =	shalt  }
0x62: {  	_ =	shalt  }
0x63: {  	_ =	shalt  }
0x64: {  	_ =	shalt  }
0x65: {  	_ =	shalt  }
0x66: {  	_ =	shalt  }
0x67: {  	_ =	shalt  }
0x68: {  	_ =	shalt  }
0x69: {  	_ =	shalt  }
0x6a: {  	_ =	shalt  }
0x6b: {  	_ =	shalt  }
0x6c: {  	_ =	shalt  }
0x6d: {  	_ =	shalt  }
0x6e: {  	_ =	shalt  }
0x6f: {  	_ =	shalt  }
0x70: {  	_ =	shalt  }
0x71: {  	_ =	shalt  }
0x72: {  	_ =	shalt  }
0x73: {  	_ =	shalt  }
0x74: {  	_ =	shalt  }
0x75: {  	_ =	shalt  }
0x76: {  	_ =	shalt  }
0x77: {  	_ =	shalt  }
0x78: {  	_ =	shalt  }
0x79: {  	_ =	shalt  }
0x7a: {  	_ =	shalt  }
0x7b: {  	_ =	shalt  }
0x7c: {  	_ =	shalt  }
0x7d: {  	_ =	shalt  }
0x7e: {  	_ =	shalt  }
0x7f: {  	_ =	shalt  }
0x80: {  	_ =	shalt  }
0x81: {  	_ =	shalt  }
0x82: {  	_ =	shalt  }
0x83: {  	_ =	shalt  }
0x84: {  	_ =	shalt  }
0x85: {  	_ =	shalt  }
0x86: {  	_ =	shalt  }
0x87: {  	_ =	shalt  }
.Lfunc_end0:
.L_simem_size_0:
called_computation.1_lowered:
.L_overlay_start_0:
0x88: {  	s2 =	sld [smem:$0x3FD9]  }
0x89: {  	s3 =	sld [smem:$0x3FFE];
	_ =	sdelay $0x1  }
0x8a: {  	s1 =	srdreg.scid  }
0x8b: {  	s0 =	sand.u32 $0x1, s1  }
0x8c: {  	s14 =	sshll.u32 s0, $0xA;
	s2 =	sadd.s32 s3, s2  }
0x8d: {  	s2 =	sadd.s32 s2, s14  }
0x8e: {  	[smem:$0x3FC0] =	sst s2  }
0x8f: {  	_ = 	snop  }
0x90: {  	s2 =	sld [smem:$0x3FD0];
	_ =	sdelay $0x2  }
0x91: {  	s15 =	simm.s32 $0xA;
	s4 =	simm.s32 $0x10  }
0x92: {  	[smem:s4], [sflag:s15] =	dma.local [hbm:s2], $0x1  }
0x93: {  	_ =	swait.eq [sflag:s15], $0x1  }
0x94: {  	[sflag:s15] =	ssyncset.done $0x0  }
0x95: {  	[sflag:s15] =	ssyncadd.s32 $0xFFFFFFFF  }
0x96: {  	s16 =	sld [smem:$0x11];
	(tm) =	ssettm $0x1  }
0x97: {  	s17 =	sld [smem:$0x3FFB];
	_ =	sdelay $0x3  }
0x98: {  	_ =	strace s17  }
0x99: {  	s3 =	sld [smem:$0x3FFC];
	_ =	sdelay $0x3  }
0x9a: {  	_ =	strace s3  }
0x9b: {  	s3 =	sld [smem:$0x3FFD];
	_ =	sdelay $0x3  }
0x9c: {  	_ =	strace s3  }
0x9d: {  	_ =	strace $0x8FFFFFFF  }
0x9e: {  	s18 =	sld [smem:$0x3FDB];
	_ =	sdelay $0x1  }
0x9f: {  	s19 =	simm.s32 $_scs_section_size  }
0xa0: {  	s5 =	simm.s32 $_size__tile_overlayer_lowered;
	s6 =	simm.s32 $_tile_overlayer_lowered  }
0xa1: {  	s22 =	simm.s32 $0x1BFF;
	s21 =	sshll.u32 s6, $0x1;
	s3 =	sadd.s32 s19, s18  }
0xa2: {  	s7 =	simm.s32 $0x0;
	s20 =	sshll.u32 s5, $0x1;
	s5 =	sadd.s32 s21, s3  }
0xa3: {  	[timem:s7], [sflag:s22] =	dma.local [hbm:s5], s20  }
0xa4: {  	_ =	swait.ge [sflag:s22], s20  }
0xa5: {  	s4 =	ssub.s32 $0x0, s20;
	[sflag:s22] =	ssyncset.done $0x0  }
0xa6: {  	[sflag:s22] =	ssyncadd.s32 s4;
	_ =	sdelay $0x1  }
0xa7: {  	s23 =	simm.s32 $0x1B8B  }
0xa8: {  	_ =	swait.ge [sflag:s23], $0x1  }
0xa9: {  	[sflag:s23] =	ssyncset.done $0x0  }
0xaa: {  	s25 =	simm.s32 $0x1B8E;
	s24 =	sld [smem:$0x3FFE];
	[sflag:s23] =	ssyncadd.s32 $0xFFFFFFFF  }
0xab: {  	s26 =	simm.s32 $execute0_lowered;
	[smem:$0x3FD2] =	sst s25  }
0xac: {  	s5 =	sshll.u32 s26, $0x1;
	_ =	strace $0x80000049;
	[dreg:$0x1] =	wrdreg $0xFFFFFFFF  }
0xad: {  	s28 =	simm.s32 $_size_execute0_lowered;
	s3 =	sadd.s32 s3, s5;
	[dreg:$0x0] =	wrdreg $0x0  }
0xae: {  	s5 =	sshll.u32 s28, $0x1;
	[dreg:$0x2] =	wrdreg s3  }
0xaf: {  	[dreg:$0x3] =	wrdreg s5  }
0xb0: {  	[dreg:$0x4] =	wrdreg $0xC0  }
0xb1: {  	_ =	task [dreg:s7], $0x5FFFF  }
0xb2: {  	[dreg:$0x1] =	wrdreg $0xFFFFFFFF  }
0xb3: {  	[dreg:$0x0] =	wrdreg $0x60  }
0xb4: {  	[dreg:$0x2] =	wrdreg s24  }
0xb5: {  	[dreg:$0x3] =	wrdreg s16  }
0xb6: {  	[dreg:$0x4] =	wrdreg $0xC3800  }
0xb7: {  	[dreg:$0x5] =	wrdreg $0x9  }
0xb8: {  	_ =	task.clear_ibuf [dreg:s7], $0x6FFFF;
	_ =	strace $0x90000049  }
0xb9: {  	s29 =	simm.s32 $0x9;
	_ =	strace $0x8000004B  }
0xba: {  	_ =	swait.ge [sflag:s29], $0x1  }
0xbb: {  	[sflag:s29] =	ssyncadd.s32 $0xFFFFFFFF  }
0xbc: {  	_ =	strace $0x9000004B  }
0xbd: {  	_ =	sfence  }
0xbe: {  	s30 =	sld [smem:$0x0];
	_ =	sdelay $0x2  }
0xbf: {  	s31 =	sshll.u32 s1, $0xD;
	s1 =	sshrl.u32 s1, $0x2  }
0xc0: {  	s3 =	sand.u32 $0x4000, s31;
	s1 =	sadd.s32 s1, s30  }
0xc1: {  	s0 =	sor.u32 s3, s0;
	s1 =	sshll.u32 s1, $0x11  }
0xc2: {  	s0 =	sor.u32 s1, s0  }
0xc3: {  	s0 =	sadd.s32 $0x8F2B, s0  }
0xc4: {  	[sflag:s0] =	ssyncadd.remote.s32 $0x1  }
0xc5: {  	_ =	sfence.sel $0xFFFF  }
0xc6: {  	[dreg:$0x0] =	wrdreg $0xFFFFFFFF;
	(pc) =	sbr.abs _section_cstart, $3  }
0xc7: {  	[dreg:$0x1] =	wrdreg $0xFFFFFFFF  }
0xc8: {  	_ =	task.clear_ibuf [dreg:s7], $0x2FFFF;
	_ =	strace $0x9FFFFFFF  }
0xc9: {  	(tm) =	ssettm $0x7FFFFFFF  }
tec
execute0_lowered:
.L_overlay_start_1:
0x0: {  	(tag) =	ssettag $0x1  }
0x1: {  	s0 =	rddreg [dreg:$0x0];
	s12 =	stileid.u32  }
0x2: {  	s2 =	rddreg [dreg:$0x2];
	s4 =	simm.s32 $0x0;
	s3 =	smul.u32 $0x278, s12  }
0x3: {  	s1 =	srdreg.scid;
	s31 =	simm.s32 $0x8380;
	s22 =	smul.u32 $0x280, s12  }
0x4: {  	[smem:$0x7FF] =	sst s4;
	s1 =	sand.u32 $0x1, s1;
	s25 =	smul.u32 $0x50, s12  }
0x5: {  	s5 =	sadd.s32 $0x2A800, s0;
	s8 =	sadd.s32 $0x2C00, s0;
	s17 =	smul.u32 $0x9F, s12  }
0x6: {  	s9 =	sadd.s32 $0x2600, s0;
	_ =	strace $0x8000004A;
	s6 =	smul.u32 $0x2780, s1  }
0x7: {  	s7 =	sshll.u32 s1, $0x4;
	s20 =	ssub.s32 $0x2, s1;
	s1 =	smul.u32 $0x9F0, s1  }
0x8: {  	s7 =	sor.u32 s12, s7;
	s11 =	sshrl.u32 s20, $0x1;
	s14 =	sshrl.u32 s22, $0x3  }
0x9: {  	s12 =	simm.s32 $0x2;
	s3 =	sadd.s32 s3, s6;
	s10 =	smul.u32 $0x9F00, s7  }
0xa: {  	s7 =	smul.u32 $0x13E0, s7;
	s1 =	sadd.s32 s17, s1;
	s3 =	sshll.u32 s3, $0x4  }
0xb: {  	s17 =	simm.s32 $0x5;
	s0 =	sadd.s32 s3, s0;
	s3 =	ssub.s32 s20, s11  }
0xc: {  	s21 =	sshrl.u32 s10, $0x3;
	s13 =	sadd.s32 s8, s7;
	s15 =	sadd.s32 $0xC8800, s0  }
0xd: {  	s11 =	sadd.s32 s9, s25;
	s18 =	sadd.s32 $0xC9000, s0;
	[dreg:$0x8] =	wrdreg s15  }
0xe: {  	s7 =	simm.s32 $0x380;
	s20 =	sadd.s32 $0xC9800, s0;
	[dreg:$0xa] =	wrdreg s18  }
0xf: {  	s10 =	simm.s32 $0x1;
	s22 =	sadd.s32 $0xCA000, s0;
	[dreg:$0xc] =	wrdreg s20  }
0x10: {  	s6 =	sadd.s32 s8, s21;
	s0 =	sadd.s32 $0xCA780, s0;
	[dreg:$0xe] =	wrdreg s22  }
0x11: {  	s25 =	sadd.s32 $0x10, s11;
	s28 =	sadd.s32 $0x30, s11;
	[dreg:$0x10] =	wrdreg s0  }
0x12: {  	s29 =	sadd.s32 $0x40, s11;
	s23 =	sadd.s32 $0x20, s6;
	[dreg:$0x12] =	wrdreg s25  }
0x13: {  	s30 =	sadd.s32 $0x13C0, s13;
	s24 =	sadd.s32 $0x40, s6;
	[dreg:$0x4] =	wrdreg s23  }
0x14: {  	s26 =	sadd.s32 $0x60, s6;
	s6 =	sadd.s32 $0x80, s6;
	[dreg:$0x5] =	wrdreg s24  }
0x15: {  	s15 =	simm.s32 $0x3;
	s18 =	simm.s32 $0x6;
	[dreg:$0x6] =	wrdreg s26  }
0x16: {  	[dreg:$0x7] =	wrdreg s6;
	s6 =	sadd.s32 s9, s14;
	s23 =	sshll.u32 s1, $0x5  }
0x17: {  	s24 =	smax.u32 s3, $0x1;
	s26 =	sadd.s32 $0x20, s11;
	s3 =	simm.s32 $0x300  }
0x18: {  	s1 =	simm.s32 $0x80;
	s9 =	simm.s32 $0x4380;
	[dreg:$0x11] =	wrdreg s24  }
0x19: {  	s14 =	simm.s32 $0x4;
	s16 =	sadd.s32 $0x10, s6;
	[dreg:$0x13] =	wrdreg s26  }
0x1a: {  	s19 =	sadd.s32 $0x20, s6;
	s21 =	sadd.s32 $0x30, s6;
	[dreg:$0x9] =	wrdreg s16  }
0x1b: {  	s6 =	sadd.s32 $0x40, s6;
	s0 =	sadd.s32 s8, s23;
	[dreg:$0xb] =	wrdreg s19  }
0x1c: {  	s26 =	smov.u32 s13;
	s8 =	simm.s32 $0x100;
	[dreg:$0xd] =	wrdreg s21  }
0x1d: {  	s13 =	simm.s32 $0x180;
	[dreg:$0xf] =	wrdreg s6;
	s23 =	sadd.s32 $0xE0, s0  }
0x1e: {  	s24 =	sadd.s32 $0xC0, s0;
	s25 =	sadd.s32 $0xA0, s0;
	s0 =	simm.s32 $0x7  }
0x1f: {  	s6 =	simm.s32 $0x200;
	s16 =	simm.s32 $0x280;
	s19 =	simm.s32 $0x0  }
.LBB2_1:
0x20: {  	s20 =	rddreg [dreg:$0x1]  }
0x21: {  	[tilespmem:s31], [sflag:$0x7] =	stream.linear.gather [hbm4b:s20+s4], $0x4000, $0x38;
	[tilespmem:$0x1FF80] =	vst v63  }
0x22: {  	_ =	swait.ge [sflag:s0], $0x4000  }
0x23: {  	[sflag:s0] =	ssyncset.done $0x0  }
0x24: {  	[sflag:s0] =	ssyncadd.s32 $0xFFFFC000  }
0x25: {  	[tilespmem:s3], [sflag:$0x7] =	stream.linear.gather [hbm4b:s11+s4], $0x80, $0x38;
	[tilespmem:$0x1FF80] =	vst v63  }
0x26: {  	_ =	swait.ge [sflag:s0], $0x80  }
0x27: {  	[sflag:s0] =	ssyncset.done $0x0  }
0x28: {  	[sflag:s0] =	ssyncadd.s32 $0xFFFFFF80  }
0x29: {  	[spmem:s2] =	stream.indirect.scatter [tilespmem:s31], [sflag:$0x7], $0x80, s3, s1, $0xb8;
	[tilespmem:$0x1FF80] =	vst v63  }
0x2a: {  	_ =	swait.ge [sflag:s0], $0x4000  }
0x2b: {  	[sflag:s0] =	ssyncset.done $0x0  }
0x2c: {  	s22 =	rddreg [dreg:$0x12];
	[sflag:s0] =	ssyncadd.s32 $0xFFFFC000  }
0x2d: {  	[tilespmem:s3], [sflag:$0x7] =	stream.linear.gather [hbm4b:s22+s4], $0x80, $0x38;
	[tilespmem:$0x1FF80] =	vst v63  }
0x2e: {  	_ =	swait.ge [sflag:s0], $0x80  }
0x2f: {  	[sflag:s0] =	ssyncset.done $0x0  }
0x30: {  	[sflag:s0] =	ssyncadd.s32 $0xFFFFFF80  }
0x31: {  	[spmem:s2] =	stream.indirect.scatter [tilespmem:s31], [sflag:$0x7], $0x80, s3, s1, $0xb8;
	[tilespmem:$0x1FF80] =	vst v63  }
0x32: {  	_ =	swait.ge [sflag:s0], $0x4000  }
0x33: {  	[sflag:s0] =	ssyncset.done $0x0  }
0x34: {  	s21 =	rddreg [dreg:$0x13];
	[sflag:s0] =	ssyncadd.s32 $0xFFFFC000  }
0x35: {  	[tilespmem:s3], [sflag:$0x7] =	stream.linear.gather [hbm4b:s21+s4], $0x80, $0x38;
	[tilespmem:$0x1FF80] =	vst v63  }
0x36: {  	_ =	swait.ge [sflag:s0], $0x80  }
0x37: {  	[sflag:s0] =	ssyncset.done $0x0  }
0x38: {  	[sflag:s0] =	ssyncadd.s32 $0xFFFFFF80  }
0x39: {  	[spmem:s2] =	stream.indirect.scatter [tilespmem:s31], [sflag:$0x7], $0x80, s3, s1, $0xb8;
	[tilespmem:$0x1FF80] =	vst v63  }
0x3a: {  	_ =	swait.ge [sflag:s0], $0x4000  }
0x3b: {  	[sflag:s0] =	ssyncset.done $0x0  }
0x3c: {  	[sflag:s0] =	ssyncadd.s32 $0xFFFFC000  }
0x3d: {  	[tilespmem:s3], [sflag:$0x7] =	stream.linear.gather [hbm4b:s28+s4], $0x80, $0x38;
	[tilespmem:$0x1FF80] =	vst v63  }
0x3e: {  	_ =	swait.ge [sflag:s0], $0x80  }
0x3f: {  	[sflag:s0] =	ssyncset.done $0x0  }
0x40: {  	[sflag:s0] =	ssyncadd.s32 $0xFFFFFF80  }
0x41: {  	[spmem:s2] =	stream.indirect.scatter [tilespmem:s31], [sflag:$0x7], $0x80, s3, s1, $0xb8;
	[tilespmem:$0x1FF80] =	vst v63  }
0x42: {  	_ =	swait.ge [sflag:s0], $0x4000  }
0x43: {  	[sflag:s0] =	ssyncset.done $0x0  }
0x44: {  	[sflag:s0] =	ssyncadd.s32 $0xFFFFC000  }
0x45: {  	[tilespmem:s3], [sflag:$0x7] =	stream.linear.gather [hbm4b:s29+s4], $0x80, $0x38;
	[tilespmem:$0x1FF80] =	vst v63  }
0x46: {  	_ =	swait.ge [sflag:s0], $0x80  }
0x47: {  	[sflag:s0] =	ssyncset.done $0x0  }
0x48: {  	[sflag:s0] =	ssyncadd.s32 $0xFFFFFF80  }
0x49: {  	[spmem:s2] =	stream.indirect.scatter [tilespmem:s31], [sflag:$0x7], $0x80, s3, s1, $0xb8;
	[tilespmem:$0x1FF80] =	vst v63  }
0x4a: {  	_ =	swait.ge [sflag:s0], $0x4000  }
0x4b: {  	[sflag:s0] =	ssyncset.done $0x0  }
0x4c: {  	[sflag:s0] =	ssyncadd.s32 $0xFFFFC000  }
0x4d: {  	[bflag:$0x0] =	sbarrier.arrive $0xFFFF  }
0x4e: {  	[tilespmem:s4], [sflag:$0x7] =	stream.linear.gather [hbm4b:s26+s4], $0x100, $0x38;
	[tilespmem:$0x1FF80] =	vst v63  }
0x4f: {  	_ =	swait.ge [sflag:s0], $0x100  }
0x50: {  	[sflag:s0] =	ssyncset.done $0x0  }
0x51: {  	[sflag:s0] =	ssyncadd.s32 $0xFFFFFF00  }
0x52: {  	[tilespmem:s7], [sflag:$0x1] =	stream.indirect.gather [hbm4b:s5+s1], $0x80, s4, s1, $0xb8;
	[tilespmem:$0x1FF80] =	vst v63  }
0x53: {  	s22 =	rddreg [dreg:$0x4]  }
0x54: {  	[tilespmem:s8], [sflag:$0x7] =	stream.linear.gather [hbm4b:s22+s4], $0x100, $0x38;
	[tilespmem:$0x1FF80] =	vst v63  }
0x55: {  	_ =	swait.ge [sflag:s0], $0x100  }
0x56: {  	[sflag:s0] =	ssyncset.done $0x0  }
0x57: {  	[sflag:s0] =	ssyncadd.s32 $0xFFFFFF00  }
0x58: {  	[tilespmem:s9], [sflag:$0x2] =	stream.indirect.gather [hbm4b:s5+s1], $0x80, s8, s1, $0xb8;
	[tilespmem:$0x1FF80] =	vst v63  }
0x59: {  	_ =	swait.ge [sflag:s10], $0x4000  }
0x5a: {  	[sflag:s10] =	ssyncset.done $0x0  }
0x5b: {  	[sflag:s10] =	ssyncadd.s32 $0xFFFFC000  }
0x5c: {  	[spmem:s2] =	stream.indirect.scatter.add.f32 [tilespmem:s7], [sflag:$0x4], $0x80, s1, s1, $0xb8;
	[tilespmem:$0x1FF80] =	vst v63  }
0x5d: {  	s21 =	rddreg [dreg:$0x5]  }
0x5e: {  	[tilespmem:s6], [sflag:$0x7] =	stream.linear.gather [hbm4b:s21+s4], $0x100, $0x38;
	[tilespmem:$0x1FF80] =	vst v63  }
0x5f: {  	_ =	swait.ge [sflag:s0], $0x100  }
0x60: {  	[sflag:s0] =	ssyncset.done $0x0  }
0x61: {  	[sflag:s0] =	ssyncadd.s32 $0xFFFFFF00  }
0x62: {  	[tilespmem:s31], [sflag:$0x3] =	stream.indirect.gather [hbm4b:s5+s1], $0x80, s6, s1, $0xb8;
	[tilespmem:$0x1FF80] =	vst v63  }
0x63: {  	_ =	swait.ge [sflag:s12], $0x4000  }
0x64: {  	[sflag:s12] =	ssyncset.done $0x0  }
0x65: {  	[sflag:s12] =	ssyncadd.s32 $0xFFFFC000  }
0x66: {  	[spmem:s2] =	stream.indirect.scatter.add.f32 [tilespmem:s9], [sflag:$0x5], $0x80, s13, s1, $0xb8;
	[tilespmem:$0x1FF80] =	vst v63  }
0x67: {  	_ =	swait.ge [sflag:s14], $0x4000  }
0x68: {  	[sflag:s14] =	ssyncset.done $0x0  }
0x69: {  	s22 =	rddreg [dreg:$0x6];
	[sflag:s14] =	ssyncadd.s32 $0xFFFFC000  }
0x6a: {  	[tilespmem:s4], [sflag:$0x7] =	stream.linear.gather [hbm4b:s22+s4], $0x100, $0x38;
	[tilespmem:$0x1FF80] =	vst v63  }
0x6b: {  	_ =	swait.ge [sflag:s0], $0x100  }
0x6c: {  	[sflag:s0] =	ssyncset.done $0x0  }
0x6d: {  	[sflag:s0] =	ssyncadd.s32 $0xFFFFFF00  }
0x6e: {  	[tilespmem:s7], [sflag:$0x1] =	stream.indirect.gather [hbm4b:s5+s1], $0x80, s4, s1, $0xb8;
	[tilespmem:$0x1FF80] =	vst v63  }
0x6f: {  	_ =	swait.ge [sflag:s15], $0x4000  }
0x70: {  	[sflag:s15] =	ssyncset.done $0x0  }
0x71: {  	[sflag:s15] =	ssyncadd.s32 $0xFFFFC000  }
0x72: {  	[spmem:s2] =	stream.indirect.scatter.add.f32 [tilespmem:s31], [sflag:$0x6], $0x80, s16, s1, $0xb8;
	[tilespmem:$0x1FF80] =	vst v63  }
0x73: {  	_ =	swait.ge [sflag:s17], $0x4000  }
0x74: {  	[sflag:s17] =	ssyncset.done $0x0  }
0x75: {  	s21 =	rddreg [dreg:$0x7];
	[sflag:s17] =	ssyncadd.s32 $0xFFFFC000  }
0x76: {  	[tilespmem:s8], [sflag:$0x7] =	stream.linear.gather [hbm4b:s21+s4], $0x100, $0x38;
	[tilespmem:$0x1FF80] =	vst v63  }
0x77: {  	_ =	swait.ge [sflag:s0], $0x100  }
0x78: {  	[sflag:s0] =	ssyncset.done $0x0  }
0x79: {  	[sflag:s0] =	ssyncadd.s32 $0xFFFFFF00  }
0x7a: {  	[tilespmem:s9], [sflag:$0x2] =	stream.indirect.gather [hbm4b:s5+s1], $0x80, s8, s1, $0xb8;
	[tilespmem:$0x1FF80] =	vst v63  }
0x7b: {  	_ =	swait.ge [sflag:s10], $0x4000  }
0x7c: {  	[sflag:s10] =	ssyncset.done $0x0  }
0x7d: {  	[sflag:s10] =	ssyncadd.s32 $0xFFFFC000  }
0x7e: {  	[spmem:s2] =	stream.indirect.scatter.add.f32 [tilespmem:s7], [sflag:$0x4], $0x80, s1, s1, $0xb8;
	[tilespmem:$0x1FF80] =	vst v63  }
0x7f: {  	_ =	swait.ge [sflag:s18], $0x4000  }
0x80: {  	[sflag:s18] =	ssyncset.done $0x0  }
0x81: {  	s22 =	sadd.s32 $0x0, s25;
	[sflag:s18] =	ssyncadd.s32 $0xFFFFC000  }
0x82: {  	[tilespmem:s6], [sflag:$0x7] =	stream.linear.gather [hbm4b:s22+s4], $0x100, $0x38;
	[tilespmem:$0x1FF80] =	vst v63  }
0x83: {  	_ =	swait.ge [sflag:s0], $0x100  }
0x84: {  	[sflag:s0] =	ssyncset.done $0x0  }
0x85: {  	[sflag:s0] =	ssyncadd.s32 $0xFFFFFF00  }
0x86: {  	[tilespmem:s31], [sflag:$0x3] =	stream.indirect.gather [hbm4b:s5+s1], $0x80, s6, s1, $0xb8;
	[tilespmem:$0x1FF80] =	vst v63  }
0x87: {  	_ =	swait.ge [sflag:s12], $0x4000  }
0x88: {  	[sflag:s12] =	ssyncset.done $0x0  }
0x89: {  	[sflag:s12] =	ssyncadd.s32 $0xFFFFC000  }
0x8a: {  	[spmem:s2] =	stream.indirect.scatter.add.f32 [tilespmem:s9], [sflag:$0x5], $0x80, s13, s1, $0xb8;
	[tilespmem:$0x1FF80] =	vst v63  }
0x8b: {  	_ =	swait.ge [sflag:s14], $0x4000  }
0x8c: {  	[sflag:s14] =	ssyncset.done $0x0  }
0x8d: {  	s21 =	sadd.s32 $0x0, s24;
	[sflag:s14] =	ssyncadd.s32 $0xFFFFC000  }
0x8e: {  	[tilespmem:s4], [sflag:$0x7] =	stream.linear.gather [hbm4b:s21+s4], $0x100, $0x38;
	[tilespmem:$0x1FF80] =	vst v63  }
0x8f: {  	_ =	swait.ge [sflag:s0], $0x100  }
0x90: {  	[sflag:s0] =	ssyncset.done $0x0  }
0x91: {  	[sflag:s0] =	ssyncadd.s32 $0xFFFFFF00  }
0x92: {  	[tilespmem:s7], [sflag:$0x1] =	stream.indirect.gather [hbm4b:s5+s1], $0x80, s4, s1, $0xb8;
	[tilespmem:$0x1FF80] =	vst v63  }
0x93: {  	_ =	swait.ge [sflag:s15], $0x4000  }
0x94: {  	[sflag:s15] =	ssyncset.done $0x0  }
0x95: {  	[sflag:s15] =	ssyncadd.s32 $0xFFFFC000  }
0x96: {  	[spmem:s2] =	stream.indirect.scatter.add.f32 [tilespmem:s31], [sflag:$0x6], $0x80, s16, s1, $0xb8;
	[tilespmem:$0x1FF80] =	vst v63  }
0x97: {  	_ =	swait.ge [sflag:s17], $0x4000  }
0x98: {  	[sflag:s17] =	ssyncset.done $0x0  }
0x99: {  	s22 =	sadd.s32 $0x0, s23;
	[sflag:s17] =	ssyncadd.s32 $0xFFFFC000  }
0x9a: {  	[tilespmem:s8], [sflag:$0x7] =	stream.linear.gather [hbm4b:s22+s4], $0x100, $0x38;
	[tilespmem:$0x1FF80] =	vst v63  }
0x9b: {  	_ =	swait.ge [sflag:s0], $0x100  }
0x9c: {  	[sflag:s0] =	ssyncset.done $0x0  }
0x9d: {  	s20 =	simm.s32 $0x60;
	[sflag:s0] =	ssyncadd.s32 $0xFFFFFF00  }
.LBB2_2:
0x9e: {  	[tilespmem:s9], [sflag:$0x2] =	stream.indirect.gather [hbm4b:s5+s1], $0x80, s8, s1, $0xb8;
	[tilespmem:$0x1FF80] =	vst v63  }
0x9f: {  	s21 =	smov.u32 s20  }
0xa0: {  	p0 =	sne.s32 s20, $0x12C0;
	s20 =	sadd.s32 $0x60, s20;
	_ =	swait.ge [sflag:s10], $0x4000  }
0xa1: {  	[sflag:s10] =	ssyncset.done $0x0  }
0xa2: {  	[sflag:s10] =	ssyncadd.s32 $0xFFFFC000  }
0xa3: {  	[spmem:s2] =	stream.indirect.scatter.add.f32 [tilespmem:s7], [sflag:$0x4], $0x80, s1, s1, $0xb8;
	[tilespmem:$0x1FF80] =	vst v63  }
0xa4: {  	_ =	swait.ge [sflag:s18], $0x4000  }
0xa5: {  	[sflag:s18] =	ssyncset.done $0x0  }
0xa6: {  	s22 =	sadd.s32 s21, s25;
	[sflag:s18] =	ssyncadd.s32 $0xFFFFC000  }
0xa7: {  	[tilespmem:s6], [sflag:$0x7] =	stream.linear.gather [hbm4b:s22+s4], $0x100, $0x38;
	[tilespmem:$0x1FF80] =	vst v63  }
0xa8: {  	_ =	swait.ge [sflag:s0], $0x100  }
0xa9: {  	[sflag:s0] =	ssyncset.done $0x0  }
0xaa: {  	[sflag:s0] =	ssyncadd.s32 $0xFFFFFF00  }
0xab: {  	[tilespmem:s31], [sflag:$0x3] =	stream.indirect.gather [hbm4b:s5+s1], $0x80, s6, s1, $0xb8;
	[tilespmem:$0x1FF80] =	vst v63  }
0xac: {  	_ =	swait.ge [sflag:s12], $0x4000  }
0xad: {  	[sflag:s12] =	ssyncset.done $0x0  }
0xae: {  	[sflag:s12] =	ssyncadd.s32 $0xFFFFC000  }
0xaf: {  	[spmem:s2] =	stream.indirect.scatter.add.f32 [tilespmem:s9], [sflag:$0x5], $0x80, s13, s1, $0xb8;
	[tilespmem:$0x1FF80] =	vst v63  }
0xb0: {  	_ =	swait.ge [sflag:s14], $0x4000  }
0xb1: {  	[sflag:s14] =	ssyncset.done $0x0  }
0xb2: {  	s22 =	sadd.s32 s21, s24;
	[sflag:s14] =	ssyncadd.s32 $0xFFFFC000  }
0xb3: {  	[tilespmem:s4], [sflag:$0x7] =	stream.linear.gather [hbm4b:s22+s4], $0x100, $0x38;
	[tilespmem:$0x1FF80] =	vst v63  }
0xb4: {  	_ =	swait.ge [sflag:s0], $0x100  }
0xb5: {  	[sflag:s0] =	ssyncset.done $0x0  }
0xb6: {  	[sflag:s0] =	ssyncadd.s32 $0xFFFFFF00  }
0xb7: {  	[tilespmem:s7], [sflag:$0x1] =	stream.indirect.gather [hbm4b:s5+s1], $0x80, s4, s1, $0xb8;
	[tilespmem:$0x1FF80] =	vst v63  }
0xb8: {  	_ =	swait.ge [sflag:s15], $0x4000  }
0xb9: {  	[sflag:s15] =	ssyncset.done $0x0  }
0xba: {  	[sflag:s15] =	ssyncadd.s32 $0xFFFFC000  }
0xbb: {  	[spmem:s2] =	stream.indirect.scatter.add.f32 [tilespmem:s31], [sflag:$0x6], $0x80, s16, s1, $0xb8;
	[tilespmem:$0x1FF80] =	vst v63  }
0xbc: {  	_ =	swait.ge [sflag:s17], $0x4000  }
0xbd: {  	[sflag:s17] =	ssyncset.done $0x0  }
.Ltmp0:
0xbe: {  	s21 =	sadd.s32 s21, s23;
	[sflag:s17] =	ssyncadd.s32 $0xFFFFC000;
	(pc) =	sbr.rel @p0 .LBB2_2-.Ltmp0, $4  }
0xbf: {  	[tilespmem:s8], [sflag:$0x7] =	stream.linear.gather [hbm4b:s21+s4], $0x100, $0x38;
	[tilespmem:$0x1FF80] =	vst v63  }
0xc0: {  	_ =	swait.ge [sflag:s0], $0x100  }
0xc1: {  	[sflag:s0] =	ssyncset.done $0x0  }
0xc2: {  	[sflag:s0] =	ssyncadd.s32 $0xFFFFFF00  }
0xc3: {  	[tilespmem:s9], [sflag:$0x2] =	stream.indirect.gather [hbm4b:s5+s1], $0x80, s8, s1, $0xb8;
	[tilespmem:$0x1FF80] =	vst v63  }
0xc4: {  	_ =	swait.ge [sflag:s10], $0x4000  }
0xc5: {  	[sflag:s10] =	ssyncset.done $0x0  }
0xc6: {  	[sflag:s10] =	ssyncadd.s32 $0xFFFFC000  }
0xc7: {  	[spmem:s2] =	stream.indirect.scatter.add.f32 [tilespmem:s7], [sflag:$0x4], $0x80, s1, s1, $0xb8;
	[tilespmem:$0x1FF80] =	vst v63  }
0xc8: {  	_ =	swait.ge [sflag:s18], $0x4000  }
0xc9: {  	[sflag:s18] =	ssyncset.done $0x0  }
0xca: {  	[sflag:s18] =	ssyncadd.s32 $0xFFFFC000  }
0xcb: {  	[tilespmem:s6], [sflag:$0x7] =	stream.linear.gather [hbm4b:s30+s4], $0x100, $0x38;
	[tilespmem:$0x1FF80] =	vst v63  }
0xcc: {  	_ =	swait.ge [sflag:s0], $0x100  }
0xcd: {  	[sflag:s0] =	ssyncset.done $0x0  }
0xce: {  	[sflag:s0] =	ssyncadd.s32 $0xFFFFFF00  }
0xcf: {  	[tilespmem:s31], [sflag:$0x3] =	stream.indirect.gather [hbm4b:s5+s1], $0x80, s6, s1, $0xb8;
	[tilespmem:$0x1FF80] =	vst v63  }
0xd0: {  	_ =	swait.ge [sflag:s12], $0x4000  }
0xd1: {  	[sflag:s12] =	ssyncset.done $0x0  }
0xd2: {  	[sflag:s12] =	ssyncadd.s32 $0xFFFFC000  }
0xd3: {  	[spmem:s2] =	stream.indirect.scatter.add.f32 [tilespmem:s9], [sflag:$0x5], $0x80, s13, s1, $0xb8;
	[tilespmem:$0x1FF80] =	vst v63  }
0xd4: {  	_ =	swait.ge [sflag:s15], $0x4000  }
0xd5: {  	[sflag:s15] =	ssyncset.done $0x0  }
0xd6: {  	[sflag:s15] =	ssyncadd.s32 $0xFFFFC000  }
0xd7: {  	[spmem:s2] =	stream.indirect.scatter.add.f32 [tilespmem:s31], [sflag:$0x6], $0x80, s16, s1, $0xb8;
	[tilespmem:$0x1FF80] =	vst v63  }
0xd8: {  	_ =	swait.ge [sflag:s14], $0x4000  }
0xd9: {  	[sflag:s14] =	ssyncset.done $0x0  }
0xda: {  	[sflag:s14] =	ssyncadd.s32 $0xFFFFC000  }
0xdb: {  	_ =	swait.ge [sflag:s17], $0x4000  }
0xdc: {  	[sflag:s17] =	ssyncset.done $0x0  }
0xdd: {  	[sflag:s17] =	ssyncadd.s32 $0xFFFFC000  }
0xde: {  	_ =	swait.ge [sflag:s18], $0x4000  }
0xdf: {  	[sflag:s18] =	ssyncset.done $0x0  }
0xe0: {  	[sflag:s18] =	ssyncadd.s32 $0xFFFFC000  }
0xe1: {  	[bflag:$0x0] =	sbarrier.arrive $0xFFFF  }
0xe2: {  	[tilespmem:s3], [sflag:$0x7] =	stream.linear.gather [hbm4b:s11+s4], $0x80, $0x38;
	[tilespmem:$0x1FF80] =	vst v63  }
0xe3: {  	_ =	swait.ge [sflag:s0], $0x80  }
0xe4: {  	[sflag:s0] =	ssyncset.done $0x0  }
0xe5: {  	[sflag:s0] =	ssyncadd.s32 $0xFFFFFF80  }
0xe6: {  	[tilespmem:s31], [sflag:$0x1] =	stream.indirect.gather [spmem:s2], $0x80, s3, s1, $0xb8;
	[tilespmem:$0x1FF80] =	vst v63  }
0xe7: {  	_ =	swait.ge [sflag:s10], $0x4000  }
0xe8: {  	[sflag:s10] =	ssyncset.done $0x0  }
0xe9: {  	s20 =	rddreg [dreg:$0x8];
	[sflag:s10] =	ssyncadd.s32 $0xFFFFC000  }
0xea: {  	[hbm4b:s20+s4] =	stream.linear.scatter [tilespmem:s31], [sflag:$0x7], $0x4000, $0x38;
	[tilespmem:$0x1FF80] =	vst v63  }
0xeb: {  	_ =	swait.ge [sflag:s0], $0x4000  }
0xec: {  	[sflag:s0] =	ssyncset.done $0x0  }
0xed: {  	s22 =	rddreg [dreg:$0x9];
	[sflag:s0] =	ssyncadd.s32 $0xFFFFC000  }
0xee: {  	[tilespmem:s3], [sflag:$0x7] =	stream.linear.gather [hbm4b:s22+s4], $0x80, $0x38;
	[tilespmem:$0x1FF80] =	vst v63  }
0xef: {  	_ =	swait.ge [sflag:s0], $0x80  }
0xf0: {  	[sflag:s0] =	ssyncset.done $0x0  }
0xf1: {  	[sflag:s0] =	ssyncadd.s32 $0xFFFFFF80  }
0xf2: {  	[tilespmem:s31], [sflag:$0x1] =	stream.indirect.gather [spmem:s2], $0x80, s3, s1, $0xb8;
	[tilespmem:$0x1FF80] =	vst v63  }
0xf3: {  	_ =	swait.ge [sflag:s10], $0x4000  }
0xf4: {  	[sflag:s10] =	ssyncset.done $0x0  }
0xf5: {  	s21 =	rddreg [dreg:$0xa];
	[sflag:s10] =	ssyncadd.s32 $0xFFFFC000  }
0xf6: {  	[hbm4b:s21+s4] =	stream.linear.scatter [tilespmem:s31], [sflag:$0x7], $0x4000, $0x38;
	[tilespmem:$0x1FF80] =	vst v63  }
0xf7: {  	_ =	swait.ge [sflag:s0], $0x4000  }
0xf8: {  	[sflag:s0] =	ssyncset.done $0x0  }
0xf9: {  	s22 =	rddreg [dreg:$0xb];
	[sflag:s0] =	ssyncadd.s32 $0xFFFFC000  }
0xfa: {  	[tilespmem:s3], [sflag:$0x7] =	stream.linear.gather [hbm4b:s22+s4], $0x80, $0x38;
	[tilespmem:$0x1FF80] =	vst v63  }
0xfb: {  	_ =	swait.ge [sflag:s0], $0x80  }
0xfc: {  	[sflag:s0] =	ssyncset.done $0x0  }
0xfd: {  	[sflag:s0] =	ssyncadd.s32 $0xFFFFFF80  }
0xfe: {  	[tilespmem:s31], [sflag:$0x1] =	stream.indirect.gather [spmem:s2], $0x80, s3, s1, $0xb8;
	[tilespmem:$0x1FF80] =	vst v63  }
0xff: {  	_ =	swait.ge [sflag:s10], $0x4000  }
0x100: {  	[sflag:s10] =	ssyncset.done $0x0  }
0x101: {  	s21 =	rddreg [dreg:$0xc];
	[sflag:s10] =	ssyncadd.s32 $0xFFFFC000  }
0x102: {  	[hbm4b:s21+s4] =	stream.linear.scatter [tilespmem:s31], [sflag:$0x7], $0x4000, $0x38;
	[tilespmem:$0x1FF80] =	vst v63  }
0x103: {  	_ =	swait.ge [sflag:s0], $0x4000  }
0x104: {  	[sflag:s0] =	ssyncset.done $0x0  }
0x105: {  	s22 =	rddreg [dreg:$0xd];
	[sflag:s0] =	ssyncadd.s32 $0xFFFFC000  }
0x106: {  	[tilespmem:s3], [sflag:$0x7] =	stream.linear.gather [hbm4b:s22+s4], $0x80, $0x38;
	[tilespmem:$0x1FF80] =	vst v63  }
0x107: {  	_ =	swait.ge [sflag:s0], $0x80  }
0x108: {  	[sflag:s0] =	ssyncset.done $0x0  }
0x109: {  	[sflag:s0] =	ssyncadd.s32 $0xFFFFFF80  }
0x10a: {  	[tilespmem:s31], [sflag:$0x1] =	stream.indirect.gather [spmem:s2], $0x80, s3, s1, $0xb8;
	[tilespmem:$0x1FF80] =	vst v63  }
0x10b: {  	_ =	swait.ge [sflag:s10], $0x4000  }
0x10c: {  	[sflag:s10] =	ssyncset.done $0x0  }
0x10d: {  	s21 =	rddreg [dreg:$0xe];
	[sflag:s10] =	ssyncadd.s32 $0xFFFFC000  }
0x10e: {  	[hbm4b:s21+s4] =	stream.linear.scatter [tilespmem:s31], [sflag:$0x7], $0x4000, $0x38;
	[tilespmem:$0x1FF80] =	vst v63  }
0x10f: {  	_ =	swait.ge [sflag:s0], $0x4000  }
0x110: {  	[sflag:s0] =	ssyncset.done $0x0  }
0x111: {  	s22 =	rddreg [dreg:$0xf];
	[sflag:s0] =	ssyncadd.s32 $0xFFFFC000  }
0x112: {  	[tilespmem:s3], [sflag:$0x7] =	stream.linear.gather [hbm4b:s22+s4], $0x80, $0x38;
	[tilespmem:$0x1FF80] =	vst v63  }
0x113: {  	_ =	swait.ge [sflag:s0], $0x80  }
0x114: {  	[sflag:s0] =	ssyncset.done $0x0  }
0x115: {  	[sflag:s0] =	ssyncadd.s32 $0xFFFFFF80  }
0x116: {  	[tilespmem:s31], [sflag:$0x1] =	stream.indirect.gather [spmem:s2], $0x80, s3, s1, $0xb8;
	[tilespmem:$0x1FF80] =	vst v63  }
0x117: {  	_ =	swait.ge [sflag:s10], $0x4000  }
0x118: {  	[sflag:s10] =	ssyncset.done $0x0  }
0x119: {  	s21 =	rddreg [dreg:$0x10];
	[sflag:s10] =	ssyncadd.s32 $0xFFFFC000  }
0x11a: {  	[hbm4b:s21+s4] =	stream.linear.scatter [tilespmem:s31], [sflag:$0x7], $0x4000, $0x38;
	[tilespmem:$0x1FF80] =	vst v63  }
0x11b: {  	_ =	swait.ge [sflag:s0], $0x4000  }
0x11c: {  	s19 =	sadd.s32 $0x1, s19;
	s22 =	rddreg [dreg:$0x11]  }
0x11d: {  	p0 =	sne.s32 s19, s22  }
.Ltmp1:
0x11e: {  	_ = 	snop;
	(pc) =	sbr.rel @p0 .LBB2_1-.Ltmp1, $3  }
0x11f: {  	_ =	sdelay $0x1  }
0x120: {  	[sflag:s0] =	ssyncset.done $0x0  }
0x121: {  	[sflag:s0] =	ssyncadd.s32 $0xFFFFC000  }
0x122: {  	_ =	sfence.sel $0x180000  }
0x123: {  	[bflag:$0x0] =	sbarrier.arrive $0xFFFF  }
0x124: {  	_ =	strace $0x9000004A  }
0x125: {  	s0 =	stileid.u32;
	[bflag:$0x2] =	sbarrier.arrive $0xFFFF  }
0x126: {  	p0 =	sne.s32 s0, $0x0;
	s0 =	rddreg [dreg:$0x3]  }
0x127: {  	s0 =	sadd.s32 @!p0 $0x100000, s0  }
0x128: {  	[sflag:s0] =	ssyncadd.tile.s32 @!p0 $0x1;
	_ =	shalt  }
.Lfunc_end2:
_tile_overlayer_lowered:
.L_overlay_start_2:
0x129: {  	(tag) =	ssettag $0x2  }
0x12a: {  	s0 =	rddreg [dreg:$0x0];
	s2 =	stileid.u32  }
0x12b: {  	s1 =	rddreg [dreg:$0x1];
	p0 =	sne.s32 s2, $0x0  }
0x12c: {  	s3 =	rddreg [dreg:$0x2];
	[bflag:$0x3] =	sbarrier.arrive $0xFFFF;
	s2 =	simm.s32 @!p0 $0x1C07  }
0x12d: {  	[timem:s3], [sflag:s2] =	dma.local @!p0 [hbm:s0], s1  }
0x12e: {  	s0 =	simm.s32 @!p0 $0x7  }
0x12f: {  	_ =	swait.ge @!p0 [sflag:s0], s1  }
0x130: {  	s1 =	ssub.s32 @!p0 $0x0, s1;
	[sflag:s0] =	ssyncset.done @!p0 $0x0  }
0x131: {  	[sflag:s0] =	ssyncadd.s32 @!p0 s1  }
0x132: {  	[bflag:$0x3] =	sbarrier.arrive $0xFFFF  }
0x133: {  	_ =	shalt  }

// kernel: kernel.14.cloned.1.call-start
scs
__scs_entry_jumppad:
0x0: {  	(pc) =	sbr.rel $0x88, $3  }
0x1: {  	(tag) =	ssettag $0x0;
	lr =	simm.s32 $0x1  }
0x2: {  	[smem:$0x3F99] =	sst lr;
	_ =	strace $0xD0000000  }
0x3: {  	_ = 	snop  }
0x4: {  	_ = 	snop  }
0x5: {  	_ = 	snop  }
0x6: {  	_ = 	snop  }
0x7: {  	_ = 	snop  }
__scs_overlays_trampoline_lowered:
0x8: {  	[smem:$0x3FA8] =	sst s0  }
0x9: {  	[smem:$0x3FA9] =	sst s1  }
0xa: {  	[smem:$0x3FAA] =	sst s2  }
0xb: {  	[smem:$0x3FAB] =	sst s3  }
0xc: {  	[smem:$0x3FAC] =	sst s4  }
0xd: {  	[smem:$0x3FAD] =	sst s5  }
0xe: {  	[smem:$0x3FAE] =	sst s6  }
0xf: {  	[smem:$0x3FAF] =	sst s7  }
0x10: {  	[smem:$0x3FB0] =	sst s8  }
0x11: {  	[smem:$0x3FB1] =	sst s9;
	s0 =	simm.s32 @!p0 $0x0  }
0x12: {  	s1 =	sld [smem:$0x3F97];
	s0 =	simm.s32 @p0 $0x1  }
0x13: {  	[smem:$0x3FB2] =	sst s0;
	s0 =	simm.s32 @!p1 $0x0  }
0x14: {  	s2 =	sld [smem:$0x3F96];
	s0 =	simm.s32 @p1 $0x1  }
0x15: {  	[smem:$0x3FB3] =	sst s0;
	s0 =	simm.s32 @!p2 $0x0  }
0x16: {  	s3 =	sld [smem:$0x3FDB];
	s0 =	simm.s32 @p2 $0x1  }
0x17: {  	s4 =	simm.s32 $0x1BF5;
	[smem:$0x3FB5] =	sst s0  }
0x18: {  	s0 =	sld [smem:$0x3F98];
	_ =	swait.ge [sflag:s4], $0x0  }
0x19: {  	s7 =	sld [smem:$0x3F99]  }
0x1a: {  	s8 =	sadd.s32 $0xFFFFE003, lr  }
0x1b: {  	s9 =	sadd.s32 $0xFFFFFEF7, lr;
	s5 =	simm.s32 $0xFFFFFFFF;
	p2 =	slt.u32 s8, $0xFFFFF086  }
0x1c: {  	p1 =	slt.u32 s9, $0xF7A;
	s5 =	simm.s32 @!p2 $0x0  }
0x1d: {  	s5 =	simm.s32 @p1 $0x1;
	p0 =	seq.s32 s7, s2  }
0x1e: {  	s7 =	smul.u32 @!p0 $0xF7A, s2;
	p2 =	seq.s32 @!p0 s5, $0x0  }
0x1f: {  	s9 =	smul.u32 $0xF7A, s1;
	s8 =	simm.s32 @!p0 $0x1BF5;
	p2 =	por !p2, p0  }
0x20: {  	[sflag:s8] =	ssyncset.s32 @!p0 $0xFFFFF086;
	s6 =	sadd.s32 @!p0 s3, s7;
	s7 =	simm.s32 @!p0 $0x108  }
0x21: {  	s3 =	sadd.s32 s3, s9;
	s6 =	sadd.s32 @!p0 $0x88, s6;
	s7 =	simm.s32 @p2 $0x1082  }
0x22: {  	[simem:s7], [sflag:s8] =	dma.local @!p0 [hbm:s6], $0xF7A  }
0x23: {  	s9 =	sor.u32 $0xD0000000, s2;
	s6 =	simm.s32 $0x108;
	_ =	swait.ge @!p0 [sflag:s8], $0x0  }
0x24: {  	s3 =	sadd.s32 $0x88, s3;
	s6 =	simm.s32 @!p1 $0x1082;
	[sflag:s4] =	ssyncset.s32 $0xFFFFF086  }
0x25: {  	[simem:s6], [sflag:s4] =	dma.local [hbm:s3], $0xF7A  }
0x26: {  	[smem:$0x3F99] =	sst s1;
	(tag) =	ssettag s2;
	_ =	strace s9  }
0x27: {  	s1 =	sld [smem:$0x3FA9]  }
0x28: {  	s2 =	sld [smem:$0x3FAA]  }
0x29: {  	s4 =	sld [smem:$0x3FAC]  }
0x2a: {  	p0 =	seq.s32 s5, $0x0;
	s5 =	sld [smem:$0x3FAD]  }
0x2b: {  	s6 =	sld [smem:$0x3FAE]  }
0x2c: {  	s7 =	sld [smem:$0x3FAF]  }
0x2d: {  	s3 =	simm.s32 $0x108;
	s8 =	sld [smem:$0x3FB0]  }
0x2e: {  	s3 =	simm.s32 @!p0 $0x1082;
	s9 =	sld [smem:$0x3FB1]  }
0x2f: {  	lr =	sadd.s32 s0, s3;
	s0 =	sld [smem:$0x3FA8]  }
0x30: {  	s3 =	sld [smem:$0x3FAB]  }
0x31: {  	[smem:$0x3FB4] =	sst s10  }
0x32: {  	s10 =	sld [smem:$0x3FB2];
	_ =	sdelay $0x3  }
0x33: {  	p0 =	seq.s32 s10, $0x1;
	s10 =	sld [smem:$0x3FB4];
	_ =	sdelay $0x3  }
0x34: {  	[smem:$0x3FB4] =	sst s10  }
0x35: {  	s10 =	sld [smem:$0x3FB3];
	_ =	sdelay $0x3  }
0x36: {  	p1 =	seq.s32 s10, $0x1;
	s10 =	sld [smem:$0x3FB4];
	_ =	sdelay $0x3  }
0x37: {  	[smem:$0x3FB4] =	sst s10  }
0x38: {  	s10 =	sld [smem:$0x3FB5]  }
0x39: {  	_ = 	snop;
	(pc) =	sbr.ind lr, $3  }
0x3a: {  	_ = 	snop  }
0x3b: {  	_ = 	snop  }
0x3c: {  	p2 =	seq.s32 s10, $0x1;
	s10 =	sld [smem:$0x3FB4]  }
0x3d: {  	_ =	shalt  }
0x3e: {  	_ =	shalt  }
0x3f: {  	_ =	shalt  }
0x40: {  	_ =	shalt  }
0x41: {  	_ =	shalt  }
0x42: {  	_ =	shalt  }
0x43: {  	_ =	shalt  }
0x44: {  	_ =	shalt  }
0x45: {  	_ =	shalt  }
0x46: {  	_ =	shalt  }
0x47: {  	_ =	shalt  }
0x48: {  	_ =	shalt  }
0x49: {  	_ =	shalt  }
0x4a: {  	_ =	shalt  }
0x4b: {  	_ =	shalt  }
0x4c: {  	_ =	shalt  }
0x4d: {  	_ =	shalt  }
0x4e: {  	_ =	shalt  }
0x4f: {  	_ =	shalt  }
0x50: {  	_ =	shalt  }
0x51: {  	_ =	shalt  }
0x52: {  	_ =	shalt  }
0x53: {  	_ =	shalt  }
0x54: {  	_ =	shalt  }
0x55: {  	_ =	shalt  }
0x56: {  	_ =	shalt  }
0x57: {  	_ =	shalt  }
0x58: {  	_ =	shalt  }
0x59: {  	_ =	shalt  }
0x5a: {  	_ =	shalt  }
0x5b: {  	_ =	shalt  }
0x5c: {  	_ =	shalt  }
0x5d: {  	_ =	shalt  }
0x5e: {  	_ =	shalt  }
0x5f: {  	_ =	shalt  }
0x60: {  	_ =	shalt  }
0x61: {  	_ =	shalt  }
0x62: {  	_ =	shalt  }
0x63: {  	_ =	shalt  }
0x64: {  	_ =	shalt  }
0x65: {  	_ =	shalt  }
0x66: {  	_ =	shalt  }
0x67: {  	_ =	shalt  }
0x68: {  	_ =	shalt  }
0x69: {  	_ =	shalt  }
0x6a: {  	_ =	shalt  }
0x6b: {  	_ =	shalt  }
0x6c: {  	_ =	shalt  }
0x6d: {  	_ =	shalt  }
0x6e: {  	_ =	shalt  }
0x6f: {  	_ =	shalt  }
0x70: {  	_ =	shalt  }
0x71: {  	_ =	shalt  }
0x72: {  	_ =	shalt  }
0x73: {  	_ =	shalt  }
0x74: {  	_ =	shalt  }
0x75: {  	_ =	shalt  }
0x76: {  	_ =	shalt  }
0x77: {  	_ =	shalt  }
0x78: {  	_ =	shalt  }
0x79: {  	_ =	shalt  }
0x7a: {  	_ =	shalt  }
0x7b: {  	_ =	shalt  }
0x7c: {  	_ =	shalt  }
0x7d: {  	_ =	shalt  }
0x7e: {  	_ =	shalt  }
0x7f: {  	_ =	shalt  }
0x80: {  	_ =	shalt  }
0x81: {  	_ =	shalt  }
0x82: {  	_ =	shalt  }
0x83: {  	_ =	shalt  }
0x84: {  	_ =	shalt  }
0x85: {  	_ =	shalt  }
0x86: {  	_ =	shalt  }
0x87: {  	_ =	shalt  }
.Lfunc_end0:
.L_simem_size_0:
called_computation.2_lowered:
.L_overlay_start_0:
0x88: {  	s2 =	sld [smem:$0x3FD9]  }
0x89: {  	s3 =	sld [smem:$0x3FFE];
	_ =	sdelay $0x1  }
0x8a: {  	s1 =	srdreg.scid  }
0x8b: {  	s0 =	sand.u32 $0x1, s1  }
0x8c: {  	s14 =	sshll.u32 s0, $0xA;
	s2 =	sadd.s32 s3, s2  }
0x8d: {  	s2 =	sadd.s32 s2, s14  }
0x8e: {  	[smem:$0x3FC0] =	sst s2  }
0x8f: {  	_ = 	snop  }
0x90: {  	s2 =	sld [smem:$0x3FD0];
	_ =	sdelay $0x2  }
0x91: {  	s15 =	simm.s32 $0xA;
	s4 =	simm.s32 $0x10  }
0x92: {  	[smem:s4], [sflag:s15] =	dma.local [hbm:s2], $0x1  }
0x93: {  	_ =	swait.eq [sflag:s15], $0x1  }
0x94: {  	[sflag:s15] =	ssyncset.done $0x0  }
0x95: {  	[sflag:s15] =	ssyncadd.s32 $0xFFFFFFFF  }
0x96: {  	s16 =	sld [smem:$0x11];
	(tm) =	ssettm $0x1  }
0x97: {  	s17 =	sld [smem:$0x3FFB];
	_ =	sdelay $0x3  }
0x98: {  	_ =	strace s17  }
0x99: {  	s3 =	sld [smem:$0x3FFC];
	_ =	sdelay $0x3  }
0x9a: {  	_ =	strace s3  }
0x9b: {  	s3 =	sld [smem:$0x3FFD];
	_ =	sdelay $0x3  }
0x9c: {  	_ =	strace s3  }
0x9d: {  	_ =	strace $0x8FFFFFFF  }
0x9e: {  	s18 =	sld [smem:$0x3FDB];
	_ =	sdelay $0x1  }
0x9f: {  	s19 =	simm.s32 $_scs_section_size  }
0xa0: {  	s5 =	simm.s32 $_size__tile_overlayer_lowered;
	s6 =	simm.s32 $_tile_overlayer_lowered  }
0xa1: {  	s22 =	simm.s32 $0x1BFF;
	s21 =	sshll.u32 s6, $0x1;
	s3 =	sadd.s32 s19, s18  }
0xa2: {  	s7 =	simm.s32 $0x0;
	s20 =	sshll.u32 s5, $0x1;
	s5 =	sadd.s32 s21, s3  }
0xa3: {  	[timem:s7], [sflag:s22] =	dma.local [hbm:s5], s20  }
0xa4: {  	_ =	swait.ge [sflag:s22], s20  }
0xa5: {  	s4 =	ssub.s32 $0x0, s20;
	[sflag:s22] =	ssyncset.done $0x0  }
0xa6: {  	[sflag:s22] =	ssyncadd.s32 s4;
	_ =	sdelay $0x1  }
0xa7: {  	s23 =	simm.s32 $0x1B8B  }
0xa8: {  	_ =	swait.ge [sflag:s23], $0x1  }
0xa9: {  	[sflag:s23] =	ssyncset.done $0x0  }
0xaa: {  	s25 =	simm.s32 $0x1B8E;
	s24 =	sld [smem:$0x3FFE];
	[sflag:s23] =	ssyncadd.s32 $0xFFFFFFFF  }
0xab: {  	s26 =	simm.s32 $execute0_lowered;
	[smem:$0x3FD2] =	sst s25  }
0xac: {  	s5 =	sshll.u32 s26, $0x1;
	_ =	strace $0x8000004C;
	[dreg:$0x1] =	wrdreg $0xFFFFFFFF  }
0xad: {  	s28 =	simm.s32 $_size_execute0_lowered;
	s3 =	sadd.s32 s3, s5;
	[dreg:$0x0] =	wrdreg $0x0  }
0xae: {  	s5 =	sshll.u32 s28, $0x1;
	[dreg:$0x2] =	wrdreg s3  }
0xaf: {  	[dreg:$0x3] =	wrdreg s5  }
0xb0: {  	[dreg:$0x4] =	wrdreg $0xC0  }
0xb1: {  	_ =	task [dreg:s7], $0x5FFFF  }
0xb2: {  	[dreg:$0x1] =	wrdreg $0xFFFFFFFF  }
0xb3: {  	[dreg:$0x0] =	wrdreg $0x60  }
0xb4: {  	[dreg:$0x2] =	wrdreg s24  }
0xb5: {  	[dreg:$0x3] =	wrdreg s16  }
0xb6: {  	[dreg:$0x4] =	wrdreg $0xC3800  }
0xb7: {  	[dreg:$0x5] =	wrdreg $0x9  }
0xb8: {  	_ =	task.clear_ibuf [dreg:s7], $0x6FFFF;
	_ =	strace $0x9000004C  }
0xb9: {  	s29 =	simm.s32 $0x9;
	_ =	strace $0x8000004E  }
0xba: {  	_ =	swait.ge [sflag:s29], $0x1  }
0xbb: {  	[sflag:s29] =	ssyncadd.s32 $0xFFFFFFFF  }
0xbc: {  	_ =	strace $0x9000004E  }
0xbd: {  	_ =	sfence  }
0xbe: {  	s30 =	sld [smem:$0x0];
	_ =	sdelay $0x2  }
0xbf: {  	s31 =	sshll.u32 s1, $0xD;
	s1 =	sshrl.u32 s1, $0x2  }
0xc0: {  	s3 =	sand.u32 $0x4000, s31;
	s1 =	sadd.s32 s1, s30  }
0xc1: {  	s0 =	sor.u32 s3, s0;
	s1 =	sshll.u32 s1, $0x11  }
0xc2: {  	s0 =	sor.u32 s1, s0  }
0xc3: {  	s0 =	sadd.s32 $0x8F2B, s0  }
0xc4: {  	[sflag:s0] =	ssyncadd.remote.s32 $0x1  }
0xc5: {  	_ =	sfence.sel $0xFFFF  }
0xc6: {  	[dreg:$0x0] =	wrdreg $0xFFFFFFFF;
	(pc) =	sbr.abs _section_cstart, $3  }
0xc7: {  	[dreg:$0x1] =	wrdreg $0xFFFFFFFF  }
0xc8: {  	_ =	task.clear_ibuf [dreg:s7], $0x2FFFF;
	_ =	strace $0x9FFFFFFF  }
0xc9: {  	(tm) =	ssettm $0x7FFFFFFF  }
tec
execute0_lowered:
.L_overlay_start_1:
0x0: {  	(tag) =	ssettag $0x1  }
0x1: {  	s0 =	rddreg [dreg:$0x0];
	s12 =	stileid.u32  }
0x2: {  	s2 =	rddreg [dreg:$0x2];
	s4 =	simm.s32 $0x0;
	s3 =	smul.u32 $0x278, s12  }
0x3: {  	s1 =	srdreg.scid;
	s31 =	simm.s32 $0x8380;
	s22 =	smul.u32 $0x280, s12  }
0x4: {  	[smem:$0x7FF] =	sst s4;
	s1 =	sand.u32 $0x1, s1;
	s25 =	smul.u32 $0x50, s12  }
0x5: {  	s5 =	sadd.s32 $0x2A800, s0;
	s8 =	sadd.s32 $0x2C00, s0;
	s17 =	smul.u32 $0x9F, s12  }
0x6: {  	s9 =	sadd.s32 $0x2600, s0;
	_ =	strace $0x8000004D;
	s6 =	smul.u32 $0x2780, s1  }
0x7: {  	s7 =	sshll.u32 s1, $0x4;
	s20 =	ssub.s32 $0x2, s1;
	s1 =	smul.u32 $0x9F0, s1  }
0x8: {  	s7 =	sor.u32 s12, s7;
	s11 =	sshrl.u32 s20, $0x1;
	s14 =	sshrl.u32 s22, $0x3  }
0x9: {  	s12 =	simm.s32 $0x2;
	s3 =	sadd.s32 s3, s6;
	s10 =	smul.u32 $0x9F00, s7  }
0xa: {  	s7 =	smul.u32 $0x13E0, s7;
	s1 =	sadd.s32 s17, s1;
	s3 =	sshll.u32 s3, $0x4  }
0xb: {  	s17 =	simm.s32 $0x5;
	s0 =	sadd.s32 s3, s0;
	s3 =	ssub.s32 s20, s11  }
0xc: {  	s21 =	sshrl.u32 s10, $0x3;
	s13 =	sadd.s32 s8, s7;
	s15 =	sadd.s32 $0xC8800, s0  }
0xd: {  	s11 =	sadd.s32 s9, s25;
	s18 =	sadd.s32 $0xC9000, s0;
	[dreg:$0x8] =	wrdreg s15  }
0xe: {  	s7 =	simm.s32 $0x380;
	s20 =	sadd.s32 $0xC9800, s0;
	[dreg:$0xa] =	wrdreg s18  }
0xf: {  	s10 =	simm.s32 $0x1;
	s22 =	sadd.s32 $0xCA000, s0;
	[dreg:$0xc] =	wrdreg s20  }
0x10: {  	s6 =	sadd.s32 s8, s21;
	s0 =	sadd.s32 $0xCA780, s0;
	[dreg:$0xe] =	wrdreg s22  }
0x11: {  	s25 =	sadd.s32 $0x10, s11;
	s28 =	sadd.s32 $0x30, s11;
	[dreg:$0x10] =	wrdreg s0  }
0x12: {  	s29 =	sadd.s32 $0x40, s11;
	s23 =	sadd.s32 $0x20, s6;
	[dreg:$0x12] =	wrdreg s25  }
0x13: {  	s30 =	sadd.s32 $0x13C0, s13;
	s24 =	sadd.s32 $0x40, s6;
	[dreg:$0x4] =	wrdreg s23  }
0x14: {  	s26 =	sadd.s32 $0x60, s6;
	s6 =	sadd.s32 $0x80, s6;
	[dreg:$0x5] =	wrdreg s24  }
0x15: {  	s15 =	simm.s32 $0x3;
	s18 =	simm.s32 $0x6;
	[dreg:$0x6] =	wrdreg s26  }
0x16: {  	[dreg:$0x7] =	wrdreg s6;
	s6 =	sadd.s32 s9, s14;
	s23 =	sshll.u32 s1, $0x5  }
0x17: {  	s24 =	smax.u32 s3, $0x1;
	s26 =	sadd.s32 $0x20, s11;
	s3 =	simm.s32 $0x300  }
0x18: {  	s1 =	simm.s32 $0x80;
	s9 =	simm.s32 $0x4380;
	[dreg:$0x11] =	wrdreg s24  }
0x19: {  	s14 =	simm.s32 $0x4;
	s16 =	sadd.s32 $0x10, s6;
	[dreg:$0x13] =	wrdreg s26  }
0x1a: {  	s19 =	sadd.s32 $0x20, s6;
	s21 =	sadd.s32 $0x30, s6;
	[dreg:$0x9] =	wrdreg s16  }
0x1b: {  	s6 =	sadd.s32 $0x40, s6;
	s0 =	sadd.s32 s8, s23;
	[dreg:$0xb] =	wrdreg s19  }
0x1c: {  	s26 =	smov.u32 s13;
	s8 =	simm.s32 $0x100;
	[dreg:$0xd] =	wrdreg s21  }
0x1d: {  	s13 =	simm.s32 $0x180;
	[dreg:$0xf] =	wrdreg s6;
	s23 =	sadd.s32 $0xE0, s0  }
0x1e: {  	s24 =	sadd.s32 $0xC0, s0;
	s25 =	sadd.s32 $0xA0, s0;
	s0 =	simm.s32 $0x7  }
0x1f: {  	s6 =	simm.s32 $0x200;
	s16 =	simm.s32 $0x280;
	s19 =	simm.s32 $0x0  }
.LBB2_1:
0x20: {  	s20 =	rddreg [dreg:$0x1]  }
0x21: {  	[tilespmem:s31], [sflag:$0x7] =	stream.linear.gather [hbm4b:s20+s4], $0x4000, $0x38;
	[tilespmem:$0x1FF80] =	vst v63  }
0x22: {  	_ =	swait.ge [sflag:s0], $0x4000  }
0x23: {  	[sflag:s0] =	ssyncset.done $0x0  }
0x24: {  	[sflag:s0] =	ssyncadd.s32 $0xFFFFC000  }
0x25: {  	[tilespmem:s3], [sflag:$0x7] =	stream.linear.gather [hbm4b:s11+s4], $0x80, $0x38;
	[tilespmem:$0x1FF80] =	vst v63  }
0x26: {  	_ =	swait.ge [sflag:s0], $0x80  }
0x27: {  	[sflag:s0] =	ssyncset.done $0x0  }
0x28: {  	[sflag:s0] =	ssyncadd.s32 $0xFFFFFF80  }
0x29: {  	[spmem:s2] =	stream.indirect.scatter [tilespmem:s31], [sflag:$0x7], $0x80, s3, s1, $0xb8;
	[tilespmem:$0x1FF80] =	vst v63  }
0x2a: {  	_ =	swait.ge [sflag:s0], $0x4000  }
0x2b: {  	[sflag:s0] =	ssyncset.done $0x0  }
0x2c: {  	s22 =	rddreg [dreg:$0x12];
	[sflag:s0] =	ssyncadd.s32 $0xFFFFC000  }
0x2d: {  	[tilespmem:s3], [sflag:$0x7] =	stream.linear.gather [hbm4b:s22+s4], $0x80, $0x38;
	[tilespmem:$0x1FF80] =	vst v63  }
0x2e: {  	_ =	swait.ge [sflag:s0], $0x80  }
0x2f: {  	[sflag:s0] =	ssyncset.done $0x0  }
0x30: {  	[sflag:s0] =	ssyncadd.s32 $0xFFFFFF80  }
0x31: {  	[spmem:s2] =	stream.indirect.scatter [tilespmem:s31], [sflag:$0x7], $0x80, s3, s1, $0xb8;
	[tilespmem:$0x1FF80] =	vst v63  }
0x32: {  	_ =	swait.ge [sflag:s0], $0x4000  }
0x33: {  	[sflag:s0] =	ssyncset.done $0x0  }
0x34: {  	s21 =	rddreg [dreg:$0x13];
	[sflag:s0] =	ssyncadd.s32 $0xFFFFC000  }
0x35: {  	[tilespmem:s3], [sflag:$0x7] =	stream.linear.gather [hbm4b:s21+s4], $0x80, $0x38;
	[tilespmem:$0x1FF80] =	vst v63  }
0x36: {  	_ =	swait.ge [sflag:s0], $0x80  }
0x37: {  	[sflag:s0] =	ssyncset.done $0x0  }
0x38: {  	[sflag:s0] =	ssyncadd.s32 $0xFFFFFF80  }
0x39: {  	[spmem:s2] =	stream.indirect.scatter [tilespmem:s31], [sflag:$0x7], $0x80, s3, s1, $0xb8;
	[tilespmem:$0x1FF80] =	vst v63  }
0x3a: {  	_ =	swait.ge [sflag:s0], $0x4000  }
0x3b: {  	[sflag:s0] =	ssyncset.done $0x0  }
0x3c: {  	[sflag:s0] =	ssyncadd.s32 $0xFFFFC000  }
0x3d: {  	[tilespmem:s3], [sflag:$0x7] =	stream.linear.gather [hbm4b:s28+s4], $0x80, $0x38;
	[tilespmem:$0x1FF80] =	vst v63  }
0x3e: {  	_ =	swait.ge [sflag:s0], $0x80  }
0x3f: {  	[sflag:s0] =	ssyncset.done $0x0  }
0x40: {  	[sflag:s0] =	ssyncadd.s32 $0xFFFFFF80  }
0x41: {  	[spmem:s2] =	stream.indirect.scatter [tilespmem:s31], [sflag:$0x7], $0x80, s3, s1, $0xb8;
	[tilespmem:$0x1FF80] =	vst v63  }
0x42: {  	_ =	swait.ge [sflag:s0], $0x4000  }
0x43: {  	[sflag:s0] =	ssyncset.done $0x0  }
0x44: {  	[sflag:s0] =	ssyncadd.s32 $0xFFFFC000  }
0x45: {  	[tilespmem:s3], [sflag:$0x7] =	stream.linear.gather [hbm4b:s29+s4], $0x80, $0x38;
	[tilespmem:$0x1FF80] =	vst v63  }
0x46: {  	_ =	swait.ge [sflag:s0], $0x80  }
0x47: {  	[sflag:s0] =	ssyncset.done $0x0  }
0x48: {  	[sflag:s0] =	ssyncadd.s32 $0xFFFFFF80  }
0x49: {  	[spmem:s2] =	stream.indirect.scatter [tilespmem:s31], [sflag:$0x7], $0x80, s3, s1, $0xb8;
	[tilespmem:$0x1FF80] =	vst v63  }
0x4a: {  	_ =	swait.ge [sflag:s0], $0x4000  }
0x4b: {  	[sflag:s0] =	ssyncset.done $0x0  }
0x4c: {  	[sflag:s0] =	ssyncadd.s32 $0xFFFFC000  }
0x4d: {  	[bflag:$0x0] =	sbarrier.arrive $0xFFFF  }
0x4e: {  	[tilespmem:s4], [sflag:$0x7] =	stream.linear.gather [hbm4b:s26+s4], $0x100, $0x38;
	[tilespmem:$0x1FF80] =	vst v63  }
0x4f: {  	_ =	swait.ge [sflag:s0], $0x100  }
0x50: {  	[sflag:s0] =	ssyncset.done $0x0  }
0x51: {  	[sflag:s0] =	ssyncadd.s32 $0xFFFFFF00  }
0x52: {  	[tilespmem:s7], [sflag:$0x1] =	stream.indirect.gather [hbm4b:s5+s1], $0x80, s4, s1, $0xb8;
	[tilespmem:$0x1FF80] =	vst v63  }
0x53: {  	s22 =	rddreg [dreg:$0x4]  }
0x54: {  	[tilespmem:s8], [sflag:$0x7] =	stream.linear.gather [hbm4b:s22+s4], $0x100, $0x38;
	[tilespmem:$0x1FF80] =	vst v63  }
0x55: {  	_ =	swait.ge [sflag:s0], $0x100  }
0x56: {  	[sflag:s0] =	ssyncset.done $0x0  }
0x57: {  	[sflag:s0] =	ssyncadd.s32 $0xFFFFFF00  }
0x58: {  	[tilespmem:s9], [sflag:$0x2] =	stream.indirect.gather [hbm4b:s5+s1], $0x80, s8, s1, $0xb8;
	[tilespmem:$0x1FF80] =	vst v63  }
0x59: {  	_ =	swait.ge [sflag:s10], $0x4000  }
0x5a: {  	[sflag:s10] =	ssyncset.done $0x0  }
0x5b: {  	[sflag:s10] =	ssyncadd.s32 $0xFFFFC000  }
0x5c: {  	[spmem:s2] =	stream.indirect.scatter.add.f32 [tilespmem:s7], [sflag:$0x4], $0x80, s1, s1, $0xb8;
	[tilespmem:$0x1FF80] =	vst v63  }
0x5d: {  	s21 =	rddreg [dreg:$0x5]  }
0x5e: {  	[tilespmem:s6], [sflag:$0x7] =	stream.linear.gather [hbm4b:s21+s4], $0x100, $0x38;
	[tilespmem:$0x1FF80] =	vst v63  }
0x5f: {  	_ =	swait.ge [sflag:s0], $0x100  }
0x60: {  	[sflag:s0] =	ssyncset.done $0x0  }
0x61: {  	[sflag:s0] =	ssyncadd.s32 $0xFFFFFF00  }
0x62: {  	[tilespmem:s31], [sflag:$0x3] =	stream.indirect.gather [hbm4b:s5+s1], $0x80, s6, s1, $0xb8;
	[tilespmem:$0x1FF80] =	vst v63  }
0x63: {  	_ =	swait.ge [sflag:s12], $0x4000  }
0x64: {  	[sflag:s12] =	ssyncset.done $0x0  }
0x65: {  	[sflag:s12] =	ssyncadd.s32 $0xFFFFC000  }
0x66: {  	[spmem:s2] =	stream.indirect.scatter.add.f32 [tilespmem:s9], [sflag:$0x5], $0x80, s13, s1, $0xb8;
	[tilespmem:$0x1FF80] =	vst v63  }
0x67: {  	_ =	swait.ge [sflag:s14], $0x4000  }
0x68: {  	[sflag:s14] =	ssyncset.done $0x0  }
0x69: {  	s22 =	rddreg [dreg:$0x6];
	[sflag:s14] =	ssyncadd.s32 $0xFFFFC000  }
0x6a: {  	[tilespmem:s4], [sflag:$0x7] =	stream.linear.gather [hbm4b:s22+s4], $0x100, $0x38;
	[tilespmem:$0x1FF80] =	vst v63  }
0x6b: {  	_ =	swait.ge [sflag:s0], $0x100  }
0x6c: {  	[sflag:s0] =	ssyncset.done $0x0  }
0x6d: {  	[sflag:s0] =	ssyncadd.s32 $0xFFFFFF00  }
0x6e: {  	[tilespmem:s7], [sflag:$0x1] =	stream.indirect.gather [hbm4b:s5+s1], $0x80, s4, s1, $0xb8;
	[tilespmem:$0x1FF80] =	vst v63  }
0x6f: {  	_ =	swait.ge [sflag:s15], $0x4000  }
0x70: {  	[sflag:s15] =	ssyncset.done $0x0  }
0x71: {  	[sflag:s15] =	ssyncadd.s32 $0xFFFFC000  }
0x72: {  	[spmem:s2] =	stream.indirect.scatter.add.f32 [tilespmem:s31], [sflag:$0x6], $0x80, s16, s1, $0xb8;
	[tilespmem:$0x1FF80] =	vst v63  }
0x73: {  	_ =	swait.ge [sflag:s17], $0x4000  }
0x74: {  	[sflag:s17] =	ssyncset.done $0x0  }
0x75: {  	s21 =	rddreg [dreg:$0x7];
	[sflag:s17] =	ssyncadd.s32 $0xFFFFC000  }
0x76: {  	[tilespmem:s8], [sflag:$0x7] =	stream.linear.gather [hbm4b:s21+s4], $0x100, $0x38;
	[tilespmem:$0x1FF80] =	vst v63  }
0x77: {  	_ =	swait.ge [sflag:s0], $0x100  }
0x78: {  	[sflag:s0] =	ssyncset.done $0x0  }
0x79: {  	[sflag:s0] =	ssyncadd.s32 $0xFFFFFF00  }
0x7a: {  	[tilespmem:s9], [sflag:$0x2] =	stream.indirect.gather [hbm4b:s5+s1], $0x80, s8, s1, $0xb8;
	[tilespmem:$0x1FF80] =	vst v63  }
0x7b: {  	_ =	swait.ge [sflag:s10], $0x4000  }
0x7c: {  	[sflag:s10] =	ssyncset.done $0x0  }
0x7d: {  	[sflag:s10] =	ssyncadd.s32 $0xFFFFC000  }
0x7e: {  	[spmem:s2] =	stream.indirect.scatter.add.f32 [tilespmem:s7], [sflag:$0x4], $0x80, s1, s1, $0xb8;
	[tilespmem:$0x1FF80] =	vst v63  }
0x7f: {  	_ =	swait.ge [sflag:s18], $0x4000  }
0x80: {  	[sflag:s18] =	ssyncset.done $0x0  }
0x81: {  	s22 =	sadd.s32 $0x0, s25;
	[sflag:s18] =	ssyncadd.s32 $0xFFFFC000  }
0x82: {  	[tilespmem:s6], [sflag:$0x7] =	stream.linear.gather [hbm4b:s22+s4], $0x100, $0x38;
	[tilespmem:$0x1FF80] =	vst v63  }
0x83: {  	_ =	swait.ge [sflag:s0], $0x100  }
0x84: {  	[sflag:s0] =	ssyncset.done $0x0  }
0x85: {  	[sflag:s0] =	ssyncadd.s32 $0xFFFFFF00  }
0x86: {  	[tilespmem:s31], [sflag:$0x3] =	stream.indirect.gather [hbm4b:s5+s1], $0x80, s6, s1, $0xb8;
	[tilespmem:$0x1FF80] =	vst v63  }
0x87: {  	_ =	swait.ge [sflag:s12], $0x4000  }
0x88: {  	[sflag:s12] =	ssyncset.done $0x0  }
0x89: {  	[sflag:s12] =	ssyncadd.s32 $0xFFFFC000  }
0x8a: {  	[spmem:s2] =	stream.indirect.scatter.add.f32 [tilespmem:s9], [sflag:$0x5], $0x80, s13, s1, $0xb8;
	[tilespmem:$0x1FF80] =	vst v63  }
0x8b: {  	_ =	swait.ge [sflag:s14], $0x4000  }
0x8c: {  	[sflag:s14] =	ssyncset.done $0x0  }
0x8d: {  	s21 =	sadd.s32 $0x0, s24;
	[sflag:s14] =	ssyncadd.s32 $0xFFFFC000  }
0x8e: {  	[tilespmem:s4], [sflag:$0x7] =	stream.linear.gather [hbm4b:s21+s4], $0x100, $0x38;
	[tilespmem:$0x1FF80] =	vst v63  }
0x8f: {  	_ =	swait.ge [sflag:s0], $0x100  }
0x90: {  	[sflag:s0] =	ssyncset.done $0x0  }
0x91: {  	[sflag:s0] =	ssyncadd.s32 $0xFFFFFF00  }
0x92: {  	[tilespmem:s7], [sflag:$0x1] =	stream.indirect.gather [hbm4b:s5+s1], $0x80, s4, s1, $0xb8;
	[tilespmem:$0x1FF80] =	vst v63  }
0x93: {  	_ =	swait.ge [sflag:s15], $0x4000  }
0x94: {  	[sflag:s15] =	ssyncset.done $0x0  }
0x95: {  	[sflag:s15] =	ssyncadd.s32 $0xFFFFC000  }
0x96: {  	[spmem:s2] =	stream.indirect.scatter.add.f32 [tilespmem:s31], [sflag:$0x6], $0x80, s16, s1, $0xb8;
	[tilespmem:$0x1FF80] =	vst v63  }
0x97: {  	_ =	swait.ge [sflag:s17], $0x4000  }
0x98: {  	[sflag:s17] =	ssyncset.done $0x0  }
0x99: {  	s22 =	sadd.s32 $0x0, s23;
	[sflag:s17] =	ssyncadd.s32 $0xFFFFC000  }
0x9a: {  	[tilespmem:s8], [sflag:$0x7] =	stream.linear.gather [hbm4b:s22+s4], $0x100, $0x38;
	[tilespmem:$0x1FF80] =	vst v63  }
0x9b: {  	_ =	swait.ge [sflag:s0], $0x100  }
0x9c: {  	[sflag:s0] =	ssyncset.done $0x0  }
0x9d: {  	s20 =	simm.s32 $0x60;
	[sflag:s0] =	ssyncadd.s32 $0xFFFFFF00  }
.LBB2_2:
0x9e: {  	[tilespmem:s9], [sflag:$0x2] =	stream.indirect.gather [hbm4b:s5+s1], $0x80, s8, s1, $0xb8;
	[tilespmem:$0x1FF80] =	vst v63  }
0x9f: {  	s21 =	smov.u32 s20  }
0xa0: {  	p0 =	sne.s32 s20, $0x12C0;
	s20 =	sadd.s32 $0x60, s20;
	_ =	swait.ge [sflag:s10], $0x4000  }
0xa1: {  	[sflag:s10] =	ssyncset.done $0x0  }
0xa2: {  	[sflag:s10] =	ssyncadd.s32 $0xFFFFC000  }
0xa3: {  	[spmem:s2] =	stream.indirect.scatter.add.f32 [tilespmem:s7], [sflag:$0x4], $0x80, s1, s1, $0xb8;
	[tilespmem:$0x1FF80] =	vst v63  }
0xa4: {  	_ =	swait.ge [sflag:s18], $0x4000  }
0xa5: {  	[sflag:s18] =	ssyncset.done $0x0  }
0xa6: {  	s22 =	sadd.s32 s21, s25;
	[sflag:s18] =	ssyncadd.s32 $0xFFFFC000  }
0xa7: {  	[tilespmem:s6], [sflag:$0x7] =	stream.linear.gather [hbm4b:s22+s4], $0x100, $0x38;
	[tilespmem:$0x1FF80] =	vst v63  }
0xa8: {  	_ =	swait.ge [sflag:s0], $0x100  }
0xa9: {  	[sflag:s0] =	ssyncset.done $0x0  }
0xaa: {  	[sflag:s0] =	ssyncadd.s32 $0xFFFFFF00  }
0xab: {  	[tilespmem:s31], [sflag:$0x3] =	stream.indirect.gather [hbm4b:s5+s1], $0x80, s6, s1, $0xb8;
	[tilespmem:$0x1FF80] =	vst v63  }
0xac: {  	_ =	swait.ge [sflag:s12], $0x4000  }
0xad: {  	[sflag:s12] =	ssyncset.done $0x0  }
0xae: {  	[sflag:s12] =	ssyncadd.s32 $0xFFFFC000  }
0xaf: {  	[spmem:s2] =	stream.indirect.scatter.add.f32 [tilespmem:s9], [sflag:$0x5], $0x80, s13, s1, $0xb8;
	[tilespmem:$0x1FF80] =	vst v63  }
0xb0: {  	_ =	swait.ge [sflag:s14], $0x4000  }
0xb1: {  	[sflag:s14] =	ssyncset.done $0x0  }
0xb2: {  	s22 =	sadd.s32 s21, s24;
	[sflag:s14] =	ssyncadd.s32 $0xFFFFC000  }
0xb3: {  	[tilespmem:s4], [sflag:$0x7] =	stream.linear.gather [hbm4b:s22+s4], $0x100, $0x38;
	[tilespmem:$0x1FF80] =	vst v63  }
0xb4: {  	_ =	swait.ge [sflag:s0], $0x100  }
0xb5: {  	[sflag:s0] =	ssyncset.done $0x0  }
0xb6: {  	[sflag:s0] =	ssyncadd.s32 $0xFFFFFF00  }
0xb7: {  	[tilespmem:s7], [sflag:$0x1] =	stream.indirect.gather [hbm4b:s5+s1], $0x80, s4, s1, $0xb8;
	[tilespmem:$0x1FF80] =	vst v63  }
0xb8: {  	_ =	swait.ge [sflag:s15], $0x4000  }
0xb9: {  	[sflag:s15] =	ssyncset.done $0x0  }
0xba: {  	[sflag:s15] =	ssyncadd.s32 $0xFFFFC000  }
0xbb: {  	[spmem:s2] =	stream.indirect.scatter.add.f32 [tilespmem:s31], [sflag:$0x6], $0x80, s16, s1, $0xb8;
	[tilespmem:$0x1FF80] =	vst v63  }
0xbc: {  	_ =	swait.ge [sflag:s17], $0x4000  }
0xbd: {  	[sflag:s17] =	ssyncset.done $0x0  }
.Ltmp0:
0xbe: {  	s21 =	sadd.s32 s21, s23;
	[sflag:s17] =	ssyncadd.s32 $0xFFFFC000;
	(pc) =	sbr.rel @p0 .LBB2_2-.Ltmp0, $4  }
0xbf: {  	[tilespmem:s8], [sflag:$0x7] =	stream.linear.gather [hbm4b:s21+s4], $0x100, $0x38;
	[tilespmem:$0x1FF80] =	vst v63  }
0xc0: {  	_ =	swait.ge [sflag:s0], $0x100  }
0xc1: {  	[sflag:s0] =	ssyncset.done $0x0  }
0xc2: {  	[sflag:s0] =	ssyncadd.s32 $0xFFFFFF00  }
0xc3: {  	[tilespmem:s9], [sflag:$0x2] =	stream.indirect.gather [hbm4b:s5+s1], $0x80, s8, s1, $0xb8;
	[tilespmem:$0x1FF80] =	vst v63  }
0xc4: {  	_ =	swait.ge [sflag:s10], $0x4000  }
0xc5: {  	[sflag:s10] =	ssyncset.done $0x0  }
0xc6: {  	[sflag:s10] =	ssyncadd.s32 $0xFFFFC000  }
0xc7: {  	[spmem:s2] =	stream.indirect.scatter.add.f32 [tilespmem:s7], [sflag:$0x4], $0x80, s1, s1, $0xb8;
	[tilespmem:$0x1FF80] =	vst v63  }
0xc8: {  	_ =	swait.ge [sflag:s18], $0x4000  }
0xc9: {  	[sflag:s18] =	ssyncset.done $0x0  }
0xca: {  	[sflag:s18] =	ssyncadd.s32 $0xFFFFC000  }
0xcb: {  	[tilespmem:s6], [sflag:$0x7] =	stream.linear.gather [hbm4b:s30+s4], $0x100, $0x38;
	[tilespmem:$0x1FF80] =	vst v63  }
0xcc: {  	_ =	swait.ge [sflag:s0], $0x100  }
0xcd: {  	[sflag:s0] =	ssyncset.done $0x0  }
0xce: {  	[sflag:s0] =	ssyncadd.s32 $0xFFFFFF00  }
0xcf: {  	[tilespmem:s31], [sflag:$0x3] =	stream.indirect.gather [hbm4b:s5+s1], $0x80, s6, s1, $0xb8;
	[tilespmem:$0x1FF80] =	vst v63  }
0xd0: {  	_ =	swait.ge [sflag:s12], $0x4000  }
0xd1: {  	[sflag:s12] =	ssyncset.done $0x0  }
0xd2: {  	[sflag:s12] =	ssyncadd.s32 $0xFFFFC000  }
0xd3: {  	[spmem:s2] =	stream.indirect.scatter.add.f32 [tilespmem:s9], [sflag:$0x5], $0x80, s13, s1, $0xb8;
	[tilespmem:$0x1FF80] =	vst v63  }
0xd4: {  	_ =	swait.ge [sflag:s15], $0x4000  }
0xd5: {  	[sflag:s15] =	ssyncset.done $0x0  }
0xd6: {  	[sflag:s15] =	ssyncadd.s32 $0xFFFFC000  }
0xd7: {  	[spmem:s2] =	stream.indirect.scatter.add.f32 [tilespmem:s31], [sflag:$0x6], $0x80, s16, s1, $0xb8;
	[tilespmem:$0x1FF80] =	vst v63  }
0xd8: {  	_ =	swait.ge [sflag:s14], $0x4000  }
0xd9: {  	[sflag:s14] =	ssyncset.done $0x0  }
0xda: {  	[sflag:s14] =	ssyncadd.s32 $0xFFFFC000  }
0xdb: {  	_ =	swait.ge [sflag:s17], $0x4000  }
0xdc: {  	[sflag:s17] =	ssyncset.done $0x0  }
0xdd: {  	[sflag:s17] =	ssyncadd.s32 $0xFFFFC000  }
0xde: {  	_ =	swait.ge [sflag:s18], $0x4000  }
0xdf: {  	[sflag:s18] =	ssyncset.done $0x0  }
0xe0: {  	[sflag:s18] =	ssyncadd.s32 $0xFFFFC000  }
0xe1: {  	[bflag:$0x0] =	sbarrier.arrive $0xFFFF  }
0xe2: {  	[tilespmem:s3], [sflag:$0x7] =	stream.linear.gather [hbm4b:s11+s4], $0x80, $0x38;
	[tilespmem:$0x1FF80] =	vst v63  }
0xe3: {  	_ =	swait.ge [sflag:s0], $0x80  }
0xe4: {  	[sflag:s0] =	ssyncset.done $0x0  }
0xe5: {  	[sflag:s0] =	ssyncadd.s32 $0xFFFFFF80  }
0xe6: {  	[tilespmem:s31], [sflag:$0x1] =	stream.indirect.gather [spmem:s2], $0x80, s3, s1, $0xb8;
	[tilespmem:$0x1FF80] =	vst v63  }
0xe7: {  	_ =	swait.ge [sflag:s10], $0x4000  }
0xe8: {  	[sflag:s10] =	ssyncset.done $0x0  }
0xe9: {  	s20 =	rddreg [dreg:$0x8];
	[sflag:s10] =	ssyncadd.s32 $0xFFFFC000  }
0xea: {  	[hbm4b:s20+s4] =	stream.linear.scatter [tilespmem:s31], [sflag:$0x7], $0x4000, $0x38;
	[tilespmem:$0x1FF80] =	vst v63  }
0xeb: {  	_ =	swait.ge [sflag:s0], $0x4000  }
0xec: {  	[sflag:s0] =	ssyncset.done $0x0  }
0xed: {  	s22 =	rddreg [dreg:$0x9];
	[sflag:s0] =	ssyncadd.s32 $0xFFFFC000  }
0xee: {  	[tilespmem:s3], [sflag:$0x7] =	stream.linear.gather [hbm4b:s22+s4], $0x80, $0x38;
	[tilespmem:$0x1FF80] =	vst v63  }
0xef: {  	_ =	swait.ge [sflag:s0], $0x80  }
0xf0: {  	[sflag:s0] =	ssyncset.done $0x0  }
0xf1: {  	[sflag:s0] =	ssyncadd.s32 $0xFFFFFF80  }
0xf2: {  	[tilespmem:s31], [sflag:$0x1] =	stream.indirect.gather [spmem:s2], $0x80, s3, s1, $0xb8;
	[tilespmem:$0x1FF80] =	vst v63  }
0xf3: {  	_ =	swait.ge [sflag:s10], $0x4000  }
0xf4: {  	[sflag:s10] =	ssyncset.done $0x0  }
0xf5: {  	s21 =	rddreg [dreg:$0xa];
	[sflag:s10] =	ssyncadd.s32 $0xFFFFC000  }
0xf6: {  	[hbm4b:s21+s4] =	stream.linear.scatter [tilespmem:s31], [sflag:$0x7], $0x4000, $0x38;
	[tilespmem:$0x1FF80] =	vst v63  }
0xf7: {  	_ =	swait.ge [sflag:s0], $0x4000  }
0xf8: {  	[sflag:s0] =	ssyncset.done $0x0  }
0xf9: {  	s22 =	rddreg [dreg:$0xb];
	[sflag:s0] =	ssyncadd.s32 $0xFFFFC000  }
0xfa: {  	[tilespmem:s3], [sflag:$0x7] =	stream.linear.gather [hbm4b:s22+s4], $0x80, $0x38;
	[tilespmem:$0x1FF80] =	vst v63  }
0xfb: {  	_ =	swait.ge [sflag:s0], $0x80  }
0xfc: {  	[sflag:s0] =	ssyncset.done $0x0  }
0xfd: {  	[sflag:s0] =	ssyncadd.s32 $0xFFFFFF80  }
0xfe: {  	[tilespmem:s31], [sflag:$0x1] =	stream.indirect.gather [spmem:s2], $0x80, s3, s1, $0xb8;
	[tilespmem:$0x1FF80] =	vst v63  }
0xff: {  	_ =	swait.ge [sflag:s10], $0x4000  }
0x100: {  	[sflag:s10] =	ssyncset.done $0x0  }
0x101: {  	s21 =	rddreg [dreg:$0xc];
	[sflag:s10] =	ssyncadd.s32 $0xFFFFC000  }
0x102: {  	[hbm4b:s21+s4] =	stream.linear.scatter [tilespmem:s31], [sflag:$0x7], $0x4000, $0x38;
	[tilespmem:$0x1FF80] =	vst v63  }
0x103: {  	_ =	swait.ge [sflag:s0], $0x4000  }
0x104: {  	[sflag:s0] =	ssyncset.done $0x0  }
0x105: {  	s22 =	rddreg [dreg:$0xd];
	[sflag:s0] =	ssyncadd.s32 $0xFFFFC000  }
0x106: {  	[tilespmem:s3], [sflag:$0x7] =	stream.linear.gather [hbm4b:s22+s4], $0x80, $0x38;
	[tilespmem:$0x1FF80] =	vst v63  }
0x107: {  	_ =	swait.ge [sflag:s0], $0x80  }
0x108: {  	[sflag:s0] =	ssyncset.done $0x0  }
0x109: {  	[sflag:s0] =	ssyncadd.s32 $0xFFFFFF80  }
0x10a: {  	[tilespmem:s31], [sflag:$0x1] =	stream.indirect.gather [spmem:s2], $0x80, s3, s1, $0xb8;
	[tilespmem:$0x1FF80] =	vst v63  }
0x10b: {  	_ =	swait.ge [sflag:s10], $0x4000  }
0x10c: {  	[sflag:s10] =	ssyncset.done $0x0  }
0x10d: {  	s21 =	rddreg [dreg:$0xe];
	[sflag:s10] =	ssyncadd.s32 $0xFFFFC000  }
0x10e: {  	[hbm4b:s21+s4] =	stream.linear.scatter [tilespmem:s31], [sflag:$0x7], $0x4000, $0x38;
	[tilespmem:$0x1FF80] =	vst v63  }
0x10f: {  	_ =	swait.ge [sflag:s0], $0x4000  }
0x110: {  	[sflag:s0] =	ssyncset.done $0x0  }
0x111: {  	s22 =	rddreg [dreg:$0xf];
	[sflag:s0] =	ssyncadd.s32 $0xFFFFC000  }
0x112: {  	[tilespmem:s3], [sflag:$0x7] =	stream.linear.gather [hbm4b:s22+s4], $0x80, $0x38;
	[tilespmem:$0x1FF80] =	vst v63  }
0x113: {  	_ =	swait.ge [sflag:s0], $0x80  }
0x114: {  	[sflag:s0] =	ssyncset.done $0x0  }
0x115: {  	[sflag:s0] =	ssyncadd.s32 $0xFFFFFF80  }
0x116: {  	[tilespmem:s31], [sflag:$0x1] =	stream.indirect.gather [spmem:s2], $0x80, s3, s1, $0xb8;
	[tilespmem:$0x1FF80] =	vst v63  }
0x117: {  	_ =	swait.ge [sflag:s10], $0x4000  }
0x118: {  	[sflag:s10] =	ssyncset.done $0x0  }
0x119: {  	s21 =	rddreg [dreg:$0x10];
	[sflag:s10] =	ssyncadd.s32 $0xFFFFC000  }
0x11a: {  	[hbm4b:s21+s4] =	stream.linear.scatter [tilespmem:s31], [sflag:$0x7], $0x4000, $0x38;
	[tilespmem:$0x1FF80] =	vst v63  }
0x11b: {  	_ =	swait.ge [sflag:s0], $0x4000  }
0x11c: {  	s19 =	sadd.s32 $0x1, s19;
	s22 =	rddreg [dreg:$0x11]  }
0x11d: {  	p0 =	sne.s32 s19, s22  }
.Ltmp1:
0x11e: {  	_ = 	snop;
	(pc) =	sbr.rel @p0 .LBB2_1-.Ltmp1, $3  }
0x11f: {  	_ =	sdelay $0x1  }
0x120: {  	[sflag:s0] =	ssyncset.done $0x0  }
0x121: {  	[sflag:s0] =	ssyncadd.s32 $0xFFFFC000  }
0x122: {  	_ =	sfence.sel $0x180000  }
0x123: {  	[bflag:$0x0] =	sbarrier.arrive $0xFFFF  }
0x124: {  	_ =	strace $0x9000004D  }
0x125: {  	s0 =	stileid.u32;
	[bflag:$0x2] =	sbarrier.arrive $0xFFFF  }
0x126: {  	p0 =	sne.s32 s0, $0x0;
	s0 =	rddreg [dreg:$0x3]  }
0x127: {  	s0 =	sadd.s32 @!p0 $0x100000, s0  }
0x128: {  	[sflag:s0] =	ssyncadd.tile.s32 @!p0 $0x1;
	_ =	shalt  }
.Lfunc_end2:
_tile_overlayer_lowered:
.L_overlay_start_2:
0x129: {  	(tag) =	ssettag $0x2  }
0x12a: {  	s0 =	rddreg [dreg:$0x0];
	s2 =	stileid.u32  }
0x12b: {  	s1 =	rddreg [dreg:$0x1];
	p0 =	sne.s32 s2, $0x0  }
0x12c: {  	s3 =	rddreg [dreg:$0x2];
	[bflag:$0x3] =	sbarrier.arrive $0xFFFF;
	s2 =	simm.s32 @!p0 $0x1C07  }
0x12d: {  	[timem:s3], [sflag:s2] =	dma.local @!p0 [hbm:s0], s1  }
0x12e: {  	s0 =	simm.s32 @!p0 $0x7  }
0x12f: {  	_ =	swait.ge @!p0 [sflag:s0], s1  }
0x130: {  	s1 =	ssub.s32 @!p0 $0x0, s1;
	[sflag:s0] =	ssyncset.done @!p0 $0x0  }
0x131: {  	[sflag:s0] =	ssyncadd.s32 @!p0 s1  }
0x132: {  	[bflag:$0x3] =	sbarrier.arrive $0xFFFF  }
0x133: {  	_ =	shalt  }

// kernel: kernel.8.cloned.1.call-start
scs
__scs_entry_jumppad:
0x0: {  	(pc) =	sbr.rel $0x88, $3  }
0x1: {  	(tag) =	ssettag $0x0;
	lr =	simm.s32 $0x1  }
0x2: {  	[smem:$0x3F99] =	sst lr;
	_ =	strace $0xD0000000  }
0x3: {  	_ = 	snop  }
0x4: {  	_ = 	snop  }
0x5: {  	_ = 	snop  }
0x6: {  	_ = 	snop  }
0x7: {  	_ = 	snop  }
__scs_overlays_trampoline_lowered:
0x8: {  	[smem:$0x3FA8] =	sst s0  }
0x9: {  	[smem:$0x3FA9] =	sst s1  }
0xa: {  	[smem:$0x3FAA] =	sst s2  }
0xb: {  	[smem:$0x3FAB] =	sst s3  }
0xc: {  	[smem:$0x3FAC] =	sst s4  }
0xd: {  	[smem:$0x3FAD] =	sst s5  }
0xe: {  	[smem:$0x3FAE] =	sst s6  }
0xf: {  	[smem:$0x3FAF] =	sst s7  }
0x10: {  	[smem:$0x3FB0] =	sst s8  }
0x11: {  	[smem:$0x3FB1] =	sst s9;
	s0 =	simm.s32 @!p0 $0x0  }
0x12: {  	s1 =	sld [smem:$0x3F97];
	s0 =	simm.s32 @p0 $0x1  }
0x13: {  	[smem:$0x3FB2] =	sst s0;
	s0 =	simm.s32 @!p1 $0x0  }
0x14: {  	s2 =	sld [smem:$0x3F96];
	s0 =	simm.s32 @p1 $0x1  }
0x15: {  	[smem:$0x3FB3] =	sst s0;
	s0 =	simm.s32 @!p2 $0x0  }
0x16: {  	s3 =	sld [smem:$0x3FDB];
	s0 =	simm.s32 @p2 $0x1  }
0x17: {  	s4 =	simm.s32 $0x1BF5;
	[smem:$0x3FB5] =	sst s0  }
0x18: {  	s0 =	sld [smem:$0x3F98];
	_ =	swait.ge [sflag:s4], $0x0  }
0x19: {  	s7 =	sld [smem:$0x3F99]  }
0x1a: {  	s8 =	sadd.s32 $0xFFFFE003, lr  }
0x1b: {  	s9 =	sadd.s32 $0xFFFFFEF7, lr;
	s5 =	simm.s32 $0xFFFFFFFF;
	p2 =	slt.u32 s8, $0xFFFFF086  }
0x1c: {  	p1 =	slt.u32 s9, $0xF7A;
	s5 =	simm.s32 @!p2 $0x0  }
0x1d: {  	s5 =	simm.s32 @p1 $0x1;
	p0 =	seq.s32 s7, s2  }
0x1e: {  	s7 =	smul.u32 @!p0 $0xF7A, s2;
	p2 =	seq.s32 @!p0 s5, $0x0  }
0x1f: {  	s9 =	smul.u32 $0xF7A, s1;
	s8 =	simm.s32 @!p0 $0x1BF5;
	p2 =	por !p2, p0  }
0x20: {  	[sflag:s8] =	ssyncset.s32 @!p0 $0xFFFFF086;
	s6 =	sadd.s32 @!p0 s3, s7;
	s7 =	simm.s32 @!p0 $0x108  }
0x21: {  	s3 =	sadd.s32 s3, s9;
	s6 =	sadd.s32 @!p0 $0x88, s6;
	s7 =	simm.s32 @p2 $0x1082  }
0x22: {  	[simem:s7], [sflag:s8] =	dma.local @!p0 [hbm:s6], $0xF7A  }
0x23: {  	s9 =	sor.u32 $0xD0000000, s2;
	s6 =	simm.s32 $0x108;
	_ =	swait.ge @!p0 [sflag:s8], $0x0  }
0x24: {  	s3 =	sadd.s32 $0x88, s3;
	s6 =	simm.s32 @!p1 $0x1082;
	[sflag:s4] =	ssyncset.s32 $0xFFFFF086  }
0x25: {  	[simem:s6], [sflag:s4] =	dma.local [hbm:s3], $0xF7A  }
0x26: {  	[smem:$0x3F99] =	sst s1;
	(tag) =	ssettag s2;
	_ =	strace s9  }
0x27: {  	s1 =	sld [smem:$0x3FA9]  }
0x28: {  	s2 =	sld [smem:$0x3FAA]  }
0x29: {  	s4 =	sld [smem:$0x3FAC]  }
0x2a: {  	p0 =	seq.s32 s5, $0x0;
	s5 =	sld [smem:$0x3FAD]  }
0x2b: {  	s6 =	sld [smem:$0x3FAE]  }
0x2c: {  	s7 =	sld [smem:$0x3FAF]  }
0x2d: {  	s3 =	simm.s32 $0x108;
	s8 =	sld [smem:$0x3FB0]  }
0x2e: {  	s3 =	simm.s32 @!p0 $0x1082;
	s9 =	sld [smem:$0x3FB1]  }
0x2f: {  	lr =	sadd.s32 s0, s3;
	s0 =	sld [smem:$0x3FA8]  }
0x30: {  	s3 =	sld [smem:$0x3FAB]  }
0x31: {  	[smem:$0x3FB4] =	sst s10  }
0x32: {  	s10 =	sld [smem:$0x3FB2];
	_ =	sdelay $0x3  }
0x33: {  	p0 =	seq.s32 s10, $0x1;
	s10 =	sld [smem:$0x3FB4];
	_ =	sdelay $0x3  }
0x34: {  	[smem:$0x3FB4] =	sst s10  }
0x35: {  	s10 =	sld [smem:$0x3FB3];
	_ =	sdelay $0x3  }
0x36: {  	p1 =	seq.s32 s10, $0x1;
	s10 =	sld [smem:$0x3FB4];
	_ =	sdelay $0x3  }
0x37: {  	[smem:$0x3FB4] =	sst s10  }
0x38: {  	s10 =	sld [smem:$0x3FB5]  }
0x39: {  	_ = 	snop;
	(pc) =	sbr.ind lr, $3  }
0x3a: {  	_ = 	snop  }
0x3b: {  	_ = 	snop  }
0x3c: {  	p2 =	seq.s32 s10, $0x1;
	s10 =	sld [smem:$0x3FB4]  }
0x3d: {  	_ =	shalt  }
0x3e: {  	_ =	shalt  }
0x3f: {  	_ =	shalt  }
0x40: {  	_ =	shalt  }
0x41: {  	_ =	shalt  }
0x42: {  	_ =	shalt  }
0x43: {  	_ =	shalt  }
0x44: {  	_ =	shalt  }
0x45: {  	_ =	shalt  }
0x46: {  	_ =	shalt  }
0x47: {  	_ =	shalt  }
0x48: {  	_ =	shalt  }
0x49: {  	_ =	shalt  }
0x4a: {  	_ =	shalt  }
0x4b: {  	_ =	shalt  }
0x4c: {  	_ =	shalt  }
0x4d: {  	_ =	shalt  }
0x4e: {  	_ =	shalt  }
0x4f: {  	_ =	shalt  }
0x50: {  	_ =	shalt  }
0x51: {  	_ =	shalt  }
0x52: {  	_ =	shalt  }
0x53: {  	_ =	shalt  }
0x54: {  	_ =	shalt  }
0x55: {  	_ =	shalt  }
0x56: {  	_ =	shalt  }
0x57: {  	_ =	shalt  }
0x58: {  	_ =	shalt  }
0x59: {  	_ =	shalt  }
0x5a: {  	_ =	shalt  }
0x5b: {  	_ =	shalt  }
0x5c: {  	_ =	shalt  }
0x5d: {  	_ =	shalt  }
0x5e: {  	_ =	shalt  }
0x5f: {  	_ =	shalt  }
0x60: {  	_ =	shalt  }
0x61: {  	_ =	shalt  }
0x62: {  	_ =	shalt  }
0x63: {  	_ =	shalt  }
0x64: {  	_ =	shalt  }
0x65: {  	_ =	shalt  }
0x66: {  	_ =	shalt  }
0x67: {  	_ =	shalt  }
0x68: {  	_ =	shalt  }
0x69: {  	_ =	shalt  }
0x6a: {  	_ =	shalt  }
0x6b: {  	_ =	shalt  }
0x6c: {  	_ =	shalt  }
0x6d: {  	_ =	shalt  }
0x6e: {  	_ =	shalt  }
0x6f: {  	_ =	shalt  }
0x70: {  	_ =	shalt  }
0x71: {  	_ =	shalt  }
0x72: {  	_ =	shalt  }
0x73: {  	_ =	shalt  }
0x74: {  	_ =	shalt  }
0x75: {  	_ =	shalt  }
0x76: {  	_ =	shalt  }
0x77: {  	_ =	shalt  }
0x78: {  	_ =	shalt  }
0x79: {  	_ =	shalt  }
0x7a: {  	_ =	shalt  }
0x7b: {  	_ =	shalt  }
0x7c: {  	_ =	shalt  }
0x7d: {  	_ =	shalt  }
0x7e: {  	_ =	shalt  }
0x7f: {  	_ =	shalt  }
0x80: {  	_ =	shalt  }
0x81: {  	_ =	shalt  }
0x82: {  	_ =	shalt  }
0x83: {  	_ =	shalt  }
0x84: {  	_ =	shalt  }
0x85: {  	_ =	shalt  }
0x86: {  	_ =	shalt  }
0x87: {  	_ =	shalt  }
.Lfunc_end0:
.L_simem_size_0:
called_computation_lowered:
.L_overlay_start_0:
0x88: {  	s2 =	sld [smem:$0x3FD9]  }
0x89: {  	s3 =	sld [smem:$0x3FFE];
	_ =	sdelay $0x1  }
0x8a: {  	s1 =	srdreg.scid  }
0x8b: {  	s0 =	sand.u32 $0x1, s1  }
0x8c: {  	s14 =	sshll.u32 s0, $0xA;
	s2 =	sadd.s32 s3, s2  }
0x8d: {  	s2 =	sadd.s32 s2, s14  }
0x8e: {  	[smem:$0x3FC0] =	sst s2  }
0x8f: {  	_ = 	snop  }
0x90: {  	s2 =	sld [smem:$0x3FD0];
	_ =	sdelay $0x2  }
0x91: {  	s15 =	simm.s32 $0xA;
	s4 =	simm.s32 $0x10  }
0x92: {  	[smem:s4], [sflag:s15] =	dma.local [hbm:s2], $0x1  }
0x93: {  	_ =	swait.eq [sflag:s15], $0x1  }
0x94: {  	[sflag:s15] =	ssyncset.done $0x0  }
0x95: {  	s16 =	sld [smem:$0x10];
	[sflag:s15] =	ssyncadd.s32 $0xFFFFFFFF  }
0x96: {  	s17 =	sld [smem:$0x11];
	(tm) =	ssettm $0x1  }
0x97: {  	s18 =	sld [smem:$0x3FFB];
	_ =	sdelay $0x3  }
0x98: {  	_ =	strace s18  }
0x99: {  	s4 =	sld [smem:$0x3FFC];
	_ =	sdelay $0x3  }
0x9a: {  	_ =	strace s4  }
0x9b: {  	s4 =	sld [smem:$0x3FFD];
	_ =	sdelay $0x3  }
0x9c: {  	_ =	strace s4  }
0x9d: {  	_ =	strace $0x8FFFFFFF  }
0x9e: {  	s19 =	sld [smem:$0x3FDB];
	_ =	sdelay $0x1  }
0x9f: {  	s5 =	simm.s32 $_scs_section_size  }
0xa0: {  	s6 =	simm.s32 $_size__tile_overlayer_lowered;
	s7 =	simm.s32 $_tile_overlayer_lowered  }
0xa1: {  	s22 =	simm.s32 $0x1BFF;
	s21 =	sshll.u32 s7, $0x1;
	s4 =	sadd.s32 s5, s19  }
0xa2: {  	s8 =	simm.s32 $0x0;
	s20 =	sshll.u32 s6, $0x1;
	s6 =	sadd.s32 s21, s4  }
0xa3: {  	[timem:s8], [sflag:s22] =	dma.local [hbm:s6], s20  }
0xa4: {  	_ =	swait.ge [sflag:s22], s20  }
0xa5: {  	s5 =	ssub.s32 $0x0, s20;
	[sflag:s22] =	ssyncset.done $0x0  }
0xa6: {  	[sflag:s22] =	ssyncadd.s32 s5;
	_ =	sdelay $0x1  }
0xa7: {  	s23 =	simm.s32 $0x1B8B  }
0xa8: {  	_ =	swait.ge [sflag:s23], $0x1  }
0xa9: {  	[sflag:s23] =	ssyncset.done $0x0  }
0xaa: {  	s25 =	simm.s32 $0x1B8E;
	s24 =	sld [smem:$0x3FFE];
	[sflag:s23] =	ssyncadd.s32 $0xFFFFFFFF  }
0xab: {  	s26 =	simm.s32 $execute0_lowered;
	[smem:$0x3FD2] =	sst s25  }
0xac: {  	s6 =	sshll.u32 s26, $0x1;
	_ =	strace $0x80000046;
	[dreg:$0x1] =	wrdreg $0xFFFFFFFF  }
0xad: {  	s28 =	simm.s32 $_size_execute0_lowered;
	s4 =	sadd.s32 s4, s6;
	[dreg:$0x0] =	wrdreg $0x0  }
0xae: {  	s6 =	sshll.u32 s28, $0x1;
	[dreg:$0x2] =	wrdreg s4  }
0xaf: {  	[dreg:$0x3] =	wrdreg s6  }
0xb0: {  	[dreg:$0x4] =	wrdreg $0xC0  }
0xb1: {  	_ =	task [dreg:s8], $0x5FFFF  }
0xb2: {  	[dreg:$0x1] =	wrdreg $0xFFFFFFFF  }
0xb3: {  	[dreg:$0x0] =	wrdreg $0x60  }
0xb4: {  	[dreg:$0x2] =	wrdreg s24  }
0xb5: {  	[dreg:$0x3] =	wrdreg s16  }
0xb6: {  	[dreg:$0x4] =	wrdreg s17  }
0xb7: {  	[dreg:$0x5] =	wrdreg $0x83800  }
0xb8: {  	[dreg:$0x6] =	wrdreg $0x9  }
0xb9: {  	_ =	task.clear_ibuf [dreg:s8], $0x7FFFF;
	_ =	strace $0x90000046  }
0xba: {  	s29 =	simm.s32 $0x9;
	_ =	strace $0x80000048  }
0xbb: {  	_ =	swait.ge [sflag:s29], $0x1  }
0xbc: {  	[sflag:s29] =	ssyncadd.s32 $0xFFFFFFFF  }
0xbd: {  	_ =	strace $0x90000048  }
0xbe: {  	_ =	sfence  }
0xbf: {  	s30 =	sld [smem:$0x0];
	_ =	sdelay $0x2  }
0xc0: {  	s31 =	sshll.u32 s1, $0xD;
	s1 =	sshrl.u32 s1, $0x2  }
0xc1: {  	s3 =	sand.u32 $0x4000, s31;
	s1 =	sadd.s32 s1, s30  }
0xc2: {  	s0 =	sor.u32 s3, s0;
	s1 =	sshll.u32 s1, $0x11  }
0xc3: {  	s0 =	sor.u32 s1, s0  }
0xc4: {  	s0 =	sadd.s32 $0x8F2B, s0  }
0xc5: {  	[sflag:s0] =	ssyncadd.remote.s32 $0x1  }
0xc6: {  	_ =	sfence.sel $0xFFFF  }
0xc7: {  	[dreg:$0x0] =	wrdreg $0xFFFFFFFF;
	(pc) =	sbr.abs _section_cstart, $3  }
0xc8: {  	[dreg:$0x1] =	wrdreg $0xFFFFFFFF  }
0xc9: {  	_ =	task.clear_ibuf [dreg:s8], $0x2FFFF;
	_ =	strace $0x9FFFFFFF  }
0xca: {  	(tm) =	ssettm $0x7FFFFFFF  }
0xcb: {  	_ =	shalt  }
tec
execute0_lowered:
.L_overlay_start_1:
0x0: {  	(tag) =	ssettag $0x1  }
0x1: {  	s0 =	rddreg [dreg:$0x0]  }
0x2: {  	s4 =	rddreg [dreg:$0x3]  }
0x3: {  	s1 =	srdreg.scid;
	s11 =	stileid.u32;
	s5 =	simm.s32 $0x0  }
0x4: {  	s28 =	simm.s32 $0x4380;
	s29 =	simm.s32 $0x5;
	s2 =	smul.u32 $0x278, s11  }
0x5: {  	s30 =	simm.s32 $0x300;
	s31 =	simm.s32 $0x80;
	s10 =	smul.u32 $0x280, s11  }
0x6: {  	s12 =	simm.s32 $0x0;
	s1 =	sand.u32 $0x1, s1;
	s16 =	smul.u32 $0x50, s11  }
0x7: {  	[smem:$0x7FF] =	sst s5;
	s7 =	sadd.s32 $0x2C00, s0;
	s23 =	smul.u32 $0x9F, s11  }
0x8: {  	s14 =	sadd.s32 $0x2600, s0;
	s3 =	smul.u32 $0x2780, s1;
	_ =	strace $0x80000047  }
0x9: {  	s6 =	sshll.u32 s1, $0x4;
	s15 =	ssub.s32 $0x2, s1;
	s1 =	smul.u32 $0x9F0, s1  }
0xa: {  	s13 =	sor.u32 s11, s6;
	s9 =	sshrl.u32 s15, $0x1;
	s18 =	sshrl.u32 s10, $0x3  }
0xb: {  	s6 =	simm.s32 $0x280;
	s10 =	simm.s32 $0x4;
	s8 =	smul.u32 $0x9F00, s13  }
0xc: {  	s11 =	simm.s32 $0x1;
	s2 =	sadd.s32 s2, s3;
	s3 =	smul.u32 $0x13E0, s13  }
0xd: {  	s26 =	sadd.s32 s23, s1;
	s1 =	simm.s32 $0x180;
	s2 =	sshll.u32 s2, $0x4  }
0xe: {  	s0 =	sadd.s32 s2, s0;
	s8 =	sshrl.u32 s8, $0x3;
	s2 =	ssub.s32 s15, s9  }
0xf: {  	s3 =	sadd.s32 s7, s3;
	s9 =	sadd.s32 s14, s16;
	s8 =	sadd.s32 s7, s8  }
0x10: {  	[dreg:$0x5] =	wrdreg s3;
	s3 =	sadd.s32 s14, s18;
	s19 =	sadd.s32 $0x79800, s0  }
0x11: {  	s21 =	sadd.s32 $0x7A000, s0;
	s24 =	sadd.s32 $0x7A800, s0;
	[dreg:$0x8] =	wrdreg s19  }
0x12: {  	s16 =	sadd.s32 $0x7B000, s0;
	s18 =	sadd.s32 $0x7B780, s0;
	[dreg:$0xa] =	wrdreg s21  }
0x13: {  	s0 =	sshll.u32 s26, $0x5;
	s17 =	sadd.s32 $0x20, s8;
	[dreg:$0xc] =	wrdreg s24  }
0x14: {  	s26 =	sadd.s32 $0x40, s9;
	s8 =	sadd.s32 $0x40, s8;
	[dreg:$0x6] =	wrdreg s17  }
0x15: {  	s20 =	sadd.s32 $0x10, s3;
	s22 =	sadd.s32 $0x20, s3;
	[dreg:$0x7] =	wrdreg s8  }
0x16: {  	s25 =	sadd.s32 $0x30, s3;
	s19 =	smax.u32 s2, $0x1;
	[dreg:$0x9] =	wrdreg s20  }
0x17: {  	s21 =	sadd.s32 $0x20, s9;
	s0 =	sadd.s32 s0, s7;
	[dreg:$0xb] =	wrdreg s22  }
0x18: {  	s2 =	simm.s32 $0x100;
	s7 =	simm.s32 $0x2;
	[dreg:$0xd] =	wrdreg s25  }
0x19: {  	s17 =	sadd.s32 $0x40, s3;
	s20 =	sadd.s32 $0x10, s9;
	s22 =	sadd.s32 $0x30, s9  }
0x1a: {  	s23 =	sadd.s32 $0xA0, s0;
	s24 =	sadd.s32 $0x80, s0;
	s25 =	sadd.s32 $0x60, s0  }
0x1b: {  	s0 =	simm.s32 $0x380;
	s3 =	simm.s32 $0x200;
	s8 =	simm.s32 $0x3  }
.LBB2_1:
0x1c: {  	s13 =	rddreg [dreg:$0x2]  }
0x1d: {  	[tilespmem:s28], [sflag:$0x5] =	stream.linear.gather [hbm4b:s13+s5], $0x4000, $0x38;
	[tilespmem:$0x1BF80] =	vst v63  }
0x1e: {  	_ =	swait.ge [sflag:s29], $0x4000  }
0x1f: {  	[sflag:s29] =	ssyncset.done $0x0  }
0x20: {  	[sflag:s29] =	ssyncadd.s32 $0xFFFFC000  }
0x21: {  	[tilespmem:s30], [sflag:$0x5] =	stream.linear.gather [hbm4b:s9+s5], $0x80, $0x38;
	[tilespmem:$0x1BF80] =	vst v63  }
0x22: {  	_ =	swait.ge [sflag:s29], $0x80  }
0x23: {  	[sflag:s29] =	ssyncset.done $0x0  }
0x24: {  	[sflag:s29] =	ssyncadd.s32 $0xFFFFFF80  }
0x25: {  	[spmem:s4] =	stream.indirect.scatter [tilespmem:s28], [sflag:$0x5], $0x80, s30, s31, $0xb8;
	[tilespmem:$0x1BF80] =	vst v63  }
0x26: {  	_ =	swait.ge [sflag:s29], $0x4000  }
0x27: {  	[sflag:s29] =	ssyncset.done $0x0  }
0x28: {  	[sflag:s29] =	ssyncadd.s32 $0xFFFFC000  }
0x29: {  	[tilespmem:s30], [sflag:$0x5] =	stream.linear.gather [hbm4b:s20+s5], $0x80, $0x38;
	[tilespmem:$0x1BF80] =	vst v63  }
0x2a: {  	_ =	swait.ge [sflag:s29], $0x80  }
0x2b: {  	[sflag:s29] =	ssyncset.done $0x0  }
0x2c: {  	[sflag:s29] =	ssyncadd.s32 $0xFFFFFF80  }
0x2d: {  	[spmem:s4] =	stream.indirect.scatter [tilespmem:s28], [sflag:$0x5], $0x80, s30, s31, $0xb8;
	[tilespmem:$0x1BF80] =	vst v63  }
0x2e: {  	_ =	swait.ge [sflag:s29], $0x4000  }
0x2f: {  	[sflag:s29] =	ssyncset.done $0x0  }
0x30: {  	[sflag:s29] =	ssyncadd.s32 $0xFFFFC000  }
0x31: {  	[tilespmem:s30], [sflag:$0x5] =	stream.linear.gather [hbm4b:s21+s5], $0x80, $0x38;
	[tilespmem:$0x1BF80] =	vst v63  }
0x32: {  	_ =	swait.ge [sflag:s29], $0x80  }
0x33: {  	[sflag:s29] =	ssyncset.done $0x0  }
0x34: {  	[sflag:s29] =	ssyncadd.s32 $0xFFFFFF80  }
0x35: {  	[spmem:s4] =	stream.indirect.scatter [tilespmem:s28], [sflag:$0x5], $0x80, s30, s31, $0xb8;
	[tilespmem:$0x1BF80] =	vst v63  }
0x36: {  	_ =	swait.ge [sflag:s29], $0x4000  }
0x37: {  	[sflag:s29] =	ssyncset.done $0x0  }
0x38: {  	[sflag:s29] =	ssyncadd.s32 $0xFFFFC000  }
0x39: {  	[tilespmem:s30], [sflag:$0x5] =	stream.linear.gather [hbm4b:s22+s5], $0x80, $0x38;
	[tilespmem:$0x1BF80] =	vst v63  }
0x3a: {  	_ =	swait.ge [sflag:s29], $0x80  }
0x3b: {  	[sflag:s29] =	ssyncset.done $0x0  }
0x3c: {  	[sflag:s29] =	ssyncadd.s32 $0xFFFFFF80  }
0x3d: {  	[spmem:s4] =	stream.indirect.scatter [tilespmem:s28], [sflag:$0x5], $0x80, s30, s31, $0xb8;
	[tilespmem:$0x1BF80] =	vst v63  }
0x3e: {  	_ =	swait.ge [sflag:s29], $0x4000  }
0x3f: {  	[sflag:s29] =	ssyncset.done $0x0  }
0x40: {  	[sflag:s29] =	ssyncadd.s32 $0xFFFFC000  }
0x41: {  	[tilespmem:s30], [sflag:$0x5] =	stream.linear.gather [hbm4b:s26+s5], $0x80, $0x38;
	[tilespmem:$0x1BF80] =	vst v63  }
0x42: {  	_ =	swait.ge [sflag:s29], $0x80  }
0x43: {  	[sflag:s29] =	ssyncset.done $0x0  }
0x44: {  	[sflag:s29] =	ssyncadd.s32 $0xFFFFFF80  }
0x45: {  	[spmem:s4] =	stream.indirect.scatter [tilespmem:s28], [sflag:$0x5], $0x80, s30, s31, $0xb8;
	[tilespmem:$0x1BF80] =	vst v63  }
0x46: {  	_ =	swait.ge [sflag:s29], $0x4000  }
0x47: {  	[sflag:s29] =	ssyncset.done $0x0  }
0x48: {  	[sflag:s29] =	ssyncadd.s32 $0xFFFFC000  }
0x49: {  	[bflag:$0x0] =	sbarrier.arrive $0xFFFF  }
0x4a: {  	s15 =	rddreg [dreg:$0x1]  }
0x4b: {  	[tilespmem:s0], [sflag:$0x5] =	stream.linear.gather [hbm4b:s15+s5], $0x4000, $0x38;
	[tilespmem:$0x1BF80] =	vst v63  }
0x4c: {  	_ =	swait.ge [sflag:s29], $0x4000  }
0x4d: {  	[sflag:s29] =	ssyncset.done $0x0  }
0x4e: {  	s14 =	rddreg [dreg:$0x5];
	[sflag:s29] =	ssyncadd.s32 $0xFFFFC000  }
0x4f: {  	[tilespmem:s5], [sflag:$0x5] =	stream.linear.gather [hbm4b:s14+s5], $0x100, $0x38;
	[tilespmem:$0x1BF80] =	vst v63  }
0x50: {  	_ =	swait.ge [sflag:s29], $0x100  }
0x51: {  	[sflag:s29] =	ssyncset.done $0x0  }
0x52: {  	[sflag:s29] =	ssyncadd.s32 $0xFFFFFF00  }
0x53: {  	[spmem:s4] =	stream.indirect.scatter.add.f32 [tilespmem:s0], [sflag:$0x2], $0x80, s31, s31, $0xb8;
	[tilespmem:$0x1BF80] =	vst v63  }
0x54: {  	s15 =	rddreg [dreg:$0x6]  }
0x55: {  	[tilespmem:s2], [sflag:$0x5] =	stream.linear.gather [hbm4b:s15+s5], $0x100, $0x38;
	[tilespmem:$0x1BF80] =	vst v63  }
0x56: {  	_ =	swait.ge [sflag:s29], $0x100  }
0x57: {  	[sflag:s29] =	ssyncset.done $0x0  }
0x58: {  	[sflag:s29] =	ssyncadd.s32 $0xFFFFFF00  }
0x59: {  	[spmem:s4] =	stream.indirect.scatter.add.f32 [tilespmem:s0], [sflag:$0x3], $0x80, s1, s31, $0xb8;
	[tilespmem:$0x1BF80] =	vst v63  }
0x5a: {  	s14 =	rddreg [dreg:$0x7]  }
0x5b: {  	[tilespmem:s3], [sflag:$0x5] =	stream.linear.gather [hbm4b:s14+s5], $0x100, $0x38;
	[tilespmem:$0x1BF80] =	vst v63  }
0x5c: {  	_ =	swait.ge [sflag:s29], $0x100  }
0x5d: {  	[sflag:s29] =	ssyncset.done $0x0  }
0x5e: {  	[sflag:s29] =	ssyncadd.s32 $0xFFFFFF00  }
0x5f: {  	[spmem:s4] =	stream.indirect.scatter.add.f32 [tilespmem:s0], [sflag:$0x4], $0x80, s6, s31, $0xb8;
	[tilespmem:$0x1BF80] =	vst v63  }
0x60: {  	_ =	swait.ge [sflag:s7], $0x4000  }
0x61: {  	[sflag:s7] =	ssyncset.done $0x0  }
0x62: {  	s15 =	sadd.s32 $0x0, s25;
	[sflag:s7] =	ssyncadd.s32 $0xFFFFC000  }
0x63: {  	[tilespmem:s5], [sflag:$0x5] =	stream.linear.gather [hbm4b:s15+s5], $0x100, $0x38;
	[tilespmem:$0x1BF80] =	vst v63  }
0x64: {  	_ =	swait.ge [sflag:s29], $0x100  }
0x65: {  	[sflag:s29] =	ssyncset.done $0x0  }
0x66: {  	[sflag:s29] =	ssyncadd.s32 $0xFFFFFF00  }
0x67: {  	[spmem:s4] =	stream.indirect.scatter.add.f32 [tilespmem:s0], [sflag:$0x2], $0x80, s31, s31, $0xb8;
	[tilespmem:$0x1BF80] =	vst v63  }
0x68: {  	_ =	swait.ge [sflag:s8], $0x4000  }
0x69: {  	[sflag:s8] =	ssyncset.done $0x0  }
0x6a: {  	s14 =	sadd.s32 $0x0, s24;
	[sflag:s8] =	ssyncadd.s32 $0xFFFFC000  }
0x6b: {  	[tilespmem:s2], [sflag:$0x5] =	stream.linear.gather [hbm4b:s14+s5], $0x100, $0x38;
	[tilespmem:$0x1BF80] =	vst v63  }
0x6c: {  	_ =	swait.ge [sflag:s29], $0x100  }
0x6d: {  	[sflag:s29] =	ssyncset.done $0x0  }
0x6e: {  	[sflag:s29] =	ssyncadd.s32 $0xFFFFFF00  }
0x6f: {  	[spmem:s4] =	stream.indirect.scatter.add.f32 [tilespmem:s0], [sflag:$0x3], $0x80, s1, s31, $0xb8;
	[tilespmem:$0x1BF80] =	vst v63  }
0x70: {  	_ =	swait.ge [sflag:s10], $0x4000  }
0x71: {  	[sflag:s10] =	ssyncset.done $0x0  }
0x72: {  	s15 =	sadd.s32 $0x0, s23;
	[sflag:s10] =	ssyncadd.s32 $0xFFFFC000  }
0x73: {  	[tilespmem:s3], [sflag:$0x5] =	stream.linear.gather [hbm4b:s15+s5], $0x100, $0x38;
	[tilespmem:$0x1BF80] =	vst v63  }
0x74: {  	_ =	swait.ge [sflag:s29], $0x100  }
0x75: {  	[sflag:s29] =	ssyncset.done $0x0  }
0x76: {  	s13 =	simm.s32 $0x60;
	[sflag:s29] =	ssyncadd.s32 $0xFFFFFF00  }
.LBB2_2:
0x77: {  	[spmem:s4] =	stream.indirect.scatter.add.f32 [tilespmem:s0], [sflag:$0x4], $0x80, s6, s31, $0xb8;
	[tilespmem:$0x1BF80] =	vst v63  }
0x78: {  	s14 =	smov.u32 s13  }
0x79: {  	p0 =	sne.s32 s13, $0x1320;
	s13 =	sadd.s32 $0x60, s13;
	_ =	swait.ge [sflag:s7], $0x4000  }
0x7a: {  	[sflag:s7] =	ssyncset.done $0x0  }
0x7b: {  	s15 =	sadd.s32 s14, s25;
	[sflag:s7] =	ssyncadd.s32 $0xFFFFC000  }
0x7c: {  	[tilespmem:s5], [sflag:$0x5] =	stream.linear.gather [hbm4b:s15+s5], $0x100, $0x38;
	[tilespmem:$0x1BF80] =	vst v63  }
0x7d: {  	_ =	swait.ge [sflag:s29], $0x100  }
0x7e: {  	[sflag:s29] =	ssyncset.done $0x0  }
0x7f: {  	[sflag:s29] =	ssyncadd.s32 $0xFFFFFF00  }
0x80: {  	[spmem:s4] =	stream.indirect.scatter.add.f32 [tilespmem:s0], [sflag:$0x2], $0x80, s31, s31, $0xb8;
	[tilespmem:$0x1BF80] =	vst v63  }
0x81: {  	_ =	swait.ge [sflag:s8], $0x4000  }
0x82: {  	[sflag:s8] =	ssyncset.done $0x0  }
0x83: {  	s15 =	sadd.s32 s14, s24;
	[sflag:s8] =	ssyncadd.s32 $0xFFFFC000  }
0x84: {  	[tilespmem:s2], [sflag:$0x5] =	stream.linear.gather [hbm4b:s15+s5], $0x100, $0x38;
	[tilespmem:$0x1BF80] =	vst v63  }
0x85: {  	_ =	swait.ge [sflag:s29], $0x100  }
0x86: {  	[sflag:s29] =	ssyncset.done $0x0  }
0x87: {  	[sflag:s29] =	ssyncadd.s32 $0xFFFFFF00  }
0x88: {  	[spmem:s4] =	stream.indirect.scatter.add.f32 [tilespmem:s0], [sflag:$0x3], $0x80, s1, s31, $0xb8;
	[tilespmem:$0x1BF80] =	vst v63  }
0x89: {  	_ =	swait.ge [sflag:s10], $0x4000  }
0x8a: {  	[sflag:s10] =	ssyncset.done $0x0  }
.Ltmp0:
0x8b: {  	s14 =	sadd.s32 s14, s23;
	[sflag:s10] =	ssyncadd.s32 $0xFFFFC000;
	(pc) =	sbr.rel @p0 .LBB2_2-.Ltmp0, $4  }
0x8c: {  	[tilespmem:s3], [sflag:$0x5] =	stream.linear.gather [hbm4b:s14+s5], $0x100, $0x38;
	[tilespmem:$0x1BF80] =	vst v63  }
0x8d: {  	_ =	swait.ge [sflag:s29], $0x100  }
0x8e: {  	[sflag:s29] =	ssyncset.done $0x0  }
0x8f: {  	[sflag:s29] =	ssyncadd.s32 $0xFFFFFF00  }
0x90: {  	[spmem:s4] =	stream.indirect.scatter.add.f32 [tilespmem:s0], [sflag:$0x4], $0x80, s6, s31, $0xb8;
	[tilespmem:$0x1BF80] =	vst v63  }
0x91: {  	_ =	swait.ge [sflag:s7], $0x4000  }
0x92: {  	[sflag:s7] =	ssyncset.done $0x0  }
0x93: {  	[sflag:s7] =	ssyncadd.s32 $0xFFFFC000  }
0x94: {  	_ =	swait.ge [sflag:s8], $0x4000  }
0x95: {  	[sflag:s8] =	ssyncset.done $0x0  }
0x96: {  	[sflag:s8] =	ssyncadd.s32 $0xFFFFC000  }
0x97: {  	_ =	swait.ge [sflag:s10], $0x4000  }
0x98: {  	[sflag:s10] =	ssyncset.done $0x0  }
0x99: {  	[sflag:s10] =	ssyncadd.s32 $0xFFFFC000  }
0x9a: {  	[bflag:$0x0] =	sbarrier.arrive $0xFFFF  }
0x9b: {  	[tilespmem:s30], [sflag:$0x5] =	stream.linear.gather [hbm4b:s9+s5], $0x80, $0x38;
	[tilespmem:$0x1BF80] =	vst v63  }
0x9c: {  	_ =	swait.ge [sflag:s29], $0x80  }
0x9d: {  	[sflag:s29] =	ssyncset.done $0x0  }
0x9e: {  	[sflag:s29] =	ssyncadd.s32 $0xFFFFFF80  }
0x9f: {  	[tilespmem:s28], [sflag:$0x1] =	stream.indirect.gather [spmem:s4], $0x80, s30, s31, $0xb8;
	[tilespmem:$0x1BF80] =	vst v63  }
0xa0: {  	_ =	swait.ge [sflag:s11], $0x4000  }
0xa1: {  	[sflag:s11] =	ssyncset.done $0x0  }
0xa2: {  	s13 =	rddreg [dreg:$0x8];
	[sflag:s11] =	ssyncadd.s32 $0xFFFFC000  }
0xa3: {  	[hbm4b:s13+s5] =	stream.linear.scatter [tilespmem:s28], [sflag:$0x5], $0x4000, $0x38;
	[tilespmem:$0x1BF80] =	vst v63  }
0xa4: {  	_ =	swait.ge [sflag:s29], $0x4000  }
0xa5: {  	[sflag:s29] =	ssyncset.done $0x0  }
0xa6: {  	s15 =	rddreg [dreg:$0x9];
	[sflag:s29] =	ssyncadd.s32 $0xFFFFC000  }
0xa7: {  	[tilespmem:s30], [sflag:$0x5] =	stream.linear.gather [hbm4b:s15+s5], $0x80, $0x38;
	[tilespmem:$0x1BF80] =	vst v63  }
0xa8: {  	_ =	swait.ge [sflag:s29], $0x80  }
0xa9: {  	[sflag:s29] =	ssyncset.done $0x0  }
0xaa: {  	[sflag:s29] =	ssyncadd.s32 $0xFFFFFF80  }
0xab: {  	[tilespmem:s28], [sflag:$0x1] =	stream.indirect.gather [spmem:s4], $0x80, s30, s31, $0xb8;
	[tilespmem:$0x1BF80] =	vst v63  }
0xac: {  	_ =	swait.ge [sflag:s11], $0x4000  }
0xad: {  	[sflag:s11] =	ssyncset.done $0x0  }
0xae: {  	s14 =	rddreg [dreg:$0xa];
	[sflag:s11] =	ssyncadd.s32 $0xFFFFC000  }
0xaf: {  	[hbm4b:s14+s5] =	stream.linear.scatter [tilespmem:s28], [sflag:$0x5], $0x4000, $0x38;
	[tilespmem:$0x1BF80] =	vst v63  }
0xb0: {  	_ =	swait.ge [sflag:s29], $0x4000  }
0xb1: {  	[sflag:s29] =	ssyncset.done $0x0  }
0xb2: {  	s15 =	rddreg [dreg:$0xb];
	[sflag:s29] =	ssyncadd.s32 $0xFFFFC000  }
0xb3: {  	[tilespmem:s30], [sflag:$0x5] =	stream.linear.gather [hbm4b:s15+s5], $0x80, $0x38;
	[tilespmem:$0x1BF80] =	vst v63  }
0xb4: {  	_ =	swait.ge [sflag:s29], $0x80  }
0xb5: {  	[sflag:s29] =	ssyncset.done $0x0  }
0xb6: {  	[sflag:s29] =	ssyncadd.s32 $0xFFFFFF80  }
0xb7: {  	[tilespmem:s28], [sflag:$0x1] =	stream.indirect.gather [spmem:s4], $0x80, s30, s31, $0xb8;
	[tilespmem:$0x1BF80] =	vst v63  }
0xb8: {  	_ =	swait.ge [sflag:s11], $0x4000  }
0xb9: {  	[sflag:s11] =	ssyncset.done $0x0  }
0xba: {  	s14 =	rddreg [dreg:$0xc];
	[sflag:s11] =	ssyncadd.s32 $0xFFFFC000  }
0xbb: {  	[hbm4b:s14+s5] =	stream.linear.scatter [tilespmem:s28], [sflag:$0x5], $0x4000, $0x38;
	[tilespmem:$0x1BF80] =	vst v63  }
0xbc: {  	_ =	swait.ge [sflag:s29], $0x4000  }
0xbd: {  	[sflag:s29] =	ssyncset.done $0x0  }
0xbe: {  	s15 =	rddreg [dreg:$0xd];
	[sflag:s29] =	ssyncadd.s32 $0xFFFFC000  }
0xbf: {  	[tilespmem:s30], [sflag:$0x5] =	stream.linear.gather [hbm4b:s15+s5], $0x80, $0x38;
	[tilespmem:$0x1BF80] =	vst v63  }
0xc0: {  	_ =	swait.ge [sflag:s29], $0x80  }
0xc1: {  	[sflag:s29] =	ssyncset.done $0x0  }
0xc2: {  	[sflag:s29] =	ssyncadd.s32 $0xFFFFFF80  }
0xc3: {  	[tilespmem:s28], [sflag:$0x1] =	stream.indirect.gather [spmem:s4], $0x80, s30, s31, $0xb8;
	[tilespmem:$0x1BF80] =	vst v63  }
0xc4: {  	_ =	swait.ge [sflag:s11], $0x4000  }
0xc5: {  	[sflag:s11] =	ssyncset.done $0x0  }
0xc6: {  	[sflag:s11] =	ssyncadd.s32 $0xFFFFC000  }
0xc7: {  	[hbm4b:s16+s5] =	stream.linear.scatter [tilespmem:s28], [sflag:$0x5], $0x4000, $0x38;
	[tilespmem:$0x1BF80] =	vst v63  }
0xc8: {  	_ =	swait.ge [sflag:s29], $0x4000  }
0xc9: {  	[sflag:s29] =	ssyncset.done $0x0  }
0xca: {  	[sflag:s29] =	ssyncadd.s32 $0xFFFFC000  }
0xcb: {  	[tilespmem:s30], [sflag:$0x5] =	stream.linear.gather [hbm4b:s17+s5], $0x80, $0x38;
	[tilespmem:$0x1BF80] =	vst v63  }
0xcc: {  	_ =	swait.ge [sflag:s29], $0x80  }
0xcd: {  	[sflag:s29] =	ssyncset.done $0x0  }
0xce: {  	[sflag:s29] =	ssyncadd.s32 $0xFFFFFF80  }
0xcf: {  	[tilespmem:s28], [sflag:$0x1] =	stream.indirect.gather [spmem:s4], $0x80, s30, s31, $0xb8;
	[tilespmem:$0x1BF80] =	vst v63  }
0xd0: {  	s12 =	sadd.s32 $0x1, s12;
	_ =	swait.ge [sflag:s11], $0x4000  }
0xd1: {  	p0 =	sne.s32 s12, s19;
	[sflag:s11] =	ssyncset.done $0x0  }
.Ltmp1:
0xd2: {  	[sflag:s11] =	ssyncadd.s32 $0xFFFFC000;
	(pc) =	sbr.rel @p0 .LBB2_1-.Ltmp1, $4  }
0xd3: {  	[hbm4b:s18+s5] =	stream.linear.scatter [tilespmem:s28], [sflag:$0x5], $0x4000, $0x38;
	[tilespmem:$0x1BF80] =	vst v63  }
0xd4: {  	_ =	swait.ge [sflag:s29], $0x4000  }
0xd5: {  	[sflag:s29] =	ssyncset.done $0x0  }
0xd6: {  	[sflag:s29] =	ssyncadd.s32 $0xFFFFC000  }
0xd7: {  	_ =	sfence.sel $0x180000  }
0xd8: {  	[bflag:$0x0] =	sbarrier.arrive $0xFFFF  }
0xd9: {  	_ =	strace $0x90000047  }
0xda: {  	s0 =	stileid.u32;
	[bflag:$0x2] =	sbarrier.arrive $0xFFFF  }
0xdb: {  	p0 =	sne.s32 s0, $0x0;
	s0 =	rddreg [dreg:$0x4]  }
0xdc: {  	s0 =	sadd.s32 @!p0 $0x100000, s0  }
0xdd: {  	[sflag:s0] =	ssyncadd.tile.s32 @!p0 $0x1;
	_ =	shalt  }
.Lfunc_end2:
_tile_overlayer_lowered:
.L_overlay_start_2:
0xde: {  	(tag) =	ssettag $0x2  }
0xdf: {  	s0 =	rddreg [dreg:$0x0];
	s2 =	stileid.u32  }
0xe0: {  	s1 =	rddreg [dreg:$0x1];
	p0 =	sne.s32 s2, $0x0  }
0xe1: {  	s3 =	rddreg [dreg:$0x2];
	[bflag:$0x3] =	sbarrier.arrive $0xFFFF;
	s2 =	simm.s32 @!p0 $0x1C05  }
0xe2: {  	[timem:s3], [sflag:s2] =	dma.local @!p0 [hbm:s0], s1  }
0xe3: {  	s0 =	simm.s32 @!p0 $0x5  }
0xe4: {  	_ =	swait.ge @!p0 [sflag:s0], s1  }
0xe5: {  	s1 =	ssub.s32 @!p0 $0x0, s1;
	[sflag:s0] =	ssyncset.done @!p0 $0x0  }
0xe6: {  	[sflag:s0] =	ssyncadd.s32 @!p0 s1  }
0xe7: {  	[bflag:$0x3] =	sbarrier.arrive $0xFFFF  }
0xe8: {  	_ =	shalt  }

</sc_bundles>
